<compile_context>
chip_gen: v7x
topology: tpu7x:2x2x1
jax: 0.10.2.dev20260603
libtpu: 0.0.44.dev20260713+nightly
codegen_flags: <defaults>
</compile_context>

<pallas_src>
import functools

import jax
import jax.numpy as jnp
from jax import lax
from jax.experimental import pallas as pl
from jax.experimental.pallas import tpu as pltpu
from jax.experimental.pallas import tpu_sc as plsc

NV = 100000
NF = 200000
NC, NS, L = 2, 16, 16
NW = NC * NS
W = 8

FT = 6272
FLAST = NF - 31 * FT
CH = 784
NCH = FT // CH
NPAD = 100096
VS = NPAD // NS
VN = NPAD // NW
VLAST = NV - 31 * VN

FB = 2048
VB = 1024
OB = 2048


def _tc_prep_body(idx_ref, vpos_ref, idxt_ref, vpad_ref):
    idxt_ref[...] = idx_ref[...].T
    vpad_ref[...] = jnp.pad(vpos_ref[...], ((0, 0), (0, W - 3)))


_tc_prep = pl.pallas_call(
    _tc_prep_body,
    grid=(NW * FT // FB,),
    in_specs=[
        pl.BlockSpec((FB, 3), lambda i: (i, 0)),
        pl.BlockSpec((VB, 3), lambda i: (i, 0)),
    ],
    out_specs=[
        pl.BlockSpec((3, FB), lambda i: (0, i)),
        pl.BlockSpec((VB, W), lambda i: (i, 0)),
    ],
    out_shape=[
        jax.ShapeDtypeStruct((3, NW * FT), jnp.int32),
        jax.ShapeDtypeStruct((NPAD, W), jnp.float32),
    ],
)


def _sc_scatter_body(vpos_hbm, idx_hbm, zeros_hbm, out_hbm, acc,
                     idx0_v, idx1_v, idx2_v, rows_v, nbuf_v, gsem, ssem):
    cid = lax.axis_index("c")
    sid = lax.axis_index("s")
    wid = sid * NC + cid
    idx_refs = (idx0_v, idx1_v, idx2_v)

    pltpu.sync_copy(zeros_hbm, acc.at[pl.ds(sid * VS, VS)])

    lanes = lax.iota(jnp.int32, 16)
    zeroi16 = jnp.zeros((16,), jnp.int32)
    zerof16 = jnp.zeros((16,), jnp.float32)

    @pl.when(wid < NW - 1)
    def _():
        for c in range(3):
            pltpu.sync_copy(idx_hbm.at[c, pl.ds(wid * FT, FT)], idx_refs[c])

    @pl.when(wid == NW - 1)
    def _():
        for c in range(3):
            pltpu.sync_copy(
                idx_hbm.at[c, pl.ds(wid * FT, FLAST)],
                idx_refs[c].at[pl.ds(0, FLAST)],
            )

        @pl.loop(FLAST, FT, step=16)
        def _(f):
            for c in range(3):
                idx_refs[c][pl.ds(f, 16)] = zeroi16

    @pl.loop(0, 2 * CH * W // 16)
    def _(j):
        flat = j * 16 + lanes
        plsc.store_scatter(nbuf_v, [flat // (CH * W), (flat // W) % CH,
                                    flat % W], zerof16)

    def fire_gathers(ci, b):
        for c in range(3):
            pltpu.async_copy(
                vpos_hbm.at[idx_refs[c].at[pl.ds(ci * CH, CH)]],
                rows_v.at[b, c], gsem.at[b],
            )

    def wait_gathers(b):
        for c in range(3):
            pltpu.make_async_copy(
                vpos_hbm.at[idx_refs[c].at[pl.ds(0, CH)]],
                rows_v.at[b, c], gsem.at[b],
            ).wait()

    def fire_scatters(ci, b):
        for c in range(3):
            pltpu.async_copy(
                nbuf_v.at[b],
                acc.at[idx_refs[c].at[pl.ds(ci * CH, CH)]],
                ssem.at[b], add=True,
            )

    def wait_scatters(b):
        for c in range(3):
            pltpu.make_async_copy(
                nbuf_v.at[b],
                acc.at[idx_refs[c].at[pl.ds(0, CH)]],
                ssem.at[b],
            ).wait()

    def compute(b):
        @pl.loop(0, CH // 16)
        def _(i):
            col = i * 16 + lanes
            bb = jnp.full((16,), b, jnp.int32)

            def comp(c, k):
                cc = jnp.full((16,), c, jnp.int32)
                kk = jnp.full((16,), k, jnp.int32)
                return plsc.load_gather(rows_v, [bb, cc, col, kk])

            x0, y0, z0 = comp(0, 0), comp(0, 1), comp(0, 2)
            x1, y1, z1 = comp(1, 0), comp(1, 1), comp(1, 2)
            x2, y2, z2 = comp(2, 0), comp(2, 1), comp(2, 2)
            e1x, e1y, e1z = x1 - x0, y1 - y0, z1 - z0
            e2x, e2y, e2z = x2 - x0, y2 - y0, z2 - z0
            nx = e1y * e2z - e1z * e2y
            ny = e1z * e2x - e1x * e2z
            nz = e1x * e2y - e1y * e2x

            for k, v in ((0, nx), (1, ny), (2, nz)):
                kk = jnp.full((16,), k, jnp.int32)
                plsc.store_scatter(nbuf_v, [bb, col, kk], v)

    fire_gathers(0, 0)
    for ci in range(NCH):
        b = ci % 2
        wait_gathers(b)
        if ci + 1 < NCH:
            fire_gathers(ci + 1, 1 - b)
        if ci >= 2:
            wait_scatters(b)
        compute(b)
        fire_scatters(ci, b)
    wait_scatters(NCH % 2)
    wait_scatters(1 - NCH % 2)

    plsc.subcore_barrier()

    pltpu.sync_copy(
        acc.at[pl.ds(sid * VS, VS)], out_hbm.at[cid, pl.ds(sid * VS, VS)]
    )


@functools.cache
def _sc_scatter():
    return pl.kernel(
        _sc_scatter_body,
        out_type=jax.ShapeDtypeStruct((NC, NPAD, W), jnp.float32),
        mesh=plsc.VectorSubcoreMesh(
            core_axis_name="c", subcore_axis_name="s",
            num_cores=NC, num_subcores=NS,
        ),
        scratch_types=[
            pltpu.VMEM_SHARED((NPAD, W), jnp.float32),
            pltpu.VMEM((FT,), jnp.int32),
            pltpu.VMEM((FT,), jnp.int32),
            pltpu.VMEM((FT,), jnp.int32),
            pltpu.VMEM((2, 3, CH, W), jnp.float32),
            pltpu.VMEM((2, CH, W), jnp.float32),
            pltpu.SemaphoreType.DMA((2,)),
            pltpu.SemaphoreType.DMA((2,)),
        ],
        compiler_params=pltpu.CompilerParams(
            needs_layout_passes=False, use_tc_tiling_on_sc=False
        ),
    )


def _rsqrt(x):
    i = plsc.bitcast(x, jnp.int32)
    i = jnp.int32(0x5F3759DF) - lax.shift_right_logical(i, 1)
    r = plsc.bitcast(i, jnp.float32)
    for _ in range(3):
        r = r * (1.5 - 0.5 * x * r * r)
    return r


def _sc_norm_body(part_hbm, out_hbm, pa, pb, pcx, pcy, pcz):
    cid = lax.axis_index("c")
    sid = lax.axis_index("s")
    wid = sid * NC + cid
    base = wid * VN
    pcs = (pcx, pcy, pcz)

    pltpu.sync_copy(part_hbm.at[0, pl.ds(base, VN)], pa)
    pltpu.sync_copy(part_hbm.at[1, pl.ds(base, VN)], pb)

    lanes = lax.iota(jnp.int32, 16)

    @pl.loop(0, (VN + 15) // 16)
    def _(i):
        v = i * 16 + lanes
        m = v < VN

        def comp(k):
            kk = jnp.full((16,), k, jnp.int32)
            return (plsc.load_gather(pa, [v, kk], mask=m)
                    + plsc.load_gather(pb, [v, kk], mask=m))

        sx, sy, sz = comp(0), comp(1), comp(2)
        sq = sx * sx + sy * sy + sz * sz
        ok = sq > 1e-20
        sx = jnp.where(ok, sx, 0.0)
        sy = jnp.where(ok, sy, 0.0)
        sz = jnp.where(ok, sz, 1.0)
        inv = _rsqrt(jnp.where(ok, sq, 1.0))
        for pc, val in ((pcx, sx * inv), (pcy, sy * inv), (pcz, sz * inv)):
            pc[pl.ds(i * 16, 16)] = val

    for k in range(3):
        pltpu.sync_copy(pcs[k].at[pl.ds(0, VN)], out_hbm.at[k, pl.ds(base, VN)])


@functools.cache
def _sc_norm():
    return pl.kernel(
        _sc_norm_body,
        out_type=jax.ShapeDtypeStruct((3, NPAD), jnp.float32),
        mesh=plsc.VectorSubcoreMesh(
            core_axis_name="c", subcore_axis_name="s",
            num_cores=NC, num_subcores=NS,
        ),
        scratch_types=[
            pltpu.VMEM((VN, W), jnp.float32),
            pltpu.VMEM((VN, W), jnp.float32),
            pltpu.VMEM((VN + 8,), jnp.float32),
            pltpu.VMEM((VN + 8,), jnp.float32),
            pltpu.VMEM((VN + 8,), jnp.float32),
        ],
        compiler_params=pltpu.CompilerParams(
            needs_layout_passes=False, use_tc_tiling_on_sc=False
        ),
    )


def _tc_out_body(soa_ref, out_ref):
    out_ref[...] = soa_ref[...].T


_tc_out = pl.pallas_call(
    _tc_out_body,
    grid=((NV + OB - 1) // OB,),
    in_specs=[pl.BlockSpec((3, OB), lambda i: (0, i))],
    out_specs=pl.BlockSpec((OB, 3), lambda i: (i, 0)),
    out_shape=jax.ShapeDtypeStruct((NV, 3), jnp.float32),
)


@jax.jit
def kernel(v_pos, t_pos_idx):
    idxT, vpos_pad = _tc_prep(t_pos_idx.astype(jnp.int32), v_pos)
    zeros = jnp.zeros((VS, W), jnp.float32)
    partials = _sc_scatter()(vpos_pad, idxT, zeros)
    soa = _sc_norm()(partials)
    return _tc_out(soa)

# --- scband reference (transcript-rebuilt; emitter-appended) ---
"""Pipeline reference for scband-tet-mesh-multi-sphere-geometry-77738908058078 (READ-ONLY COPY).

The authoritative reference and input builder live on the scoring server;
editing this copy changes nothing except your own understanding.
"""

import jax, jax.numpy as jnp
import numpy as np

N_VERTS = 100000
N_FACES = 200000

def setup_inputs(seed: int = 0) -> dict:
    key = jax.random.key(seed)
    k1, k2 = jax.random.split(key)
    v_pos = jax.random.normal(k1, (N_VERTS, 3), dtype=jnp.float32)
    t_pos_idx = jax.random.randint(k2, (N_FACES, 3), 0, N_VERTS, dtype=jnp.int64)
    return {"v_pos": v_pos, "t_pos_idx": t_pos_idx}

def reference(v_pos, t_pos_idx):
    # Faithful translation of TetMeshGeometryForwardData._compute_vertex_normal
    i0 = t_pos_idx[:, 0]
    i1 = t_pos_idx[:, 1]
    i2 = t_pos_idx[:, 2]
    v0 = v_pos[i0, :]
    v1 = v_pos[i1, :]
    v2 = v_pos[i2, :]
    face_normals = jnp.cross(v1 - v0, v2 - v0)
    v_nrm = jnp.zeros_like(v_pos)
    v_nrm = v_nrm.at[i0].add(face_normals)
    v_nrm = v_nrm.at[i1].add(face_normals)
    v_nrm = v_nrm.at[i2].add(face_normals)
    sq = jnp.sum(v_nrm * v_nrm, axis=-1, keepdims=True)
    fallback = jnp.array([0.0, 0.0, 1.0], dtype=v_nrm.dtype)
    v_nrm = jnp.where(sq > 1e-20, v_nrm, fallback)
    # F.normalize(dim=1): x / max(||x||_2, eps)
    norm = jnp.maximum(jnp.linalg.norm(v_nrm, axis=1, keepdims=True), 1e-12)
    v_nrm = v_nrm / norm
    return v_nrm

if __name__ == "__main__":
    import jax
    _d = setup_inputs()
    print(jax.jit(kernel)(*tuple(_d.values())))

</pallas_src>

<mosaic_0001>
#map = affine_map<(d0, d1) -> (0, 0)>
#map1 = affine_map<(d0, d1) -> (0, 0, 0)>
module attributes {stable_mosaic.version = 14 : i64} {
  func.func @_sc_scatter_body(%arg0: i32, %arg1: i32, %arg2: memref<100096x8xf32, #tpu.memory_space<hbm>>, %arg3: memref<3x200704xi32, #tpu.memory_space<hbm>>, %arg4: memref<6256x8xf32, #tpu.memory_space<hbm>>, %arg5: memref<2x100096x8xf32, #tpu.memory_space<hbm>>, %arg6: memref<100096x8xf32, #tpu.memory_space<vmem_shared>>, %arg7: memref<6272xi32, #tpu.memory_space<vmem>>, %arg8: memref<6272xi32, #tpu.memory_space<vmem>>, %arg9: memref<6272xi32, #tpu.memory_space<vmem>>, %arg10: memref<2x3x784x8xf32, #tpu.memory_space<vmem>>, %arg11: memref<2x784x8xf32, #tpu.memory_space<vmem>>, %arg12: memref<2x!tpu.dma_semaphore, #tpu.memory_space<semaphore_mem>>, %arg13: memref<2x!tpu.dma_semaphore, #tpu.memory_space<semaphore_mem>>) attributes {dimension_semantics = [#tpu.dimension_semantics<core_parallel>, #tpu.dimension_semantics<subcore_parallel>], iteration_bounds = array<i64: 2, 16>, scalar_prefetch = 0 : i64, scratch_operands = 8 : i64, tpu.core_type = #tpu.core_type<sc_vector_subcore>, window_params = [{transform_indices = #map}, {transform_indices = #map}, {transform_indices = #map}, {transform_indices = #map1}]} {
    %mul3A = arith.constant 2 : i32
    %mul3A_0 = arith.muli %arg1, %mul3A : i32
    %add3A = arith.addi %mul3A_0, %arg0 : i32
    %mul3A_1 = arith.constant 6256 : i32
    %mul3A_2 = arith.muli %arg1, %mul3A_1 : i32
    "tpu.region"() ({
      %run_scoped3A = tpu.sem_alloc : memref<!tpu.dma_semaphore, #tpu.memory_space<semaphore_mem>>
      %dma_start3A_1354 = arith.constant 0 : i32
      %dma_start3A_1355 = tpu.memref_slice %arg6[%mul3A_2, %dma_start3A_1354] : memref<100096x8xf32, #tpu.memory_space<vmem_shared>> -> memref<6256x8xf32, #tpu.memory_space<vmem_shared>>
      tpu.enqueue_dma source(%arg4 : memref<6256x8xf32, #tpu.memory_space<hbm>>) target(%dma_start3A_1355 : memref<6256x8xf32, #tpu.memory_space<vmem_shared>>) target_semaphore(%run_scoped3A : memref<!tpu.dma_semaphore, #tpu.memory_space<semaphore_mem>>)
      %dma_wait3A_1356 = arith.constant 0 : i32
      %dma_wait3A_1357 = tpu.memref_slice %arg6[%mul3A_2, %dma_wait3A_1356] : memref<100096x8xf32, #tpu.memory_space<vmem_shared>> -> memref<6256x8xf32, #tpu.memory_space<vmem_shared>>
      tpu.wait_dma2 semaphore(%run_scoped3A : memref<!tpu.dma_semaphore, #tpu.memory_space<semaphore_mem>>) src(%arg4 : memref<6256x8xf32, #tpu.memory_space<hbm>>) dst(%dma_wait3A_1357 : memref<6256x8xf32, #tpu.memory_space<vmem_shared>>)
      tpu.yield
    }) : () -> ()
    %iota3A = tpu.iota {dimensions = array<i32: 0>} : vector<16xi32>
    %broadcast_in_dim3A = arith.constant 0 : i32
    %broadcast_in_dim3A_3 = vector.broadcast %broadcast_in_dim3A : i32 to vector<16xi32>
    %broadcast_in_dim3A_4 = arith.constant 0.000000e+00 : f32
    %broadcast_in_dim3A_5 = vector.broadcast %broadcast_in_dim3A_4 : f32 to vector<16xf32>
    %lt3A = arith.constant 31 : i32
    %lt3A_6 = arith.cmpi slt, %add3A, %lt3A : i32
    %convert_element_type3A = arith.extui %lt3A_6 : i1 to i32
    %cond3A = arith.constant 0 : i32
    %cond3A_7 = arith.cmpi ne, %convert_element_type3A, %cond3A : i32
    scf.if %cond3A_7 {
      %mul3A_1354 = arith.constant 6272 : i32
      %mul3A_1355 = arith.muli %add3A, %mul3A_1354 : i32
      %run_scoped3A = arith.constant 0 : i32
      "tpu.region"() ({
        %run_scoped3A_1362 = tpu.sem_alloc : memref<!tpu.dma_semaphore, #tpu.memory_space<semaphore_mem>>
        %dma_start3A_1363 = tpu.memref_slice %arg3[%run_scoped3A, %mul3A_1355] : memref<3x200704xi32, #tpu.memory_space<hbm>> -> memref<1x6272xi32, #tpu.memory_space<hbm>>
        %dma_start3A_1364 = tpu.memref_squeeze %dma_start3A_1363 : memref<1x6272xi32, #tpu.memory_space<hbm>> -> memref<6272xi32, #tpu.memory_space<hbm>>
        %dma_start3A_1365 = tpu.memref_slice %arg3[%run_scoped3A, %mul3A_1355] : memref<3x200704xi32, #tpu.memory_space<hbm>> -> memref<1x6272xi32, #tpu.memory_space<hbm>>
        %dma_start3A_1366 = tpu.memref_squeeze %dma_start3A_1365 : memref<1x6272xi32, #tpu.memory_space<hbm>> -> memref<6272xi32, #tpu.memory_space<hbm>>
        tpu.enqueue_dma source(%dma_start3A_1366 : memref<6272xi32, #tpu.memory_space<hbm>>) target(%arg7 : memref<6272xi32, #tpu.memory_space<vmem>>) target_semaphore(%run_scoped3A_1362 : memref<!tpu.dma_semaphore, #tpu.memory_space<semaphore_mem>>)
        %dma_wait3A_1367 = tpu.memref_slice %arg3[%run_scoped3A, %mul3A_1355] : memref<3x200704xi32, #tpu.memory_space<hbm>> -> memref<1x6272xi32, #tpu.memory_space<hbm>>
        %dma_wait3A_1368 = tpu.memref_squeeze %dma_wait3A_1367 : memref<1x6272xi32, #tpu.memory_space<hbm>> -> memref<6272xi32, #tpu.memory_space<hbm>>
        %dma_wait3A_1369 = tpu.memref_slice %arg3[%run_scoped3A, %mul3A_1355] : memref<3x200704xi32, #tpu.memory_space<hbm>> -> memref<1x6272xi32, #tpu.memory_space<hbm>>
        %dma_wait3A_1370 = tpu.memref_squeeze %dma_wait3A_1369 : memref<1x6272xi32, #tpu.memory_space<hbm>> -> memref<6272xi32, #tpu.memory_space<hbm>>
        tpu.wait_dma2 semaphore(%run_scoped3A_1362 : memref<!tpu.dma_semaphore, #tpu.memory_space<semaphore_mem>>) src(%dma_wait3A_1370 : memref<6272xi32, #tpu.memory_space<hbm>>) dst(%arg7 : memref<6272xi32, #tpu.memory_space<vmem>>)
        tpu.yield
      }) : () -> ()
      %mul3A_1356 = arith.constant 6272 : i32
      %mul3A_1357 = arith.muli %add3A, %mul3A_1356 : i32
      %run_scoped3A_1358 = arith.constant 1 : i32
      "tpu.region"() ({
        %run_scoped3A_1362 = tpu.sem_alloc : memref<!tpu.dma_semaphore, #tpu.memory_space<semaphore_mem>>
        %dma_start3A_1363 = tpu.memref_slice %arg3[%run_scoped3A_1358, %mul3A_1357] : memref<3x200704xi32, #tpu.memory_space<hbm>> -> memref<1x6272xi32, #tpu.memory_space<hbm>>
        %dma_start3A_1364 = tpu.memref_squeeze %dma_start3A_1363 : memref<1x6272xi32, #tpu.memory_space<hbm>> -> memref<6272xi32, #tpu.memory_space<hbm>>
        %dma_start3A_1365 = tpu.memref_slice %arg3[%run_scoped3A_1358, %mul3A_1357] : memref<3x200704xi32, #tpu.memory_space<hbm>> -> memref<1x6272xi32, #tpu.memory_space<hbm>>
        %dma_start3A_1366 = tpu.memref_squeeze %dma_start3A_1365 : memref<1x6272xi32, #tpu.memory_space<hbm>> -> memref<6272xi32, #tpu.memory_space<hbm>>
        tpu.enqueue_dma source(%dma_start3A_1366 : memref<6272xi32, #tpu.memory_space<hbm>>) target(%arg8 : memref<6272xi32, #tpu.memory_space<vmem>>) target_semaphore(%run_scoped3A_1362 : memref<!tpu.dma_semaphore, #tpu.memory_space<semaphore_mem>>)
        %dma_wait3A_1367 = tpu.memref_slice %arg3[%run_scoped3A_1358, %mul3A_1357] : memref<3x200704xi32, #tpu.memory_space<hbm>> -> memref<1x6272xi32, #tpu.memory_space<hbm>>
        %dma_wait3A_1368 = tpu.memref_squeeze %dma_wait3A_1367 : memref<1x6272xi32, #tpu.memory_space<hbm>> -> memref<6272xi32, #tpu.memory_space<hbm>>
        %dma_wait3A_1369 = tpu.memref_slice %arg3[%run_scoped3A_1358, %mul3A_1357] : memref<3x200704xi32, #tpu.memory_space<hbm>> -> memref<1x6272xi32, #tpu.memory_space<hbm>>
        %dma_wait3A_1370 = tpu.memref_squeeze %dma_wait3A_1369 : memref<1x6272xi32, #tpu.memory_space<hbm>> -> memref<6272xi32, #tpu.memory_space<hbm>>
        tpu.wait_dma2 semaphore(%run_scoped3A_1362 : memref<!tpu.dma_semaphore, #tpu.memory_space<semaphore_mem>>) src(%dma_wait3A_1370 : memref<6272xi32, #tpu.memory_space<hbm>>) dst(%arg8 : memref<6272xi32, #tpu.memory_space<vmem>>)
        tpu.yield
      }) : () -> ()
      %mul3A_1359 = arith.constant 6272 : i32
      %mul3A_1360 = arith.muli %add3A, %mul3A_1359 : i32
      %run_scoped3A_1361 = arith.constant 2 : i32
      "tpu.region"() ({
        %run_scoped3A_1362 = tpu.sem_alloc : memref<!tpu.dma_semaphore, #tpu.memory_space<semaphore_mem>>
        %dma_start3A_1363 = tpu.memref_slice %arg3[%run_scoped3A_1361, %mul3A_1360] : memref<3x200704xi32, #tpu.memory_space<hbm>> -> memref<1x6272xi32, #tpu.memory_space<hbm>>
        %dma_start3A_1364 = tpu.memref_squeeze %dma_start3A_1363 : memref<1x6272xi32, #tpu.memory_space<hbm>> -> memref<6272xi32, #tpu.memory_space<hbm>>
        %dma_start3A_1365 = tpu.memref_slice %arg3[%run_scoped3A_1361, %mul3A_1360] : memref<3x200704xi32, #tpu.memory_space<hbm>> -> memref<1x6272xi32, #tpu.memory_space<hbm>>
        %dma_start3A_1366 = tpu.memref_squeeze %dma_start3A_1365 : memref<1x6272xi32, #tpu.memory_space<hbm>> -> memref<6272xi32, #tpu.memory_space<hbm>>
        tpu.enqueue_dma source(%dma_start3A_1366 : memref<6272xi32, #tpu.memory_space<hbm>>) target(%arg9 : memref<6272xi32, #tpu.memory_space<vmem>>) target_semaphore(%run_scoped3A_1362 : memref<!tpu.dma_semaphore, #tpu.memory_space<semaphore_mem>>)
        %dma_wait3A_1367 = tpu.memref_slice %arg3[%run_scoped3A_1361, %mul3A_1360] : memref<3x200704xi32, #tpu.memory_space<hbm>> -> memref<1x6272xi32, #tpu.memory_space<hbm>>
        %dma_wait3A_1368 = tpu.memref_squeeze %dma_wait3A_1367 : memref<1x6272xi32, #tpu.memory_space<hbm>> -> memref<6272xi32, #tpu.memory_space<hbm>>
        %dma_wait3A_1369 = tpu.memref_slice %arg3[%run_scoped3A_1361, %mul3A_1360] : memref<3x200704xi32, #tpu.memory_space<hbm>> -> memref<1x6272xi32, #tpu.memory_space<hbm>>
        %dma_wait3A_1370 = tpu.memref_squeeze %dma_wait3A_1369 : memref<1x6272xi32, #tpu.memory_space<hbm>> -> memref<6272xi32, #tpu.memory_space<hbm>>
        tpu.wait_dma2 semaphore(%run_scoped3A_1362 : memref<!tpu.dma_semaphore, #tpu.memory_space<semaphore_mem>>) src(%dma_wait3A_1370 : memref<6272xi32, #tpu.memory_space<hbm>>) dst(%arg9 : memref<6272xi32, #tpu.memory_space<vmem>>)
        tpu.yield
      }) : () -> ()
    } else {
    }
    %eq3A = arith.constant 31 : i32
    %eq3A_8 = arith.cmpi eq, %add3A, %eq3A : i32
    %convert_element_type3A_9 = arith.extui %eq3A_8 : i1 to i32
    %cond3A_10 = arith.constant 0 : i32
    %cond3A_11 = arith.cmpi ne, %convert_element_type3A_9, %cond3A_10 : i32
    scf.if %cond3A_11 {
      %mul3A_1354 = arith.constant 6272 : i32
      %mul3A_1355 = arith.muli %add3A, %mul3A_1354 : i32
      %run_scoped3A = arith.constant 0 : i32
      "tpu.region"() ({
        %run_scoped3A_1367 = tpu.sem_alloc : memref<!tpu.dma_semaphore, #tpu.memory_space<semaphore_mem>>
        %dma_start3A_1368 = arith.constant 0 : i32
        %dma_start3A_1369 = tpu.memref_slice %arg7[%dma_start3A_1368] : memref<6272xi32, #tpu.memory_space<vmem>> -> memref<5568xi32, #tpu.memory_space<vmem>>
        %dma_start3A_1370 = tpu.memref_slice %arg3[%run_scoped3A, %mul3A_1355] : memref<3x200704xi32, #tpu.memory_space<hbm>> -> memref<1x5568xi32, #tpu.memory_space<hbm>>
        %dma_start3A_1371 = tpu.memref_squeeze %dma_start3A_1370 : memref<1x5568xi32, #tpu.memory_space<hbm>> -> memref<5568xi32, #tpu.memory_space<hbm>>
        %dma_start3A_1372 = arith.constant 0 : i32
        %dma_start3A_1373 = tpu.memref_slice %arg7[%dma_start3A_1372] : memref<6272xi32, #tpu.memory_space<vmem>> -> memref<5568xi32, #tpu.memory_space<vmem>>
        %dma_start3A_1374 = tpu.memref_slice %arg3[%run_scoped3A, %mul3A_1355] : memref<3x200704xi32, #tpu.memory_space<hbm>> -> memref<1x5568xi32, #tpu.memory_space<hbm>>
        %dma_start3A_1375 = tpu.memref_squeeze %dma_start3A_1374 : memref<1x5568xi32, #tpu.memory_space<hbm>> -> memref<5568xi32, #tpu.memory_space<hbm>>
        tpu.enqueue_dma source(%dma_start3A_1375 : memref<5568xi32, #tpu.memory_space<hbm>>) target(%dma_start3A_1373 : memref<5568xi32, #tpu.memory_space<vmem>>) target_semaphore(%run_scoped3A_1367 : memref<!tpu.dma_semaphore, #tpu.memory_space<semaphore_mem>>)
        %dma_wait3A_1376 = arith.constant 0 : i32
        %dma_wait3A_1377 = tpu.memref_slice %arg7[%dma_wait3A_1376] : memref<6272xi32, #tpu.memory_space<vmem>> -> memref<5568xi32, #tpu.memory_space<vmem>>
        %dma_wait3A_1378 = tpu.memref_slice %arg3[%run_scoped3A, %mul3A_1355] : memref<3x200704xi32, #tpu.memory_space<hbm>> -> memref<1x5568xi32, #tpu.memory_space<hbm>>
        %dma_wait3A_1379 = tpu.memref_squeeze %dma_wait3A_1378 : memref<1x5568xi32, #tpu.memory_space<hbm>> -> memref<5568xi32, #tpu.memory_space<hbm>>
        %dma_wait3A_1380 = arith.constant 0 : i32
        %dma_wait3A_1381 = tpu.memref_slice %arg7[%dma_wait3A_1380] : memref<6272xi32, #tpu.memory_space<vmem>> -> memref<5568xi32, #tpu.memory_space<vmem>>
        %dma_wait3A_1382 = tpu.memref_slice %arg3[%run_scoped3A, %mul3A_1355] : memref<3x200704xi32, #tpu.memory_space<hbm>> -> memref<1x5568xi32, #tpu.memory_space<hbm>>
        %dma_wait3A_1383 = tpu.memref_squeeze %dma_wait3A_1382 : memref<1x5568xi32, #tpu.memory_space<hbm>> -> memref<5568xi32, #tpu.memory_space<hbm>>
        tpu.wait_dma2 semaphore(%run_scoped3A_1367 : memref<!tpu.dma_semaphore, #tpu.memory_space<semaphore_mem>>) src(%dma_wait3A_1383 : memref<5568xi32, #tpu.memory_space<hbm>>) dst(%dma_wait3A_1381 : memref<5568xi32, #tpu.memory_space<vmem>>)
        tpu.yield
      }) : () -> ()
      %mul3A_1356 = arith.constant 6272 : i32
      %mul3A_1357 = arith.muli %add3A, %mul3A_1356 : i32
      %run_scoped3A_1358 = arith.constant 1 : i32
      "tpu.region"() ({
        %run_scoped3A_1367 = tpu.sem_alloc : memref<!tpu.dma_semaphore, #tpu.memory_space<semaphore_mem>>
        %dma_start3A_1368 = arith.constant 0 : i32
        %dma_start3A_1369 = tpu.memref_slice %arg8[%dma_start3A_1368] : memref<6272xi32, #tpu.memory_space<vmem>> -> memref<5568xi32, #tpu.memory_space<vmem>>
        %dma_start3A_1370 = tpu.memref_slice %arg3[%run_scoped3A_1358, %mul3A_1357] : memref<3x200704xi32, #tpu.memory_space<hbm>> -> memref<1x5568xi32, #tpu.memory_space<hbm>>
        %dma_start3A_1371 = tpu.memref_squeeze %dma_start3A_1370 : memref<1x5568xi32, #tpu.memory_space<hbm>> -> memref<5568xi32, #tpu.memory_space<hbm>>
        %dma_start3A_1372 = arith.constant 0 : i32
        %dma_start3A_1373 = tpu.memref_slice %arg8[%dma_start3A_1372] : memref<6272xi32, #tpu.memory_space<vmem>> -> memref<5568xi32, #tpu.memory_space<vmem>>
        %dma_start3A_1374 = tpu.memref_slice %arg3[%run_scoped3A_1358, %mul3A_1357] : memref<3x200704xi32, #tpu.memory_space<hbm>> -> memref<1x5568xi32, #tpu.memory_space<hbm>>
        %dma_start3A_1375 = tpu.memref_squeeze %dma_start3A_1374 : memref<1x5568xi32, #tpu.memory_space<hbm>> -> memref<5568xi32, #tpu.memory_space<hbm>>
        tpu.enqueue_dma source(%dma_start3A_1375 : memref<5568xi32, #tpu.memory_space<hbm>>) target(%dma_start3A_1373 : memref<5568xi32, #tpu.memory_space<vmem>>) target_semaphore(%run_scoped3A_1367 : memref<!tpu.dma_semaphore, #tpu.memory_space<semaphore_mem>>)
        %dma_wait3A_1376 = arith.constant 0 : i32
        %dma_wait3A_1377 = tpu.memref_slice %arg8[%dma_wait3A_1376] : memref<6272xi32, #tpu.memory_space<vmem>> -> memref<5568xi32, #tpu.memory_space<vmem>>
        %dma_wait3A_1378 = tpu.memref_slice %arg3[%run_scoped3A_1358, %mul3A_1357] : memref<3x200704xi32, #tpu.memory_space<hbm>> -> memref<1x5568xi32, #tpu.memory_space<hbm>>
        %dma_wait3A_1379 = tpu.memref_squeeze %dma_wait3A_1378 : memref<1x5568xi32, #tpu.memory_space<hbm>> -> memref<5568xi32, #tpu.memory_space<hbm>>
        %dma_wait3A_1380 = arith.constant 0 : i32
        %dma_wait3A_1381 = tpu.memref_slice %arg8[%dma_wait3A_1380] : memref<6272xi32, #tpu.memory_space<vmem>> -> memref<5568xi32, #tpu.memory_space<vmem>>
        %dma_wait3A_1382 = tpu.memref_slice %arg3[%run_scoped3A_1358, %mul3A_1357] : memref<3x200704xi32, #tpu.memory_space<hbm>> -> memref<1x5568xi32, #tpu.memory_space<hbm>>
        %dma_wait3A_1383 = tpu.memref_squeeze %dma_wait3A_1382 : memref<1x5568xi32, #tpu.memory_space<hbm>> -> memref<5568xi32, #tpu.memory_space<hbm>>
        tpu.wait_dma2 semaphore(%run_scoped3A_1367 : memref<!tpu.dma_semaphore, #tpu.memory_space<semaphore_mem>>) src(%dma_wait3A_1383 : memref<5568xi32, #tpu.memory_space<hbm>>) dst(%dma_wait3A_1381 : memref<5568xi32, #tpu.memory_space<vmem>>)
        tpu.yield
      }) : () -> ()
      %mul3A_1359 = arith.constant 6272 : i32
      %mul3A_1360 = arith.muli %add3A, %mul3A_1359 : i32
      %run_scoped3A_1361 = arith.constant 2 : i32
      "tpu.region"() ({
        %run_scoped3A_1367 = tpu.sem_alloc : memref<!tpu.dma_semaphore, #tpu.memory_space<semaphore_mem>>
        %dma_start3A_1368 = arith.constant 0 : i32
        %dma_start3A_1369 = tpu.memref_slice %arg9[%dma_start3A_1368] : memref<6272xi32, #tpu.memory_space<vmem>> -> memref<5568xi32, #tpu.memory_space<vmem>>
        %dma_start3A_1370 = tpu.memref_slice %arg3[%run_scoped3A_1361, %mul3A_1360] : memref<3x200704xi32, #tpu.memory_space<hbm>> -> memref<1x5568xi32, #tpu.memory_space<hbm>>
        %dma_start3A_1371 = tpu.memref_squeeze %dma_start3A_1370 : memref<1x5568xi32, #tpu.memory_space<hbm>> -> memref<5568xi32, #tpu.memory_space<hbm>>
        %dma_start3A_1372 = arith.constant 0 : i32
        %dma_start3A_1373 = tpu.memref_slice %arg9[%dma_start3A_1372] : memref<6272xi32, #tpu.memory_space<vmem>> -> memref<5568xi32, #tpu.memory_space<vmem>>
        %dma_start3A_1374 = tpu.memref_slice %arg3[%run_scoped3A_1361, %mul3A_1360] : memref<3x200704xi32, #tpu.memory_space<hbm>> -> memref<1x5568xi32, #tpu.memory_space<hbm>>
        %dma_start3A_1375 = tpu.memref_squeeze %dma_start3A_1374 : memref<1x5568xi32, #tpu.memory_space<hbm>> -> memref<5568xi32, #tpu.memory_space<hbm>>
        tpu.enqueue_dma source(%dma_start3A_1375 : memref<5568xi32, #tpu.memory_space<hbm>>) target(%dma_start3A_1373 : memref<5568xi32, #tpu.memory_space<vmem>>) target_semaphore(%run_scoped3A_1367 : memref<!tpu.dma_semaphore, #tpu.memory_space<semaphore_mem>>)
        %dma_wait3A_1376 = arith.constant 0 : i32
        %dma_wait3A_1377 = tpu.memref_slice %arg9[%dma_wait3A_1376] : memref<6272xi32, #tpu.memory_space<vmem>> -> memref<5568xi32, #tpu.memory_space<vmem>>
        %dma_wait3A_1378 = tpu.memref_slice %arg3[%run_scoped3A_1361, %mul3A_1360] : memref<3x200704xi32, #tpu.memory_space<hbm>> -> memref<1x5568xi32, #tpu.memory_space<hbm>>
        %dma_wait3A_1379 = tpu.memref_squeeze %dma_wait3A_1378 : memref<1x5568xi32, #tpu.memory_space<hbm>> -> memref<5568xi32, #tpu.memory_space<hbm>>
        %dma_wait3A_1380 = arith.constant 0 : i32
        %dma_wait3A_1381 = tpu.memref_slice %arg9[%dma_wait3A_1380] : memref<6272xi32, #tpu.memory_space<vmem>> -> memref<5568xi32, #tpu.memory_space<vmem>>
        %dma_wait3A_1382 = tpu.memref_slice %arg3[%run_scoped3A_1361, %mul3A_1360] : memref<3x200704xi32, #tpu.memory_space<hbm>> -> memref<1x5568xi32, #tpu.memory_space<hbm>>
        %dma_wait3A_1383 = tpu.memref_squeeze %dma_wait3A_1382 : memref<1x5568xi32, #tpu.memory_space<hbm>> -> memref<5568xi32, #tpu.memory_space<hbm>>
        tpu.wait_dma2 semaphore(%run_scoped3A_1367 : memref<!tpu.dma_semaphore, #tpu.memory_space<semaphore_mem>>) src(%dma_wait3A_1383 : memref<5568xi32, #tpu.memory_space<hbm>>) dst(%dma_wait3A_1381 : memref<5568xi32, #tpu.memory_space<vmem>>)
        tpu.yield
      }) : () -> ()
      %scan3A_1362 = arith.constant 0 : i32
      %scan3A_1363 = arith.constant 44 : i32
      %scan3A_1364 = arith.addi %scan3A_1362, %scan3A_1363 : i32
      %scan3A_1365 = arith.constant 1 : i32
      scf.for %scan3A_1367 = %scan3A_1362 to %scan3A_1364 step %scan3A_1365  : i32 {
        %mul3A_1368 = arith.constant 16 : i32
        %mul3A_1369 = arith.muli %scan3A_1367, %mul3A_1368 : i32
        %add3A_1370 = arith.constant 5568 : i32
        %add3A_1371 = arith.addi %add3A_1370, %mul3A_1369 : i32
        %swap3A = arith.index_cast %add3A_1371 : i32 to index
        %swap3A_1372 = tpu.vector_load %arg7[%swap3A] {strides = array<i32>} : memref<6272xi32, #tpu.memory_space<vmem>>, vector<16xi32>,
        tpu.vector_store %arg7[%swap3A], %broadcast_in_dim3A_3 {strides = array<i32>} : memref<6272xi32, #tpu.memory_space<vmem>>, vector<16xi32>,
        %swap3A_1373 = arith.index_cast %add3A_1371 : i32 to index
        %swap3A_1374 = tpu.vector_load %arg8[%swap3A_1373] {strides = array<i32>} : memref<6272xi32, #tpu.memory_space<vmem>>, vector<16xi32>,
        tpu.vector_store %arg8[%swap3A_1373], %broadcast_in_dim3A_3 {strides = array<i32>} : memref<6272xi32, #tpu.memory_space<vmem>>, vector<16xi32>,
        %swap3A_1375 = arith.index_cast %add3A_1371 : i32 to index
        %swap3A_1376 = tpu.vector_load %arg9[%swap3A_1375] {strides = array<i32>} : memref<6272xi32, #tpu.memory_space<vmem>>, vector<16xi32>,
        tpu.vector_store %arg9[%swap3A_1375], %broadcast_in_dim3A_3 {strides = array<i32>} : memref<6272xi32, #tpu.memory_space<vmem>>, vector<16xi32>,
      }
      %scan3A_1366 = arith.constant 44 : i32
    } else {
    }
    %scan3A = arith.constant 0 : i32
    %scan3A_12 = arith.constant 784 : i32
    %scan3A_13 = arith.addi %scan3A, %scan3A_12 : i32
    %scan3A_14 = arith.constant 1 : i32
    scf.for %scan3A_1354 = %scan3A to %scan3A_13 step %scan3A_14  : i32 {
      %mul3A_1355 = arith.constant 1 : i32
      %mul3A_1356 = arith.muli %scan3A_1354, %mul3A_1355 : i32
      %add3A_1357 = arith.constant 0 : i32
      %add3A_1358 = arith.addi %add3A_1357, %mul3A_1356 : i32
      %mul3A_1359 = arith.constant 16 : i32
      %mul3A_1360 = arith.muli %add3A_1358, %mul3A_1359 : i32
      %add3A_1361 = vector.broadcast %mul3A_1360 : i32 to vector<16xi32>
      %add3A_1362 = arith.addi %add3A_1361, %iota3A : vector<16xi32>
      %jit3A = arith.constant 6272 : i32
      %div3A = vector.broadcast %jit3A : i32 to vector<16xi32>
      %div3A_1363 = arith.divsi %add3A_1362, %div3A : vector<16xi32>
      %sign3A = arith.constant 0 : i32
      %sign3A_1364 = vector.broadcast %sign3A : i32 to vector<16xi32>
      %sign3A_1365 = arith.cmpi sgt, %add3A_1362, %sign3A_1364 : vector<16xi32>
      %sign3A_1366 = arith.extui %sign3A_1365 : vector<16xi1> to vector<16xi32>
      %sign3A_1367 = arith.constant 0 : i32
      %sign3A_1368 = vector.broadcast %sign3A_1367 : i32 to vector<16xi32>
      %sign3A_1369 = arith.cmpi slt, %add3A_1362, %sign3A_1368 : vector<16xi32>
      %sign3A_1370 = arith.extui %sign3A_1369 : vector<16xi1> to vector<16xi32>
      %sign3A_1371 = arith.subi %sign3A_1366, %sign3A_1370 : vector<16xi32>
      %sign3A_1372 = arith.constant 0 : i32
      %sign3A_1373 = arith.cmpi sgt, %jit3A, %sign3A_1372 : i32
      %sign3A_1374 = arith.extui %sign3A_1373 : i1 to i32
      %sign3A_1375 = arith.constant 0 : i32
      %sign3A_1376 = arith.cmpi slt, %jit3A, %sign3A_1375 : i32
      %sign3A_1377 = arith.extui %sign3A_1376 : i1 to i32
      %sign3A_1378 = arith.subi %sign3A_1374, %sign3A_1377 : i32
      %ne3A = vector.broadcast %sign3A_1378 : i32 to vector<16xi32>
      %ne3A_1379 = arith.cmpi ne, %sign3A_1371, %ne3A : vector<16xi32>
      %rem3A = vector.broadcast %jit3A : i32 to vector<16xi32>
      %rem3A_1380 = arith.remsi %add3A_1362, %rem3A : vector<16xi32>
      %ne3A_1381 = arith.constant 0 : i32
      %ne3A_1382 = vector.broadcast %ne3A_1381 : i32 to vector<16xi32>
      %ne3A_1383 = arith.cmpi ne, %rem3A_1380, %ne3A_1382 : vector<16xi32>
      %and3A = arith.andi %ne3A_1379, %ne3A_1383 : vector<16xi1>
      %sub3A = arith.constant 1 : i32
      %sub3A_1384 = vector.broadcast %sub3A : i32 to vector<16xi32>
      %sub3A_1385 = arith.subi %div3A_1363, %sub3A_1384 : vector<16xi32>
      %select_n3A = arith.select %and3A, %sub3A_1385, %div3A_1363 : vector<16xi1>, vector<16xi32>
      %jit3A_1386 = arith.constant 8 : i32
      %div3A_1387 = vector.broadcast %jit3A_1386 : i32 to vector<16xi32>
      %div3A_1388 = arith.divsi %add3A_1362, %div3A_1387 : vector<16xi32>
      %sign3A_1389 = arith.constant 0 : i32
      %sign3A_1390 = vector.broadcast %sign3A_1389 : i32 to vector<16xi32>
      %sign3A_1391 = arith.cmpi sgt, %add3A_1362, %sign3A_1390 : vector<16xi32>
      %sign3A_1392 = arith.extui %sign3A_1391 : vector<16xi1> to vector<16xi32>
      %sign3A_1393 = arith.constant 0 : i32
      %sign3A_1394 = vector.broadcast %sign3A_1393 : i32 to vector<16xi32>
      %sign3A_1395 = arith.cmpi slt, %add3A_1362, %sign3A_1394 : vector<16xi32>
      %sign3A_1396 = arith.extui %sign3A_1395 : vector<16xi1> to vector<16xi32>
      %sign3A_1397 = arith.subi %sign3A_1392, %sign3A_1396 : vector<16xi32>
      %sign3A_1398 = arith.constant 0 : i32
      %sign3A_1399 = arith.cmpi sgt, %jit3A_1386, %sign3A_1398 : i32
      %sign3A_1400 = arith.extui %sign3A_1399 : i1 to i32
      %sign3A_1401 = arith.constant 0 : i32
      %sign3A_1402 = arith.cmpi slt, %jit3A_1386, %sign3A_1401 : i32
      %sign3A_1403 = arith.extui %sign3A_1402 : i1 to i32
      %sign3A_1404 = arith.subi %sign3A_1400, %sign3A_1403 : i32
      %ne3A_1405 = vector.broadcast %sign3A_1404 : i32 to vector<16xi32>
      %ne3A_1406 = arith.cmpi ne, %sign3A_1397, %ne3A_1405 : vector<16xi32>
      %rem3A_1407 = vector.broadcast %jit3A_1386 : i32 to vector<16xi32>
      %rem3A_1408 = arith.remsi %add3A_1362, %rem3A_1407 : vector<16xi32>
      %ne3A_1409 = arith.constant 0 : i32
      %ne3A_1410 = vector.broadcast %ne3A_1409 : i32 to vector<16xi32>
      %ne3A_1411 = arith.cmpi ne, %rem3A_1408, %ne3A_1410 : vector<16xi32>
      %and3A_1412 = arith.andi %ne3A_1406, %ne3A_1411 : vector<16xi1>
      %sub3A_1413 = arith.constant 1 : i32
      %sub3A_1414 = vector.broadcast %sub3A_1413 : i32 to vector<16xi32>
      %sub3A_1415 = arith.subi %div3A_1388, %sub3A_1414 : vector<16xi32>
      %select_n3A_1416 = arith.select %and3A_1412, %sub3A_1415, %div3A_1388 : vector<16xi1>, vector<16xi32>
      %jit3A_1417 = arith.constant 784 : i32
      %eq3A_1418 = arith.constant 0 : i32
      %eq3A_1419 = arith.cmpi eq, %jit3A_1417, %eq3A_1418 : i32
      %jit3A_1420 = arith.constant 1 : i32
      %select_n3A_1421 = arith.select %eq3A_1419, %jit3A_1420, %jit3A_1417 : i32
      %rem3A_1422 = vector.broadcast %select_n3A_1421 : i32 to vector<16xi32>
      %rem3A_1423 = arith.remsi %select_n3A_1416, %rem3A_1422 : vector<16xi32>
      %ne3A_1424 = arith.constant 0 : i32
      %ne3A_1425 = vector.broadcast %ne3A_1424 : i32 to vector<16xi32>
      %ne3A_1426 = arith.cmpi ne, %rem3A_1423, %ne3A_1425 : vector<16xi32>
      %lt3A_1427 = arith.constant 0 : i32
      %lt3A_1428 = vector.broadcast %lt3A_1427 : i32 to vector<16xi32>
      %lt3A_1429 = arith.cmpi slt, %rem3A_1423, %lt3A_1428 : vector<16xi32>
      %lt3A_1430 = arith.constant 0 : i32
      %lt3A_1431 = arith.cmpi slt, %select_n3A_1421, %lt3A_1430 : i32
      %ne3A_1432 = vector.broadcast %lt3A_1431 : i1 to vector<16xi1>
      %ne3A_1433 = vector.broadcast %ne3A_1432 : vector<16xi1> to vector<16xi1>
      %ne3A_1434 = arith.xori %lt3A_1429, %ne3A_1433 : vector<16xi1>
      %and3A_1435 = arith.andi %ne3A_1434, %ne3A_1426 : vector<16xi1>
      %add3A_1436 = vector.broadcast %select_n3A_1421 : i32 to vector<16xi32>
      %add3A_1437 = arith.addi %rem3A_1423, %add3A_1436 : vector<16xi32>
      %select_n3A_1438 = arith.select %and3A_1435, %add3A_1437, %rem3A_1423 : vector<16xi1>, vector<16xi32>
      %jit3A_1439 = arith.constant 8 : i32
      %eq3A_1440 = arith.constant 0 : i32
      %eq3A_1441 = arith.cmpi eq, %jit3A_1439, %eq3A_1440 : i32
      %jit3A_1442 = arith.constant 1 : i32
      %select_n3A_1443 = arith.select %eq3A_1441, %jit3A_1442, %jit3A_1439 : i32
      %rem3A_1444 = vector.broadcast %select_n3A_1443 : i32 to vector<16xi32>
      %rem3A_1445 = arith.remsi %add3A_1362, %rem3A_1444 : vector<16xi32>
      %ne3A_1446 = arith.constant 0 : i32
      %ne3A_1447 = vector.broadcast %ne3A_1446 : i32 to vector<16xi32>
      %ne3A_1448 = arith.cmpi ne, %rem3A_1445, %ne3A_1447 : vector<16xi32>
      %lt3A_1449 = arith.constant 0 : i32
      %lt3A_1450 = vector.broadcast %lt3A_1449 : i32 to vector<16xi32>
      %lt3A_1451 = arith.cmpi slt, %rem3A_1445, %lt3A_1450 : vector<16xi32>
      %lt3A_1452 = arith.constant 0 : i32
      %lt3A_1453 = arith.cmpi slt, %select_n3A_1443, %lt3A_1452 : i32
      %ne3A_1454 = vector.broadcast %lt3A_1453 : i1 to vector<16xi1>
      %ne3A_1455 = vector.broadcast %ne3A_1454 : vector<16xi1> to vector<16xi1>
      %ne3A_1456 = arith.xori %lt3A_1451, %ne3A_1455 : vector<16xi1>
      %and3A_1457 = arith.andi %ne3A_1456, %ne3A_1448 : vector<16xi1>
      %add3A_1458 = vector.broadcast %select_n3A_1443 : i32 to vector<16xi32>
      %add3A_1459 = arith.addi %rem3A_1445, %add3A_1458 : vector<16xi32>
      %select_n3A_1460 = arith.select %and3A_1457, %add3A_1459, %rem3A_1445 : vector<16xi1>, vector<16xi32>
      tpu.vector_store_idx %arg11[%select_n3A, %select_n3A_1438, %select_n3A_1460], %broadcast_in_dim3A_5 : memref<2x784x8xf32, #tpu.memory_space<vmem>>[vector<16xi32>, vector<16xi32>, vector<16xi32>], vector<16xf32>,
    }
    %scan3A_15 = arith.constant 784 : i32
    %dma_start3A = arith.constant 0 : i32
    %dma_start3A_16 = arith.constant 0 : i32
    %dma_start3A_17 = arith.constant 0 : i32
    %dma_start3A_18 = arith.constant 0 : i32
    %dma_start3A_19 = arith.constant 0 : i32
    %dma_start3A_20 = tpu.memref_slice %arg10[%dma_start3A, %dma_start3A_16, %dma_start3A_18, %dma_start3A_19] : memref<2x3x784x8xf32, #tpu.memory_space<vmem>> -> memref<1x1x784x8xf32, #tpu.memory_space<vmem>>
    %dma_start3A_21 = tpu.memref_squeeze %dma_start3A_20 : memref<1x1x784x8xf32, #tpu.memory_space<vmem>> -> memref<784x8xf32, #tpu.memory_space<vmem>>
    %dma_start3A_22 = arith.constant 0 : i32
    %dma_start3A_23 = tpu.memref_slice %arg7[%dma_start3A_22] : memref<6272xi32, #tpu.memory_space<vmem>> -> memref<784xi32, #tpu.memory_space<vmem>>
    %dma_start3A_24 = arith.constant 0 : i32
    %dma_start3A_25 = arith.constant 0 : i32
    %dma_start3A_26 = tpu.memref_slice %arg2[%dma_start3A_24, %dma_start3A_25] : memref<100096x8xf32, #tpu.memory_space<hbm>> -> memref<100096x8xf32, #tpu.memory_space<hbm>>
    %dma_start3A_27 = tpu.memref_slice %arg12[%dma_start3A_17] : memref<2x!tpu.dma_semaphore, #tpu.memory_space<semaphore_mem>> -> memref<1x!tpu.dma_semaphore, #tpu.memory_space<semaphore_mem>>
    %dma_start3A_28 = tpu.memref_squeeze %dma_start3A_27 : memref<1x!tpu.dma_semaphore, #tpu.memory_space<semaphore_mem>> -> memref<!tpu.dma_semaphore, #tpu.memory_space<semaphore_mem>>
    tpu.enqueue_indirect_dma source(%dma_start3A_26 : memref<100096x8xf32, #tpu.memory_space<hbm>>) target(%dma_start3A_21 : memref<784x8xf32, #tpu.memory_space<vmem>>) offsets(%dma_start3A_23 : memref<784xi32, #tpu.memory_space<vmem>>) semaphore(%dma_start3A_28 : memref<!tpu.dma_semaphore, #tpu.memory_space<semaphore_mem>>)
    %dma_start3A_29 = arith.constant 0 : i32
    %dma_start3A_30 = arith.constant 1 : i32
    %dma_start3A_31 = arith.constant 0 : i32
    %dma_start3A_32 = arith.constant 0 : i32
    %dma_start3A_33 = arith.constant 0 : i32
    %dma_start3A_34 = tpu.memref_slice %arg10[%dma_start3A_29, %dma_start3A_30, %dma_start3A_32, %dma_start3A_33] : memref<2x3x784x8xf32, #tpu.memory_space<vmem>> -> memref<1x1x784x8xf32, #tpu.memory_space<vmem>>
    %dma_start3A_35 = tpu.memref_squeeze %dma_start3A_34 : memref<1x1x784x8xf32, #tpu.memory_space<vmem>> -> memref<784x8xf32, #tpu.memory_space<vmem>>
    %dma_start3A_36 = arith.constant 0 : i32
    %dma_start3A_37 = tpu.memref_slice %arg8[%dma_start3A_36] : memref<6272xi32, #tpu.memory_space<vmem>> -> memref<784xi32, #tpu.memory_space<vmem>>
    %dma_start3A_38 = arith.constant 0 : i32
    %dma_start3A_39 = arith.constant 0 : i32
    %dma_start3A_40 = tpu.memref_slice %arg2[%dma_start3A_38, %dma_start3A_39] : memref<100096x8xf32, #tpu.memory_space<hbm>> -> memref<100096x8xf32, #tpu.memory_space<hbm>>
    %dma_start3A_41 = tpu.memref_slice %arg12[%dma_start3A_31] : memref<2x!tpu.dma_semaphore, #tpu.memory_space<semaphore_mem>> -> memref<1x!tpu.dma_semaphore, #tpu.memory_space<semaphore_mem>>
    %dma_start3A_42 = tpu.memref_squeeze %dma_start3A_41 : memref<1x!tpu.dma_semaphore, #tpu.memory_space<semaphore_mem>> -> memref<!tpu.dma_semaphore, #tpu.memory_space<semaphore_mem>>
    tpu.enqueue_indirect_dma source(%dma_start3A_40 : memref<100096x8xf32, #tpu.memory_space<hbm>>) target(%dma_start3A_35 : memref<784x8xf32, #tpu.memory_space<vmem>>) offsets(%dma_start3A_37 : memref<784xi32, #tpu.memory_space<vmem>>) semaphore(%dma_start3A_42 : memref<!tpu.dma_semaphore, #tpu.memory_space<semaphore_mem>>)
    %dma_start3A_43 = arith.constant 0 : i32
    %dma_start3A_44 = arith.constant 2 : i32
    %dma_start3A_45 = arith.constant 0 : i32
    %dma_start3A_46 = arith.constant 0 : i32
    %dma_start3A_47 = arith.constant 0 : i32
    %dma_start3A_48 = tpu.memref_slice %arg10[%dma_start3A_43, %dma_start3A_44, %dma_start3A_46, %dma_start3A_47] : memref<2x3x784x8xf32, #tpu.memory_space<vmem>> -> memref<1x1x784x8xf32, #tpu.memory_space<vmem>>
    %dma_start3A_49 = tpu.memref_squeeze %dma_start3A_48 : memref<1x1x784x8xf32, #tpu.memory_space<vmem>> -> memref<784x8xf32, #tpu.memory_space<vmem>>
    %dma_start3A_50 = arith.constant 0 : i32
    %dma_start3A_51 = tpu.memref_slice %arg9[%dma_start3A_50] : memref<6272xi32, #tpu.memory_space<vmem>> -> memref<784xi32, #tpu.memory_space<vmem>>
    %dma_start3A_52 = arith.constant 0 : i32
    %dma_start3A_53 = arith.constant 0 : i32
    %dma_start3A_54 = tpu.memref_slice %arg2[%dma_start3A_52, %dma_start3A_53] : memref<100096x8xf32, #tpu.memory_space<hbm>> -> memref<100096x8xf32, #tpu.memory_space<hbm>>
    %dma_start3A_55 = tpu.memref_slice %arg12[%dma_start3A_45] : memref<2x!tpu.dma_semaphore, #tpu.memory_space<semaphore_mem>> -> memref<1x!tpu.dma_semaphore, #tpu.memory_space<semaphore_mem>>
    %dma_start3A_56 = tpu.memref_squeeze %dma_start3A_55 : memref<1x!tpu.dma_semaphore, #tpu.memory_space<semaphore_mem>> -> memref<!tpu.dma_semaphore, #tpu.memory_space<semaphore_mem>>
    tpu.enqueue_indirect_dma source(%dma_start3A_54 : memref<100096x8xf32, #tpu.memory_space<hbm>>) target(%dma_start3A_49 : memref<784x8xf32, #tpu.memory_space<vmem>>) offsets(%dma_start3A_51 : memref<784xi32, #tpu.memory_space<vmem>>) semaphore(%dma_start3A_56 : memref<!tpu.dma_semaphore, #tpu.memory_space<semaphore_mem>>)
    %dma_wait3A = arith.constant 0 : i32
    %dma_wait3A_57 = arith.constant 0 : i32
    %dma_wait3A_58 = arith.constant 0 : i32
    %dma_wait3A_59 = arith.constant 0 : i32
    %dma_wait3A_60 = arith.constant 0 : i32
    %dma_wait3A_61 = tpu.memref_slice %arg10[%dma_wait3A, %dma_wait3A_57, %dma_wait3A_59, %dma_wait3A_60] : memref<2x3x784x8xf32, #tpu.memory_space<vmem>> -> memref<1x1x784x8xf32, #tpu.memory_space<vmem>>
    %dma_wait3A_62 = tpu.memref_squeeze %dma_wait3A_61 : memref<1x1x784x8xf32, #tpu.memory_space<vmem>> -> memref<784x8xf32, #tpu.memory_space<vmem>>
    %dma_wait3A_63 = arith.constant 0 : i32
    %dma_wait3A_64 = tpu.memref_slice %arg7[%dma_wait3A_63] : memref<6272xi32, #tpu.memory_space<vmem>> -> memref<784xi32, #tpu.memory_space<vmem>>
    %dma_wait3A_65 = arith.constant 0 : i32
    %dma_wait3A_66 = arith.constant 0 : i32
    %dma_wait3A_67 = tpu.memref_slice %arg2[%dma_wait3A_65, %dma_wait3A_66] : memref<100096x8xf32, #tpu.memory_space<hbm>> -> memref<100096x8xf32, #tpu.memory_space<hbm>>
    %dma_wait3A_68 = tpu.memref_slice %arg12[%dma_wait3A_58] : memref<2x!tpu.dma_semaphore, #tpu.memory_space<semaphore_mem>> -> memref<1x!tpu.dma_semaphore, #tpu.memory_space<semaphore_mem>>
    %dma_wait3A_69 = tpu.memref_squeeze %dma_wait3A_68 : memref<1x!tpu.dma_semaphore, #tpu.memory_space<semaphore_mem>> -> memref<!tpu.dma_semaphore, #tpu.memory_space<semaphore_mem>>
    tpu.wait_indirect_dma semaphore(%dma_wait3A_69 : memref<!tpu.dma_semaphore, #tpu.memory_space<semaphore_mem>>) src(%dma_wait3A_67 : memref<100096x8xf32, #tpu.memory_space<hbm>>) dst(%dma_wait3A_62 : memref<784x8xf32, #tpu.memory_space<vmem>>)
    %dma_wait3A_70 = arith.constant 0 : i32
    %dma_wait3A_71 = arith.constant 1 : i32
    %dma_wait3A_72 = arith.constant 0 : i32
    %dma_wait3A_73 = arith.constant 0 : i32
    %dma_wait3A_74 = arith.constant 0 : i32
    %dma_wait3A_75 = tpu.memref_slice %arg10[%dma_wait3A_70, %dma_wait3A_71, %dma_wait3A_73, %dma_wait3A_74] : memref<2x3x784x8xf32, #tpu.memory_space<vmem>> -> memref<1x1x784x8xf32, #tpu.memory_space<vmem>>
    %dma_wait3A_76 = tpu.memref_squeeze %dma_wait3A_75 : memref<1x1x784x8xf32, #tpu.memory_space<vmem>> -> memref<784x8xf32, #tpu.memory_space<vmem>>
    %dma_wait3A_77 = arith.constant 0 : i32
    %dma_wait3A_78 = tpu.memref_slice %arg8[%dma_wait3A_77] : memref<6272xi32, #tpu.memory_space<vmem>> -> memref<784xi32, #tpu.memory_space<vmem>>
    %dma_wait3A_79 = arith.constant 0 : i32
    %dma_wait3A_80 = arith.constant 0 : i32
    %dma_wait3A_81 = tpu.memref_slice %arg2[%dma_wait3A_79, %dma_wait3A_80] : memref<100096x8xf32, #tpu.memory_space<hbm>> -> memref<100096x8xf32, #tpu.memory_space<hbm>>
    %dma_wait3A_82 = tpu.memref_slice %arg12[%dma_wait3A_72] : memref<2x!tpu.dma_semaphore, #tpu.memory_space<semaphore_mem>> -> memref<1x!tpu.dma_semaphore, #tpu.memory_space<semaphore_mem>>
    %dma_wait3A_83 = tpu.memref_squeeze %dma_wait3A_82 : memref<1x!tpu.dma_semaphore, #tpu.memory_space<semaphore_mem>> -> memref<!tpu.dma_semaphore, #tpu.memory_space<semaphore_mem>>
    tpu.wait_indirect_dma semaphore(%dma_wait3A_83 : memref<!tpu.dma_semaphore, #tpu.memory_space<semaphore_mem>>) src(%dma_wait3A_81 : memref<100096x8xf32, #tpu.memory_space<hbm>>) dst(%dma_wait3A_76 : memref<784x8xf32, #tpu.memory_space<vmem>>)
    %dma_wait3A_84 = arith.constant 0 : i32
    %dma_wait3A_85 = arith.constant 2 : i32
    %dma_wait3A_86 = arith.constant 0 : i32
    %dma_wait3A_87 = arith.constant 0 : i32
    %dma_wait3A_88 = arith.constant 0 : i32
    %dma_wait3A_89 = tpu.memref_slice %arg10[%dma_wait3A_84, %dma_wait3A_85, %dma_wait3A_87, %dma_wait3A_88] : memref<2x3x784x8xf32, #tpu.memory_space<vmem>> -> memref<1x1x784x8xf32, #tpu.memory_space<vmem>>
    %dma_wait3A_90 = tpu.memref_squeeze %dma_wait3A_89 : memref<1x1x784x8xf32, #tpu.memory_space<vmem>> -> memref<784x8xf32, #tpu.memory_space<vmem>>
    %dma_wait3A_91 = arith.constant 0 : i32
    %dma_wait3A_92 = tpu.memref_slice %arg9[%dma_wait3A_91] : memref<6272xi32, #tpu.memory_space<vmem>> -> memref<784xi32, #tpu.memory_space<vmem>>
    %dma_wait3A_93 = arith.constant 0 : i32
    %dma_wait3A_94 = arith.constant 0 : i32
    %dma_wait3A_95 = tpu.memref_slice %arg2[%dma_wait3A_93, %dma_wait3A_94] : memref<100096x8xf32, #tpu.memory_space<hbm>> -> memref<100096x8xf32, #tpu.memory_space<hbm>>
    %dma_wait3A_96 = tpu.memref_slice %arg12[%dma_wait3A_86] : memref<2x!tpu.dma_semaphore, #tpu.memory_space<semaphore_mem>> -> memref<1x!tpu.dma_semaphore, #tpu.memory_space<semaphore_mem>>
    %dma_wait3A_97 = tpu.memref_squeeze %dma_wait3A_96 : memref<1x!tpu.dma_semaphore, #tpu.memory_space<semaphore_mem>> -> memref<!tpu.dma_semaphore, #tpu.memory_space<semaphore_mem>>
    tpu.wait_indirect_dma semaphore(%dma_wait3A_97 : memref<!tpu.dma_semaphore, #tpu.memory_space<semaphore_mem>>) src(%dma_wait3A_95 : memref<100096x8xf32, #tpu.memory_space<hbm>>) dst(%dma_wait3A_90 : memref<784x8xf32, #tpu.memory_space<vmem>>)
    %dma_start3A_98 = arith.constant 1 : i32
    %dma_start3A_99 = arith.constant 0 : i32
    %dma_start3A_100 = arith.constant 1 : i32
    %dma_start3A_101 = arith.constant 0 : i32
    %dma_start3A_102 = arith.constant 0 : i32
    %dma_start3A_103 = tpu.memref_slice %arg10[%dma_start3A_98, %dma_start3A_99, %dma_start3A_101, %dma_start3A_102] : memref<2x3x784x8xf32, #tpu.memory_space<vmem>> -> memref<1x1x784x8xf32, #tpu.memory_space<vmem>>
    %dma_start3A_104 = tpu.memref_squeeze %dma_start3A_103 : memref<1x1x784x8xf32, #tpu.memory_space<vmem>> -> memref<784x8xf32, #tpu.memory_space<vmem>>
    %dma_start3A_105 = arith.constant 784 : i32
    %dma_start3A_106 = tpu.memref_slice %arg7[%dma_start3A_105] : memref<6272xi32, #tpu.memory_space<vmem>> -> memref<784xi32, #tpu.memory_space<vmem>>
    %dma_start3A_107 = arith.constant 0 : i32
    %dma_start3A_108 = arith.constant 0 : i32
    %dma_start3A_109 = tpu.memref_slice %arg2[%dma_start3A_107, %dma_start3A_108] : memref<100096x8xf32, #tpu.memory_space<hbm>> -> memref<100096x8xf32, #tpu.memory_space<hbm>>
    %dma_start3A_110 = tpu.memref_slice %arg12[%dma_start3A_100] : memref<2x!tpu.dma_semaphore, #tpu.memory_space<semaphore_mem>> -> memref<1x!tpu.dma_semaphore, #tpu.memory_space<semaphore_mem>>
    %dma_start3A_111 = tpu.memref_squeeze %dma_start3A_110 : memref<1x!tpu.dma_semaphore, #tpu.memory_space<semaphore_mem>> -> memref<!tpu.dma_semaphore, #tpu.memory_space<semaphore_mem>>
    tpu.enqueue_indirect_dma source(%dma_start3A_109 : memref<100096x8xf32, #tpu.memory_space<hbm>>) target(%dma_start3A_104 : memref<784x8xf32, #tpu.memory_space<vmem>>) offsets(%dma_start3A_106 : memref<784xi32, #tpu.memory_space<vmem>>) semaphore(%dma_start3A_111 : memref<!tpu.dma_semaphore, #tpu.memory_space<semaphore_mem>>)
    %dma_start3A_112 = arith.constant 1 : i32
    %dma_start3A_113 = arith.constant 1 : i32
    %dma_start3A_114 = arith.constant 1 : i32
    %dma_start3A_115 = arith.constant 0 : i32
    %dma_start3A_116 = arith.constant 0 : i32
    %dma_start3A_117 = tpu.memref_slice %arg10[%dma_start3A_112, %dma_start3A_113, %dma_start3A_115, %dma_start3A_116] : memref<2x3x784x8xf32, #tpu.memory_space<vmem>> -> memref<1x1x784x8xf32, #tpu.memory_space<vmem>>
    %dma_start3A_118 = tpu.memref_squeeze %dma_start3A_117 : memref<1x1x784x8xf32, #tpu.memory_space<vmem>> -> memref<784x8xf32, #tpu.memory_space<vmem>>
    %dma_start3A_119 = arith.constant 784 : i32
    %dma_start3A_120 = tpu.memref_slice %arg8[%dma_start3A_119] : memref<6272xi32, #tpu.memory_space<vmem>> -> memref<784xi32, #tpu.memory_space<vmem>>
    %dma_start3A_121 = arith.constant 0 : i32
    %dma_start3A_122 = arith.constant 0 : i32
    %dma_start3A_123 = tpu.memref_slice %arg2[%dma_start3A_121, %dma_start3A_122] : memref<100096x8xf32, #tpu.memory_space<hbm>> -> memref<100096x8xf32, #tpu.memory_space<hbm>>
    %dma_start3A_124 = tpu.memref_slice %arg12[%dma_start3A_114] : memref<2x!tpu.dma_semaphore, #tpu.memory_space<semaphore_mem>> -> memref<1x!tpu.dma_semaphore, #tpu.memory_space<semaphore_mem>>
    %dma_start3A_125 = tpu.memref_squeeze %dma_start3A_124 : memref<1x!tpu.dma_semaphore, #tpu.memory_space<semaphore_mem>> -> memref<!tpu.dma_semaphore, #tpu.memory_space<semaphore_mem>>
    tpu.enqueue_indirect_dma source(%dma_start3A_123 : memref<100096x8xf32, #tpu.memory_space<hbm>>) target(%dma_start3A_118 : memref<784x8xf32, #tpu.memory_space<vmem>>) offsets(%dma_start3A_120 : memref<784xi32, #tpu.memory_space<vmem>>) semaphore(%dma_start3A_125 : memref<!tpu.dma_semaphore, #tpu.memory_space<semaphore_mem>>)
    %dma_start3A_126 = arith.constant 1 : i32
    %dma_start3A_127 = arith.constant 2 : i32
    %dma_start3A_128 = arith.constant 1 : i32
    %dma_start3A_129 = arith.constant 0 : i32
    %dma_start3A_130 = arith.constant 0 : i32
    %dma_start3A_131 = tpu.memref_slice %arg10[%dma_start3A_126, %dma_start3A_127, %dma_start3A_129, %dma_start3A_130] : memref<2x3x784x8xf32, #tpu.memory_space<vmem>> -> memref<1x1x784x8xf32, #tpu.memory_space<vmem>>
    %dma_start3A_132 = tpu.memref_squeeze %dma_start3A_131 : memref<1x1x784x8xf32, #tpu.memory_space<vmem>> -> memref<784x8xf32, #tpu.memory_space<vmem>>
    %dma_start3A_133 = arith.constant 784 : i32
    %dma_start3A_134 = tpu.memref_slice %arg9[%dma_start3A_133] : memref<6272xi32, #tpu.memory_space<vmem>> -> memref<784xi32, #tpu.memory_space<vmem>>
    %dma_start3A_135 = arith.constant 0 : i32
    %dma_start3A_136 = arith.constant 0 : i32
    %dma_start3A_137 = tpu.memref_slice %arg2[%dma_start3A_135, %dma_start3A_136] : memref<100096x8xf32, #tpu.memory_space<hbm>> -> memref<100096x8xf32, #tpu.memory_space<hbm>>
    %dma_start3A_138 = tpu.memref_slice %arg12[%dma_start3A_128] : memref<2x!tpu.dma_semaphore, #tpu.memory_space<semaphore_mem>> -> memref<1x!tpu.dma_semaphore, #tpu.memory_space<semaphore_mem>>
    %dma_start3A_139 = tpu.memref_squeeze %dma_start3A_138 : memref<1x!tpu.dma_semaphore, #tpu.memory_space<semaphore_mem>> -> memref<!tpu.dma_semaphore, #tpu.memory_space<semaphore_mem>>
    tpu.enqueue_indirect_dma source(%dma_start3A_137 : memref<100096x8xf32, #tpu.memory_space<hbm>>) target(%dma_start3A_132 : memref<784x8xf32, #tpu.memory_space<vmem>>) offsets(%dma_start3A_134 : memref<784xi32, #tpu.memory_space<vmem>>) semaphore(%dma_start3A_139 : memref<!tpu.dma_semaphore, #tpu.memory_space<semaphore_mem>>)
    %scan3A_140 = arith.constant 0 : i32
    %scan3A_141 = arith.constant 49 : i32
    %scan3A_142 = arith.addi %scan3A_140, %scan3A_141 : i32
    %scan3A_143 = arith.constant 1 : i32
    scf.for %scan3A_1354 = %scan3A_140 to %scan3A_142 step %scan3A_143  : i32 {
      %mul3A_1355 = arith.constant 1 : i32
      %mul3A_1356 = arith.muli %scan3A_1354, %mul3A_1355 : i32
      %add3A_1357 = arith.constant 0 : i32
      %add3A_1358 = arith.addi %add3A_1357, %mul3A_1356 : i32
      %mul3A_1359 = arith.constant 16 : i32
      %mul3A_1360 = arith.muli %add3A_1358, %mul3A_1359 : i32
      %add3A_1361 = vector.broadcast %mul3A_1360 : i32 to vector<16xi32>
      %add3A_1362 = arith.addi %add3A_1361, %iota3A : vector<16xi32>
      %broadcast_in_dim3A_1363 = arith.constant 0 : i32
      %broadcast_in_dim3A_1364 = vector.broadcast %broadcast_in_dim3A_1363 : i32 to vector<16xi32>
      %broadcast_in_dim3A_1365 = arith.constant 0 : i32
      %broadcast_in_dim3A_1366 = vector.broadcast %broadcast_in_dim3A_1365 : i32 to vector<16xi32>
      %broadcast_in_dim3A_1367 = arith.constant 0 : i32
      %broadcast_in_dim3A_1368 = vector.broadcast %broadcast_in_dim3A_1367 : i32 to vector<16xi32>
      %gather3A = tpu.vector_load_idx %arg10[%broadcast_in_dim3A_1364, %broadcast_in_dim3A_1366, %add3A_1362, %broadcast_in_dim3A_1368] : memref<2x3x784x8xf32, #tpu.memory_space<vmem>>[vector<16xi32>, vector<16xi32>, vector<16xi32>, vector<16xi32>], vector<16xf32>,
      %broadcast_in_dim3A_1369 = arith.constant 0 : i32
      %broadcast_in_dim3A_1370 = vector.broadcast %broadcast_in_dim3A_1369 : i32 to vector<16xi32>
      %broadcast_in_dim3A_1371 = arith.constant 1 : i32
      %broadcast_in_dim3A_1372 = vector.broadcast %broadcast_in_dim3A_1371 : i32 to vector<16xi32>
      %gather3A_1373 = tpu.vector_load_idx %arg10[%broadcast_in_dim3A_1364, %broadcast_in_dim3A_1370, %add3A_1362, %broadcast_in_dim3A_1372] : memref<2x3x784x8xf32, #tpu.memory_space<vmem>>[vector<16xi32>, vector<16xi32>, vector<16xi32>, vector<16xi32>], vector<16xf32>,
      %broadcast_in_dim3A_1374 = arith.constant 0 : i32
      %broadcast_in_dim3A_1375 = vector.broadcast %broadcast_in_dim3A_1374 : i32 to vector<16xi32>
      %broadcast_in_dim3A_1376 = arith.constant 2 : i32
      %broadcast_in_dim3A_1377 = vector.broadcast %broadcast_in_dim3A_1376 : i32 to vector<16xi32>
      %gather3A_1378 = tpu.vector_load_idx %arg10[%broadcast_in_dim3A_1364, %broadcast_in_dim3A_1375, %add3A_1362, %broadcast_in_dim3A_1377] : memref<2x3x784x8xf32, #tpu.memory_space<vmem>>[vector<16xi32>, vector<16xi32>, vector<16xi32>, vector<16xi32>], vector<16xf32>,
      %broadcast_in_dim3A_1379 = arith.constant 1 : i32
      %broadcast_in_dim3A_1380 = vector.broadcast %broadcast_in_dim3A_1379 : i32 to vector<16xi32>
      %broadcast_in_dim3A_1381 = arith.constant 0 : i32
      %broadcast_in_dim3A_1382 = vector.broadcast %broadcast_in_dim3A_1381 : i32 to vector<16xi32>
      %gather3A_1383 = tpu.vector_load_idx %arg10[%broadcast_in_dim3A_1364, %broadcast_in_dim3A_1380, %add3A_1362, %broadcast_in_dim3A_1382] : memref<2x3x784x8xf32, #tpu.memory_space<vmem>>[vector<16xi32>, vector<16xi32>, vector<16xi32>, vector<16xi32>], vector<16xf32>,
      %broadcast_in_dim3A_1384 = arith.constant 1 : i32
      %broadcast_in_dim3A_1385 = vector.broadcast %broadcast_in_dim3A_1384 : i32 to vector<16xi32>
      %broadcast_in_dim3A_1386 = arith.constant 1 : i32
      %broadcast_in_dim3A_1387 = vector.broadcast %broadcast_in_dim3A_1386 : i32 to vector<16xi32>
      %gather3A_1388 = tpu.vector_load_idx %arg10[%broadcast_in_dim3A_1364, %broadcast_in_dim3A_1385, %add3A_1362, %broadcast_in_dim3A_1387] : memref<2x3x784x8xf32, #tpu.memory_space<vmem>>[vector<16xi32>, vector<16xi32>, vector<16xi32>, vector<16xi32>], vector<16xf32>,
      %broadcast_in_dim3A_1389 = arith.constant 1 : i32
      %broadcast_in_dim3A_1390 = vector.broadcast %broadcast_in_dim3A_1389 : i32 to vector<16xi32>
      %broadcast_in_dim3A_1391 = arith.constant 2 : i32
      %broadcast_in_dim3A_1392 = vector.broadcast %broadcast_in_dim3A_1391 : i32 to vector<16xi32>
      %gather3A_1393 = tpu.vector_load_idx %arg10[%broadcast_in_dim3A_1364, %broadcast_in_dim3A_1390, %add3A_1362, %broadcast_in_dim3A_1392] : memref<2x3x784x8xf32, #tpu.memory_space<vmem>>[vector<16xi32>, vector<16xi32>, vector<16xi32>, vector<16xi32>], vector<16xf32>,
      %broadcast_in_dim3A_1394 = arith.constant 2 : i32
      %broadcast_in_dim3A_1395 = vector.broadcast %broadcast_in_dim3A_1394 : i32 to vector<16xi32>
      %broadcast_in_dim3A_1396 = arith.constant 0 : i32
      %broadcast_in_dim3A_1397 = vector.broadcast %broadcast_in_dim3A_1396 : i32 to vector<16xi32>
      %gather3A_1398 = tpu.vector_load_idx %arg10[%broadcast_in_dim3A_1364, %broadcast_in_dim3A_1395, %add3A_1362, %broadcast_in_dim3A_1397] : memref<2x3x784x8xf32, #tpu.memory_space<vmem>>[vector<16xi32>, vector<16xi32>, vector<16xi32>, vector<16xi32>], vector<16xf32>,
      %broadcast_in_dim3A_1399 = arith.constant 2 : i32
      %broadcast_in_dim3A_1400 = vector.broadcast %broadcast_in_dim3A_1399 : i32 to vector<16xi32>
      %broadcast_in_dim3A_1401 = arith.constant 1 : i32
      %broadcast_in_dim3A_1402 = vector.broadcast %broadcast_in_dim3A_1401 : i32 to vector<16xi32>
      %gather3A_1403 = tpu.vector_load_idx %arg10[%broadcast_in_dim3A_1364, %broadcast_in_dim3A_1400, %add3A_1362, %broadcast_in_dim3A_1402] : memref<2x3x784x8xf32, #tpu.memory_space<vmem>>[vector<16xi32>, vector<16xi32>, vector<16xi32>, vector<16xi32>], vector<16xf32>,
      %broadcast_in_dim3A_1404 = arith.constant 2 : i32
      %broadcast_in_dim3A_1405 = vector.broadcast %broadcast_in_dim3A_1404 : i32 to vector<16xi32>
      %broadcast_in_dim3A_1406 = arith.constant 2 : i32
      %broadcast_in_dim3A_1407 = vector.broadcast %broadcast_in_dim3A_1406 : i32 to vector<16xi32>
      %gather3A_1408 = tpu.vector_load_idx %arg10[%broadcast_in_dim3A_1364, %broadcast_in_dim3A_1405, %add3A_1362, %broadcast_in_dim3A_1407] : memref<2x3x784x8xf32, #tpu.memory_space<vmem>>[vector<16xi32>, vector<16xi32>, vector<16xi32>, vector<16xi32>], vector<16xf32>,
      %sub3A = arith.subf %gather3A_1383, %gather3A : vector<16xf32>
      %sub3A_1409 = arith.subf %gather3A_1388, %gather3A_1373 : vector<16xf32>
      %sub3A_1410 = arith.subf %gather3A_1393, %gather3A_1378 : vector<16xf32>
      %sub3A_1411 = arith.subf %gather3A_1398, %gather3A : vector<16xf32>
      %sub3A_1412 = arith.subf %gather3A_1403, %gather3A_1373 : vector<16xf32>
      %sub3A_1413 = arith.subf %gather3A_1408, %gather3A_1378 : vector<16xf32>
      %mul3A_1414 = arith.mulf %sub3A_1409, %sub3A_1413 : vector<16xf32>
      %mul3A_1415 = arith.mulf %sub3A_1410, %sub3A_1412 : vector<16xf32>
      %sub3A_1416 = arith.subf %mul3A_1414, %mul3A_1415 : vector<16xf32>
      %mul3A_1417 = arith.mulf %sub3A_1410, %sub3A_1411 : vector<16xf32>
      %mul3A_1418 = arith.mulf %sub3A, %sub3A_1413 : vector<16xf32>
      %sub3A_1419 = arith.subf %mul3A_1417, %mul3A_1418 : vector<16xf32>
      %mul3A_1420 = arith.mulf %sub3A, %sub3A_1412 : vector<16xf32>
      %mul3A_1421 = arith.mulf %sub3A_1409, %sub3A_1411 : vector<16xf32>
      %sub3A_1422 = arith.subf %mul3A_1420, %mul3A_1421 : vector<16xf32>
      %broadcast_in_dim3A_1423 = arith.constant 0 : i32
      %broadcast_in_dim3A_1424 = vector.broadcast %broadcast_in_dim3A_1423 : i32 to vector<16xi32>
      tpu.vector_store_idx %arg11[%broadcast_in_dim3A_1364, %add3A_1362, %broadcast_in_dim3A_1424], %sub3A_1416 : memref<2x784x8xf32, #tpu.memory_space<vmem>>[vector<16xi32>, vector<16xi32>, vector<16xi32>], vector<16xf32>,
      %broadcast_in_dim3A_1425 = arith.constant 1 : i32
      %broadcast_in_dim3A_1426 = vector.broadcast %broadcast_in_dim3A_1425 : i32 to vector<16xi32>
      tpu.vector_store_idx %arg11[%broadcast_in_dim3A_1364, %add3A_1362, %broadcast_in_dim3A_1426], %sub3A_1419 : memref<2x784x8xf32, #tpu.memory_space<vmem>>[vector<16xi32>, vector<16xi32>, vector<16xi32>], vector<16xf32>,
      %broadcast_in_dim3A_1427 = arith.constant 2 : i32
      %broadcast_in_dim3A_1428 = vector.broadcast %broadcast_in_dim3A_1427 : i32 to vector<16xi32>
      tpu.vector_store_idx %arg11[%broadcast_in_dim3A_1364, %add3A_1362, %broadcast_in_dim3A_1428], %sub3A_1422 : memref<2x784x8xf32, #tpu.memory_space<vmem>>[vector<16xi32>, vector<16xi32>, vector<16xi32>], vector<16xf32>,
    }
    %scan3A_144 = arith.constant 49 : i32
    %dma_start3A_145 = arith.constant 0 : i32
    %dma_start3A_146 = arith.constant 0 : i32
    %dma_start3A_147 = arith.constant 0 : i32
    %dma_start3A_148 = arith.constant 0 : i32
    %dma_start3A_149 = tpu.memref_slice %arg11[%dma_start3A_145, %dma_start3A_147, %dma_start3A_148] : memref<2x784x8xf32, #tpu.memory_space<vmem>> -> memref<1x784x8xf32, #tpu.memory_space<vmem>>
    %dma_start3A_150 = tpu.memref_squeeze %dma_start3A_149 : memref<1x784x8xf32, #tpu.memory_space<vmem>> -> memref<784x8xf32, #tpu.memory_space<vmem>>
    %dma_start3A_151 = arith.constant 0 : i32
    %dma_start3A_152 = tpu.memref_slice %arg7[%dma_start3A_151] : memref<6272xi32, #tpu.memory_space<vmem>> -> memref<784xi32, #tpu.memory_space<vmem>>
    %dma_start3A_153 = arith.constant 0 : i32
    %dma_start3A_154 = arith.constant 0 : i32
    %dma_start3A_155 = tpu.memref_slice %arg6[%dma_start3A_153, %dma_start3A_154] : memref<100096x8xf32, #tpu.memory_space<vmem_shared>> -> memref<100096x8xf32, #tpu.memory_space<vmem_shared>>
    %dma_start3A_156 = tpu.memref_slice %arg13[%dma_start3A_146] : memref<2x!tpu.dma_semaphore, #tpu.memory_space<semaphore_mem>> -> memref<1x!tpu.dma_semaphore, #tpu.memory_space<semaphore_mem>>
    %dma_start3A_157 = tpu.memref_squeeze %dma_start3A_156 : memref<1x!tpu.dma_semaphore, #tpu.memory_space<semaphore_mem>> -> memref<!tpu.dma_semaphore, #tpu.memory_space<semaphore_mem>>
    tpu.enqueue_indirect_dma source(%dma_start3A_150 : memref<784x8xf32, #tpu.memory_space<vmem>>) target(%dma_start3A_155 : memref<100096x8xf32, #tpu.memory_space<vmem_shared>>) offsets(%dma_start3A_152 : memref<784xi32, #tpu.memory_space<vmem>>) semaphore(%dma_start3A_157 : memref<!tpu.dma_semaphore, #tpu.memory_space<semaphore_mem>>) {add = true}
    %dma_start3A_158 = arith.constant 0 : i32
    %dma_start3A_159 = arith.constant 0 : i32
    %dma_start3A_160 = arith.constant 0 : i32
    %dma_start3A_161 = arith.constant 0 : i32
    %dma_start3A_162 = tpu.memref_slice %arg11[%dma_start3A_158, %dma_start3A_160, %dma_start3A_161] : memref<2x784x8xf32, #tpu.memory_space<vmem>> -> memref<1x784x8xf32, #tpu.memory_space<vmem>>
    %dma_start3A_163 = tpu.memref_squeeze %dma_start3A_162 : memref<1x784x8xf32, #tpu.memory_space<vmem>> -> memref<784x8xf32, #tpu.memory_space<vmem>>
    %dma_start3A_164 = arith.constant 0 : i32
    %dma_start3A_165 = tpu.memref_slice %arg8[%dma_start3A_164] : memref<6272xi32, #tpu.memory_space<vmem>> -> memref<784xi32, #tpu.memory_space<vmem>>
    %dma_start3A_166 = arith.constant 0 : i32
    %dma_start3A_167 = arith.constant 0 : i32
    %dma_start3A_168 = tpu.memref_slice %arg6[%dma_start3A_166, %dma_start3A_167] : memref<100096x8xf32, #tpu.memory_space<vmem_shared>> -> memref<100096x8xf32, #tpu.memory_space<vmem_shared>>
    %dma_start3A_169 = tpu.memref_slice %arg13[%dma_start3A_159] : memref<2x!tpu.dma_semaphore, #tpu.memory_space<semaphore_mem>> -> memref<1x!tpu.dma_semaphore, #tpu.memory_space<semaphore_mem>>
    %dma_start3A_170 = tpu.memref_squeeze %dma_start3A_169 : memref<1x!tpu.dma_semaphore, #tpu.memory_space<semaphore_mem>> -> memref<!tpu.dma_semaphore, #tpu.memory_space<semaphore_mem>>
    tpu.enqueue_indirect_dma source(%dma_start3A_163 : memref<784x8xf32, #tpu.memory_space<vmem>>) target(%dma_start3A_168 : memref<100096x8xf32, #tpu.memory_space<vmem_shared>>) offsets(%dma_start3A_165 : memref<784xi32, #tpu.memory_space<vmem>>) semaphore(%dma_start3A_170 : memref<!tpu.dma_semaphore, #tpu.memory_space<semaphore_mem>>) {add = true}
    %dma_start3A_171 = arith.constant 0 : i32
    %dma_start3A_172 = arith.constant 0 : i32
    %dma_start3A_173 = arith.constant 0 : i32
    %dma_start3A_174 = arith.constant 0 : i32
    %dma_start3A_175 = tpu.memref_slice %arg11[%dma_start3A_171, %dma_start3A_173, %dma_start3A_174] : memref<2x784x8xf32, #tpu.memory_space<vmem>> -> memref<1x784x8xf32, #tpu.memory_space<vmem>>
    %dma_start3A_176 = tpu.memref_squeeze %dma_start3A_175 : memref<1x784x8xf32, #tpu.memory_space<vmem>> -> memref<784x8xf32, #tpu.memory_space<vmem>>
    %dma_start3A_177 = arith.constant 0 : i32
    %dma_start3A_178 = tpu.memref_slice %arg9[%dma_start3A_177] : memref<6272xi32, #tpu.memory_space<vmem>> -> memref<784xi32, #tpu.memory_space<vmem>>
    %dma_start3A_179 = arith.constant 0 : i32
    %dma_start3A_180 = arith.constant 0 : i32
    %dma_start3A_181 = tpu.memref_slice %arg6[%dma_start3A_179, %dma_start3A_180] : memref<100096x8xf32, #tpu.memory_space<vmem_shared>> -> memref<100096x8xf32, #tpu.memory_space<vmem_shared>>
    %dma_start3A_182 = tpu.memref_slice %arg13[%dma_start3A_172] : memref<2x!tpu.dma_semaphore, #tpu.memory_space<semaphore_mem>> -> memref<1x!tpu.dma_semaphore, #tpu.memory_space<semaphore_mem>>
    %dma_start3A_183 = tpu.memref_squeeze %dma_start3A_182 : memref<1x!tpu.dma_semaphore, #tpu.memory_space<semaphore_mem>> -> memref<!tpu.dma_semaphore, #tpu.memory_space<semaphore_mem>>
    tpu.enqueue_indirect_dma source(%dma_start3A_176 : memref<784x8xf32, #tpu.memory_space<vmem>>) target(%dma_start3A_181 : memref<100096x8xf32, #tpu.memory_space<vmem_shared>>) offsets(%dma_start3A_178 : memref<784xi32, #tpu.memory_space<vmem>>) semaphore(%dma_start3A_183 : memref<!tpu.dma_semaphore, #tpu.memory_space<semaphore_mem>>) {add = true}
    %dma_wait3A_184 = arith.constant 1 : i32
    %dma_wait3A_185 = arith.constant 0 : i32
    %dma_wait3A_186 = arith.constant 1 : i32
    %dma_wait3A_187 = arith.constant 0 : i32
    %dma_wait3A_188 = arith.constant 0 : i32
    %dma_wait3A_189 = tpu.memref_slice %arg10[%dma_wait3A_184, %dma_wait3A_185, %dma_wait3A_187, %dma_wait3A_188] : memref<2x3x784x8xf32, #tpu.memory_space<vmem>> -> memref<1x1x784x8xf32, #tpu.memory_space<vmem>>
    %dma_wait3A_190 = tpu.memref_squeeze %dma_wait3A_189 : memref<1x1x784x8xf32, #tpu.memory_space<vmem>> -> memref<784x8xf32, #tpu.memory_space<vmem>>
    %dma_wait3A_191 = arith.constant 0 : i32
    %dma_wait3A_192 = tpu.memref_slice %arg7[%dma_wait3A_191] : memref<6272xi32, #tpu.memory_space<vmem>> -> memref<784xi32, #tpu.memory_space<vmem>>
    %dma_wait3A_193 = arith.constant 0 : i32
    %dma_wait3A_194 = arith.constant 0 : i32
    %dma_wait3A_195 = tpu.memref_slice %arg2[%dma_wait3A_193, %dma_wait3A_194] : memref<100096x8xf32, #tpu.memory_space<hbm>> -> memref<100096x8xf32, #tpu.memory_space<hbm>>
    %dma_wait3A_196 = tpu.memref_slice %arg12[%dma_wait3A_186] : memref<2x!tpu.dma_semaphore, #tpu.memory_space<semaphore_mem>> -> memref<1x!tpu.dma_semaphore, #tpu.memory_space<semaphore_mem>>
    %dma_wait3A_197 = tpu.memref_squeeze %dma_wait3A_196 : memref<1x!tpu.dma_semaphore, #tpu.memory_space<semaphore_mem>> -> memref<!tpu.dma_semaphore, #tpu.memory_space<semaphore_mem>>
    tpu.wait_indirect_dma semaphore(%dma_wait3A_197 : memref<!tpu.dma_semaphore, #tpu.memory_space<semaphore_mem>>) src(%dma_wait3A_195 : memref<100096x8xf32, #tpu.memory_space<hbm>>) dst(%dma_wait3A_190 : memref<784x8xf32, #tpu.memory_space<vmem>>)
    %dma_wait3A_198 = arith.constant 1 : i32
    %dma_wait3A_199 = arith.constant 1 : i32
    %dma_wait3A_200 = arith.constant 1 : i32
    %dma_wait3A_201 = arith.constant 0 : i32
    %dma_wait3A_202 = arith.constant 0 : i32
    %dma_wait3A_203 = tpu.memref_slice %arg10[%dma_wait3A_198, %dma_wait3A_199, %dma_wait3A_201, %dma_wait3A_202] : memref<2x3x784x8xf32, #tpu.memory_space<vmem>> -> memref<1x1x784x8xf32, #tpu.memory_space<vmem>>
    %dma_wait3A_204 = tpu.memref_squeeze %dma_wait3A_203 : memref<1x1x784x8xf32, #tpu.memory_space<vmem>> -> memref<784x8xf32, #tpu.memory_space<vmem>>
    %dma_wait3A_205 = arith.constant 0 : i32
    %dma_wait3A_206 = tpu.memref_slice %arg8[%dma_wait3A_205] : memref<6272xi32, #tpu.memory_space<vmem>> -> memref<784xi32, #tpu.memory_space<vmem>>
    %dma_wait3A_207 = arith.constant 0 : i32
    %dma_wait3A_208 = arith.constant 0 : i32
    %dma_wait3A_209 = tpu.memref_slice %arg2[%dma_wait3A_207, %dma_wait3A_208] : memref<100096x8xf32, #tpu.memory_space<hbm>> -> memref<100096x8xf32, #tpu.memory_space<hbm>>
    %dma_wait3A_210 = tpu.memref_slice %arg12[%dma_wait3A_200] : memref<2x!tpu.dma_semaphore, #tpu.memory_space<semaphore_mem>> -> memref<1x!tpu.dma_semaphore, #tpu.memory_space<semaphore_mem>>
    %dma_wait3A_211 = tpu.memref_squeeze %dma_wait3A_210 : memref<1x!tpu.dma_semaphore, #tpu.memory_space<semaphore_mem>> -> memref<!tpu.dma_semaphore, #tpu.memory_space<semaphore_mem>>
    tpu.wait_indirect_dma semaphore(%dma_wait3A_211 : memref<!tpu.dma_semaphore, #tpu.memory_space<semaphore_mem>>) src(%dma_wait3A_209 : memref<100096x8xf32, #tpu.memory_space<hbm>>) dst(%dma_wait3A_204 : memref<784x8xf32, #tpu.memory_space<vmem>>)
    %dma_wait3A_212 = arith.constant 1 : i32
    %dma_wait3A_213 = arith.constant 2 : i32
    %dma_wait3A_214 = arith.constant 1 : i32
    %dma_wait3A_215 = arith.constant 0 : i32
    %dma_wait3A_216 = arith.constant 0 : i32
    %dma_wait3A_217 = tpu.memref_slice %arg10[%dma_wait3A_212, %dma_wait3A_213, %dma_wait3A_215, %dma_wait3A_216] : memref<2x3x784x8xf32, #tpu.memory_space<vmem>> -> memref<1x1x784x8xf32, #tpu.memory_space<vmem>>
    %dma_wait3A_218 = tpu.memref_squeeze %dma_wait3A_217 : memref<1x1x784x8xf32, #tpu.memory_space<vmem>> -> memref<784x8xf32, #tpu.memory_space<vmem>>
    %dma_wait3A_219 = arith.constant 0 : i32
    %dma_wait3A_220 = tpu.memref_slice %arg9[%dma_wait3A_219] : memref<6272xi32, #tpu.memory_space<vmem>> -> memref<784xi32, #tpu.memory_space<vmem>>
    %dma_wait3A_221 = arith.constant 0 : i32
    %dma_wait3A_222 = arith.constant 0 : i32
    %dma_wait3A_223 = tpu.memref_slice %arg2[%dma_wait3A_221, %dma_wait3A_222] : memref<100096x8xf32, #tpu.memory_space<hbm>> -> memref<100096x8xf32, #tpu.memory_space<hbm>>
    %dma_wait3A_224 = tpu.memref_slice %arg12[%dma_wait3A_214] : memref<2x!tpu.dma_semaphore, #tpu.memory_space<semaphore_mem>> -> memref<1x!tpu.dma_semaphore, #tpu.memory_space<semaphore_mem>>
    %dma_wait3A_225 = tpu.memref_squeeze %dma_wait3A_224 : memref<1x!tpu.dma_semaphore, #tpu.memory_space<semaphore_mem>> -> memref<!tpu.dma_semaphore, #tpu.memory_space<semaphore_mem>>
    tpu.wait_indirect_dma semaphore(%dma_wait3A_225 : memref<!tpu.dma_semaphore, #tpu.memory_space<semaphore_mem>>) src(%dma_wait3A_223 : memref<100096x8xf32, #tpu.memory_space<hbm>>) dst(%dma_wait3A_218 : memref<784x8xf32, #tpu.memory_space<vmem>>)
    %dma_start3A_226 = arith.constant 0 : i32
    %dma_start3A_227 = arith.constant 0 : i32
    %dma_start3A_228 = arith.constant 0 : i32
    %dma_start3A_229 = arith.constant 0 : i32
    %dma_start3A_230 = arith.constant 0 : i32
    %dma_start3A_231 = tpu.memref_slice %arg10[%dma_start3A_226, %dma_start3A_227, %dma_start3A_229, %dma_start3A_230] : memref<2x3x784x8xf32, #tpu.memory_space<vmem>> -> memref<1x1x784x8xf32, #tpu.memory_space<vmem>>
    %dma_start3A_232 = tpu.memref_squeeze %dma_start3A_231 : memref<1x1x784x8xf32, #tpu.memory_space<vmem>> -> memref<784x8xf32, #tpu.memory_space<vmem>>
    %dma_start3A_233 = arith.constant 1568 : i32
    %dma_start3A_234 = tpu.memref_slice %arg7[%dma_start3A_233] : memref<6272xi32, #tpu.memory_space<vmem>> -> memref<784xi32, #tpu.memory_space<vmem>>
    %dma_start3A_235 = arith.constant 0 : i32
    %dma_start3A_236 = arith.constant 0 : i32
    %dma_start3A_237 = tpu.memref_slice %arg2[%dma_start3A_235, %dma_start3A_236] : memref<100096x8xf32, #tpu.memory_space<hbm>> -> memref<100096x8xf32, #tpu.memory_space<hbm>>
    %dma_start3A_238 = tpu.memref_slice %arg12[%dma_start3A_228] : memref<2x!tpu.dma_semaphore, #tpu.memory_space<semaphore_mem>> -> memref<1x!tpu.dma_semaphore, #tpu.memory_space<semaphore_mem>>
    %dma_start3A_239 = tpu.memref_squeeze %dma_start3A_238 : memref<1x!tpu.dma_semaphore, #tpu.memory_space<semaphore_mem>> -> memref<!tpu.dma_semaphore, #tpu.memory_space<semaphore_mem>>
    tpu.enqueue_indirect_dma source(%dma_start3A_237 : memref<100096x8xf32, #tpu.memory_space<hbm>>) target(%dma_start3A_232 : memref<784x8xf32, #tpu.memory_space<vmem>>) offsets(%dma_start3A_234 : memref<784xi32, #tpu.memory_space<vmem>>) semaphore(%dma_start3A_239 : memref<!tpu.dma_semaphore, #tpu.memory_space<semaphore_mem>>)
    %dma_start3A_240 = arith.constant 0 : i32
    %dma_start3A_241 = arith.constant 1 : i32
    %dma_start3A_242 = arith.constant 0 : i32
    %dma_start3A_243 = arith.constant 0 : i32
    %dma_start3A_244 = arith.constant 0 : i32
    %dma_start3A_245 = tpu.memref_slice %arg10[%dma_start3A_240, %dma_start3A_241, %dma_start3A_243, %dma_start3A_244] : memref<2x3x784x8xf32, #tpu.memory_space<vmem>> -> memref<1x1x784x8xf32, #tpu.memory_space<vmem>>
    %dma_start3A_246 = tpu.memref_squeeze %dma_start3A_245 : memref<1x1x784x8xf32, #tpu.memory_space<vmem>> -> memref<784x8xf32, #tpu.memory_space<vmem>>
    %dma_start3A_247 = arith.constant 1568 : i32
    %dma_start3A_248 = tpu.memref_slice %arg8[%dma_start3A_247] : memref<6272xi32, #tpu.memory_space<vmem>> -> memref<784xi32, #tpu.memory_space<vmem>>
    %dma_start3A_249 = arith.constant 0 : i32
    %dma_start3A_250 = arith.constant 0 : i32
    %dma_start3A_251 = tpu.memref_slice %arg2[%dma_start3A_249, %dma_start3A_250] : memref<100096x8xf32, #tpu.memory_space<hbm>> -> memref<100096x8xf32, #tpu.memory_space<hbm>>
    %dma_start3A_252 = tpu.memref_slice %arg12[%dma_start3A_242] : memref<2x!tpu.dma_semaphore, #tpu.memory_space<semaphore_mem>> -> memref<1x!tpu.dma_semaphore, #tpu.memory_space<semaphore_mem>>
    %dma_start3A_253 = tpu.memref_squeeze %dma_start3A_252 : memref<1x!tpu.dma_semaphore, #tpu.memory_space<semaphore_mem>> -> memref<!tpu.dma_semaphore, #tpu.memory_space<semaphore_mem>>
    tpu.enqueue_indirect_dma source(%dma_start3A_251 : memref<100096x8xf32, #tpu.memory_space<hbm>>) target(%dma_start3A_246 : memref<784x8xf32, #tpu.memory_space<vmem>>) offsets(%dma_start3A_248 : memref<784xi32, #tpu.memory_space<vmem>>) semaphore(%dma_start3A_253 : memref<!tpu.dma_semaphore, #tpu.memory_space<semaphore_mem>>)
    %dma_start3A_254 = arith.constant 0 : i32
    %dma_start3A_255 = arith.constant 2 : i32
    %dma_start3A_256 = arith.constant 0 : i32
    %dma_start3A_257 = arith.constant 0 : i32
    %dma_start3A_258 = arith.constant 0 : i32
    %dma_start3A_259 = tpu.memref_slice %arg10[%dma_start3A_254, %dma_start3A_255, %dma_start3A_257, %dma_start3A_258] : memref<2x3x784x8xf32, #tpu.memory_space<vmem>> -> memref<1x1x784x8xf32, #tpu.memory_space<vmem>>
    %dma_start3A_260 = tpu.memref_squeeze %dma_start3A_259 : memref<1x1x784x8xf32, #tpu.memory_space<vmem>> -> memref<784x8xf32, #tpu.memory_space<vmem>>
    %dma_start3A_261 = arith.constant 1568 : i32
    %dma_start3A_262 = tpu.memref_slice %arg9[%dma_start3A_261] : memref<6272xi32, #tpu.memory_space<vmem>> -> memref<784xi32, #tpu.memory_space<vmem>>
    %dma_start3A_263 = arith.constant 0 : i32
    %dma_start3A_264 = arith.constant 0 : i32
    %dma_start3A_265 = tpu.memref_slice %arg2[%dma_start3A_263, %dma_start3A_264] : memref<100096x8xf32, #tpu.memory_space<hbm>> -> memref<100096x8xf32, #tpu.memory_space<hbm>>
    %dma_start3A_266 = tpu.memref_slice %arg12[%dma_start3A_256] : memref<2x!tpu.dma_semaphore, #tpu.memory_space<semaphore_mem>> -> memref<1x!tpu.dma_semaphore, #tpu.memory_space<semaphore_mem>>
    %dma_start3A_267 = tpu.memref_squeeze %dma_start3A_266 : memref<1x!tpu.dma_semaphore, #tpu.memory_space<semaphore_mem>> -> memref<!tpu.dma_semaphore, #tpu.memory_space<semaphore_mem>>
    tpu.enqueue_indirect_dma source(%dma_start3A_265 : memref<100096x8xf32, #tpu.memory_space<hbm>>) target(%dma_start3A_260 : memref<784x8xf32, #tpu.memory_space<vmem>>) offsets(%dma_start3A_262 : memref<784xi32, #tpu.memory_space<vmem>>) semaphore(%dma_start3A_267 : memref<!tpu.dma_semaphore, #tpu.memory_space<semaphore_mem>>)
    %scan3A_268 = arith.constant 0 : i32
    %scan3A_269 = arith.constant 49 : i32
    %scan3A_270 = arith.addi %scan3A_268, %scan3A_269 : i32
    %scan3A_271 = arith.constant 1 : i32
    scf.for %scan3A_1354 = %scan3A_268 to %scan3A_270 step %scan3A_271  : i32 {
      %mul3A_1355 = arith.constant 1 : i32
      %mul3A_1356 = arith.muli %scan3A_1354, %mul3A_1355 : i32
      %add3A_1357 = arith.constant 0 : i32
      %add3A_1358 = arith.addi %add3A_1357, %mul3A_1356 : i32
      %mul3A_1359 = arith.constant 16 : i32
      %mul3A_1360 = arith.muli %add3A_1358, %mul3A_1359 : i32
      %add3A_1361 = vector.broadcast %mul3A_1360 : i32 to vector<16xi32>
      %add3A_1362 = arith.addi %add3A_1361, %iota3A : vector<16xi32>
      %broadcast_in_dim3A_1363 = arith.constant 1 : i32
      %broadcast_in_dim3A_1364 = vector.broadcast %broadcast_in_dim3A_1363 : i32 to vector<16xi32>
      %broadcast_in_dim3A_1365 = arith.constant 0 : i32
      %broadcast_in_dim3A_1366 = vector.broadcast %broadcast_in_dim3A_1365 : i32 to vector<16xi32>
      %broadcast_in_dim3A_1367 = arith.constant 0 : i32
      %broadcast_in_dim3A_1368 = vector.broadcast %broadcast_in_dim3A_1367 : i32 to vector<16xi32>
      %gather3A = tpu.vector_load_idx %arg10[%broadcast_in_dim3A_1364, %broadcast_in_dim3A_1366, %add3A_1362, %broadcast_in_dim3A_1368] : memref<2x3x784x8xf32, #tpu.memory_space<vmem>>[vector<16xi32>, vector<16xi32>, vector<16xi32>, vector<16xi32>], vector<16xf32>,
      %broadcast_in_dim3A_1369 = arith.constant 0 : i32
      %broadcast_in_dim3A_1370 = vector.broadcast %broadcast_in_dim3A_1369 : i32 to vector<16xi32>
      %broadcast_in_dim3A_1371 = arith.constant 1 : i32
      %broadcast_in_dim3A_1372 = vector.broadcast %broadcast_in_dim3A_1371 : i32 to vector<16xi32>
      %gather3A_1373 = tpu.vector_load_idx %arg10[%broadcast_in_dim3A_1364, %broadcast_in_dim3A_1370, %add3A_1362, %broadcast_in_dim3A_1372] : memref<2x3x784x8xf32, #tpu.memory_space<vmem>>[vector<16xi32>, vector<16xi32>, vector<16xi32>, vector<16xi32>], vector<16xf32>,
      %broadcast_in_dim3A_1374 = arith.constant 0 : i32
      %broadcast_in_dim3A_1375 = vector.broadcast %broadcast_in_dim3A_1374 : i32 to vector<16xi32>
      %broadcast_in_dim3A_1376 = arith.constant 2 : i32
      %broadcast_in_dim3A_1377 = vector.broadcast %broadcast_in_dim3A_1376 : i32 to vector<16xi32>
      %gather3A_1378 = tpu.vector_load_idx %arg10[%broadcast_in_dim3A_1364, %broadcast_in_dim3A_1375, %add3A_1362, %broadcast_in_dim3A_1377] : memref<2x3x784x8xf32, #tpu.memory_space<vmem>>[vector<16xi32>, vector<16xi32>, vector<16xi32>, vector<16xi32>], vector<16xf32>,
      %broadcast_in_dim3A_1379 = arith.constant 1 : i32
      %broadcast_in_dim3A_1380 = vector.broadcast %broadcast_in_dim3A_1379 : i32 to vector<16xi32>
      %broadcast_in_dim3A_1381 = arith.constant 0 : i32
      %broadcast_in_dim3A_1382 = vector.broadcast %broadcast_in_dim3A_1381 : i32 to vector<16xi32>
      %gather3A_1383 = tpu.vector_load_idx %arg10[%broadcast_in_dim3A_1364, %broadcast_in_dim3A_1380, %add3A_1362, %broadcast_in_dim3A_1382] : memref<2x3x784x8xf32, #tpu.memory_space<vmem>>[vector<16xi32>, vector<16xi32>, vector<16xi32>, vector<16xi32>], vector<16xf32>,
      %broadcast_in_dim3A_1384 = arith.constant 1 : i32
      %broadcast_in_dim3A_1385 = vector.broadcast %broadcast_in_dim3A_1384 : i32 to vector<16xi32>
      %broadcast_in_dim3A_1386 = arith.constant 1 : i32
      %broadcast_in_dim3A_1387 = vector.broadcast %broadcast_in_dim3A_1386 : i32 to vector<16xi32>
      %gather3A_1388 = tpu.vector_load_idx %arg10[%broadcast_in_dim3A_1364, %broadcast_in_dim3A_1385, %add3A_1362, %broadcast_in_dim3A_1387] : memref<2x3x784x8xf32, #tpu.memory_space<vmem>>[vector<16xi32>, vector<16xi32>, vector<16xi32>, vector<16xi32>], vector<16xf32>,
      %broadcast_in_dim3A_1389 = arith.constant 1 : i32
      %broadcast_in_dim3A_1390 = vector.broadcast %broadcast_in_dim3A_1389 : i32 to vector<16xi32>
      %broadcast_in_dim3A_1391 = arith.constant 2 : i32
      %broadcast_in_dim3A_1392 = vector.broadcast %broadcast_in_dim3A_1391 : i32 to vector<16xi32>
      %gather3A_1393 = tpu.vector_load_idx %arg10[%broadcast_in_dim3A_1364, %broadcast_in_dim3A_1390, %add3A_1362, %broadcast_in_dim3A_1392] : memref<2x3x784x8xf32, #tpu.memory_space<vmem>>[vector<16xi32>, vector<16xi32>, vector<16xi32>, vector<16xi32>], vector<16xf32>,
      %broadcast_in_dim3A_1394 = arith.constant 2 : i32
      %broadcast_in_dim3A_1395 = vector.broadcast %broadcast_in_dim3A_1394 : i32 to vector<16xi32>
      %broadcast_in_dim3A_1396 = arith.constant 0 : i32
      %broadcast_in_dim3A_1397 = vector.broadcast %broadcast_in_dim3A_1396 : i32 to vector<16xi32>
      %gather3A_1398 = tpu.vector_load_idx %arg10[%broadcast_in_dim3A_1364, %broadcast_in_dim3A_1395, %add3A_1362, %broadcast_in_dim3A_1397] : memref<2x3x784x8xf32, #tpu.memory_space<vmem>>[vector<16xi32>, vector<16xi32>, vector<16xi32>, vector<16xi32>], vector<16xf32>,
      %broadcast_in_dim3A_1399 = arith.constant 2 : i32
      %broadcast_in_dim3A_1400 = vector.broadcast %broadcast_in_dim3A_1399 : i32 to vector<16xi32>
      %broadcast_in_dim3A_1401 = arith.constant 1 : i32
      %broadcast_in_dim3A_1402 = vector.broadcast %broadcast_in_dim3A_1401 : i32 to vector<16xi32>
      %gather3A_1403 = tpu.vector_load_idx %arg10[%broadcast_in_dim3A_1364, %broadcast_in_dim3A_1400, %add3A_1362, %broadcast_in_dim3A_1402] : memref<2x3x784x8xf32, #tpu.memory_space<vmem>>[vector<16xi32>, vector<16xi32>, vector<16xi32>, vector<16xi32>], vector<16xf32>,
      %broadcast_in_dim3A_1404 = arith.constant 2 : i32
      %broadcast_in_dim3A_1405 = vector.broadcast %broadcast_in_dim3A_1404 : i32 to vector<16xi32>
      %broadcast_in_dim3A_1406 = arith.constant 2 : i32
      %broadcast_in_dim3A_1407 = vector.broadcast %broadcast_in_dim3A_1406 : i32 to vector<16xi32>
      %gather3A_1408 = tpu.vector_load_idx %arg10[%broadcast_in_dim3A_1364, %broadcast_in_dim3A_1405, %add3A_1362, %broadcast_in_dim3A_1407] : memref<2x3x784x8xf32, #tpu.memory_space<vmem>>[vector<16xi32>, vector<16xi32>, vector<16xi32>, vector<16xi32>], vector<16xf32>,
      %sub3A = arith.subf %gather3A_1383, %gather3A : vector<16xf32>
      %sub3A_1409 = arith.subf %gather3A_1388, %gather3A_1373 : vector<16xf32>
      %sub3A_1410 = arith.subf %gather3A_1393, %gather3A_1378 : vector<16xf32>
      %sub3A_1411 = arith.subf %gather3A_1398, %gather3A : vector<16xf32>
      %sub3A_1412 = arith.subf %gather3A_1403, %gather3A_1373 : vector<16xf32>
      %sub3A_1413 = arith.subf %gather3A_1408, %gather3A_1378 : vector<16xf32>
      %mul3A_1414 = arith.mulf %sub3A_1409, %sub3A_1413 : vector<16xf32>
      %mul3A_1415 = arith.mulf %sub3A_1410, %sub3A_1412 : vector<16xf32>
      %sub3A_1416 = arith.subf %mul3A_1414, %mul3A_1415 : vector<16xf32>
      %mul3A_1417 = arith.mulf %sub3A_1410, %sub3A_1411 : vector<16xf32>
      %mul3A_1418 = arith.mulf %sub3A, %sub3A_1413 : vector<16xf32>
      %sub3A_1419 = arith.subf %mul3A_1417, %mul3A_1418 : vector<16xf32>
      %mul3A_1420 = arith.mulf %sub3A, %sub3A_1412 : vector<16xf32>
      %mul3A_1421 = arith.mulf %sub3A_1409, %sub3A_1411 : vector<16xf32>
      %sub3A_1422 = arith.subf %mul3A_1420, %mul3A_1421 : vector<16xf32>
      %broadcast_in_dim3A_1423 = arith.constant 0 : i32
      %broadcast_in_dim3A_1424 = vector.broadcast %broadcast_in_dim3A_1423 : i32 to vector<16xi32>
      tpu.vector_store_idx %arg11[%broadcast_in_dim3A_1364, %add3A_1362, %broadcast_in_dim3A_1424], %sub3A_1416 : memref<2x784x8xf32, #tpu.memory_space<vmem>>[vector<16xi32>, vector<16xi32>, vector<16xi32>], vector<16xf32>,
      %broadcast_in_dim3A_1425 = arith.constant 1 : i32
      %broadcast_in_dim3A_1426 = vector.broadcast %broadcast_in_dim3A_1425 : i32 to vector<16xi32>
      tpu.vector_store_idx %arg11[%broadcast_in_dim3A_1364, %add3A_1362, %broadcast_in_dim3A_1426], %sub3A_1419 : memref<2x784x8xf32, #tpu.memory_space<vmem>>[vector<16xi32>, vector<16xi32>, vector<16xi32>], vector<16xf32>,
      %broadcast_in_dim3A_1427 = arith.constant 2 : i32
      %broadcast_in_dim3A_1428 = vector.broadcast %broadcast_in_dim3A_1427 : i32 to vector<16xi32>
      tpu.vector_store_idx %arg11[%broadcast_in_dim3A_1364, %add3A_1362, %broadcast_in_dim3A_1428], %sub3A_1422 : memref<2x784x8xf32, #tpu.memory_space<vmem>>[vector<16xi32>, vector<16xi32>, vector<16xi32>], vector<16xf32>,
    }
    %scan3A_272 = arith.constant 49 : i32
    %dma_start3A_273 = arith.constant 1 : i32
    %dma_start3A_274 = arith.constant 1 : i32
    %dma_start3A_275 = arith.constant 0 : i32
    %dma_start3A_276 = arith.constant 0 : i32
    %dma_start3A_277 = tpu.memref_slice %arg11[%dma_start3A_273, %dma_start3A_275, %dma_start3A_276] : memref<2x784x8xf32, #tpu.memory_space<vmem>> -> memref<1x784x8xf32, #tpu.memory_space<vmem>>
    %dma_start3A_278 = tpu.memref_squeeze %dma_start3A_277 : memref<1x784x8xf32, #tpu.memory_space<vmem>> -> memref<784x8xf32, #tpu.memory_space<vmem>>
    %dma_start3A_279 = arith.constant 784 : i32
    %dma_start3A_280 = tpu.memref_slice %arg7[%dma_start3A_279] : memref<6272xi32, #tpu.memory_space<vmem>> -> memref<784xi32, #tpu.memory_space<vmem>>
    %dma_start3A_281 = arith.constant 0 : i32
    %dma_start3A_282 = arith.constant 0 : i32
    %dma_start3A_283 = tpu.memref_slice %arg6[%dma_start3A_281, %dma_start3A_282] : memref<100096x8xf32, #tpu.memory_space<vmem_shared>> -> memref<100096x8xf32, #tpu.memory_space<vmem_shared>>
    %dma_start3A_284 = tpu.memref_slice %arg13[%dma_start3A_274] : memref<2x!tpu.dma_semaphore, #tpu.memory_space<semaphore_mem>> -> memref<1x!tpu.dma_semaphore, #tpu.memory_space<semaphore_mem>>
    %dma_start3A_285 = tpu.memref_squeeze %dma_start3A_284 : memref<1x!tpu.dma_semaphore, #tpu.memory_space<semaphore_mem>> -> memref<!tpu.dma_semaphore, #tpu.memory_space<semaphore_mem>>
    tpu.enqueue_indirect_dma source(%dma_start3A_278 : memref<784x8xf32, #tpu.memory_space<vmem>>) target(%dma_start3A_283 : memref<100096x8xf32, #tpu.memory_space<vmem_shared>>) offsets(%dma_start3A_280 : memref<784xi32, #tpu.memory_space<vmem>>) semaphore(%dma_start3A_285 : memref<!tpu.dma_semaphore, #tpu.memory_space<semaphore_mem>>) {add = true}
    %dma_start3A_286 = arith.constant 1 : i32
    %dma_start3A_287 = arith.constant 1 : i32
    %dma_start3A_288 = arith.constant 0 : i32
    %dma_start3A_289 = arith.constant 0 : i32
    %dma_start3A_290 = tpu.memref_slice %arg11[%dma_start3A_286, %dma_start3A_288, %dma_start3A_289] : memref<2x784x8xf32, #tpu.memory_space<vmem>> -> memref<1x784x8xf32, #tpu.memory_space<vmem>>
    %dma_start3A_291 = tpu.memref_squeeze %dma_start3A_290 : memref<1x784x8xf32, #tpu.memory_space<vmem>> -> memref<784x8xf32, #tpu.memory_space<vmem>>
    %dma_start3A_292 = arith.constant 784 : i32
    %dma_start3A_293 = tpu.memref_slice %arg8[%dma_start3A_292] : memref<6272xi32, #tpu.memory_space<vmem>> -> memref<784xi32, #tpu.memory_space<vmem>>
    %dma_start3A_294 = arith.constant 0 : i32
    %dma_start3A_295 = arith.constant 0 : i32
    %dma_start3A_296 = tpu.memref_slice %arg6[%dma_start3A_294, %dma_start3A_295] : memref<100096x8xf32, #tpu.memory_space<vmem_shared>> -> memref<100096x8xf32, #tpu.memory_space<vmem_shared>>
    %dma_start3A_297 = tpu.memref_slice %arg13[%dma_start3A_287] : memref<2x!tpu.dma_semaphore, #tpu.memory_space<semaphore_mem>> -> memref<1x!tpu.dma_semaphore, #tpu.memory_space<semaphore_mem>>
    %dma_start3A_298 = tpu.memref_squeeze %dma_start3A_297 : memref<1x!tpu.dma_semaphore, #tpu.memory_space<semaphore_mem>> -> memref<!tpu.dma_semaphore, #tpu.memory_space<semaphore_mem>>
    tpu.enqueue_indirect_dma source(%dma_start3A_291 : memref<784x8xf32, #tpu.memory_space<vmem>>) target(%dma_start3A_296 : memref<100096x8xf32, #tpu.memory_space<vmem_shared>>) offsets(%dma_start3A_293 : memref<784xi32, #tpu.memory_space<vmem>>) semaphore(%dma_start3A_298 : memref<!tpu.dma_semaphore, #tpu.memory_space<semaphore_mem>>) {add = true}
    %dma_start3A_299 = arith.constant 1 : i32
    %dma_start3A_300 = arith.constant 1 : i32
    %dma_start3A_301 = arith.constant 0 : i32
    %dma_start3A_302 = arith.constant 0 : i32
    %dma_start3A_303 = tpu.memref_slice %arg11[%dma_start3A_299, %dma_start3A_301, %dma_start3A_302] : memref<2x784x8xf32, #tpu.memory_space<vmem>> -> memref<1x784x8xf32, #tpu.memory_space<vmem>>
    %dma_start3A_304 = tpu.memref_squeeze %dma_start3A_303 : memref<1x784x8xf32, #tpu.memory_space<vmem>> -> memref<784x8xf32, #tpu.memory_space<vmem>>
    %dma_start3A_305 = arith.constant 784 : i32
    %dma_start3A_306 = tpu.memref_slice %arg9[%dma_start3A_305] : memref<6272xi32, #tpu.memory_space<vmem>> -> memref<784xi32, #tpu.memory_space<vmem>>
    %dma_start3A_307 = arith.constant 0 : i32
    %dma_start3A_308 = arith.constant 0 : i32
    %dma_start3A_309 = tpu.memref_slice %arg6[%dma_start3A_307, %dma_start3A_308] : memref<100096x8xf32, #tpu.memory_space<vmem_shared>> -> memref<100096x8xf32, #tpu.memory_space<vmem_shared>>
    %dma_start3A_310 = tpu.memref_slice %arg13[%dma_start3A_300] : memref<2x!tpu.dma_semaphore, #tpu.memory_space<semaphore_mem>> -> memref<1x!tpu.dma_semaphore, #tpu.memory_space<semaphore_mem>>
    %dma_start3A_311 = tpu.memref_squeeze %dma_start3A_310 : memref<1x!tpu.dma_semaphore, #tpu.memory_space<semaphore_mem>> -> memref<!tpu.dma_semaphore, #tpu.memory_space<semaphore_mem>>
    tpu.enqueue_indirect_dma source(%dma_start3A_304 : memref<784x8xf32, #tpu.memory_space<vmem>>) target(%dma_start3A_309 : memref<100096x8xf32, #tpu.memory_space<vmem_shared>>) offsets(%dma_start3A_306 : memref<784xi32, #tpu.memory_space<vmem>>) semaphore(%dma_start3A_311 : memref<!tpu.dma_semaphore, #tpu.memory_space<semaphore_mem>>) {add = true}
    %dma_wait3A_312 = arith.constant 0 : i32
    %dma_wait3A_313 = arith.constant 0 : i32
    %dma_wait3A_314 = arith.constant 0 : i32
    %dma_wait3A_315 = arith.constant 0 : i32
    %dma_wait3A_316 = arith.constant 0 : i32
    %dma_wait3A_317 = tpu.memref_slice %arg10[%dma_wait3A_312, %dma_wait3A_313, %dma_wait3A_315, %dma_wait3A_316] : memref<2x3x784x8xf32, #tpu.memory_space<vmem>> -> memref<1x1x784x8xf32, #tpu.memory_space<vmem>>
    %dma_wait3A_318 = tpu.memref_squeeze %dma_wait3A_317 : memref<1x1x784x8xf32, #tpu.memory_space<vmem>> -> memref<784x8xf32, #tpu.memory_space<vmem>>
    %dma_wait3A_319 = arith.constant 0 : i32
    %dma_wait3A_320 = tpu.memref_slice %arg7[%dma_wait3A_319] : memref<6272xi32, #tpu.memory_space<vmem>> -> memref<784xi32, #tpu.memory_space<vmem>>
    %dma_wait3A_321 = arith.constant 0 : i32
    %dma_wait3A_322 = arith.constant 0 : i32
    %dma_wait3A_323 = tpu.memref_slice %arg2[%dma_wait3A_321, %dma_wait3A_322] : memref<100096x8xf32, #tpu.memory_space<hbm>> -> memref<100096x8xf32, #tpu.memory_space<hbm>>
    %dma_wait3A_324 = tpu.memref_slice %arg12[%dma_wait3A_314] : memref<2x!tpu.dma_semaphore, #tpu.memory_space<semaphore_mem>> -> memref<1x!tpu.dma_semaphore, #tpu.memory_space<semaphore_mem>>
    %dma_wait3A_325 = tpu.memref_squeeze %dma_wait3A_324 : memref<1x!tpu.dma_semaphore, #tpu.memory_space<semaphore_mem>> -> memref<!tpu.dma_semaphore, #tpu.memory_space<semaphore_mem>>
    tpu.wait_indirect_dma semaphore(%dma_wait3A_325 : memref<!tpu.dma_semaphore, #tpu.memory_space<semaphore_mem>>) src(%dma_wait3A_323 : memref<100096x8xf32, #tpu.memory_space<hbm>>) dst(%dma_wait3A_318 : memref<784x8xf32, #tpu.memory_space<vmem>>)
    %dma_wait3A_326 = arith.constant 0 : i32
    %dma_wait3A_327 = arith.constant 1 : i32
    %dma_wait3A_328 = arith.constant 0 : i32
    %dma_wait3A_329 = arith.constant 0 : i32
    %dma_wait3A_330 = arith.constant 0 : i32
    %dma_wait3A_331 = tpu.memref_slice %arg10[%dma_wait3A_326, %dma_wait3A_327, %dma_wait3A_329, %dma_wait3A_330] : memref<2x3x784x8xf32, #tpu.memory_space<vmem>> -> memref<1x1x784x8xf32, #tpu.memory_space<vmem>>
    %dma_wait3A_332 = tpu.memref_squeeze %dma_wait3A_331 : memref<1x1x784x8xf32, #tpu.memory_space<vmem>> -> memref<784x8xf32, #tpu.memory_space<vmem>>
    %dma_wait3A_333 = arith.constant 0 : i32
    %dma_wait3A_334 = tpu.memref_slice %arg8[%dma_wait3A_333] : memref<6272xi32, #tpu.memory_space<vmem>> -> memref<784xi32, #tpu.memory_space<vmem>>
    %dma_wait3A_335 = arith.constant 0 : i32
    %dma_wait3A_336 = arith.constant 0 : i32
    %dma_wait3A_337 = tpu.memref_slice %arg2[%dma_wait3A_335, %dma_wait3A_336] : memref<100096x8xf32, #tpu.memory_space<hbm>> -> memref<100096x8xf32, #tpu.memory_space<hbm>>
    %dma_wait3A_338 = tpu.memref_slice %arg12[%dma_wait3A_328] : memref<2x!tpu.dma_semaphore, #tpu.memory_space<semaphore_mem>> -> memref<1x!tpu.dma_semaphore, #tpu.memory_space<semaphore_mem>>
    %dma_wait3A_339 = tpu.memref_squeeze %dma_wait3A_338 : memref<1x!tpu.dma_semaphore, #tpu.memory_space<semaphore_mem>> -> memref<!tpu.dma_semaphore, #tpu.memory_space<semaphore_mem>>
    tpu.wait_indirect_dma semaphore(%dma_wait3A_339 : memref<!tpu.dma_semaphore, #tpu.memory_space<semaphore_mem>>) src(%dma_wait3A_337 : memref<100096x8xf32, #tpu.memory_space<hbm>>) dst(%dma_wait3A_332 : memref<784x8xf32, #tpu.memory_space<vmem>>)
    %dma_wait3A_340 = arith.constant 0 : i32
    %dma_wait3A_341 = arith.constant 2 : i32
    %dma_wait3A_342 = arith.constant 0 : i32
    %dma_wait3A_343 = arith.constant 0 : i32
    %dma_wait3A_344 = arith.constant 0 : i32
    %dma_wait3A_345 = tpu.memref_slice %arg10[%dma_wait3A_340, %dma_wait3A_341, %dma_wait3A_343, %dma_wait3A_344] : memref<2x3x784x8xf32, #tpu.memory_space<vmem>> -> memref<1x1x784x8xf32, #tpu.memory_space<vmem>>
    %dma_wait3A_346 = tpu.memref_squeeze %dma_wait3A_345 : memref<1x1x784x8xf32, #tpu.memory_space<vmem>> -> memref<784x8xf32, #tpu.memory_space<vmem>>
    %dma_wait3A_347 = arith.constant 0 : i32
    %dma_wait3A_348 = tpu.memref_slice %arg9[%dma_wait3A_347] : memref<6272xi32, #tpu.memory_space<vmem>> -> memref<784xi32, #tpu.memory_space<vmem>>
    %dma_wait3A_349 = arith.constant 0 : i32
    %dma_wait3A_350 = arith.constant 0 : i32
    %dma_wait3A_351 = tpu.memref_slice %arg2[%dma_wait3A_349, %dma_wait3A_350] : memref<100096x8xf32, #tpu.memory_space<hbm>> -> memref<100096x8xf32, #tpu.memory_space<hbm>>
    %dma_wait3A_352 = tpu.memref_slice %arg12[%dma_wait3A_342] : memref<2x!tpu.dma_semaphore, #tpu.memory_space<semaphore_mem>> -> memref<1x!tpu.dma_semaphore, #tpu.memory_space<semaphore_mem>>
    %dma_wait3A_353 = tpu.memref_squeeze %dma_wait3A_352 : memref<1x!tpu.dma_semaphore, #tpu.memory_space<semaphore_mem>> -> memref<!tpu.dma_semaphore, #tpu.memory_space<semaphore_mem>>
    tpu.wait_indirect_dma semaphore(%dma_wait3A_353 : memref<!tpu.dma_semaphore, #tpu.memory_space<semaphore_mem>>) src(%dma_wait3A_351 : memref<100096x8xf32, #tpu.memory_space<hbm>>) dst(%dma_wait3A_346 : memref<784x8xf32, #tpu.memory_space<vmem>>)
    %dma_start3A_354 = arith.constant 1 : i32
    %dma_start3A_355 = arith.constant 0 : i32
    %dma_start3A_356 = arith.constant 1 : i32
    %dma_start3A_357 = arith.constant 0 : i32
    %dma_start3A_358 = arith.constant 0 : i32
    %dma_start3A_359 = tpu.memref_slice %arg10[%dma_start3A_354, %dma_start3A_355, %dma_start3A_357, %dma_start3A_358] : memref<2x3x784x8xf32, #tpu.memory_space<vmem>> -> memref<1x1x784x8xf32, #tpu.memory_space<vmem>>
    %dma_start3A_360 = tpu.memref_squeeze %dma_start3A_359 : memref<1x1x784x8xf32, #tpu.memory_space<vmem>> -> memref<784x8xf32, #tpu.memory_space<vmem>>
    %dma_start3A_361 = arith.constant 2352 : i32
    %dma_start3A_362 = tpu.memref_slice %arg7[%dma_start3A_361] : memref<6272xi32, #tpu.memory_space<vmem>> -> memref<784xi32, #tpu.memory_space<vmem>>
    %dma_start3A_363 = arith.constant 0 : i32
    %dma_start3A_364 = arith.constant 0 : i32
    %dma_start3A_365 = tpu.memref_slice %arg2[%dma_start3A_363, %dma_start3A_364] : memref<100096x8xf32, #tpu.memory_space<hbm>> -> memref<100096x8xf32, #tpu.memory_space<hbm>>
    %dma_start3A_366 = tpu.memref_slice %arg12[%dma_start3A_356] : memref<2x!tpu.dma_semaphore, #tpu.memory_space<semaphore_mem>> -> memref<1x!tpu.dma_semaphore, #tpu.memory_space<semaphore_mem>>
    %dma_start3A_367 = tpu.memref_squeeze %dma_start3A_366 : memref<1x!tpu.dma_semaphore, #tpu.memory_space<semaphore_mem>> -> memref<!tpu.dma_semaphore, #tpu.memory_space<semaphore_mem>>
    tpu.enqueue_indirect_dma source(%dma_start3A_365 : memref<100096x8xf32, #tpu.memory_space<hbm>>) target(%dma_start3A_360 : memref<784x8xf32, #tpu.memory_space<vmem>>) offsets(%dma_start3A_362 : memref<784xi32, #tpu.memory_space<vmem>>) semaphore(%dma_start3A_367 : memref<!tpu.dma_semaphore, #tpu.memory_space<semaphore_mem>>)
    %dma_start3A_368 = arith.constant 1 : i32
    %dma_start3A_369 = arith.constant 1 : i32
    %dma_start3A_370 = arith.constant 1 : i32
    %dma_start3A_371 = arith.constant 0 : i32
    %dma_start3A_372 = arith.constant 0 : i32
    %dma_start3A_373 = tpu.memref_slice %arg10[%dma_start3A_368, %dma_start3A_369, %dma_start3A_371, %dma_start3A_372] : memref<2x3x784x8xf32, #tpu.memory_space<vmem>> -> memref<1x1x784x8xf32, #tpu.memory_space<vmem>>
    %dma_start3A_374 = tpu.memref_squeeze %dma_start3A_373 : memref<1x1x784x8xf32, #tpu.memory_space<vmem>> -> memref<784x8xf32, #tpu.memory_space<vmem>>
    %dma_start3A_375 = arith.constant 2352 : i32
    %dma_start3A_376 = tpu.memref_slice %arg8[%dma_start3A_375] : memref<6272xi32, #tpu.memory_space<vmem>> -> memref<784xi32, #tpu.memory_space<vmem>>
    %dma_start3A_377 = arith.constant 0 : i32
    %dma_start3A_378 = arith.constant 0 : i32
    %dma_start3A_379 = tpu.memref_slice %arg2[%dma_start3A_377, %dma_start3A_378] : memref<100096x8xf32, #tpu.memory_space<hbm>> -> memref<100096x8xf32, #tpu.memory_space<hbm>>
    %dma_start3A_380 = tpu.memref_slice %arg12[%dma_start3A_370] : memref<2x!tpu.dma_semaphore, #tpu.memory_space<semaphore_mem>> -> memref<1x!tpu.dma_semaphore, #tpu.memory_space<semaphore_mem>>
    %dma_start3A_381 = tpu.memref_squeeze %dma_start3A_380 : memref<1x!tpu.dma_semaphore, #tpu.memory_space<semaphore_mem>> -> memref<!tpu.dma_semaphore, #tpu.memory_space<semaphore_mem>>
    tpu.enqueue_indirect_dma source(%dma_start3A_379 : memref<100096x8xf32, #tpu.memory_space<hbm>>) target(%dma_start3A_374 : memref<784x8xf32, #tpu.memory_space<vmem>>) offsets(%dma_start3A_376 : memref<784xi32, #tpu.memory_space<vmem>>) semaphore(%dma_start3A_381 : memref<!tpu.dma_semaphore, #tpu.memory_space<semaphore_mem>>)
    %dma_start3A_382 = arith.constant 1 : i32
    %dma_start3A_383 = arith.constant 2 : i32
    %dma_start3A_384 = arith.constant 1 : i32
    %dma_start3A_385 = arith.constant 0 : i32
    %dma_start3A_386 = arith.constant 0 : i32
    %dma_start3A_387 = tpu.memref_slice %arg10[%dma_start3A_382, %dma_start3A_383, %dma_start3A_385, %dma_start3A_386] : memref<2x3x784x8xf32, #tpu.memory_space<vmem>> -> memref<1x1x784x8xf32, #tpu.memory_space<vmem>>
    %dma_start3A_388 = tpu.memref_squeeze %dma_start3A_387 : memref<1x1x784x8xf32, #tpu.memory_space<vmem>> -> memref<784x8xf32, #tpu.memory_space<vmem>>
    %dma_start3A_389 = arith.constant 2352 : i32
    %dma_start3A_390 = tpu.memref_slice %arg9[%dma_start3A_389] : memref<6272xi32, #tpu.memory_space<vmem>> -> memref<784xi32, #tpu.memory_space<vmem>>
    %dma_start3A_391 = arith.constant 0 : i32
    %dma_start3A_392 = arith.constant 0 : i32
    %dma_start3A_393 = tpu.memref_slice %arg2[%dma_start3A_391, %dma_start3A_392] : memref<100096x8xf32, #tpu.memory_space<hbm>> -> memref<100096x8xf32, #tpu.memory_space<hbm>>
    %dma_start3A_394 = tpu.memref_slice %arg12[%dma_start3A_384] : memref<2x!tpu.dma_semaphore, #tpu.memory_space<semaphore_mem>> -> memref<1x!tpu.dma_semaphore, #tpu.memory_space<semaphore_mem>>
    %dma_start3A_395 = tpu.memref_squeeze %dma_start3A_394 : memref<1x!tpu.dma_semaphore, #tpu.memory_space<semaphore_mem>> -> memref<!tpu.dma_semaphore, #tpu.memory_space<semaphore_mem>>
    tpu.enqueue_indirect_dma source(%dma_start3A_393 : memref<100096x8xf32, #tpu.memory_space<hbm>>) target(%dma_start3A_388 : memref<784x8xf32, #tpu.memory_space<vmem>>) offsets(%dma_start3A_390 : memref<784xi32, #tpu.memory_space<vmem>>) semaphore(%dma_start3A_395 : memref<!tpu.dma_semaphore, #tpu.memory_space<semaphore_mem>>)
    %dma_wait3A_396 = arith.constant 0 : i32
    %dma_wait3A_397 = arith.constant 0 : i32
    %dma_wait3A_398 = arith.constant 0 : i32
    %dma_wait3A_399 = arith.constant 0 : i32
    %dma_wait3A_400 = tpu.memref_slice %arg11[%dma_wait3A_396, %dma_wait3A_398, %dma_wait3A_399] : memref<2x784x8xf32, #tpu.memory_space<vmem>> -> memref<1x784x8xf32, #tpu.memory_space<vmem>>
    %dma_wait3A_401 = tpu.memref_squeeze %dma_wait3A_400 : memref<1x784x8xf32, #tpu.memory_space<vmem>> -> memref<784x8xf32, #tpu.memory_space<vmem>>
    %dma_wait3A_402 = arith.constant 0 : i32
    %dma_wait3A_403 = tpu.memref_slice %arg7[%dma_wait3A_402] : memref<6272xi32, #tpu.memory_space<vmem>> -> memref<784xi32, #tpu.memory_space<vmem>>
    %dma_wait3A_404 = arith.constant 0 : i32
    %dma_wait3A_405 = arith.constant 0 : i32
    %dma_wait3A_406 = tpu.memref_slice %arg6[%dma_wait3A_404, %dma_wait3A_405] : memref<100096x8xf32, #tpu.memory_space<vmem_shared>> -> memref<100096x8xf32, #tpu.memory_space<vmem_shared>>
    %dma_wait3A_407 = tpu.memref_slice %arg13[%dma_wait3A_397] : memref<2x!tpu.dma_semaphore, #tpu.memory_space<semaphore_mem>> -> memref<1x!tpu.dma_semaphore, #tpu.memory_space<semaphore_mem>>
    %dma_wait3A_408 = tpu.memref_squeeze %dma_wait3A_407 : memref<1x!tpu.dma_semaphore, #tpu.memory_space<semaphore_mem>> -> memref<!tpu.dma_semaphore, #tpu.memory_space<semaphore_mem>>
    tpu.wait_indirect_dma semaphore(%dma_wait3A_408 : memref<!tpu.dma_semaphore, #tpu.memory_space<semaphore_mem>>) src(%dma_wait3A_401 : memref<784x8xf32, #tpu.memory_space<vmem>>) dst(%dma_wait3A_406 : memref<100096x8xf32, #tpu.memory_space<vmem_shared>>)
    %dma_wait3A_409 = arith.constant 0 : i32
    %dma_wait3A_410 = arith.constant 0 : i32
    %dma_wait3A_411 = arith.constant 0 : i32
    %dma_wait3A_412 = arith.constant 0 : i32
    %dma_wait3A_413 = tpu.memref_slice %arg11[%dma_wait3A_409, %dma_wait3A_411, %dma_wait3A_412] : memref<2x784x8xf32, #tpu.memory_space<vmem>> -> memref<1x784x8xf32, #tpu.memory_space<vmem>>
    %dma_wait3A_414 = tpu.memref_squeeze %dma_wait3A_413 : memref<1x784x8xf32, #tpu.memory_space<vmem>> -> memref<784x8xf32, #tpu.memory_space<vmem>>
    %dma_wait3A_415 = arith.constant 0 : i32
    %dma_wait3A_416 = tpu.memref_slice %arg8[%dma_wait3A_415] : memref<6272xi32, #tpu.memory_space<vmem>> -> memref<784xi32, #tpu.memory_space<vmem>>
    %dma_wait3A_417 = arith.constant 0 : i32
    %dma_wait3A_418 = arith.constant 0 : i32
    %dma_wait3A_419 = tpu.memref_slice %arg6[%dma_wait3A_417, %dma_wait3A_418] : memref<100096x8xf32, #tpu.memory_space<vmem_shared>> -> memref<100096x8xf32, #tpu.memory_space<vmem_shared>>
    %dma_wait3A_420 = tpu.memref_slice %arg13[%dma_wait3A_410] : memref<2x!tpu.dma_semaphore, #tpu.memory_space<semaphore_mem>> -> memref<1x!tpu.dma_semaphore, #tpu.memory_space<semaphore_mem>>
    %dma_wait3A_421 = tpu.memref_squeeze %dma_wait3A_420 : memref<1x!tpu.dma_semaphore, #tpu.memory_space<semaphore_mem>> -> memref<!tpu.dma_semaphore, #tpu.memory_space<semaphore_mem>>
    tpu.wait_indirect_dma semaphore(%dma_wait3A_421 : memref<!tpu.dma_semaphore, #tpu.memory_space<semaphore_mem>>) src(%dma_wait3A_414 : memref<784x8xf32, #tpu.memory_space<vmem>>) dst(%dma_wait3A_419 : memref<100096x8xf32, #tpu.memory_space<vmem_shared>>)
    %dma_wait3A_422 = arith.constant 0 : i32
    %dma_wait3A_423 = arith.constant 0 : i32
    %dma_wait3A_424 = arith.constant 0 : i32
    %dma_wait3A_425 = arith.constant 0 : i32
    %dma_wait3A_426 = tpu.memref_slice %arg11[%dma_wait3A_422, %dma_wait3A_424, %dma_wait3A_425] : memref<2x784x8xf32, #tpu.memory_space<vmem>> -> memref<1x784x8xf32, #tpu.memory_space<vmem>>
    %dma_wait3A_427 = tpu.memref_squeeze %dma_wait3A_426 : memref<1x784x8xf32, #tpu.memory_space<vmem>> -> memref<784x8xf32, #tpu.memory_space<vmem>>
    %dma_wait3A_428 = arith.constant 0 : i32
    %dma_wait3A_429 = tpu.memref_slice %arg9[%dma_wait3A_428] : memref<6272xi32, #tpu.memory_space<vmem>> -> memref<784xi32, #tpu.memory_space<vmem>>
    %dma_wait3A_430 = arith.constant 0 : i32
    %dma_wait3A_431 = arith.constant 0 : i32
    %dma_wait3A_432 = tpu.memref_slice %arg6[%dma_wait3A_430, %dma_wait3A_431] : memref<100096x8xf32, #tpu.memory_space<vmem_shared>> -> memref<100096x8xf32, #tpu.memory_space<vmem_shared>>
    %dma_wait3A_433 = tpu.memref_slice %arg13[%dma_wait3A_423] : memref<2x!tpu.dma_semaphore, #tpu.memory_space<semaphore_mem>> -> memref<1x!tpu.dma_semaphore, #tpu.memory_space<semaphore_mem>>
    %dma_wait3A_434 = tpu.memref_squeeze %dma_wait3A_433 : memref<1x!tpu.dma_semaphore, #tpu.memory_space<semaphore_mem>> -> memref<!tpu.dma_semaphore, #tpu.memory_space<semaphore_mem>>
    tpu.wait_indirect_dma semaphore(%dma_wait3A_434 : memref<!tpu.dma_semaphore, #tpu.memory_space<semaphore_mem>>) src(%dma_wait3A_427 : memref<784x8xf32, #tpu.memory_space<vmem>>) dst(%dma_wait3A_432 : memref<100096x8xf32, #tpu.memory_space<vmem_shared>>)
    %scan3A_435 = arith.constant 0 : i32
    %scan3A_436 = arith.constant 49 : i32
    %scan3A_437 = arith.addi %scan3A_435, %scan3A_436 : i32
    %scan3A_438 = arith.constant 1 : i32
    scf.for %scan3A_1354 = %scan3A_435 to %scan3A_437 step %scan3A_438  : i32 {
      %mul3A_1355 = arith.constant 1 : i32
      %mul3A_1356 = arith.muli %scan3A_1354, %mul3A_1355 : i32
      %add3A_1357 = arith.constant 0 : i32
      %add3A_1358 = arith.addi %add3A_1357, %mul3A_1356 : i32
      %mul3A_1359 = arith.constant 16 : i32
      %mul3A_1360 = arith.muli %add3A_1358, %mul3A_1359 : i32
      %add3A_1361 = vector.broadcast %mul3A_1360 : i32 to vector<16xi32>
      %add3A_1362 = arith.addi %add3A_1361, %iota3A : vector<16xi32>
      %broadcast_in_dim3A_1363 = arith.constant 0 : i32
      %broadcast_in_dim3A_1364 = vector.broadcast %broadcast_in_dim3A_1363 : i32 to vector<16xi32>
      %broadcast_in_dim3A_1365 = arith.constant 0 : i32
      %broadcast_in_dim3A_1366 = vector.broadcast %broadcast_in_dim3A_1365 : i32 to vector<16xi32>
      %broadcast_in_dim3A_1367 = arith.constant 0 : i32
      %broadcast_in_dim3A_1368 = vector.broadcast %broadcast_in_dim3A_1367 : i32 to vector<16xi32>
      %gather3A = tpu.vector_load_idx %arg10[%broadcast_in_dim3A_1364, %broadcast_in_dim3A_1366, %add3A_1362, %broadcast_in_dim3A_1368] : memref<2x3x784x8xf32, #tpu.memory_space<vmem>>[vector<16xi32>, vector<16xi32>, vector<16xi32>, vector<16xi32>], vector<16xf32>,
      %broadcast_in_dim3A_1369 = arith.constant 0 : i32
      %broadcast_in_dim3A_1370 = vector.broadcast %broadcast_in_dim3A_1369 : i32 to vector<16xi32>
      %broadcast_in_dim3A_1371 = arith.constant 1 : i32
      %broadcast_in_dim3A_1372 = vector.broadcast %broadcast_in_dim3A_1371 : i32 to vector<16xi32>
      %gather3A_1373 = tpu.vector_load_idx %arg10[%broadcast_in_dim3A_1364, %broadcast_in_dim3A_1370, %add3A_1362, %broadcast_in_dim3A_1372] : memref<2x3x784x8xf32, #tpu.memory_space<vmem>>[vector<16xi32>, vector<16xi32>, vector<16xi32>, vector<16xi32>], vector<16xf32>,
      %broadcast_in_dim3A_1374 = arith.constant 0 : i32
      %broadcast_in_dim3A_1375 = vector.broadcast %broadcast_in_dim3A_1374 : i32 to vector<16xi32>
      %broadcast_in_dim3A_1376 = arith.constant 2 : i32
      %broadcast_in_dim3A_1377 = vector.broadcast %broadcast_in_dim3A_1376 : i32 to vector<16xi32>
      %gather3A_1378 = tpu.vector_load_idx %arg10[%broadcast_in_dim3A_1364, %broadcast_in_dim3A_1375, %add3A_1362, %broadcast_in_dim3A_1377] : memref<2x3x784x8xf32, #tpu.memory_space<vmem>>[vector<16xi32>, vector<16xi32>, vector<16xi32>, vector<16xi32>], vector<16xf32>,
      %broadcast_in_dim3A_1379 = arith.constant 1 : i32
      %broadcast_in_dim3A_1380 = vector.broadcast %broadcast_in_dim3A_1379 : i32 to vector<16xi32>
      %broadcast_in_dim3A_1381 = arith.constant 0 : i32
      %broadcast_in_dim3A_1382 = vector.broadcast %broadcast_in_dim3A_1381 : i32 to vector<16xi32>
      %gather3A_1383 = tpu.vector_load_idx %arg10[%broadcast_in_dim3A_1364, %broadcast_in_dim3A_1380, %add3A_1362, %broadcast_in_dim3A_1382] : memref<2x3x784x8xf32, #tpu.memory_space<vmem>>[vector<16xi32>, vector<16xi32>, vector<16xi32>, vector<16xi32>], vector<16xf32>,
      %broadcast_in_dim3A_1384 = arith.constant 1 : i32
      %broadcast_in_dim3A_1385 = vector.broadcast %broadcast_in_dim3A_1384 : i32 to vector<16xi32>
      %broadcast_in_dim3A_1386 = arith.constant 1 : i32
      %broadcast_in_dim3A_1387 = vector.broadcast %broadcast_in_dim3A_1386 : i32 to vector<16xi32>
      %gather3A_1388 = tpu.vector_load_idx %arg10[%broadcast_in_dim3A_1364, %broadcast_in_dim3A_1385, %add3A_1362, %broadcast_in_dim3A_1387] : memref<2x3x784x8xf32, #tpu.memory_space<vmem>>[vector<16xi32>, vector<16xi32>, vector<16xi32>, vector<16xi32>], vector<16xf32>,
      %broadcast_in_dim3A_1389 = arith.constant 1 : i32
      %broadcast_in_dim3A_1390 = vector.broadcast %broadcast_in_dim3A_1389 : i32 to vector<16xi32>
      %broadcast_in_dim3A_1391 = arith.constant 2 : i32
      %broadcast_in_dim3A_1392 = vector.broadcast %broadcast_in_dim3A_1391 : i32 to vector<16xi32>
      %gather3A_1393 = tpu.vector_load_idx %arg10[%broadcast_in_dim3A_1364, %broadcast_in_dim3A_1390, %add3A_1362, %broadcast_in_dim3A_1392] : memref<2x3x784x8xf32, #tpu.memory_space<vmem>>[vector<16xi32>, vector<16xi32>, vector<16xi32>, vector<16xi32>], vector<16xf32>,
      %broadcast_in_dim3A_1394 = arith.constant 2 : i32
      %broadcast_in_dim3A_1395 = vector.broadcast %broadcast_in_dim3A_1394 : i32 to vector<16xi32>
      %broadcast_in_dim3A_1396 = arith.constant 0 : i32
      %broadcast_in_dim3A_1397 = vector.broadcast %broadcast_in_dim3A_1396 : i32 to vector<16xi32>
      %gather3A_1398 = tpu.vector_load_idx %arg10[%broadcast_in_dim3A_1364, %broadcast_in_dim3A_1395, %add3A_1362, %broadcast_in_dim3A_1397] : memref<2x3x784x8xf32, #tpu.memory_space<vmem>>[vector<16xi32>, vector<16xi32>, vector<16xi32>, vector<16xi32>], vector<16xf32>,
      %broadcast_in_dim3A_1399 = arith.constant 2 : i32
      %broadcast_in_dim3A_1400 = vector.broadcast %broadcast_in_dim3A_1399 : i32 to vector<16xi32>
      %broadcast_in_dim3A_1401 = arith.constant 1 : i32
      %broadcast_in_dim3A_1402 = vector.broadcast %broadcast_in_dim3A_1401 : i32 to vector<16xi32>
      %gather3A_1403 = tpu.vector_load_idx %arg10[%broadcast_in_dim3A_1364, %broadcast_in_dim3A_1400, %add3A_1362, %broadcast_in_dim3A_1402] : memref<2x3x784x8xf32, #tpu.memory_space<vmem>>[vector<16xi32>, vector<16xi32>, vector<16xi32>, vector<16xi32>], vector<16xf32>,
      %broadcast_in_dim3A_1404 = arith.constant 2 : i32
      %broadcast_in_dim3A_1405 = vector.broadcast %broadcast_in_dim3A_1404 : i32 to vector<16xi32>
      %broadcast_in_dim3A_1406 = arith.constant 2 : i32
      %broadcast_in_dim3A_1407 = vector.broadcast %broadcast_in_dim3A_1406 : i32 to vector<16xi32>
      %gather3A_1408 = tpu.vector_load_idx %arg10[%broadcast_in_dim3A_1364, %broadcast_in_dim3A_1405, %add3A_1362, %broadcast_in_dim3A_1407] : memref<2x3x784x8xf32, #tpu.memory_space<vmem>>[vector<16xi32>, vector<16xi32>, vector<16xi32>, vector<16xi32>], vector<16xf32>,
      %sub3A = arith.subf %gather3A_1383, %gather3A : vector<16xf32>
      %sub3A_1409 = arith.subf %gather3A_1388, %gather3A_1373 : vector<16xf32>
      %sub3A_1410 = arith.subf %gather3A_1393, %gather3A_1378 : vector<16xf32>
      %sub3A_1411 = arith.subf %gather3A_1398, %gather3A : vector<16xf32>
      %sub3A_1412 = arith.subf %gather3A_1403, %gather3A_1373 : vector<16xf32>
      %sub3A_1413 = arith.subf %gather3A_1408, %gather3A_1378 : vector<16xf32>
      %mul3A_1414 = arith.mulf %sub3A_1409, %sub3A_1413 : vector<16xf32>
      %mul3A_1415 = arith.mulf %sub3A_1410, %sub3A_1412 : vector<16xf32>
      %sub3A_1416 = arith.subf %mul3A_1414, %mul3A_1415 : vector<16xf32>
      %mul3A_1417 = arith.mulf %sub3A_1410, %sub3A_1411 : vector<16xf32>
      %mul3A_1418 = arith.mulf %sub3A, %sub3A_1413 : vector<16xf32>
      %sub3A_1419 = arith.subf %mul3A_1417, %mul3A_1418 : vector<16xf32>
      %mul3A_1420 = arith.mulf %sub3A, %sub3A_1412 : vector<16xf32>
      %mul3A_1421 = arith.mulf %sub3A_1409, %sub3A_1411 : vector<16xf32>
      %sub3A_1422 = arith.subf %mul3A_1420, %mul3A_1421 : vector<16xf32>
      %broadcast_in_dim3A_1423 = arith.constant 0 : i32
      %broadcast_in_dim3A_1424 = vector.broadcast %broadcast_in_dim3A_1423 : i32 to vector<16xi32>
      tpu.vector_store_idx %arg11[%broadcast_in_dim3A_1364, %add3A_1362, %broadcast_in_dim3A_1424], %sub3A_1416 : memref<2x784x8xf32, #tpu.memory_space<vmem>>[vector<16xi32>, vector<16xi32>, vector<16xi32>], vector<16xf32>,
      %broadcast_in_dim3A_1425 = arith.constant 1 : i32
      %broadcast_in_dim3A_1426 = vector.broadcast %broadcast_in_dim3A_1425 : i32 to vector<16xi32>
      tpu.vector_store_idx %arg11[%broadcast_in_dim3A_1364, %add3A_1362, %broadcast_in_dim3A_1426], %sub3A_1419 : memref<2x784x8xf32, #tpu.memory_space<vmem>>[vector<16xi32>, vector<16xi32>, vector<16xi32>], vector<16xf32>,
      %broadcast_in_dim3A_1427 = arith.constant 2 : i32
      %broadcast_in_dim3A_1428 = vector.broadcast %broadcast_in_dim3A_1427 : i32 to vector<16xi32>
      tpu.vector_store_idx %arg11[%broadcast_in_dim3A_1364, %add3A_1362, %broadcast_in_dim3A_1428], %sub3A_1422 : memref<2x784x8xf32, #tpu.memory_space<vmem>>[vector<16xi32>, vector<16xi32>, vector<16xi32>], vector<16xf32>,
    }
    %scan3A_439 = arith.constant 49 : i32
    %dma_start3A_440 = arith.constant 0 : i32
    %dma_start3A_441 = arith.constant 0 : i32
    %dma_start3A_442 = arith.constant 0 : i32
    %dma_start3A_443 = arith.constant 0 : i32
    %dma_start3A_444 = tpu.memref_slice %arg11[%dma_start3A_440, %dma_start3A_442, %dma_start3A_443] : memref<2x784x8xf32, #tpu.memory_space<vmem>> -> memref<1x784x8xf32, #tpu.memory_space<vmem>>
    %dma_start3A_445 = tpu.memref_squeeze %dma_start3A_444 : memref<1x784x8xf32, #tpu.memory_space<vmem>> -> memref<784x8xf32, #tpu.memory_space<vmem>>
    %dma_start3A_446 = arith.constant 1568 : i32
    %dma_start3A_447 = tpu.memref_slice %arg7[%dma_start3A_446] : memref<6272xi32, #tpu.memory_space<vmem>> -> memref<784xi32, #tpu.memory_space<vmem>>
    %dma_start3A_448 = arith.constant 0 : i32
    %dma_start3A_449 = arith.constant 0 : i32
    %dma_start3A_450 = tpu.memref_slice %arg6[%dma_start3A_448, %dma_start3A_449] : memref<100096x8xf32, #tpu.memory_space<vmem_shared>> -> memref<100096x8xf32, #tpu.memory_space<vmem_shared>>
    %dma_start3A_451 = tpu.memref_slice %arg13[%dma_start3A_441] : memref<2x!tpu.dma_semaphore, #tpu.memory_space<semaphore_mem>> -> memref<1x!tpu.dma_semaphore, #tpu.memory_space<semaphore_mem>>
    %dma_start3A_452 = tpu.memref_squeeze %dma_start3A_451 : memref<1x!tpu.dma_semaphore, #tpu.memory_space<semaphore_mem>> -> memref<!tpu.dma_semaphore, #tpu.memory_space<semaphore_mem>>
    tpu.enqueue_indirect_dma source(%dma_start3A_445 : memref<784x8xf32, #tpu.memory_space<vmem>>) target(%dma_start3A_450 : memref<100096x8xf32, #tpu.memory_space<vmem_shared>>) offsets(%dma_start3A_447 : memref<784xi32, #tpu.memory_space<vmem>>) semaphore(%dma_start3A_452 : memref<!tpu.dma_semaphore, #tpu.memory_space<semaphore_mem>>) {add = true}
    %dma_start3A_453 = arith.constant 0 : i32
    %dma_start3A_454 = arith.constant 0 : i32
    %dma_start3A_455 = arith.constant 0 : i32
    %dma_start3A_456 = arith.constant 0 : i32
    %dma_start3A_457 = tpu.memref_slice %arg11[%dma_start3A_453, %dma_start3A_455, %dma_start3A_456] : memref<2x784x8xf32, #tpu.memory_space<vmem>> -> memref<1x784x8xf32, #tpu.memory_space<vmem>>
    %dma_start3A_458 = tpu.memref_squeeze %dma_start3A_457 : memref<1x784x8xf32, #tpu.memory_space<vmem>> -> memref<784x8xf32, #tpu.memory_space<vmem>>
    %dma_start3A_459 = arith.constant 1568 : i32
    %dma_start3A_460 = tpu.memref_slice %arg8[%dma_start3A_459] : memref<6272xi32, #tpu.memory_space<vmem>> -> memref<784xi32, #tpu.memory_space<vmem>>
    %dma_start3A_461 = arith.constant 0 : i32
    %dma_start3A_462 = arith.constant 0 : i32
    %dma_start3A_463 = tpu.memref_slice %arg6[%dma_start3A_461, %dma_start3A_462] : memref<100096x8xf32, #tpu.memory_space<vmem_shared>> -> memref<100096x8xf32, #tpu.memory_space<vmem_shared>>
    %dma_start3A_464 = tpu.memref_slice %arg13[%dma_start3A_454] : memref<2x!tpu.dma_semaphore, #tpu.memory_space<semaphore_mem>> -> memref<1x!tpu.dma_semaphore, #tpu.memory_space<semaphore_mem>>
    %dma_start3A_465 = tpu.memref_squeeze %dma_start3A_464 : memref<1x!tpu.dma_semaphore, #tpu.memory_space<semaphore_mem>> -> memref<!tpu.dma_semaphore, #tpu.memory_space<semaphore_mem>>
    tpu.enqueue_indirect_dma source(%dma_start3A_458 : memref<784x8xf32, #tpu.memory_space<vmem>>) target(%dma_start3A_463 : memref<100096x8xf32, #tpu.memory_space<vmem_shared>>) offsets(%dma_start3A_460 : memref<784xi32, #tpu.memory_space<vmem>>) semaphore(%dma_start3A_465 : memref<!tpu.dma_semaphore, #tpu.memory_space<semaphore_mem>>) {add = true}
    %dma_start3A_466 = arith.constant 0 : i32
    %dma_start3A_467 = arith.constant 0 : i32
    %dma_start3A_468 = arith.constant 0 : i32
    %dma_start3A_469 = arith.constant 0 : i32
    %dma_start3A_470 = tpu.memref_slice %arg11[%dma_start3A_466, %dma_start3A_468, %dma_start3A_469] : memref<2x784x8xf32, #tpu.memory_space<vmem>> -> memref<1x784x8xf32, #tpu.memory_space<vmem>>
    %dma_start3A_471 = tpu.memref_squeeze %dma_start3A_470 : memref<1x784x8xf32, #tpu.memory_space<vmem>> -> memref<784x8xf32, #tpu.memory_space<vmem>>
    %dma_start3A_472 = arith.constant 1568 : i32
    %dma_start3A_473 = tpu.memref_slice %arg9[%dma_start3A_472] : memref<6272xi32, #tpu.memory_space<vmem>> -> memref<784xi32, #tpu.memory_space<vmem>>
    %dma_start3A_474 = arith.constant 0 : i32
    %dma_start3A_475 = arith.constant 0 : i32
    %dma_start3A_476 = tpu.memref_slice %arg6[%dma_start3A_474, %dma_start3A_475] : memref<100096x8xf32, #tpu.memory_space<vmem_shared>> -> memref<100096x8xf32, #tpu.memory_space<vmem_shared>>
    %dma_start3A_477 = tpu.memref_slice %arg13[%dma_start3A_467] : memref<2x!tpu.dma_semaphore, #tpu.memory_space<semaphore_mem>> -> memref<1x!tpu.dma_semaphore, #tpu.memory_space<semaphore_mem>>
    %dma_start3A_478 = tpu.memref_squeeze %dma_start3A_477 : memref<1x!tpu.dma_semaphore, #tpu.memory_space<semaphore_mem>> -> memref<!tpu.dma_semaphore, #tpu.memory_space<semaphore_mem>>
    tpu.enqueue_indirect_dma source(%dma_start3A_471 : memref<784x8xf32, #tpu.memory_space<vmem>>) target(%dma_start3A_476 : memref<100096x8xf32, #tpu.memory_space<vmem_shared>>) offsets(%dma_start3A_473 : memref<784xi32, #tpu.memory_space<vmem>>) semaphore(%dma_start3A_478 : memref<!tpu.dma_semaphore, #tpu.memory_space<semaphore_mem>>) {add = true}
    %dma_wait3A_479 = arith.constant 1 : i32
    %dma_wait3A_480 = arith.constant 0 : i32
    %dma_wait3A_481 = arith.constant 1 : i32
    %dma_wait3A_482 = arith.constant 0 : i32
    %dma_wait3A_483 = arith.constant 0 : i32
    %dma_wait3A_484 = tpu.memref_slice %arg10[%dma_wait3A_479, %dma_wait3A_480, %dma_wait3A_482, %dma_wait3A_483] : memref<2x3x784x8xf32, #tpu.memory_space<vmem>> -> memref<1x1x784x8xf32, #tpu.memory_space<vmem>>
    %dma_wait3A_485 = tpu.memref_squeeze %dma_wait3A_484 : memref<1x1x784x8xf32, #tpu.memory_space<vmem>> -> memref<784x8xf32, #tpu.memory_space<vmem>>
    %dma_wait3A_486 = arith.constant 0 : i32
    %dma_wait3A_487 = tpu.memref_slice %arg7[%dma_wait3A_486] : memref<6272xi32, #tpu.memory_space<vmem>> -> memref<784xi32, #tpu.memory_space<vmem>>
    %dma_wait3A_488 = arith.constant 0 : i32
    %dma_wait3A_489 = arith.constant 0 : i32
    %dma_wait3A_490 = tpu.memref_slice %arg2[%dma_wait3A_488, %dma_wait3A_489] : memref<100096x8xf32, #tpu.memory_space<hbm>> -> memref<100096x8xf32, #tpu.memory_space<hbm>>
    %dma_wait3A_491 = tpu.memref_slice %arg12[%dma_wait3A_481] : memref<2x!tpu.dma_semaphore, #tpu.memory_space<semaphore_mem>> -> memref<1x!tpu.dma_semaphore, #tpu.memory_space<semaphore_mem>>
    %dma_wait3A_492 = tpu.memref_squeeze %dma_wait3A_491 : memref<1x!tpu.dma_semaphore, #tpu.memory_space<semaphore_mem>> -> memref<!tpu.dma_semaphore, #tpu.memory_space<semaphore_mem>>
    tpu.wait_indirect_dma semaphore(%dma_wait3A_492 : memref<!tpu.dma_semaphore, #tpu.memory_space<semaphore_mem>>) src(%dma_wait3A_490 : memref<100096x8xf32, #tpu.memory_space<hbm>>) dst(%dma_wait3A_485 : memref<784x8xf32, #tpu.memory_space<vmem>>)
    %dma_wait3A_493 = arith.constant 1 : i32
    %dma_wait3A_494 = arith.constant 1 : i32
    %dma_wait3A_495 = arith.constant 1 : i32
    %dma_wait3A_496 = arith.constant 0 : i32
    %dma_wait3A_497 = arith.constant 0 : i32
    %dma_wait3A_498 = tpu.memref_slice %arg10[%dma_wait3A_493, %dma_wait3A_494, %dma_wait3A_496, %dma_wait3A_497] : memref<2x3x784x8xf32, #tpu.memory_space<vmem>> -> memref<1x1x784x8xf32, #tpu.memory_space<vmem>>
    %dma_wait3A_499 = tpu.memref_squeeze %dma_wait3A_498 : memref<1x1x784x8xf32, #tpu.memory_space<vmem>> -> memref<784x8xf32, #tpu.memory_space<vmem>>
    %dma_wait3A_500 = arith.constant 0 : i32
    %dma_wait3A_501 = tpu.memref_slice %arg8[%dma_wait3A_500] : memref<6272xi32, #tpu.memory_space<vmem>> -> memref<784xi32, #tpu.memory_space<vmem>>
    %dma_wait3A_502 = arith.constant 0 : i32
    %dma_wait3A_503 = arith.constant 0 : i32
    %dma_wait3A_504 = tpu.memref_slice %arg2[%dma_wait3A_502, %dma_wait3A_503] : memref<100096x8xf32, #tpu.memory_space<hbm>> -> memref<100096x8xf32, #tpu.memory_space<hbm>>
    %dma_wait3A_505 = tpu.memref_slice %arg12[%dma_wait3A_495] : memref<2x!tpu.dma_semaphore, #tpu.memory_space<semaphore_mem>> -> memref<1x!tpu.dma_semaphore, #tpu.memory_space<semaphore_mem>>
    %dma_wait3A_506 = tpu.memref_squeeze %dma_wait3A_505 : memref<1x!tpu.dma_semaphore, #tpu.memory_space<semaphore_mem>> -> memref<!tpu.dma_semaphore, #tpu.memory_space<semaphore_mem>>
    tpu.wait_indirect_dma semaphore(%dma_wait3A_506 : memref<!tpu.dma_semaphore, #tpu.memory_space<semaphore_mem>>) src(%dma_wait3A_504 : memref<100096x8xf32, #tpu.memory_space<hbm>>) dst(%dma_wait3A_499 : memref<784x8xf32, #tpu.memory_space<vmem>>)
    %dma_wait3A_507 = arith.constant 1 : i32
    %dma_wait3A_508 = arith.constant 2 : i32
    %dma_wait3A_509 = arith.constant 1 : i32
    %dma_wait3A_510 = arith.constant 0 : i32
    %dma_wait3A_511 = arith.constant 0 : i32
    %dma_wait3A_512 = tpu.memref_slice %arg10[%dma_wait3A_507, %dma_wait3A_508, %dma_wait3A_510, %dma_wait3A_511] : memref<2x3x784x8xf32, #tpu.memory_space<vmem>> -> memref<1x1x784x8xf32, #tpu.memory_space<vmem>>
    %dma_wait3A_513 = tpu.memref_squeeze %dma_wait3A_512 : memref<1x1x784x8xf32, #tpu.memory_space<vmem>> -> memref<784x8xf32, #tpu.memory_space<vmem>>
    %dma_wait3A_514 = arith.constant 0 : i32
    %dma_wait3A_515 = tpu.memref_slice %arg9[%dma_wait3A_514] : memref<6272xi32, #tpu.memory_space<vmem>> -> memref<784xi32, #tpu.memory_space<vmem>>
    %dma_wait3A_516 = arith.constant 0 : i32
    %dma_wait3A_517 = arith.constant 0 : i32
    %dma_wait3A_518 = tpu.memref_slice %arg2[%dma_wait3A_516, %dma_wait3A_517] : memref<100096x8xf32, #tpu.memory_space<hbm>> -> memref<100096x8xf32, #tpu.memory_space<hbm>>
    %dma_wait3A_519 = tpu.memref_slice %arg12[%dma_wait3A_509] : memref<2x!tpu.dma_semaphore, #tpu.memory_space<semaphore_mem>> -> memref<1x!tpu.dma_semaphore, #tpu.memory_space<semaphore_mem>>
    %dma_wait3A_520 = tpu.memref_squeeze %dma_wait3A_519 : memref<1x!tpu.dma_semaphore, #tpu.memory_space<semaphore_mem>> -> memref<!tpu.dma_semaphore, #tpu.memory_space<semaphore_mem>>
    tpu.wait_indirect_dma semaphore(%dma_wait3A_520 : memref<!tpu.dma_semaphore, #tpu.memory_space<semaphore_mem>>) src(%dma_wait3A_518 : memref<100096x8xf32, #tpu.memory_space<hbm>>) dst(%dma_wait3A_513 : memref<784x8xf32, #tpu.memory_space<vmem>>)
    %dma_start3A_521 = arith.constant 0 : i32
    %dma_start3A_522 = arith.constant 0 : i32
    %dma_start3A_523 = arith.constant 0 : i32
    %dma_start3A_524 = arith.constant 0 : i32
    %dma_start3A_525 = arith.constant 0 : i32
    %dma_start3A_526 = tpu.memref_slice %arg10[%dma_start3A_521, %dma_start3A_522, %dma_start3A_524, %dma_start3A_525] : memref<2x3x784x8xf32, #tpu.memory_space<vmem>> -> memref<1x1x784x8xf32, #tpu.memory_space<vmem>>
    %dma_start3A_527 = tpu.memref_squeeze %dma_start3A_526 : memref<1x1x784x8xf32, #tpu.memory_space<vmem>> -> memref<784x8xf32, #tpu.memory_space<vmem>>
    %dma_start3A_528 = arith.constant 3136 : i32
    %dma_start3A_529 = tpu.memref_slice %arg7[%dma_start3A_528] : memref<6272xi32, #tpu.memory_space<vmem>> -> memref<784xi32, #tpu.memory_space<vmem>>
    %dma_start3A_530 = arith.constant 0 : i32
    %dma_start3A_531 = arith.constant 0 : i32
    %dma_start3A_532 = tpu.memref_slice %arg2[%dma_start3A_530, %dma_start3A_531] : memref<100096x8xf32, #tpu.memory_space<hbm>> -> memref<100096x8xf32, #tpu.memory_space<hbm>>
    %dma_start3A_533 = tpu.memref_slice %arg12[%dma_start3A_523] : memref<2x!tpu.dma_semaphore, #tpu.memory_space<semaphore_mem>> -> memref<1x!tpu.dma_semaphore, #tpu.memory_space<semaphore_mem>>
    %dma_start3A_534 = tpu.memref_squeeze %dma_start3A_533 : memref<1x!tpu.dma_semaphore, #tpu.memory_space<semaphore_mem>> -> memref<!tpu.dma_semaphore, #tpu.memory_space<semaphore_mem>>
    tpu.enqueue_indirect_dma source(%dma_start3A_532 : memref<100096x8xf32, #tpu.memory_space<hbm>>) target(%dma_start3A_527 : memref<784x8xf32, #tpu.memory_space<vmem>>) offsets(%dma_start3A_529 : memref<784xi32, #tpu.memory_space<vmem>>) semaphore(%dma_start3A_534 : memref<!tpu.dma_semaphore, #tpu.memory_space<semaphore_mem>>)
    %dma_start3A_535 = arith.constant 0 : i32
    %dma_start3A_536 = arith.constant 1 : i32
    %dma_start3A_537 = arith.constant 0 : i32
    %dma_start3A_538 = arith.constant 0 : i32
    %dma_start3A_539 = arith.constant 0 : i32
    %dma_start3A_540 = tpu.memref_slice %arg10[%dma_start3A_535, %dma_start3A_536, %dma_start3A_538, %dma_start3A_539] : memref<2x3x784x8xf32, #tpu.memory_space<vmem>> -> memref<1x1x784x8xf32, #tpu.memory_space<vmem>>
    %dma_start3A_541 = tpu.memref_squeeze %dma_start3A_540 : memref<1x1x784x8xf32, #tpu.memory_space<vmem>> -> memref<784x8xf32, #tpu.memory_space<vmem>>
    %dma_start3A_542 = arith.constant 3136 : i32
    %dma_start3A_543 = tpu.memref_slice %arg8[%dma_start3A_542] : memref<6272xi32, #tpu.memory_space<vmem>> -> memref<784xi32, #tpu.memory_space<vmem>>
    %dma_start3A_544 = arith.constant 0 : i32
    %dma_start3A_545 = arith.constant 0 : i32
    %dma_start3A_546 = tpu.memref_slice %arg2[%dma_start3A_544, %dma_start3A_545] : memref<100096x8xf32, #tpu.memory_space<hbm>> -> memref<100096x8xf32, #tpu.memory_space<hbm>>
    %dma_start3A_547 = tpu.memref_slice %arg12[%dma_start3A_537] : memref<2x!tpu.dma_semaphore, #tpu.memory_space<semaphore_mem>> -> memref<1x!tpu.dma_semaphore, #tpu.memory_space<semaphore_mem>>
    %dma_start3A_548 = tpu.memref_squeeze %dma_start3A_547 : memref<1x!tpu.dma_semaphore, #tpu.memory_space<semaphore_mem>> -> memref<!tpu.dma_semaphore, #tpu.memory_space<semaphore_mem>>
    tpu.enqueue_indirect_dma source(%dma_start3A_546 : memref<100096x8xf32, #tpu.memory_space<hbm>>) target(%dma_start3A_541 : memref<784x8xf32, #tpu.memory_space<vmem>>) offsets(%dma_start3A_543 : memref<784xi32, #tpu.memory_space<vmem>>) semaphore(%dma_start3A_548 : memref<!tpu.dma_semaphore, #tpu.memory_space<semaphore_mem>>)
    %dma_start3A_549 = arith.constant 0 : i32
    %dma_start3A_550 = arith.constant 2 : i32
    %dma_start3A_551 = arith.constant 0 : i32
    %dma_start3A_552 = arith.constant 0 : i32
    %dma_start3A_553 = arith.constant 0 : i32
    %dma_start3A_554 = tpu.memref_slice %arg10[%dma_start3A_549, %dma_start3A_550, %dma_start3A_552, %dma_start3A_553] : memref<2x3x784x8xf32, #tpu.memory_space<vmem>> -> memref<1x1x784x8xf32, #tpu.memory_space<vmem>>
    %dma_start3A_555 = tpu.memref_squeeze %dma_start3A_554 : memref<1x1x784x8xf32, #tpu.memory_space<vmem>> -> memref<784x8xf32, #tpu.memory_space<vmem>>
    %dma_start3A_556 = arith.constant 3136 : i32
    %dma_start3A_557 = tpu.memref_slice %arg9[%dma_start3A_556] : memref<6272xi32, #tpu.memory_space<vmem>> -> memref<784xi32, #tpu.memory_space<vmem>>
    %dma_start3A_558 = arith.constant 0 : i32
    %dma_start3A_559 = arith.constant 0 : i32
    %dma_start3A_560 = tpu.memref_slice %arg2[%dma_start3A_558, %dma_start3A_559] : memref<100096x8xf32, #tpu.memory_space<hbm>> -> memref<100096x8xf32, #tpu.memory_space<hbm>>
    %dma_start3A_561 = tpu.memref_slice %arg12[%dma_start3A_551] : memref<2x!tpu.dma_semaphore, #tpu.memory_space<semaphore_mem>> -> memref<1x!tpu.dma_semaphore, #tpu.memory_space<semaphore_mem>>
    %dma_start3A_562 = tpu.memref_squeeze %dma_start3A_561 : memref<1x!tpu.dma_semaphore, #tpu.memory_space<semaphore_mem>> -> memref<!tpu.dma_semaphore, #tpu.memory_space<semaphore_mem>>
    tpu.enqueue_indirect_dma source(%dma_start3A_560 : memref<100096x8xf32, #tpu.memory_space<hbm>>) target(%dma_start3A_555 : memref<784x8xf32, #tpu.memory_space<vmem>>) offsets(%dma_start3A_557 : memref<784xi32, #tpu.memory_space<vmem>>) semaphore(%dma_start3A_562 : memref<!tpu.dma_semaphore, #tpu.memory_space<semaphore_mem>>)
    %dma_wait3A_563 = arith.constant 1 : i32
    %dma_wait3A_564 = arith.constant 1 : i32
    %dma_wait3A_565 = arith.constant 0 : i32
    %dma_wait3A_566 = arith.constant 0 : i32
    %dma_wait3A_567 = tpu.memref_slice %arg11[%dma_wait3A_563, %dma_wait3A_565, %dma_wait3A_566] : memref<2x784x8xf32, #tpu.memory_space<vmem>> -> memref<1x784x8xf32, #tpu.memory_space<vmem>>
    %dma_wait3A_568 = tpu.memref_squeeze %dma_wait3A_567 : memref<1x784x8xf32, #tpu.memory_space<vmem>> -> memref<784x8xf32, #tpu.memory_space<vmem>>
    %dma_wait3A_569 = arith.constant 0 : i32
    %dma_wait3A_570 = tpu.memref_slice %arg7[%dma_wait3A_569] : memref<6272xi32, #tpu.memory_space<vmem>> -> memref<784xi32, #tpu.memory_space<vmem>>
    %dma_wait3A_571 = arith.constant 0 : i32
    %dma_wait3A_572 = arith.constant 0 : i32
    %dma_wait3A_573 = tpu.memref_slice %arg6[%dma_wait3A_571, %dma_wait3A_572] : memref<100096x8xf32, #tpu.memory_space<vmem_shared>> -> memref<100096x8xf32, #tpu.memory_space<vmem_shared>>
    %dma_wait3A_574 = tpu.memref_slice %arg13[%dma_wait3A_564] : memref<2x!tpu.dma_semaphore, #tpu.memory_space<semaphore_mem>> -> memref<1x!tpu.dma_semaphore, #tpu.memory_space<semaphore_mem>>
    %dma_wait3A_575 = tpu.memref_squeeze %dma_wait3A_574 : memref<1x!tpu.dma_semaphore, #tpu.memory_space<semaphore_mem>> -> memref<!tpu.dma_semaphore, #tpu.memory_space<semaphore_mem>>
    tpu.wait_indirect_dma semaphore(%dma_wait3A_575 : memref<!tpu.dma_semaphore, #tpu.memory_space<semaphore_mem>>) src(%dma_wait3A_568 : memref<784x8xf32, #tpu.memory_space<vmem>>) dst(%dma_wait3A_573 : memref<100096x8xf32, #tpu.memory_space<vmem_shared>>)
    %dma_wait3A_576 = arith.constant 1 : i32
    %dma_wait3A_577 = arith.constant 1 : i32
    %dma_wait3A_578 = arith.constant 0 : i32
    %dma_wait3A_579 = arith.constant 0 : i32
    %dma_wait3A_580 = tpu.memref_slice %arg11[%dma_wait3A_576, %dma_wait3A_578, %dma_wait3A_579] : memref<2x784x8xf32, #tpu.memory_space<vmem>> -> memref<1x784x8xf32, #tpu.memory_space<vmem>>
    %dma_wait3A_581 = tpu.memref_squeeze %dma_wait3A_580 : memref<1x784x8xf32, #tpu.memory_space<vmem>> -> memref<784x8xf32, #tpu.memory_space<vmem>>
    %dma_wait3A_582 = arith.constant 0 : i32
    %dma_wait3A_583 = tpu.memref_slice %arg8[%dma_wait3A_582] : memref<6272xi32, #tpu.memory_space<vmem>> -> memref<784xi32, #tpu.memory_space<vmem>>
    %dma_wait3A_584 = arith.constant 0 : i32
    %dma_wait3A_585 = arith.constant 0 : i32
    %dma_wait3A_586 = tpu.memref_slice %arg6[%dma_wait3A_584, %dma_wait3A_585] : memref<100096x8xf32, #tpu.memory_space<vmem_shared>> -> memref<100096x8xf32, #tpu.memory_space<vmem_shared>>
    %dma_wait3A_587 = tpu.memref_slice %arg13[%dma_wait3A_577] : memref<2x!tpu.dma_semaphore, #tpu.memory_space<semaphore_mem>> -> memref<1x!tpu.dma_semaphore, #tpu.memory_space<semaphore_mem>>
    %dma_wait3A_588 = tpu.memref_squeeze %dma_wait3A_587 : memref<1x!tpu.dma_semaphore, #tpu.memory_space<semaphore_mem>> -> memref<!tpu.dma_semaphore, #tpu.memory_space<semaphore_mem>>
    tpu.wait_indirect_dma semaphore(%dma_wait3A_588 : memref<!tpu.dma_semaphore, #tpu.memory_space<semaphore_mem>>) src(%dma_wait3A_581 : memref<784x8xf32, #tpu.memory_space<vmem>>) dst(%dma_wait3A_586 : memref<100096x8xf32, #tpu.memory_space<vmem_shared>>)
    %dma_wait3A_589 = arith.constant 1 : i32
    %dma_wait3A_590 = arith.constant 1 : i32
    %dma_wait3A_591 = arith.constant 0 : i32
    %dma_wait3A_592 = arith.constant 0 : i32
    %dma_wait3A_593 = tpu.memref_slice %arg11[%dma_wait3A_589, %dma_wait3A_591, %dma_wait3A_592] : memref<2x784x8xf32, #tpu.memory_space<vmem>> -> memref<1x784x8xf32, #tpu.memory_space<vmem>>
    %dma_wait3A_594 = tpu.memref_squeeze %dma_wait3A_593 : memref<1x784x8xf32, #tpu.memory_space<vmem>> -> memref<784x8xf32, #tpu.memory_space<vmem>>
    %dma_wait3A_595 = arith.constant 0 : i32
    %dma_wait3A_596 = tpu.memref_slice %arg9[%dma_wait3A_595] : memref<6272xi32, #tpu.memory_space<vmem>> -> memref<784xi32, #tpu.memory_space<vmem>>
    %dma_wait3A_597 = arith.constant 0 : i32
    %dma_wait3A_598 = arith.constant 0 : i32
    %dma_wait3A_599 = tpu.memref_slice %arg6[%dma_wait3A_597, %dma_wait3A_598] : memref<100096x8xf32, #tpu.memory_space<vmem_shared>> -> memref<100096x8xf32, #tpu.memory_space<vmem_shared>>
    %dma_wait3A_600 = tpu.memref_slice %arg13[%dma_wait3A_590] : memref<2x!tpu.dma_semaphore, #tpu.memory_space<semaphore_mem>> -> memref<1x!tpu.dma_semaphore, #tpu.memory_space<semaphore_mem>>
    %dma_wait3A_601 = tpu.memref_squeeze %dma_wait3A_600 : memref<1x!tpu.dma_semaphore, #tpu.memory_space<semaphore_mem>> -> memref<!tpu.dma_semaphore, #tpu.memory_space<semaphore_mem>>
    tpu.wait_indirect_dma semaphore(%dma_wait3A_601 : memref<!tpu.dma_semaphore, #tpu.memory_space<semaphore_mem>>) src(%dma_wait3A_594 : memref<784x8xf32, #tpu.memory_space<vmem>>) dst(%dma_wait3A_599 : memref<100096x8xf32, #tpu.memory_space<vmem_shared>>)
    %scan3A_602 = arith.constant 0 : i32
    %scan3A_603 = arith.constant 49 : i32
    %scan3A_604 = arith.addi %scan3A_602, %scan3A_603 : i32
    %scan3A_605 = arith.constant 1 : i32
    scf.for %scan3A_1354 = %scan3A_602 to %scan3A_604 step %scan3A_605  : i32 {
      %mul3A_1355 = arith.constant 1 : i32
      %mul3A_1356 = arith.muli %scan3A_1354, %mul3A_1355 : i32
      %add3A_1357 = arith.constant 0 : i32
      %add3A_1358 = arith.addi %add3A_1357, %mul3A_1356 : i32
      %mul3A_1359 = arith.constant 16 : i32
      %mul3A_1360 = arith.muli %add3A_1358, %mul3A_1359 : i32
      %add3A_1361 = vector.broadcast %mul3A_1360 : i32 to vector<16xi32>
      %add3A_1362 = arith.addi %add3A_1361, %iota3A : vector<16xi32>
      %broadcast_in_dim3A_1363 = arith.constant 1 : i32
      %broadcast_in_dim3A_1364 = vector.broadcast %broadcast_in_dim3A_1363 : i32 to vector<16xi32>
      %broadcast_in_dim3A_1365 = arith.constant 0 : i32
      %broadcast_in_dim3A_1366 = vector.broadcast %broadcast_in_dim3A_1365 : i32 to vector<16xi32>
      %broadcast_in_dim3A_1367 = arith.constant 0 : i32
      %broadcast_in_dim3A_1368 = vector.broadcast %broadcast_in_dim3A_1367 : i32 to vector<16xi32>
      %gather3A = tpu.vector_load_idx %arg10[%broadcast_in_dim3A_1364, %broadcast_in_dim3A_1366, %add3A_1362, %broadcast_in_dim3A_1368] : memref<2x3x784x8xf32, #tpu.memory_space<vmem>>[vector<16xi32>, vector<16xi32>, vector<16xi32>, vector<16xi32>], vector<16xf32>,
      %broadcast_in_dim3A_1369 = arith.constant 0 : i32
      %broadcast_in_dim3A_1370 = vector.broadcast %broadcast_in_dim3A_1369 : i32 to vector<16xi32>
      %broadcast_in_dim3A_1371 = arith.constant 1 : i32
      %broadcast_in_dim3A_1372 = vector.broadcast %broadcast_in_dim3A_1371 : i32 to vector<16xi32>
      %gather3A_1373 = tpu.vector_load_idx %arg10[%broadcast_in_dim3A_1364, %broadcast_in_dim3A_1370, %add3A_1362, %broadcast_in_dim3A_1372] : memref<2x3x784x8xf32, #tpu.memory_space<vmem>>[vector<16xi32>, vector<16xi32>, vector<16xi32>, vector<16xi32>], vector<16xf32>,
      %broadcast_in_dim3A_1374 = arith.constant 0 : i32
      %broadcast_in_dim3A_1375 = vector.broadcast %broadcast_in_dim3A_1374 : i32 to vector<16xi32>
      %broadcast_in_dim3A_1376 = arith.constant 2 : i32
      %broadcast_in_dim3A_1377 = vector.broadcast %broadcast_in_dim3A_1376 : i32 to vector<16xi32>
      %gather3A_1378 = tpu.vector_load_idx %arg10[%broadcast_in_dim3A_1364, %broadcast_in_dim3A_1375, %add3A_1362, %broadcast_in_dim3A_1377] : memref<2x3x784x8xf32, #tpu.memory_space<vmem>>[vector<16xi32>, vector<16xi32>, vector<16xi32>, vector<16xi32>], vector<16xf32>,
      %broadcast_in_dim3A_1379 = arith.constant 1 : i32
      %broadcast_in_dim3A_1380 = vector.broadcast %broadcast_in_dim3A_1379 : i32 to vector<16xi32>
      %broadcast_in_dim3A_1381 = arith.constant 0 : i32
      %broadcast_in_dim3A_1382 = vector.broadcast %broadcast_in_dim3A_1381 : i32 to vector<16xi32>
      %gather3A_1383 = tpu.vector_load_idx %arg10[%broadcast_in_dim3A_1364, %broadcast_in_dim3A_1380, %add3A_1362, %broadcast_in_dim3A_1382] : memref<2x3x784x8xf32, #tpu.memory_space<vmem>>[vector<16xi32>, vector<16xi32>, vector<16xi32>, vector<16xi32>], vector<16xf32>,
      %broadcast_in_dim3A_1384 = arith.constant 1 : i32
      %broadcast_in_dim3A_1385 = vector.broadcast %broadcast_in_dim3A_1384 : i32 to vector<16xi32>
      %broadcast_in_dim3A_1386 = arith.constant 1 : i32
      %broadcast_in_dim3A_1387 = vector.broadcast %broadcast_in_dim3A_1386 : i32 to vector<16xi32>
      %gather3A_1388 = tpu.vector_load_idx %arg10[%broadcast_in_dim3A_1364, %broadcast_in_dim3A_1385, %add3A_1362, %broadcast_in_dim3A_1387] : memref<2x3x784x8xf32, #tpu.memory_space<vmem>>[vector<16xi32>, vector<16xi32>, vector<16xi32>, vector<16xi32>], vector<16xf32>,
      %broadcast_in_dim3A_1389 = arith.constant 1 : i32
      %broadcast_in_dim3A_1390 = vector.broadcast %broadcast_in_dim3A_1389 : i32 to vector<16xi32>
      %broadcast_in_dim3A_1391 = arith.constant 2 : i32
      %broadcast_in_dim3A_1392 = vector.broadcast %broadcast_in_dim3A_1391 : i32 to vector<16xi32>
      %gather3A_1393 = tpu.vector_load_idx %arg10[%broadcast_in_dim3A_1364, %broadcast_in_dim3A_1390, %add3A_1362, %broadcast_in_dim3A_1392] : memref<2x3x784x8xf32, #tpu.memory_space<vmem>>[vector<16xi32>, vector<16xi32>, vector<16xi32>, vector<16xi32>], vector<16xf32>,
      %broadcast_in_dim3A_1394 = arith.constant 2 : i32
      %broadcast_in_dim3A_1395 = vector.broadcast %broadcast_in_dim3A_1394 : i32 to vector<16xi32>
      %broadcast_in_dim3A_1396 = arith.constant 0 : i32
      %broadcast_in_dim3A_1397 = vector.broadcast %broadcast_in_dim3A_1396 : i32 to vector<16xi32>
      %gather3A_1398 = tpu.vector_load_idx %arg10[%broadcast_in_dim3A_1364, %broadcast_in_dim3A_1395, %add3A_1362, %broadcast_in_dim3A_1397] : memref<2x3x784x8xf32, #tpu.memory_space<vmem>>[vector<16xi32>, vector<16xi32>, vector<16xi32>, vector<16xi32>], vector<16xf32>,
      %broadcast_in_dim3A_1399 = arith.constant 2 : i32
      %broadcast_in_dim3A_1400 = vector.broadcast %broadcast_in_dim3A_1399 : i32 to vector<16xi32>
      %broadcast_in_dim3A_1401 = arith.constant 1 : i32
      %broadcast_in_dim3A_1402 = vector.broadcast %broadcast_in_dim3A_1401 : i32 to vector<16xi32>
      %gather3A_1403 = tpu.vector_load_idx %arg10[%broadcast_in_dim3A_1364, %broadcast_in_dim3A_1400, %add3A_1362, %broadcast_in_dim3A_1402] : memref<2x3x784x8xf32, #tpu.memory_space<vmem>>[vector<16xi32>, vector<16xi32>, vector<16xi32>, vector<16xi32>], vector<16xf32>,
      %broadcast_in_dim3A_1404 = arith.constant 2 : i32
      %broadcast_in_dim3A_1405 = vector.broadcast %broadcast_in_dim3A_1404 : i32 to vector<16xi32>
      %broadcast_in_dim3A_1406 = arith.constant 2 : i32
      %broadcast_in_dim3A_1407 = vector.broadcast %broadcast_in_dim3A_1406 : i32 to vector<16xi32>
      %gather3A_1408 = tpu.vector_load_idx %arg10[%broadcast_in_dim3A_1364, %broadcast_in_dim3A_1405, %add3A_1362, %broadcast_in_dim3A_1407] : memref<2x3x784x8xf32, #tpu.memory_space<vmem>>[vector<16xi32>, vector<16xi32>, vector<16xi32>, vector<16xi32>], vector<16xf32>,
      %sub3A = arith.subf %gather3A_1383, %gather3A : vector<16xf32>
      %sub3A_1409 = arith.subf %gather3A_1388, %gather3A_1373 : vector<16xf32>
      %sub3A_1410 = arith.subf %gather3A_1393, %gather3A_1378 : vector<16xf32>
      %sub3A_1411 = arith.subf %gather3A_1398, %gather3A : vector<16xf32>
      %sub3A_1412 = arith.subf %gather3A_1403, %gather3A_1373 : vector<16xf32>
      %sub3A_1413 = arith.subf %gather3A_1408, %gather3A_1378 : vector<16xf32>
      %mul3A_1414 = arith.mulf %sub3A_1409, %sub3A_1413 : vector<16xf32>
      %mul3A_1415 = arith.mulf %sub3A_1410, %sub3A_1412 : vector<16xf32>
      %sub3A_1416 = arith.subf %mul3A_1414, %mul3A_1415 : vector<16xf32>
      %mul3A_1417 = arith.mulf %sub3A_1410, %sub3A_1411 : vector<16xf32>
      %mul3A_1418 = arith.mulf %sub3A, %sub3A_1413 : vector<16xf32>
      %sub3A_1419 = arith.subf %mul3A_1417, %mul3A_1418 : vector<16xf32>
      %mul3A_1420 = arith.mulf %sub3A, %sub3A_1412 : vector<16xf32>
      %mul3A_1421 = arith.mulf %sub3A_1409, %sub3A_1411 : vector<16xf32>
      %sub3A_1422 = arith.subf %mul3A_1420, %mul3A_1421 : vector<16xf32>
      %broadcast_in_dim3A_1423 = arith.constant 0 : i32
      %broadcast_in_dim3A_1424 = vector.broadcast %broadcast_in_dim3A_1423 : i32 to vector<16xi32>
      tpu.vector_store_idx %arg11[%broadcast_in_dim3A_1364, %add3A_1362, %broadcast_in_dim3A_1424], %sub3A_1416 : memref<2x784x8xf32, #tpu.memory_space<vmem>>[vector<16xi32>, vector<16xi32>, vector<16xi32>], vector<16xf32>,
      %broadcast_in_dim3A_1425 = arith.constant 1 : i32
      %broadcast_in_dim3A_1426 = vector.broadcast %broadcast_in_dim3A_1425 : i32 to vector<16xi32>
      tpu.vector_store_idx %arg11[%broadcast_in_dim3A_1364, %add3A_1362, %broadcast_in_dim3A_1426], %sub3A_1419 : memref<2x784x8xf32, #tpu.memory_space<vmem>>[vector<16xi32>, vector<16xi32>, vector<16xi32>], vector<16xf32>,
      %broadcast_in_dim3A_1427 = arith.constant 2 : i32
      %broadcast_in_dim3A_1428 = vector.broadcast %broadcast_in_dim3A_1427 : i32 to vector<16xi32>
      tpu.vector_store_idx %arg11[%broadcast_in_dim3A_1364, %add3A_1362, %broadcast_in_dim3A_1428], %sub3A_1422 : memref<2x784x8xf32, #tpu.memory_space<vmem>>[vector<16xi32>, vector<16xi32>, vector<16xi32>], vector<16xf32>,
    }
    %scan3A_606 = arith.constant 49 : i32
    %dma_start3A_607 = arith.constant 1 : i32
    %dma_start3A_608 = arith.constant 1 : i32
    %dma_start3A_609 = arith.constant 0 : i32
    %dma_start3A_610 = arith.constant 0 : i32
    %dma_start3A_611 = tpu.memref_slice %arg11[%dma_start3A_607, %dma_start3A_609, %dma_start3A_610] : memref<2x784x8xf32, #tpu.memory_space<vmem>> -> memref<1x784x8xf32, #tpu.memory_space<vmem>>
    %dma_start3A_612 = tpu.memref_squeeze %dma_start3A_611 : memref<1x784x8xf32, #tpu.memory_space<vmem>> -> memref<784x8xf32, #tpu.memory_space<vmem>>
    %dma_start3A_613 = arith.constant 2352 : i32
    %dma_start3A_614 = tpu.memref_slice %arg7[%dma_start3A_613] : memref<6272xi32, #tpu.memory_space<vmem>> -> memref<784xi32, #tpu.memory_space<vmem>>
    %dma_start3A_615 = arith.constant 0 : i32
    %dma_start3A_616 = arith.constant 0 : i32
    %dma_start3A_617 = tpu.memref_slice %arg6[%dma_start3A_615, %dma_start3A_616] : memref<100096x8xf32, #tpu.memory_space<vmem_shared>> -> memref<100096x8xf32, #tpu.memory_space<vmem_shared>>
    %dma_start3A_618 = tpu.memref_slice %arg13[%dma_start3A_608] : memref<2x!tpu.dma_semaphore, #tpu.memory_space<semaphore_mem>> -> memref<1x!tpu.dma_semaphore, #tpu.memory_space<semaphore_mem>>
    %dma_start3A_619 = tpu.memref_squeeze %dma_start3A_618 : memref<1x!tpu.dma_semaphore, #tpu.memory_space<semaphore_mem>> -> memref<!tpu.dma_semaphore, #tpu.memory_space<semaphore_mem>>
    tpu.enqueue_indirect_dma source(%dma_start3A_612 : memref<784x8xf32, #tpu.memory_space<vmem>>) target(%dma_start3A_617 : memref<100096x8xf32, #tpu.memory_space<vmem_shared>>) offsets(%dma_start3A_614 : memref<784xi32, #tpu.memory_space<vmem>>) semaphore(%dma_start3A_619 : memref<!tpu.dma_semaphore, #tpu.memory_space<semaphore_mem>>) {add = true}
    %dma_start3A_620 = arith.constant 1 : i32
    %dma_start3A_621 = arith.constant 1 : i32
    %dma_start3A_622 = arith.constant 0 : i32
    %dma_start3A_623 = arith.constant 0 : i32
    %dma_start3A_624 = tpu.memref_slice %arg11[%dma_start3A_620, %dma_start3A_622, %dma_start3A_623] : memref<2x784x8xf32, #tpu.memory_space<vmem>> -> memref<1x784x8xf32, #tpu.memory_space<vmem>>
    %dma_start3A_625 = tpu.memref_squeeze %dma_start3A_624 : memref<1x784x8xf32, #tpu.memory_space<vmem>> -> memref<784x8xf32, #tpu.memory_space<vmem>>
    %dma_start3A_626 = arith.constant 2352 : i32
    %dma_start3A_627 = tpu.memref_slice %arg8[%dma_start3A_626] : memref<6272xi32, #tpu.memory_space<vmem>> -> memref<784xi32, #tpu.memory_space<vmem>>
    %dma_start3A_628 = arith.constant 0 : i32
    %dma_start3A_629 = arith.constant 0 : i32
    %dma_start3A_630 = tpu.memref_slice %arg6[%dma_start3A_628, %dma_start3A_629] : memref<100096x8xf32, #tpu.memory_space<vmem_shared>> -> memref<100096x8xf32, #tpu.memory_space<vmem_shared>>
    %dma_start3A_631 = tpu.memref_slice %arg13[%dma_start3A_621] : memref<2x!tpu.dma_semaphore, #tpu.memory_space<semaphore_mem>> -> memref<1x!tpu.dma_semaphore, #tpu.memory_space<semaphore_mem>>
    %dma_start3A_632 = tpu.memref_squeeze %dma_start3A_631 : memref<1x!tpu.dma_semaphore, #tpu.memory_space<semaphore_mem>> -> memref<!tpu.dma_semaphore, #tpu.memory_space<semaphore_mem>>
    tpu.enqueue_indirect_dma source(%dma_start3A_625 : memref<784x8xf32, #tpu.memory_space<vmem>>) target(%dma_start3A_630 : memref<100096x8xf32, #tpu.memory_space<vmem_shared>>) offsets(%dma_start3A_627 : memref<784xi32, #tpu.memory_space<vmem>>) semaphore(%dma_start3A_632 : memref<!tpu.dma_semaphore, #tpu.memory_space<semaphore_mem>>) {add = true}
    %dma_start3A_633 = arith.constant 1 : i32
    %dma_start3A_634 = arith.constant 1 : i32
    %dma_start3A_635 = arith.constant 0 : i32
    %dma_start3A_636 = arith.constant 0 : i32
    %dma_start3A_637 = tpu.memref_slice %arg11[%dma_start3A_633, %dma_start3A_635, %dma_start3A_636] : memref<2x784x8xf32, #tpu.memory_space<vmem>> -> memref<1x784x8xf32, #tpu.memory_space<vmem>>
    %dma_start3A_638 = tpu.memref_squeeze %dma_start3A_637 : memref<1x784x8xf32, #tpu.memory_space<vmem>> -> memref<784x8xf32, #tpu.memory_space<vmem>>
    %dma_start3A_639 = arith.constant 2352 : i32
    %dma_start3A_640 = tpu.memref_slice %arg9[%dma_start3A_639] : memref<6272xi32, #tpu.memory_space<vmem>> -> memref<784xi32, #tpu.memory_space<vmem>>
    %dma_start3A_641 = arith.constant 0 : i32
    %dma_start3A_642 = arith.constant 0 : i32
    %dma_start3A_643 = tpu.memref_slice %arg6[%dma_start3A_641, %dma_start3A_642] : memref<100096x8xf32, #tpu.memory_space<vmem_shared>> -> memref<100096x8xf32, #tpu.memory_space<vmem_shared>>
    %dma_start3A_644 = tpu.memref_slice %arg13[%dma_start3A_634] : memref<2x!tpu.dma_semaphore, #tpu.memory_space<semaphore_mem>> -> memref<1x!tpu.dma_semaphore, #tpu.memory_space<semaphore_mem>>
    %dma_start3A_645 = tpu.memref_squeeze %dma_start3A_644 : memref<1x!tpu.dma_semaphore, #tpu.memory_space<semaphore_mem>> -> memref<!tpu.dma_semaphore, #tpu.memory_space<semaphore_mem>>
    tpu.enqueue_indirect_dma source(%dma_start3A_638 : memref<784x8xf32, #tpu.memory_space<vmem>>) target(%dma_start3A_643 : memref<100096x8xf32, #tpu.memory_space<vmem_shared>>) offsets(%dma_start3A_640 : memref<784xi32, #tpu.memory_space<vmem>>) semaphore(%dma_start3A_645 : memref<!tpu.dma_semaphore, #tpu.memory_space<semaphore_mem>>) {add = true}
    %dma_wait3A_646 = arith.constant 0 : i32
    %dma_wait3A_647 = arith.constant 0 : i32
    %dma_wait3A_648 = arith.constant 0 : i32
    %dma_wait3A_649 = arith.constant 0 : i32
    %dma_wait3A_650 = arith.constant 0 : i32
    %dma_wait3A_651 = tpu.memref_slice %arg10[%dma_wait3A_646, %dma_wait3A_647, %dma_wait3A_649, %dma_wait3A_650] : memref<2x3x784x8xf32, #tpu.memory_space<vmem>> -> memref<1x1x784x8xf32, #tpu.memory_space<vmem>>
    %dma_wait3A_652 = tpu.memref_squeeze %dma_wait3A_651 : memref<1x1x784x8xf32, #tpu.memory_space<vmem>> -> memref<784x8xf32, #tpu.memory_space<vmem>>
    %dma_wait3A_653 = arith.constant 0 : i32
    %dma_wait3A_654 = tpu.memref_slice %arg7[%dma_wait3A_653] : memref<6272xi32, #tpu.memory_space<vmem>> -> memref<784xi32, #tpu.memory_space<vmem>>
    %dma_wait3A_655 = arith.constant 0 : i32
    %dma_wait3A_656 = arith.constant 0 : i32
    %dma_wait3A_657 = tpu.memref_slice %arg2[%dma_wait3A_655, %dma_wait3A_656] : memref<100096x8xf32, #tpu.memory_space<hbm>> -> memref<100096x8xf32, #tpu.memory_space<hbm>>
    %dma_wait3A_658 = tpu.memref_slice %arg12[%dma_wait3A_648] : memref<2x!tpu.dma_semaphore, #tpu.memory_space<semaphore_mem>> -> memref<1x!tpu.dma_semaphore, #tpu.memory_space<semaphore_mem>>
    %dma_wait3A_659 = tpu.memref_squeeze %dma_wait3A_658 : memref<1x!tpu.dma_semaphore, #tpu.memory_space<semaphore_mem>> -> memref<!tpu.dma_semaphore, #tpu.memory_space<semaphore_mem>>
    tpu.wait_indirect_dma semaphore(%dma_wait3A_659 : memref<!tpu.dma_semaphore, #tpu.memory_space<semaphore_mem>>) src(%dma_wait3A_657 : memref<100096x8xf32, #tpu.memory_space<hbm>>) dst(%dma_wait3A_652 : memref<784x8xf32, #tpu.memory_space<vmem>>)
    %dma_wait3A_660 = arith.constant 0 : i32
    %dma_wait3A_661 = arith.constant 1 : i32
    %dma_wait3A_662 = arith.constant 0 : i32
    %dma_wait3A_663 = arith.constant 0 : i32
    %dma_wait3A_664 = arith.constant 0 : i32
    %dma_wait3A_665 = tpu.memref_slice %arg10[%dma_wait3A_660, %dma_wait3A_661, %dma_wait3A_663, %dma_wait3A_664] : memref<2x3x784x8xf32, #tpu.memory_space<vmem>> -> memref<1x1x784x8xf32, #tpu.memory_space<vmem>>
    %dma_wait3A_666 = tpu.memref_squeeze %dma_wait3A_665 : memref<1x1x784x8xf32, #tpu.memory_space<vmem>> -> memref<784x8xf32, #tpu.memory_space<vmem>>
    %dma_wait3A_667 = arith.constant 0 : i32
    %dma_wait3A_668 = tpu.memref_slice %arg8[%dma_wait3A_667] : memref<6272xi32, #tpu.memory_space<vmem>> -> memref<784xi32, #tpu.memory_space<vmem>>
    %dma_wait3A_669 = arith.constant 0 : i32
    %dma_wait3A_670 = arith.constant 0 : i32
    %dma_wait3A_671 = tpu.memref_slice %arg2[%dma_wait3A_669, %dma_wait3A_670] : memref<100096x8xf32, #tpu.memory_space<hbm>> -> memref<100096x8xf32, #tpu.memory_space<hbm>>
    %dma_wait3A_672 = tpu.memref_slice %arg12[%dma_wait3A_662] : memref<2x!tpu.dma_semaphore, #tpu.memory_space<semaphore_mem>> -> memref<1x!tpu.dma_semaphore, #tpu.memory_space<semaphore_mem>>
    %dma_wait3A_673 = tpu.memref_squeeze %dma_wait3A_672 : memref<1x!tpu.dma_semaphore, #tpu.memory_space<semaphore_mem>> -> memref<!tpu.dma_semaphore, #tpu.memory_space<semaphore_mem>>
    tpu.wait_indirect_dma semaphore(%dma_wait3A_673 : memref<!tpu.dma_semaphore, #tpu.memory_space<semaphore_mem>>) src(%dma_wait3A_671 : memref<100096x8xf32, #tpu.memory_space<hbm>>) dst(%dma_wait3A_666 : memref<784x8xf32, #tpu.memory_space<vmem>>)
    %dma_wait3A_674 = arith.constant 0 : i32
    %dma_wait3A_675 = arith.constant 2 : i32
    %dma_wait3A_676 = arith.constant 0 : i32
    %dma_wait3A_677 = arith.constant 0 : i32
    %dma_wait3A_678 = arith.constant 0 : i32
    %dma_wait3A_679 = tpu.memref_slice %arg10[%dma_wait3A_674, %dma_wait3A_675, %dma_wait3A_677, %dma_wait3A_678] : memref<2x3x784x8xf32, #tpu.memory_space<vmem>> -> memref<1x1x784x8xf32, #tpu.memory_space<vmem>>
    %dma_wait3A_680 = tpu.memref_squeeze %dma_wait3A_679 : memref<1x1x784x8xf32, #tpu.memory_space<vmem>> -> memref<784x8xf32, #tpu.memory_space<vmem>>
    %dma_wait3A_681 = arith.constant 0 : i32
    %dma_wait3A_682 = tpu.memref_slice %arg9[%dma_wait3A_681] : memref<6272xi32, #tpu.memory_space<vmem>> -> memref<784xi32, #tpu.memory_space<vmem>>
    %dma_wait3A_683 = arith.constant 0 : i32
    %dma_wait3A_684 = arith.constant 0 : i32
    %dma_wait3A_685 = tpu.memref_slice %arg2[%dma_wait3A_683, %dma_wait3A_684] : memref<100096x8xf32, #tpu.memory_space<hbm>> -> memref<100096x8xf32, #tpu.memory_space<hbm>>
    %dma_wait3A_686 = tpu.memref_slice %arg12[%dma_wait3A_676] : memref<2x!tpu.dma_semaphore, #tpu.memory_space<semaphore_mem>> -> memref<1x!tpu.dma_semaphore, #tpu.memory_space<semaphore_mem>>
    %dma_wait3A_687 = tpu.memref_squeeze %dma_wait3A_686 : memref<1x!tpu.dma_semaphore, #tpu.memory_space<semaphore_mem>> -> memref<!tpu.dma_semaphore, #tpu.memory_space<semaphore_mem>>
    tpu.wait_indirect_dma semaphore(%dma_wait3A_687 : memref<!tpu.dma_semaphore, #tpu.memory_space<semaphore_mem>>) src(%dma_wait3A_685 : memref<100096x8xf32, #tpu.memory_space<hbm>>) dst(%dma_wait3A_680 : memref<784x8xf32, #tpu.memory_space<vmem>>)
    %dma_start3A_688 = arith.constant 1 : i32
    %dma_start3A_689 = arith.constant 0 : i32
    %dma_start3A_690 = arith.constant 1 : i32
    %dma_start3A_691 = arith.constant 0 : i32
    %dma_start3A_692 = arith.constant 0 : i32
    %dma_start3A_693 = tpu.memref_slice %arg10[%dma_start3A_688, %dma_start3A_689, %dma_start3A_691, %dma_start3A_692] : memref<2x3x784x8xf32, #tpu.memory_space<vmem>> -> memref<1x1x784x8xf32, #tpu.memory_space<vmem>>
    %dma_start3A_694 = tpu.memref_squeeze %dma_start3A_693 : memref<1x1x784x8xf32, #tpu.memory_space<vmem>> -> memref<784x8xf32, #tpu.memory_space<vmem>>
    %dma_start3A_695 = arith.constant 3920 : i32
    %dma_start3A_696 = tpu.memref_slice %arg7[%dma_start3A_695] : memref<6272xi32, #tpu.memory_space<vmem>> -> memref<784xi32, #tpu.memory_space<vmem>>
    %dma_start3A_697 = arith.constant 0 : i32
    %dma_start3A_698 = arith.constant 0 : i32
    %dma_start3A_699 = tpu.memref_slice %arg2[%dma_start3A_697, %dma_start3A_698] : memref<100096x8xf32, #tpu.memory_space<hbm>> -> memref<100096x8xf32, #tpu.memory_space<hbm>>
    %dma_start3A_700 = tpu.memref_slice %arg12[%dma_start3A_690] : memref<2x!tpu.dma_semaphore, #tpu.memory_space<semaphore_mem>> -> memref<1x!tpu.dma_semaphore, #tpu.memory_space<semaphore_mem>>
    %dma_start3A_701 = tpu.memref_squeeze %dma_start3A_700 : memref<1x!tpu.dma_semaphore, #tpu.memory_space<semaphore_mem>> -> memref<!tpu.dma_semaphore, #tpu.memory_space<semaphore_mem>>
    tpu.enqueue_indirect_dma source(%dma_start3A_699 : memref<100096x8xf32, #tpu.memory_space<hbm>>) target(%dma_start3A_694 : memref<784x8xf32, #tpu.memory_space<vmem>>) offsets(%dma_start3A_696 : memref<784xi32, #tpu.memory_space<vmem>>) semaphore(%dma_start3A_701 : memref<!tpu.dma_semaphore, #tpu.memory_space<semaphore_mem>>)
    %dma_start3A_702 = arith.constant 1 : i32
    %dma_start3A_703 = arith.constant 1 : i32
    %dma_start3A_704 = arith.constant 1 : i32
    %dma_start3A_705 = arith.constant 0 : i32
    %dma_start3A_706 = arith.constant 0 : i32
    %dma_start3A_707 = tpu.memref_slice %arg10[%dma_start3A_702, %dma_start3A_703, %dma_start3A_705, %dma_start3A_706] : memref<2x3x784x8xf32, #tpu.memory_space<vmem>> -> memref<1x1x784x8xf32, #tpu.memory_space<vmem>>
    %dma_start3A_708 = tpu.memref_squeeze %dma_start3A_707 : memref<1x1x784x8xf32, #tpu.memory_space<vmem>> -> memref<784x8xf32, #tpu.memory_space<vmem>>
    %dma_start3A_709 = arith.constant 3920 : i32
    %dma_start3A_710 = tpu.memref_slice %arg8[%dma_start3A_709] : memref<6272xi32, #tpu.memory_space<vmem>> -> memref<784xi32, #tpu.memory_space<vmem>>
    %dma_start3A_711 = arith.constant 0 : i32
    %dma_start3A_712 = arith.constant 0 : i32
    %dma_start3A_713 = tpu.memref_slice %arg2[%dma_start3A_711, %dma_start3A_712] : memref<100096x8xf32, #tpu.memory_space<hbm>> -> memref<100096x8xf32, #tpu.memory_space<hbm>>
    %dma_start3A_714 = tpu.memref_slice %arg12[%dma_start3A_704] : memref<2x!tpu.dma_semaphore, #tpu.memory_space<semaphore_mem>> -> memref<1x!tpu.dma_semaphore, #tpu.memory_space<semaphore_mem>>
    %dma_start3A_715 = tpu.memref_squeeze %dma_start3A_714 : memref<1x!tpu.dma_semaphore, #tpu.memory_space<semaphore_mem>> -> memref<!tpu.dma_semaphore, #tpu.memory_space<semaphore_mem>>
    tpu.enqueue_indirect_dma source(%dma_start3A_713 : memref<100096x8xf32, #tpu.memory_space<hbm>>) target(%dma_start3A_708 : memref<784x8xf32, #tpu.memory_space<vmem>>) offsets(%dma_start3A_710 : memref<784xi32, #tpu.memory_space<vmem>>) semaphore(%dma_start3A_715 : memref<!tpu.dma_semaphore, #tpu.memory_space<semaphore_mem>>)
    %dma_start3A_716 = arith.constant 1 : i32
    %dma_start3A_717 = arith.constant 2 : i32
    %dma_start3A_718 = arith.constant 1 : i32
    %dma_start3A_719 = arith.constant 0 : i32
    %dma_start3A_720 = arith.constant 0 : i32
    %dma_start3A_721 = tpu.memref_slice %arg10[%dma_start3A_716, %dma_start3A_717, %dma_start3A_719, %dma_start3A_720] : memref<2x3x784x8xf32, #tpu.memory_space<vmem>> -> memref<1x1x784x8xf32, #tpu.memory_space<vmem>>
    %dma_start3A_722 = tpu.memref_squeeze %dma_start3A_721 : memref<1x1x784x8xf32, #tpu.memory_space<vmem>> -> memref<784x8xf32, #tpu.memory_space<vmem>>
    %dma_start3A_723 = arith.constant 3920 : i32
    %dma_start3A_724 = tpu.memref_slice %arg9[%dma_start3A_723] : memref<6272xi32, #tpu.memory_space<vmem>> -> memref<784xi32, #tpu.memory_space<vmem>>
    %dma_start3A_725 = arith.constant 0 : i32
    %dma_start3A_726 = arith.constant 0 : i32
    %dma_start3A_727 = tpu.memref_slice %arg2[%dma_start3A_725, %dma_start3A_726] : memref<100096x8xf32, #tpu.memory_space<hbm>> -> memref<100096x8xf32, #tpu.memory_space<hbm>>
    %dma_start3A_728 = tpu.memref_slice %arg12[%dma_start3A_718] : memref<2x!tpu.dma_semaphore, #tpu.memory_space<semaphore_mem>> -> memref<1x!tpu.dma_semaphore, #tpu.memory_space<semaphore_mem>>
    %dma_start3A_729 = tpu.memref_squeeze %dma_start3A_728 : memref<1x!tpu.dma_semaphore, #tpu.memory_space<semaphore_mem>> -> memref<!tpu.dma_semaphore, #tpu.memory_space<semaphore_mem>>
    tpu.enqueue_indirect_dma source(%dma_start3A_727 : memref<100096x8xf32, #tpu.memory_space<hbm>>) target(%dma_start3A_722 : memref<784x8xf32, #tpu.memory_space<vmem>>) offsets(%dma_start3A_724 : memref<784xi32, #tpu.memory_space<vmem>>) semaphore(%dma_start3A_729 : memref<!tpu.dma_semaphore, #tpu.memory_space<semaphore_mem>>)
    %dma_wait3A_730 = arith.constant 0 : i32
    %dma_wait3A_731 = arith.constant 0 : i32
    %dma_wait3A_732 = arith.constant 0 : i32
    %dma_wait3A_733 = arith.constant 0 : i32
    %dma_wait3A_734 = tpu.memref_slice %arg11[%dma_wait3A_730, %dma_wait3A_732, %dma_wait3A_733] : memref<2x784x8xf32, #tpu.memory_space<vmem>> -> memref<1x784x8xf32, #tpu.memory_space<vmem>>
    %dma_wait3A_735 = tpu.memref_squeeze %dma_wait3A_734 : memref<1x784x8xf32, #tpu.memory_space<vmem>> -> memref<784x8xf32, #tpu.memory_space<vmem>>
    %dma_wait3A_736 = arith.constant 0 : i32
    %dma_wait3A_737 = tpu.memref_slice %arg7[%dma_wait3A_736] : memref<6272xi32, #tpu.memory_space<vmem>> -> memref<784xi32, #tpu.memory_space<vmem>>
    %dma_wait3A_738 = arith.constant 0 : i32
    %dma_wait3A_739 = arith.constant 0 : i32
    %dma_wait3A_740 = tpu.memref_slice %arg6[%dma_wait3A_738, %dma_wait3A_739] : memref<100096x8xf32, #tpu.memory_space<vmem_shared>> -> memref<100096x8xf32, #tpu.memory_space<vmem_shared>>
    %dma_wait3A_741 = tpu.memref_slice %arg13[%dma_wait3A_731] : memref<2x!tpu.dma_semaphore, #tpu.memory_space<semaphore_mem>> -> memref<1x!tpu.dma_semaphore, #tpu.memory_space<semaphore_mem>>
    %dma_wait3A_742 = tpu.memref_squeeze %dma_wait3A_741 : memref<1x!tpu.dma_semaphore, #tpu.memory_space<semaphore_mem>> -> memref<!tpu.dma_semaphore, #tpu.memory_space<semaphore_mem>>
    tpu.wait_indirect_dma semaphore(%dma_wait3A_742 : memref<!tpu.dma_semaphore, #tpu.memory_space<semaphore_mem>>) src(%dma_wait3A_735 : memref<784x8xf32, #tpu.memory_space<vmem>>) dst(%dma_wait3A_740 : memref<100096x8xf32, #tpu.memory_space<vmem_shared>>)
    %dma_wait3A_743 = arith.constant 0 : i32
    %dma_wait3A_744 = arith.constant 0 : i32
    %dma_wait3A_745 = arith.constant 0 : i32
    %dma_wait3A_746 = arith.constant 0 : i32
    %dma_wait3A_747 = tpu.memref_slice %arg11[%dma_wait3A_743, %dma_wait3A_745, %dma_wait3A_746] : memref<2x784x8xf32, #tpu.memory_space<vmem>> -> memref<1x784x8xf32, #tpu.memory_space<vmem>>
    %dma_wait3A_748 = tpu.memref_squeeze %dma_wait3A_747 : memref<1x784x8xf32, #tpu.memory_space<vmem>> -> memref<784x8xf32, #tpu.memory_space<vmem>>
    %dma_wait3A_749 = arith.constant 0 : i32
    %dma_wait3A_750 = tpu.memref_slice %arg8[%dma_wait3A_749] : memref<6272xi32, #tpu.memory_space<vmem>> -> memref<784xi32, #tpu.memory_space<vmem>>
    %dma_wait3A_751 = arith.constant 0 : i32
    %dma_wait3A_752 = arith.constant 0 : i32
    %dma_wait3A_753 = tpu.memref_slice %arg6[%dma_wait3A_751, %dma_wait3A_752] : memref<100096x8xf32, #tpu.memory_space<vmem_shared>> -> memref<100096x8xf32, #tpu.memory_space<vmem_shared>>
    %dma_wait3A_754 = tpu.memref_slice %arg13[%dma_wait3A_744] : memref<2x!tpu.dma_semaphore, #tpu.memory_space<semaphore_mem>> -> memref<1x!tpu.dma_semaphore, #tpu.memory_space<semaphore_mem>>
    %dma_wait3A_755 = tpu.memref_squeeze %dma_wait3A_754 : memref<1x!tpu.dma_semaphore, #tpu.memory_space<semaphore_mem>> -> memref<!tpu.dma_semaphore, #tpu.memory_space<semaphore_mem>>
    tpu.wait_indirect_dma semaphore(%dma_wait3A_755 : memref<!tpu.dma_semaphore, #tpu.memory_space<semaphore_mem>>) src(%dma_wait3A_748 : memref<784x8xf32, #tpu.memory_space<vmem>>) dst(%dma_wait3A_753 : memref<100096x8xf32, #tpu.memory_space<vmem_shared>>)
    %dma_wait3A_756 = arith.constant 0 : i32
    %dma_wait3A_757 = arith.constant 0 : i32
    %dma_wait3A_758 = arith.constant 0 : i32
    %dma_wait3A_759 = arith.constant 0 : i32
    %dma_wait3A_760 = tpu.memref_slice %arg11[%dma_wait3A_756, %dma_wait3A_758, %dma_wait3A_759] : memref<2x784x8xf32, #tpu.memory_space<vmem>> -> memref<1x784x8xf32, #tpu.memory_space<vmem>>
    %dma_wait3A_761 = tpu.memref_squeeze %dma_wait3A_760 : memref<1x784x8xf32, #tpu.memory_space<vmem>> -> memref<784x8xf32, #tpu.memory_space<vmem>>
    %dma_wait3A_762 = arith.constant 0 : i32
    %dma_wait3A_763 = tpu.memref_slice %arg9[%dma_wait3A_762] : memref<6272xi32, #tpu.memory_space<vmem>> -> memref<784xi32, #tpu.memory_space<vmem>>
    %dma_wait3A_764 = arith.constant 0 : i32
    %dma_wait3A_765 = arith.constant 0 : i32
    %dma_wait3A_766 = tpu.memref_slice %arg6[%dma_wait3A_764, %dma_wait3A_765] : memref<100096x8xf32, #tpu.memory_space<vmem_shared>> -> memref<100096x8xf32, #tpu.memory_space<vmem_shared>>
    %dma_wait3A_767 = tpu.memref_slice %arg13[%dma_wait3A_757] : memref<2x!tpu.dma_semaphore, #tpu.memory_space<semaphore_mem>> -> memref<1x!tpu.dma_semaphore, #tpu.memory_space<semaphore_mem>>
    %dma_wait3A_768 = tpu.memref_squeeze %dma_wait3A_767 : memref<1x!tpu.dma_semaphore, #tpu.memory_space<semaphore_mem>> -> memref<!tpu.dma_semaphore, #tpu.memory_space<semaphore_mem>>
    tpu.wait_indirect_dma semaphore(%dma_wait3A_768 : memref<!tpu.dma_semaphore, #tpu.memory_space<semaphore_mem>>) src(%dma_wait3A_761 : memref<784x8xf32, #tpu.memory_space<vmem>>) dst(%dma_wait3A_766 : memref<100096x8xf32, #tpu.memory_space<vmem_shared>>)
    %scan3A_769 = arith.constant 0 : i32
    %scan3A_770 = arith.constant 49 : i32
    %scan3A_771 = arith.addi %scan3A_769, %scan3A_770 : i32
    %scan3A_772 = arith.constant 1 : i32
    scf.for %scan3A_1354 = %scan3A_769 to %scan3A_771 step %scan3A_772  : i32 {
      %mul3A_1355 = arith.constant 1 : i32
      %mul3A_1356 = arith.muli %scan3A_1354, %mul3A_1355 : i32
      %add3A_1357 = arith.constant 0 : i32
      %add3A_1358 = arith.addi %add3A_1357, %mul3A_1356 : i32
      %mul3A_1359 = arith.constant 16 : i32
      %mul3A_1360 = arith.muli %add3A_1358, %mul3A_1359 : i32
      %add3A_1361 = vector.broadcast %mul3A_1360 : i32 to vector<16xi32>
      %add3A_1362 = arith.addi %add3A_1361, %iota3A : vector<16xi32>
      %broadcast_in_dim3A_1363 = arith.constant 0 : i32
      %broadcast_in_dim3A_1364 = vector.broadcast %broadcast_in_dim3A_1363 : i32 to vector<16xi32>
      %broadcast_in_dim3A_1365 = arith.constant 0 : i32
      %broadcast_in_dim3A_1366 = vector.broadcast %broadcast_in_dim3A_1365 : i32 to vector<16xi32>
      %broadcast_in_dim3A_1367 = arith.constant 0 : i32
      %broadcast_in_dim3A_1368 = vector.broadcast %broadcast_in_dim3A_1367 : i32 to vector<16xi32>
      %gather3A = tpu.vector_load_idx %arg10[%broadcast_in_dim3A_1364, %broadcast_in_dim3A_1366, %add3A_1362, %broadcast_in_dim3A_1368] : memref<2x3x784x8xf32, #tpu.memory_space<vmem>>[vector<16xi32>, vector<16xi32>, vector<16xi32>, vector<16xi32>], vector<16xf32>,
      %broadcast_in_dim3A_1369 = arith.constant 0 : i32
      %broadcast_in_dim3A_1370 = vector.broadcast %broadcast_in_dim3A_1369 : i32 to vector<16xi32>
      %broadcast_in_dim3A_1371 = arith.constant 1 : i32
      %broadcast_in_dim3A_1372 = vector.broadcast %broadcast_in_dim3A_1371 : i32 to vector<16xi32>
      %gather3A_1373 = tpu.vector_load_idx %arg10[%broadcast_in_dim3A_1364, %broadcast_in_dim3A_1370, %add3A_1362, %broadcast_in_dim3A_1372] : memref<2x3x784x8xf32, #tpu.memory_space<vmem>>[vector<16xi32>, vector<16xi32>, vector<16xi32>, vector<16xi32>], vector<16xf32>,
      %broadcast_in_dim3A_1374 = arith.constant 0 : i32
      %broadcast_in_dim3A_1375 = vector.broadcast %broadcast_in_dim3A_1374 : i32 to vector<16xi32>
      %broadcast_in_dim3A_1376 = arith.constant 2 : i32
      %broadcast_in_dim3A_1377 = vector.broadcast %broadcast_in_dim3A_1376 : i32 to vector<16xi32>
      %gather3A_1378 = tpu.vector_load_idx %arg10[%broadcast_in_dim3A_1364, %broadcast_in_dim3A_1375, %add3A_1362, %broadcast_in_dim3A_1377] : memref<2x3x784x8xf32, #tpu.memory_space<vmem>>[vector<16xi32>, vector<16xi32>, vector<16xi32>, vector<16xi32>], vector<16xf32>,
      %broadcast_in_dim3A_1379 = arith.constant 1 : i32
      %broadcast_in_dim3A_1380 = vector.broadcast %broadcast_in_dim3A_1379 : i32 to vector<16xi32>
      %broadcast_in_dim3A_1381 = arith.constant 0 : i32
      %broadcast_in_dim3A_1382 = vector.broadcast %broadcast_in_dim3A_1381 : i32 to vector<16xi32>
      %gather3A_1383 = tpu.vector_load_idx %arg10[%broadcast_in_dim3A_1364, %broadcast_in_dim3A_1380, %add3A_1362, %broadcast_in_dim3A_1382] : memref<2x3x784x8xf32, #tpu.memory_space<vmem>>[vector<16xi32>, vector<16xi32>, vector<16xi32>, vector<16xi32>], vector<16xf32>,
      %broadcast_in_dim3A_1384 = arith.constant 1 : i32
      %broadcast_in_dim3A_1385 = vector.broadcast %broadcast_in_dim3A_1384 : i32 to vector<16xi32>
      %broadcast_in_dim3A_1386 = arith.constant 1 : i32
      %broadcast_in_dim3A_1387 = vector.broadcast %broadcast_in_dim3A_1386 : i32 to vector<16xi32>
      %gather3A_1388 = tpu.vector_load_idx %arg10[%broadcast_in_dim3A_1364, %broadcast_in_dim3A_1385, %add3A_1362, %broadcast_in_dim3A_1387] : memref<2x3x784x8xf32, #tpu.memory_space<vmem>>[vector<16xi32>, vector<16xi32>, vector<16xi32>, vector<16xi32>], vector<16xf32>,
      %broadcast_in_dim3A_1389 = arith.constant 1 : i32
      %broadcast_in_dim3A_1390 = vector.broadcast %broadcast_in_dim3A_1389 : i32 to vector<16xi32>
      %broadcast_in_dim3A_1391 = arith.constant 2 : i32
      %broadcast_in_dim3A_1392 = vector.broadcast %broadcast_in_dim3A_1391 : i32 to vector<16xi32>
      %gather3A_1393 = tpu.vector_load_idx %arg10[%broadcast_in_dim3A_1364, %broadcast_in_dim3A_1390, %add3A_1362, %broadcast_in_dim3A_1392] : memref<2x3x784x8xf32, #tpu.memory_space<vmem>>[vector<16xi32>, vector<16xi32>, vector<16xi32>, vector<16xi32>], vector<16xf32>,
      %broadcast_in_dim3A_1394 = arith.constant 2 : i32
      %broadcast_in_dim3A_1395 = vector.broadcast %broadcast_in_dim3A_1394 : i32 to vector<16xi32>
      %broadcast_in_dim3A_1396 = arith.constant 0 : i32
      %broadcast_in_dim3A_1397 = vector.broadcast %broadcast_in_dim3A_1396 : i32 to vector<16xi32>
      %gather3A_1398 = tpu.vector_load_idx %arg10[%broadcast_in_dim3A_1364, %broadcast_in_dim3A_1395, %add3A_1362, %broadcast_in_dim3A_1397] : memref<2x3x784x8xf32, #tpu.memory_space<vmem>>[vector<16xi32>, vector<16xi32>, vector<16xi32>, vector<16xi32>], vector<16xf32>,
      %broadcast_in_dim3A_1399 = arith.constant 2 : i32
      %broadcast_in_dim3A_1400 = vector.broadcast %broadcast_in_dim3A_1399 : i32 to vector<16xi32>
      %broadcast_in_dim3A_1401 = arith.constant 1 : i32
      %broadcast_in_dim3A_1402 = vector.broadcast %broadcast_in_dim3A_1401 : i32 to vector<16xi32>
      %gather3A_1403 = tpu.vector_load_idx %arg10[%broadcast_in_dim3A_1364, %broadcast_in_dim3A_1400, %add3A_1362, %broadcast_in_dim3A_1402] : memref<2x3x784x8xf32, #tpu.memory_space<vmem>>[vector<16xi32>, vector<16xi32>, vector<16xi32>, vector<16xi32>], vector<16xf32>,
      %broadcast_in_dim3A_1404 = arith.constant 2 : i32
      %broadcast_in_dim3A_1405 = vector.broadcast %broadcast_in_dim3A_1404 : i32 to vector<16xi32>
      %broadcast_in_dim3A_1406 = arith.constant 2 : i32
      %broadcast_in_dim3A_1407 = vector.broadcast %broadcast_in_dim3A_1406 : i32 to vector<16xi32>
      %gather3A_1408 = tpu.vector_load_idx %arg10[%broadcast_in_dim3A_1364, %broadcast_in_dim3A_1405, %add3A_1362, %broadcast_in_dim3A_1407] : memref<2x3x784x8xf32, #tpu.memory_space<vmem>>[vector<16xi32>, vector<16xi32>, vector<16xi32>, vector<16xi32>], vector<16xf32>,
      %sub3A = arith.subf %gather3A_1383, %gather3A : vector<16xf32>
      %sub3A_1409 = arith.subf %gather3A_1388, %gather3A_1373 : vector<16xf32>
      %sub3A_1410 = arith.subf %gather3A_1393, %gather3A_1378 : vector<16xf32>
      %sub3A_1411 = arith.subf %gather3A_1398, %gather3A : vector<16xf32>
      %sub3A_1412 = arith.subf %gather3A_1403, %gather3A_1373 : vector<16xf32>
      %sub3A_1413 = arith.subf %gather3A_1408, %gather3A_1378 : vector<16xf32>
      %mul3A_1414 = arith.mulf %sub3A_1409, %sub3A_1413 : vector<16xf32>
      %mul3A_1415 = arith.mulf %sub3A_1410, %sub3A_1412 : vector<16xf32>
      %sub3A_1416 = arith.subf %mul3A_1414, %mul3A_1415 : vector<16xf32>
      %mul3A_1417 = arith.mulf %sub3A_1410, %sub3A_1411 : vector<16xf32>
      %mul3A_1418 = arith.mulf %sub3A, %sub3A_1413 : vector<16xf32>
      %sub3A_1419 = arith.subf %mul3A_1417, %mul3A_1418 : vector<16xf32>
      %mul3A_1420 = arith.mulf %sub3A, %sub3A_1412 : vector<16xf32>
      %mul3A_1421 = arith.mulf %sub3A_1409, %sub3A_1411 : vector<16xf32>
      %sub3A_1422 = arith.subf %mul3A_1420, %mul3A_1421 : vector<16xf32>
      %broadcast_in_dim3A_1423 = arith.constant 0 : i32
      %broadcast_in_dim3A_1424 = vector.broadcast %broadcast_in_dim3A_1423 : i32 to vector<16xi32>
      tpu.vector_store_idx %arg11[%broadcast_in_dim3A_1364, %add3A_1362, %broadcast_in_dim3A_1424], %sub3A_1416 : memref<2x784x8xf32, #tpu.memory_space<vmem>>[vector<16xi32>, vector<16xi32>, vector<16xi32>], vector<16xf32>,
      %broadcast_in_dim3A_1425 = arith.constant 1 : i32
      %broadcast_in_dim3A_1426 = vector.broadcast %broadcast_in_dim3A_1425 : i32 to vector<16xi32>
      tpu.vector_store_idx %arg11[%broadcast_in_dim3A_1364, %add3A_1362, %broadcast_in_dim3A_1426], %sub3A_1419 : memref<2x784x8xf32, #tpu.memory_space<vmem>>[vector<16xi32>, vector<16xi32>, vector<16xi32>], vector<16xf32>,
      %broadcast_in_dim3A_1427 = arith.constant 2 : i32
      %broadcast_in_dim3A_1428 = vector.broadcast %broadcast_in_dim3A_1427 : i32 to vector<16xi32>
      tpu.vector_store_idx %arg11[%broadcast_in_dim3A_1364, %add3A_1362, %broadcast_in_dim3A_1428], %sub3A_1422 : memref<2x784x8xf32, #tpu.memory_space<vmem>>[vector<16xi32>, vector<16xi32>, vector<16xi32>], vector<16xf32>,
    }
    %scan3A_773 = arith.constant 49 : i32
    %dma_start3A_774 = arith.constant 0 : i32
    %dma_start3A_775 = arith.constant 0 : i32
    %dma_start3A_776 = arith.constant 0 : i32
    %dma_start3A_777 = arith.constant 0 : i32
    %dma_start3A_778 = tpu.memref_slice %arg11[%dma_start3A_774, %dma_start3A_776, %dma_start3A_777] : memref<2x784x8xf32, #tpu.memory_space<vmem>> -> memref<1x784x8xf32, #tpu.memory_space<vmem>>
    %dma_start3A_779 = tpu.memref_squeeze %dma_start3A_778 : memref<1x784x8xf32, #tpu.memory_space<vmem>> -> memref<784x8xf32, #tpu.memory_space<vmem>>
    %dma_start3A_780 = arith.constant 3136 : i32
    %dma_start3A_781 = tpu.memref_slice %arg7[%dma_start3A_780] : memref<6272xi32, #tpu.memory_space<vmem>> -> memref<784xi32, #tpu.memory_space<vmem>>
    %dma_start3A_782 = arith.constant 0 : i32
    %dma_start3A_783 = arith.constant 0 : i32
    %dma_start3A_784 = tpu.memref_slice %arg6[%dma_start3A_782, %dma_start3A_783] : memref<100096x8xf32, #tpu.memory_space<vmem_shared>> -> memref<100096x8xf32, #tpu.memory_space<vmem_shared>>
    %dma_start3A_785 = tpu.memref_slice %arg13[%dma_start3A_775] : memref<2x!tpu.dma_semaphore, #tpu.memory_space<semaphore_mem>> -> memref<1x!tpu.dma_semaphore, #tpu.memory_space<semaphore_mem>>
    %dma_start3A_786 = tpu.memref_squeeze %dma_start3A_785 : memref<1x!tpu.dma_semaphore, #tpu.memory_space<semaphore_mem>> -> memref<!tpu.dma_semaphore, #tpu.memory_space<semaphore_mem>>
    tpu.enqueue_indirect_dma source(%dma_start3A_779 : memref<784x8xf32, #tpu.memory_space<vmem>>) target(%dma_start3A_784 : memref<100096x8xf32, #tpu.memory_space<vmem_shared>>) offsets(%dma_start3A_781 : memref<784xi32, #tpu.memory_space<vmem>>) semaphore(%dma_start3A_786 : memref<!tpu.dma_semaphore, #tpu.memory_space<semaphore_mem>>) {add = true}
    %dma_start3A_787 = arith.constant 0 : i32
    %dma_start3A_788 = arith.constant 0 : i32
    %dma_start3A_789 = arith.constant 0 : i32
    %dma_start3A_790 = arith.constant 0 : i32
    %dma_start3A_791 = tpu.memref_slice %arg11[%dma_start3A_787, %dma_start3A_789, %dma_start3A_790] : memref<2x784x8xf32, #tpu.memory_space<vmem>> -> memref<1x784x8xf32, #tpu.memory_space<vmem>>
    %dma_start3A_792 = tpu.memref_squeeze %dma_start3A_791 : memref<1x784x8xf32, #tpu.memory_space<vmem>> -> memref<784x8xf32, #tpu.memory_space<vmem>>
    %dma_start3A_793 = arith.constant 3136 : i32
    %dma_start3A_794 = tpu.memref_slice %arg8[%dma_start3A_793] : memref<6272xi32, #tpu.memory_space<vmem>> -> memref<784xi32, #tpu.memory_space<vmem>>
    %dma_start3A_795 = arith.constant 0 : i32
    %dma_start3A_796 = arith.constant 0 : i32
    %dma_start3A_797 = tpu.memref_slice %arg6[%dma_start3A_795, %dma_start3A_796] : memref<100096x8xf32, #tpu.memory_space<vmem_shared>> -> memref<100096x8xf32, #tpu.memory_space<vmem_shared>>
    %dma_start3A_798 = tpu.memref_slice %arg13[%dma_start3A_788] : memref<2x!tpu.dma_semaphore, #tpu.memory_space<semaphore_mem>> -> memref<1x!tpu.dma_semaphore, #tpu.memory_space<semaphore_mem>>
    %dma_start3A_799 = tpu.memref_squeeze %dma_start3A_798 : memref<1x!tpu.dma_semaphore, #tpu.memory_space<semaphore_mem>> -> memref<!tpu.dma_semaphore, #tpu.memory_space<semaphore_mem>>
    tpu.enqueue_indirect_dma source(%dma_start3A_792 : memref<784x8xf32, #tpu.memory_space<vmem>>) target(%dma_start3A_797 : memref<100096x8xf32, #tpu.memory_space<vmem_shared>>) offsets(%dma_start3A_794 : memref<784xi32, #tpu.memory_space<vmem>>) semaphore(%dma_start3A_799 : memref<!tpu.dma_semaphore, #tpu.memory_space<semaphore_mem>>) {add = true}
    %dma_start3A_800 = arith.constant 0 : i32
    %dma_start3A_801 = arith.constant 0 : i32
    %dma_start3A_802 = arith.constant 0 : i32
    %dma_start3A_803 = arith.constant 0 : i32
    %dma_start3A_804 = tpu.memref_slice %arg11[%dma_start3A_800, %dma_start3A_802, %dma_start3A_803] : memref<2x784x8xf32, #tpu.memory_space<vmem>> -> memref<1x784x8xf32, #tpu.memory_space<vmem>>
    %dma_start3A_805 = tpu.memref_squeeze %dma_start3A_804 : memref<1x784x8xf32, #tpu.memory_space<vmem>> -> memref<784x8xf32, #tpu.memory_space<vmem>>
    %dma_start3A_806 = arith.constant 3136 : i32
    %dma_start3A_807 = tpu.memref_slice %arg9[%dma_start3A_806] : memref<6272xi32, #tpu.memory_space<vmem>> -> memref<784xi32, #tpu.memory_space<vmem>>
    %dma_start3A_808 = arith.constant 0 : i32
    %dma_start3A_809 = arith.constant 0 : i32
    %dma_start3A_810 = tpu.memref_slice %arg6[%dma_start3A_808, %dma_start3A_809] : memref<100096x8xf32, #tpu.memory_space<vmem_shared>> -> memref<100096x8xf32, #tpu.memory_space<vmem_shared>>
    %dma_start3A_811 = tpu.memref_slice %arg13[%dma_start3A_801] : memref<2x!tpu.dma_semaphore, #tpu.memory_space<semaphore_mem>> -> memref<1x!tpu.dma_semaphore, #tpu.memory_space<semaphore_mem>>
    %dma_start3A_812 = tpu.memref_squeeze %dma_start3A_811 : memref<1x!tpu.dma_semaphore, #tpu.memory_space<semaphore_mem>> -> memref<!tpu.dma_semaphore, #tpu.memory_space<semaphore_mem>>
    tpu.enqueue_indirect_dma source(%dma_start3A_805 : memref<784x8xf32, #tpu.memory_space<vmem>>) target(%dma_start3A_810 : memref<100096x8xf32, #tpu.memory_space<vmem_shared>>) offsets(%dma_start3A_807 : memref<784xi32, #tpu.memory_space<vmem>>) semaphore(%dma_start3A_812 : memref<!tpu.dma_semaphore, #tpu.memory_space<semaphore_mem>>) {add = true}
    %dma_wait3A_813 = arith.constant 1 : i32
    %dma_wait3A_814 = arith.constant 0 : i32
    %dma_wait3A_815 = arith.constant 1 : i32
    %dma_wait3A_816 = arith.constant 0 : i32
    %dma_wait3A_817 = arith.constant 0 : i32
    %dma_wait3A_818 = tpu.memref_slice %arg10[%dma_wait3A_813, %dma_wait3A_814, %dma_wait3A_816, %dma_wait3A_817] : memref<2x3x784x8xf32, #tpu.memory_space<vmem>> -> memref<1x1x784x8xf32, #tpu.memory_space<vmem>>
    %dma_wait3A_819 = tpu.memref_squeeze %dma_wait3A_818 : memref<1x1x784x8xf32, #tpu.memory_space<vmem>> -> memref<784x8xf32, #tpu.memory_space<vmem>>
    %dma_wait3A_820 = arith.constant 0 : i32
    %dma_wait3A_821 = tpu.memref_slice %arg7[%dma_wait3A_820] : memref<6272xi32, #tpu.memory_space<vmem>> -> memref<784xi32, #tpu.memory_space<vmem>>
    %dma_wait3A_822 = arith.constant 0 : i32
    %dma_wait3A_823 = arith.constant 0 : i32
    %dma_wait3A_824 = tpu.memref_slice %arg2[%dma_wait3A_822, %dma_wait3A_823] : memref<100096x8xf32, #tpu.memory_space<hbm>> -> memref<100096x8xf32, #tpu.memory_space<hbm>>
    %dma_wait3A_825 = tpu.memref_slice %arg12[%dma_wait3A_815] : memref<2x!tpu.dma_semaphore, #tpu.memory_space<semaphore_mem>> -> memref<1x!tpu.dma_semaphore, #tpu.memory_space<semaphore_mem>>
    %dma_wait3A_826 = tpu.memref_squeeze %dma_wait3A_825 : memref<1x!tpu.dma_semaphore, #tpu.memory_space<semaphore_mem>> -> memref<!tpu.dma_semaphore, #tpu.memory_space<semaphore_mem>>
    tpu.wait_indirect_dma semaphore(%dma_wait3A_826 : memref<!tpu.dma_semaphore, #tpu.memory_space<semaphore_mem>>) src(%dma_wait3A_824 : memref<100096x8xf32, #tpu.memory_space<hbm>>) dst(%dma_wait3A_819 : memref<784x8xf32, #tpu.memory_space<vmem>>)
    %dma_wait3A_827 = arith.constant 1 : i32
    %dma_wait3A_828 = arith.constant 1 : i32
    %dma_wait3A_829 = arith.constant 1 : i32
    %dma_wait3A_830 = arith.constant 0 : i32
    %dma_wait3A_831 = arith.constant 0 : i32
    %dma_wait3A_832 = tpu.memref_slice %arg10[%dma_wait3A_827, %dma_wait3A_828, %dma_wait3A_830, %dma_wait3A_831] : memref<2x3x784x8xf32, #tpu.memory_space<vmem>> -> memref<1x1x784x8xf32, #tpu.memory_space<vmem>>
    %dma_wait3A_833 = tpu.memref_squeeze %dma_wait3A_832 : memref<1x1x784x8xf32, #tpu.memory_space<vmem>> -> memref<784x8xf32, #tpu.memory_space<vmem>>
    %dma_wait3A_834 = arith.constant 0 : i32
    %dma_wait3A_835 = tpu.memref_slice %arg8[%dma_wait3A_834] : memref<6272xi32, #tpu.memory_space<vmem>> -> memref<784xi32, #tpu.memory_space<vmem>>
    %dma_wait3A_836 = arith.constant 0 : i32
    %dma_wait3A_837 = arith.constant 0 : i32
    %dma_wait3A_838 = tpu.memref_slice %arg2[%dma_wait3A_836, %dma_wait3A_837] : memref<100096x8xf32, #tpu.memory_space<hbm>> -> memref<100096x8xf32, #tpu.memory_space<hbm>>
    %dma_wait3A_839 = tpu.memref_slice %arg12[%dma_wait3A_829] : memref<2x!tpu.dma_semaphore, #tpu.memory_space<semaphore_mem>> -> memref<1x!tpu.dma_semaphore, #tpu.memory_space<semaphore_mem>>
    %dma_wait3A_840 = tpu.memref_squeeze %dma_wait3A_839 : memref<1x!tpu.dma_semaphore, #tpu.memory_space<semaphore_mem>> -> memref<!tpu.dma_semaphore, #tpu.memory_space<semaphore_mem>>
    tpu.wait_indirect_dma semaphore(%dma_wait3A_840 : memref<!tpu.dma_semaphore, #tpu.memory_space<semaphore_mem>>) src(%dma_wait3A_838 : memref<100096x8xf32, #tpu.memory_space<hbm>>) dst(%dma_wait3A_833 : memref<784x8xf32, #tpu.memory_space<vmem>>)
    %dma_wait3A_841 = arith.constant 1 : i32
    %dma_wait3A_842 = arith.constant 2 : i32
    %dma_wait3A_843 = arith.constant 1 : i32
    %dma_wait3A_844 = arith.constant 0 : i32
    %dma_wait3A_845 = arith.constant 0 : i32
    %dma_wait3A_846 = tpu.memref_slice %arg10[%dma_wait3A_841, %dma_wait3A_842, %dma_wait3A_844, %dma_wait3A_845] : memref<2x3x784x8xf32, #tpu.memory_space<vmem>> -> memref<1x1x784x8xf32, #tpu.memory_space<vmem>>
    %dma_wait3A_847 = tpu.memref_squeeze %dma_wait3A_846 : memref<1x1x784x8xf32, #tpu.memory_space<vmem>> -> memref<784x8xf32, #tpu.memory_space<vmem>>
    %dma_wait3A_848 = arith.constant 0 : i32
    %dma_wait3A_849 = tpu.memref_slice %arg9[%dma_wait3A_848] : memref<6272xi32, #tpu.memory_space<vmem>> -> memref<784xi32, #tpu.memory_space<vmem>>
    %dma_wait3A_850 = arith.constant 0 : i32
    %dma_wait3A_851 = arith.constant 0 : i32
    %dma_wait3A_852 = tpu.memref_slice %arg2[%dma_wait3A_850, %dma_wait3A_851] : memref<100096x8xf32, #tpu.memory_space<hbm>> -> memref<100096x8xf32, #tpu.memory_space<hbm>>
    %dma_wait3A_853 = tpu.memref_slice %arg12[%dma_wait3A_843] : memref<2x!tpu.dma_semaphore, #tpu.memory_space<semaphore_mem>> -> memref<1x!tpu.dma_semaphore, #tpu.memory_space<semaphore_mem>>
    %dma_wait3A_854 = tpu.memref_squeeze %dma_wait3A_853 : memref<1x!tpu.dma_semaphore, #tpu.memory_space<semaphore_mem>> -> memref<!tpu.dma_semaphore, #tpu.memory_space<semaphore_mem>>
    tpu.wait_indirect_dma semaphore(%dma_wait3A_854 : memref<!tpu.dma_semaphore, #tpu.memory_space<semaphore_mem>>) src(%dma_wait3A_852 : memref<100096x8xf32, #tpu.memory_space<hbm>>) dst(%dma_wait3A_847 : memref<784x8xf32, #tpu.memory_space<vmem>>)
    %dma_start3A_855 = arith.constant 0 : i32
    %dma_start3A_856 = arith.constant 0 : i32
    %dma_start3A_857 = arith.constant 0 : i32
    %dma_start3A_858 = arith.constant 0 : i32
    %dma_start3A_859 = arith.constant 0 : i32
    %dma_start3A_860 = tpu.memref_slice %arg10[%dma_start3A_855, %dma_start3A_856, %dma_start3A_858, %dma_start3A_859] : memref<2x3x784x8xf32, #tpu.memory_space<vmem>> -> memref<1x1x784x8xf32, #tpu.memory_space<vmem>>
    %dma_start3A_861 = tpu.memref_squeeze %dma_start3A_860 : memref<1x1x784x8xf32, #tpu.memory_space<vmem>> -> memref<784x8xf32, #tpu.memory_space<vmem>>
    %dma_start3A_862 = arith.constant 4704 : i32
    %dma_start3A_863 = tpu.memref_slice %arg7[%dma_start3A_862] : memref<6272xi32, #tpu.memory_space<vmem>> -> memref<784xi32, #tpu.memory_space<vmem>>
    %dma_start3A_864 = arith.constant 0 : i32
    %dma_start3A_865 = arith.constant 0 : i32
    %dma_start3A_866 = tpu.memref_slice %arg2[%dma_start3A_864, %dma_start3A_865] : memref<100096x8xf32, #tpu.memory_space<hbm>> -> memref<100096x8xf32, #tpu.memory_space<hbm>>
    %dma_start3A_867 = tpu.memref_slice %arg12[%dma_start3A_857] : memref<2x!tpu.dma_semaphore, #tpu.memory_space<semaphore_mem>> -> memref<1x!tpu.dma_semaphore, #tpu.memory_space<semaphore_mem>>
    %dma_start3A_868 = tpu.memref_squeeze %dma_start3A_867 : memref<1x!tpu.dma_semaphore, #tpu.memory_space<semaphore_mem>> -> memref<!tpu.dma_semaphore, #tpu.memory_space<semaphore_mem>>
    tpu.enqueue_indirect_dma source(%dma_start3A_866 : memref<100096x8xf32, #tpu.memory_space<hbm>>) target(%dma_start3A_861 : memref<784x8xf32, #tpu.memory_space<vmem>>) offsets(%dma_start3A_863 : memref<784xi32, #tpu.memory_space<vmem>>) semaphore(%dma_start3A_868 : memref<!tpu.dma_semaphore, #tpu.memory_space<semaphore_mem>>)
    %dma_start3A_869 = arith.constant 0 : i32
    %dma_start3A_870 = arith.constant 1 : i32
    %dma_start3A_871 = arith.constant 0 : i32
    %dma_start3A_872 = arith.constant 0 : i32
    %dma_start3A_873 = arith.constant 0 : i32
    %dma_start3A_874 = tpu.memref_slice %arg10[%dma_start3A_869, %dma_start3A_870, %dma_start3A_872, %dma_start3A_873] : memref<2x3x784x8xf32, #tpu.memory_space<vmem>> -> memref<1x1x784x8xf32, #tpu.memory_space<vmem>>
    %dma_start3A_875 = tpu.memref_squeeze %dma_start3A_874 : memref<1x1x784x8xf32, #tpu.memory_space<vmem>> -> memref<784x8xf32, #tpu.memory_space<vmem>>
    %dma_start3A_876 = arith.constant 4704 : i32
    %dma_start3A_877 = tpu.memref_slice %arg8[%dma_start3A_876] : memref<6272xi32, #tpu.memory_space<vmem>> -> memref<784xi32, #tpu.memory_space<vmem>>
    %dma_start3A_878 = arith.constant 0 : i32
    %dma_start3A_879 = arith.constant 0 : i32
    %dma_start3A_880 = tpu.memref_slice %arg2[%dma_start3A_878, %dma_start3A_879] : memref<100096x8xf32, #tpu.memory_space<hbm>> -> memref<100096x8xf32, #tpu.memory_space<hbm>>
    %dma_start3A_881 = tpu.memref_slice %arg12[%dma_start3A_871] : memref<2x!tpu.dma_semaphore, #tpu.memory_space<semaphore_mem>> -> memref<1x!tpu.dma_semaphore, #tpu.memory_space<semaphore_mem>>
    %dma_start3A_882 = tpu.memref_squeeze %dma_start3A_881 : memref<1x!tpu.dma_semaphore, #tpu.memory_space<semaphore_mem>> -> memref<!tpu.dma_semaphore, #tpu.memory_space<semaphore_mem>>
    tpu.enqueue_indirect_dma source(%dma_start3A_880 : memref<100096x8xf32, #tpu.memory_space<hbm>>) target(%dma_start3A_875 : memref<784x8xf32, #tpu.memory_space<vmem>>) offsets(%dma_start3A_877 : memref<784xi32, #tpu.memory_space<vmem>>) semaphore(%dma_start3A_882 : memref<!tpu.dma_semaphore, #tpu.memory_space<semaphore_mem>>)
    %dma_start3A_883 = arith.constant 0 : i32
    %dma_start3A_884 = arith.constant 2 : i32
    %dma_start3A_885 = arith.constant 0 : i32
    %dma_start3A_886 = arith.constant 0 : i32
    %dma_start3A_887 = arith.constant 0 : i32
    %dma_start3A_888 = tpu.memref_slice %arg10[%dma_start3A_883, %dma_start3A_884, %dma_start3A_886, %dma_start3A_887] : memref<2x3x784x8xf32, #tpu.memory_space<vmem>> -> memref<1x1x784x8xf32, #tpu.memory_space<vmem>>
    %dma_start3A_889 = tpu.memref_squeeze %dma_start3A_888 : memref<1x1x784x8xf32, #tpu.memory_space<vmem>> -> memref<784x8xf32, #tpu.memory_space<vmem>>
    %dma_start3A_890 = arith.constant 4704 : i32
    %dma_start3A_891 = tpu.memref_slice %arg9[%dma_start3A_890] : memref<6272xi32, #tpu.memory_space<vmem>> -> memref<784xi32, #tpu.memory_space<vmem>>
    %dma_start3A_892 = arith.constant 0 : i32
    %dma_start3A_893 = arith.constant 0 : i32
    %dma_start3A_894 = tpu.memref_slice %arg2[%dma_start3A_892, %dma_start3A_893] : memref<100096x8xf32, #tpu.memory_space<hbm>> -> memref<100096x8xf32, #tpu.memory_space<hbm>>
    %dma_start3A_895 = tpu.memref_slice %arg12[%dma_start3A_885] : memref<2x!tpu.dma_semaphore, #tpu.memory_space<semaphore_mem>> -> memref<1x!tpu.dma_semaphore, #tpu.memory_space<semaphore_mem>>
    %dma_start3A_896 = tpu.memref_squeeze %dma_start3A_895 : memref<1x!tpu.dma_semaphore, #tpu.memory_space<semaphore_mem>> -> memref<!tpu.dma_semaphore, #tpu.memory_space<semaphore_mem>>
    tpu.enqueue_indirect_dma source(%dma_start3A_894 : memref<100096x8xf32, #tpu.memory_space<hbm>>) target(%dma_start3A_889 : memref<784x8xf32, #tpu.memory_space<vmem>>) offsets(%dma_start3A_891 : memref<784xi32, #tpu.memory_space<vmem>>) semaphore(%dma_start3A_896 : memref<!tpu.dma_semaphore, #tpu.memory_space<semaphore_mem>>)
    %dma_wait3A_897 = arith.constant 1 : i32
    %dma_wait3A_898 = arith.constant 1 : i32
    %dma_wait3A_899 = arith.constant 0 : i32
    %dma_wait3A_900 = arith.constant 0 : i32
    %dma_wait3A_901 = tpu.memref_slice %arg11[%dma_wait3A_897, %dma_wait3A_899, %dma_wait3A_900] : memref<2x784x8xf32, #tpu.memory_space<vmem>> -> memref<1x784x8xf32, #tpu.memory_space<vmem>>
    %dma_wait3A_902 = tpu.memref_squeeze %dma_wait3A_901 : memref<1x784x8xf32, #tpu.memory_space<vmem>> -> memref<784x8xf32, #tpu.memory_space<vmem>>
    %dma_wait3A_903 = arith.constant 0 : i32
    %dma_wait3A_904 = tpu.memref_slice %arg7[%dma_wait3A_903] : memref<6272xi32, #tpu.memory_space<vmem>> -> memref<784xi32, #tpu.memory_space<vmem>>
    %dma_wait3A_905 = arith.constant 0 : i32
    %dma_wait3A_906 = arith.constant 0 : i32
    %dma_wait3A_907 = tpu.memref_slice %arg6[%dma_wait3A_905, %dma_wait3A_906] : memref<100096x8xf32, #tpu.memory_space<vmem_shared>> -> memref<100096x8xf32, #tpu.memory_space<vmem_shared>>
    %dma_wait3A_908 = tpu.memref_slice %arg13[%dma_wait3A_898] : memref<2x!tpu.dma_semaphore, #tpu.memory_space<semaphore_mem>> -> memref<1x!tpu.dma_semaphore, #tpu.memory_space<semaphore_mem>>
    %dma_wait3A_909 = tpu.memref_squeeze %dma_wait3A_908 : memref<1x!tpu.dma_semaphore, #tpu.memory_space<semaphore_mem>> -> memref<!tpu.dma_semaphore, #tpu.memory_space<semaphore_mem>>
    tpu.wait_indirect_dma semaphore(%dma_wait3A_909 : memref<!tpu.dma_semaphore, #tpu.memory_space<semaphore_mem>>) src(%dma_wait3A_902 : memref<784x8xf32, #tpu.memory_space<vmem>>) dst(%dma_wait3A_907 : memref<100096x8xf32, #tpu.memory_space<vmem_shared>>)
    %dma_wait3A_910 = arith.constant 1 : i32
    %dma_wait3A_911 = arith.constant 1 : i32
    %dma_wait3A_912 = arith.constant 0 : i32
    %dma_wait3A_913 = arith.constant 0 : i32
    %dma_wait3A_914 = tpu.memref_slice %arg11[%dma_wait3A_910, %dma_wait3A_912, %dma_wait3A_913] : memref<2x784x8xf32, #tpu.memory_space<vmem>> -> memref<1x784x8xf32, #tpu.memory_space<vmem>>
    %dma_wait3A_915 = tpu.memref_squeeze %dma_wait3A_914 : memref<1x784x8xf32, #tpu.memory_space<vmem>> -> memref<784x8xf32, #tpu.memory_space<vmem>>
    %dma_wait3A_916 = arith.constant 0 : i32
    %dma_wait3A_917 = tpu.memref_slice %arg8[%dma_wait3A_916] : memref<6272xi32, #tpu.memory_space<vmem>> -> memref<784xi32, #tpu.memory_space<vmem>>
    %dma_wait3A_918 = arith.constant 0 : i32
    %dma_wait3A_919 = arith.constant 0 : i32
    %dma_wait3A_920 = tpu.memref_slice %arg6[%dma_wait3A_918, %dma_wait3A_919] : memref<100096x8xf32, #tpu.memory_space<vmem_shared>> -> memref<100096x8xf32, #tpu.memory_space<vmem_shared>>
    %dma_wait3A_921 = tpu.memref_slice %arg13[%dma_wait3A_911] : memref<2x!tpu.dma_semaphore, #tpu.memory_space<semaphore_mem>> -> memref<1x!tpu.dma_semaphore, #tpu.memory_space<semaphore_mem>>
    %dma_wait3A_922 = tpu.memref_squeeze %dma_wait3A_921 : memref<1x!tpu.dma_semaphore, #tpu.memory_space<semaphore_mem>> -> memref<!tpu.dma_semaphore, #tpu.memory_space<semaphore_mem>>
    tpu.wait_indirect_dma semaphore(%dma_wait3A_922 : memref<!tpu.dma_semaphore, #tpu.memory_space<semaphore_mem>>) src(%dma_wait3A_915 : memref<784x8xf32, #tpu.memory_space<vmem>>) dst(%dma_wait3A_920 : memref<100096x8xf32, #tpu.memory_space<vmem_shared>>)
    %dma_wait3A_923 = arith.constant 1 : i32
    %dma_wait3A_924 = arith.constant 1 : i32
    %dma_wait3A_925 = arith.constant 0 : i32
    %dma_wait3A_926 = arith.constant 0 : i32
    %dma_wait3A_927 = tpu.memref_slice %arg11[%dma_wait3A_923, %dma_wait3A_925, %dma_wait3A_926] : memref<2x784x8xf32, #tpu.memory_space<vmem>> -> memref<1x784x8xf32, #tpu.memory_space<vmem>>
    %dma_wait3A_928 = tpu.memref_squeeze %dma_wait3A_927 : memref<1x784x8xf32, #tpu.memory_space<vmem>> -> memref<784x8xf32, #tpu.memory_space<vmem>>
    %dma_wait3A_929 = arith.constant 0 : i32
    %dma_wait3A_930 = tpu.memref_slice %arg9[%dma_wait3A_929] : memref<6272xi32, #tpu.memory_space<vmem>> -> memref<784xi32, #tpu.memory_space<vmem>>
    %dma_wait3A_931 = arith.constant 0 : i32
    %dma_wait3A_932 = arith.constant 0 : i32
    %dma_wait3A_933 = tpu.memref_slice %arg6[%dma_wait3A_931, %dma_wait3A_932] : memref<100096x8xf32, #tpu.memory_space<vmem_shared>> -> memref<100096x8xf32, #tpu.memory_space<vmem_shared>>
    %dma_wait3A_934 = tpu.memref_slice %arg13[%dma_wait3A_924] : memref<2x!tpu.dma_semaphore, #tpu.memory_space<semaphore_mem>> -> memref<1x!tpu.dma_semaphore, #tpu.memory_space<semaphore_mem>>
    %dma_wait3A_935 = tpu.memref_squeeze %dma_wait3A_934 : memref<1x!tpu.dma_semaphore, #tpu.memory_space<semaphore_mem>> -> memref<!tpu.dma_semaphore, #tpu.memory_space<semaphore_mem>>
    tpu.wait_indirect_dma semaphore(%dma_wait3A_935 : memref<!tpu.dma_semaphore, #tpu.memory_space<semaphore_mem>>) src(%dma_wait3A_928 : memref<784x8xf32, #tpu.memory_space<vmem>>) dst(%dma_wait3A_933 : memref<100096x8xf32, #tpu.memory_space<vmem_shared>>)
    %scan3A_936 = arith.constant 0 : i32
    %scan3A_937 = arith.constant 49 : i32
    %scan3A_938 = arith.addi %scan3A_936, %scan3A_937 : i32
    %scan3A_939 = arith.constant 1 : i32
    scf.for %scan3A_1354 = %scan3A_936 to %scan3A_938 step %scan3A_939  : i32 {
      %mul3A_1355 = arith.constant 1 : i32
      %mul3A_1356 = arith.muli %scan3A_1354, %mul3A_1355 : i32
      %add3A_1357 = arith.constant 0 : i32
      %add3A_1358 = arith.addi %add3A_1357, %mul3A_1356 : i32
      %mul3A_1359 = arith.constant 16 : i32
      %mul3A_1360 = arith.muli %add3A_1358, %mul3A_1359 : i32
      %add3A_1361 = vector.broadcast %mul3A_1360 : i32 to vector<16xi32>
      %add3A_1362 = arith.addi %add3A_1361, %iota3A : vector<16xi32>
      %broadcast_in_dim3A_1363 = arith.constant 1 : i32
      %broadcast_in_dim3A_1364 = vector.broadcast %broadcast_in_dim3A_1363 : i32 to vector<16xi32>
      %broadcast_in_dim3A_1365 = arith.constant 0 : i32
      %broadcast_in_dim3A_1366 = vector.broadcast %broadcast_in_dim3A_1365 : i32 to vector<16xi32>
      %broadcast_in_dim3A_1367 = arith.constant 0 : i32
      %broadcast_in_dim3A_1368 = vector.broadcast %broadcast_in_dim3A_1367 : i32 to vector<16xi32>
      %gather3A = tpu.vector_load_idx %arg10[%broadcast_in_dim3A_1364, %broadcast_in_dim3A_1366, %add3A_1362, %broadcast_in_dim3A_1368] : memref<2x3x784x8xf32, #tpu.memory_space<vmem>>[vector<16xi32>, vector<16xi32>, vector<16xi32>, vector<16xi32>], vector<16xf32>,
      %broadcast_in_dim3A_1369 = arith.constant 0 : i32
      %broadcast_in_dim3A_1370 = vector.broadcast %broadcast_in_dim3A_1369 : i32 to vector<16xi32>
      %broadcast_in_dim3A_1371 = arith.constant 1 : i32
      %broadcast_in_dim3A_1372 = vector.broadcast %broadcast_in_dim3A_1371 : i32 to vector<16xi32>
      %gather3A_1373 = tpu.vector_load_idx %arg10[%broadcast_in_dim3A_1364, %broadcast_in_dim3A_1370, %add3A_1362, %broadcast_in_dim3A_1372] : memref<2x3x784x8xf32, #tpu.memory_space<vmem>>[vector<16xi32>, vector<16xi32>, vector<16xi32>, vector<16xi32>], vector<16xf32>,
      %broadcast_in_dim3A_1374 = arith.constant 0 : i32
      %broadcast_in_dim3A_1375 = vector.broadcast %broadcast_in_dim3A_1374 : i32 to vector<16xi32>
      %broadcast_in_dim3A_1376 = arith.constant 2 : i32
      %broadcast_in_dim3A_1377 = vector.broadcast %broadcast_in_dim3A_1376 : i32 to vector<16xi32>
      %gather3A_1378 = tpu.vector_load_idx %arg10[%broadcast_in_dim3A_1364, %broadcast_in_dim3A_1375, %add3A_1362, %broadcast_in_dim3A_1377] : memref<2x3x784x8xf32, #tpu.memory_space<vmem>>[vector<16xi32>, vector<16xi32>, vector<16xi32>, vector<16xi32>], vector<16xf32>,
      %broadcast_in_dim3A_1379 = arith.constant 1 : i32
      %broadcast_in_dim3A_1380 = vector.broadcast %broadcast_in_dim3A_1379 : i32 to vector<16xi32>
      %broadcast_in_dim3A_1381 = arith.constant 0 : i32
      %broadcast_in_dim3A_1382 = vector.broadcast %broadcast_in_dim3A_1381 : i32 to vector<16xi32>
      %gather3A_1383 = tpu.vector_load_idx %arg10[%broadcast_in_dim3A_1364, %broadcast_in_dim3A_1380, %add3A_1362, %broadcast_in_dim3A_1382] : memref<2x3x784x8xf32, #tpu.memory_space<vmem>>[vector<16xi32>, vector<16xi32>, vector<16xi32>, vector<16xi32>], vector<16xf32>,
      %broadcast_in_dim3A_1384 = arith.constant 1 : i32
      %broadcast_in_dim3A_1385 = vector.broadcast %broadcast_in_dim3A_1384 : i32 to vector<16xi32>
      %broadcast_in_dim3A_1386 = arith.constant 1 : i32
      %broadcast_in_dim3A_1387 = vector.broadcast %broadcast_in_dim3A_1386 : i32 to vector<16xi32>
      %gather3A_1388 = tpu.vector_load_idx %arg10[%broadcast_in_dim3A_1364, %broadcast_in_dim3A_1385, %add3A_1362, %broadcast_in_dim3A_1387] : memref<2x3x784x8xf32, #tpu.memory_space<vmem>>[vector<16xi32>, vector<16xi32>, vector<16xi32>, vector<16xi32>], vector<16xf32>,
      %broadcast_in_dim3A_1389 = arith.constant 1 : i32
      %broadcast_in_dim3A_1390 = vector.broadcast %broadcast_in_dim3A_1389 : i32 to vector<16xi32>
      %broadcast_in_dim3A_1391 = arith.constant 2 : i32
      %broadcast_in_dim3A_1392 = vector.broadcast %broadcast_in_dim3A_1391 : i32 to vector<16xi32>
      %gather3A_1393 = tpu.vector_load_idx %arg10[%broadcast_in_dim3A_1364, %broadcast_in_dim3A_1390, %add3A_1362, %broadcast_in_dim3A_1392] : memref<2x3x784x8xf32, #tpu.memory_space<vmem>>[vector<16xi32>, vector<16xi32>, vector<16xi32>, vector<16xi32>], vector<16xf32>,
      %broadcast_in_dim3A_1394 = arith.constant 2 : i32
      %broadcast_in_dim3A_1395 = vector.broadcast %broadcast_in_dim3A_1394 : i32 to vector<16xi32>
      %broadcast_in_dim3A_1396 = arith.constant 0 : i32
      %broadcast_in_dim3A_1397 = vector.broadcast %broadcast_in_dim3A_1396 : i32 to vector<16xi32>
      %gather3A_1398 = tpu.vector_load_idx %arg10[%broadcast_in_dim3A_1364, %broadcast_in_dim3A_1395, %add3A_1362, %broadcast_in_dim3A_1397] : memref<2x3x784x8xf32, #tpu.memory_space<vmem>>[vector<16xi32>, vector<16xi32>, vector<16xi32>, vector<16xi32>], vector<16xf32>,
      %broadcast_in_dim3A_1399 = arith.constant 2 : i32
      %broadcast_in_dim3A_1400 = vector.broadcast %broadcast_in_dim3A_1399 : i32 to vector<16xi32>
      %broadcast_in_dim3A_1401 = arith.constant 1 : i32
      %broadcast_in_dim3A_1402 = vector.broadcast %broadcast_in_dim3A_1401 : i32 to vector<16xi32>
      %gather3A_1403 = tpu.vector_load_idx %arg10[%broadcast_in_dim3A_1364, %broadcast_in_dim3A_1400, %add3A_1362, %broadcast_in_dim3A_1402] : memref<2x3x784x8xf32, #tpu.memory_space<vmem>>[vector<16xi32>, vector<16xi32>, vector<16xi32>, vector<16xi32>], vector<16xf32>,
      %broadcast_in_dim3A_1404 = arith.constant 2 : i32
      %broadcast_in_dim3A_1405 = vector.broadcast %broadcast_in_dim3A_1404 : i32 to vector<16xi32>
      %broadcast_in_dim3A_1406 = arith.constant 2 : i32
      %broadcast_in_dim3A_1407 = vector.broadcast %broadcast_in_dim3A_1406 : i32 to vector<16xi32>
      %gather3A_1408 = tpu.vector_load_idx %arg10[%broadcast_in_dim3A_1364, %broadcast_in_dim3A_1405, %add3A_1362, %broadcast_in_dim3A_1407] : memref<2x3x784x8xf32, #tpu.memory_space<vmem>>[vector<16xi32>, vector<16xi32>, vector<16xi32>, vector<16xi32>], vector<16xf32>,
      %sub3A = arith.subf %gather3A_1383, %gather3A : vector<16xf32>
      %sub3A_1409 = arith.subf %gather3A_1388, %gather3A_1373 : vector<16xf32>
      %sub3A_1410 = arith.subf %gather3A_1393, %gather3A_1378 : vector<16xf32>
      %sub3A_1411 = arith.subf %gather3A_1398, %gather3A : vector<16xf32>
      %sub3A_1412 = arith.subf %gather3A_1403, %gather3A_1373 : vector<16xf32>
      %sub3A_1413 = arith.subf %gather3A_1408, %gather3A_1378 : vector<16xf32>
      %mul3A_1414 = arith.mulf %sub3A_1409, %sub3A_1413 : vector<16xf32>
      %mul3A_1415 = arith.mulf %sub3A_1410, %sub3A_1412 : vector<16xf32>
      %sub3A_1416 = arith.subf %mul3A_1414, %mul3A_1415 : vector<16xf32>
      %mul3A_1417 = arith.mulf %sub3A_1410, %sub3A_1411 : vector<16xf32>
      %mul3A_1418 = arith.mulf %sub3A, %sub3A_1413 : vector<16xf32>
      %sub3A_1419 = arith.subf %mul3A_1417, %mul3A_1418 : vector<16xf32>
      %mul3A_1420 = arith.mulf %sub3A, %sub3A_1412 : vector<16xf32>
      %mul3A_1421 = arith.mulf %sub3A_1409, %sub3A_1411 : vector<16xf32>
      %sub3A_1422 = arith.subf %mul3A_1420, %mul3A_1421 : vector<16xf32>
      %broadcast_in_dim3A_1423 = arith.constant 0 : i32
      %broadcast_in_dim3A_1424 = vector.broadcast %broadcast_in_dim3A_1423 : i32 to vector<16xi32>
      tpu.vector_store_idx %arg11[%broadcast_in_dim3A_1364, %add3A_1362, %broadcast_in_dim3A_1424], %sub3A_1416 : memref<2x784x8xf32, #tpu.memory_space<vmem>>[vector<16xi32>, vector<16xi32>, vector<16xi32>], vector<16xf32>,
      %broadcast_in_dim3A_1425 = arith.constant 1 : i32
      %broadcast_in_dim3A_1426 = vector.broadcast %broadcast_in_dim3A_1425 : i32 to vector<16xi32>
      tpu.vector_store_idx %arg11[%broadcast_in_dim3A_1364, %add3A_1362, %broadcast_in_dim3A_1426], %sub3A_1419 : memref<2x784x8xf32, #tpu.memory_space<vmem>>[vector<16xi32>, vector<16xi32>, vector<16xi32>], vector<16xf32>,
      %broadcast_in_dim3A_1427 = arith.constant 2 : i32
      %broadcast_in_dim3A_1428 = vector.broadcast %broadcast_in_dim3A_1427 : i32 to vector<16xi32>
      tpu.vector_store_idx %arg11[%broadcast_in_dim3A_1364, %add3A_1362, %broadcast_in_dim3A_1428], %sub3A_1422 : memref<2x784x8xf32, #tpu.memory_space<vmem>>[vector<16xi32>, vector<16xi32>, vector<16xi32>], vector<16xf32>,
    }
    %scan3A_940 = arith.constant 49 : i32
    %dma_start3A_941 = arith.constant 1 : i32
    %dma_start3A_942 = arith.constant 1 : i32
    %dma_start3A_943 = arith.constant 0 : i32
    %dma_start3A_944 = arith.constant 0 : i32
    %dma_start3A_945 = tpu.memref_slice %arg11[%dma_start3A_941, %dma_start3A_943, %dma_start3A_944] : memref<2x784x8xf32, #tpu.memory_space<vmem>> -> memref<1x784x8xf32, #tpu.memory_space<vmem>>
    %dma_start3A_946 = tpu.memref_squeeze %dma_start3A_945 : memref<1x784x8xf32, #tpu.memory_space<vmem>> -> memref<784x8xf32, #tpu.memory_space<vmem>>
    %dma_start3A_947 = arith.constant 3920 : i32
    %dma_start3A_948 = tpu.memref_slice %arg7[%dma_start3A_947] : memref<6272xi32, #tpu.memory_space<vmem>> -> memref<784xi32, #tpu.memory_space<vmem>>
    %dma_start3A_949 = arith.constant 0 : i32
    %dma_start3A_950 = arith.constant 0 : i32
    %dma_start3A_951 = tpu.memref_slice %arg6[%dma_start3A_949, %dma_start3A_950] : memref<100096x8xf32, #tpu.memory_space<vmem_shared>> -> memref<100096x8xf32, #tpu.memory_space<vmem_shared>>
    %dma_start3A_952 = tpu.memref_slice %arg13[%dma_start3A_942] : memref<2x!tpu.dma_semaphore, #tpu.memory_space<semaphore_mem>> -> memref<1x!tpu.dma_semaphore, #tpu.memory_space<semaphore_mem>>
    %dma_start3A_953 = tpu.memref_squeeze %dma_start3A_952 : memref<1x!tpu.dma_semaphore, #tpu.memory_space<semaphore_mem>> -> memref<!tpu.dma_semaphore, #tpu.memory_space<semaphore_mem>>
    tpu.enqueue_indirect_dma source(%dma_start3A_946 : memref<784x8xf32, #tpu.memory_space<vmem>>) target(%dma_start3A_951 : memref<100096x8xf32, #tpu.memory_space<vmem_shared>>) offsets(%dma_start3A_948 : memref<784xi32, #tpu.memory_space<vmem>>) semaphore(%dma_start3A_953 : memref<!tpu.dma_semaphore, #tpu.memory_space<semaphore_mem>>) {add = true}
    %dma_start3A_954 = arith.constant 1 : i32
    %dma_start3A_955 = arith.constant 1 : i32
    %dma_start3A_956 = arith.constant 0 : i32
    %dma_start3A_957 = arith.constant 0 : i32
    %dma_start3A_958 = tpu.memref_slice %arg11[%dma_start3A_954, %dma_start3A_956, %dma_start3A_957] : memref<2x784x8xf32, #tpu.memory_space<vmem>> -> memref<1x784x8xf32, #tpu.memory_space<vmem>>
    %dma_start3A_959 = tpu.memref_squeeze %dma_start3A_958 : memref<1x784x8xf32, #tpu.memory_space<vmem>> -> memref<784x8xf32, #tpu.memory_space<vmem>>
    %dma_start3A_960 = arith.constant 3920 : i32
    %dma_start3A_961 = tpu.memref_slice %arg8[%dma_start3A_960] : memref<6272xi32, #tpu.memory_space<vmem>> -> memref<784xi32, #tpu.memory_space<vmem>>
    %dma_start3A_962 = arith.constant 0 : i32
    %dma_start3A_963 = arith.constant 0 : i32
    %dma_start3A_964 = tpu.memref_slice %arg6[%dma_start3A_962, %dma_start3A_963] : memref<100096x8xf32, #tpu.memory_space<vmem_shared>> -> memref<100096x8xf32, #tpu.memory_space<vmem_shared>>
    %dma_start3A_965 = tpu.memref_slice %arg13[%dma_start3A_955] : memref<2x!tpu.dma_semaphore, #tpu.memory_space<semaphore_mem>> -> memref<1x!tpu.dma_semaphore, #tpu.memory_space<semaphore_mem>>
    %dma_start3A_966 = tpu.memref_squeeze %dma_start3A_965 : memref<1x!tpu.dma_semaphore, #tpu.memory_space<semaphore_mem>> -> memref<!tpu.dma_semaphore, #tpu.memory_space<semaphore_mem>>
    tpu.enqueue_indirect_dma source(%dma_start3A_959 : memref<784x8xf32, #tpu.memory_space<vmem>>) target(%dma_start3A_964 : memref<100096x8xf32, #tpu.memory_space<vmem_shared>>) offsets(%dma_start3A_961 : memref<784xi32, #tpu.memory_space<vmem>>) semaphore(%dma_start3A_966 : memref<!tpu.dma_semaphore, #tpu.memory_space<semaphore_mem>>) {add = true}
    %dma_start3A_967 = arith.constant 1 : i32
    %dma_start3A_968 = arith.constant 1 : i32
    %dma_start3A_969 = arith.constant 0 : i32
    %dma_start3A_970 = arith.constant 0 : i32
    %dma_start3A_971 = tpu.memref_slice %arg11[%dma_start3A_967, %dma_start3A_969, %dma_start3A_970] : memref<2x784x8xf32, #tpu.memory_space<vmem>> -> memref<1x784x8xf32, #tpu.memory_space<vmem>>
    %dma_start3A_972 = tpu.memref_squeeze %dma_start3A_971 : memref<1x784x8xf32, #tpu.memory_space<vmem>> -> memref<784x8xf32, #tpu.memory_space<vmem>>
    %dma_start3A_973 = arith.constant 3920 : i32
    %dma_start3A_974 = tpu.memref_slice %arg9[%dma_start3A_973] : memref<6272xi32, #tpu.memory_space<vmem>> -> memref<784xi32, #tpu.memory_space<vmem>>
    %dma_start3A_975 = arith.constant 0 : i32
    %dma_start3A_976 = arith.constant 0 : i32
    %dma_start3A_977 = tpu.memref_slice %arg6[%dma_start3A_975, %dma_start3A_976] : memref<100096x8xf32, #tpu.memory_space<vmem_shared>> -> memref<100096x8xf32, #tpu.memory_space<vmem_shared>>
    %dma_start3A_978 = tpu.memref_slice %arg13[%dma_start3A_968] : memref<2x!tpu.dma_semaphore, #tpu.memory_space<semaphore_mem>> -> memref<1x!tpu.dma_semaphore, #tpu.memory_space<semaphore_mem>>
    %dma_start3A_979 = tpu.memref_squeeze %dma_start3A_978 : memref<1x!tpu.dma_semaphore, #tpu.memory_space<semaphore_mem>> -> memref<!tpu.dma_semaphore, #tpu.memory_space<semaphore_mem>>
    tpu.enqueue_indirect_dma source(%dma_start3A_972 : memref<784x8xf32, #tpu.memory_space<vmem>>) target(%dma_start3A_977 : memref<100096x8xf32, #tpu.memory_space<vmem_shared>>) offsets(%dma_start3A_974 : memref<784xi32, #tpu.memory_space<vmem>>) semaphore(%dma_start3A_979 : memref<!tpu.dma_semaphore, #tpu.memory_space<semaphore_mem>>) {add = true}
    %dma_wait3A_980 = arith.constant 0 : i32
    %dma_wait3A_981 = arith.constant 0 : i32
    %dma_wait3A_982 = arith.constant 0 : i32
    %dma_wait3A_983 = arith.constant 0 : i32
    %dma_wait3A_984 = arith.constant 0 : i32
    %dma_wait3A_985 = tpu.memref_slice %arg10[%dma_wait3A_980, %dma_wait3A_981, %dma_wait3A_983, %dma_wait3A_984] : memref<2x3x784x8xf32, #tpu.memory_space<vmem>> -> memref<1x1x784x8xf32, #tpu.memory_space<vmem>>
    %dma_wait3A_986 = tpu.memref_squeeze %dma_wait3A_985 : memref<1x1x784x8xf32, #tpu.memory_space<vmem>> -> memref<784x8xf32, #tpu.memory_space<vmem>>
    %dma_wait3A_987 = arith.constant 0 : i32
    %dma_wait3A_988 = tpu.memref_slice %arg7[%dma_wait3A_987] : memref<6272xi32, #tpu.memory_space<vmem>> -> memref<784xi32, #tpu.memory_space<vmem>>
    %dma_wait3A_989 = arith.constant 0 : i32
    %dma_wait3A_990 = arith.constant 0 : i32
    %dma_wait3A_991 = tpu.memref_slice %arg2[%dma_wait3A_989, %dma_wait3A_990] : memref<100096x8xf32, #tpu.memory_space<hbm>> -> memref<100096x8xf32, #tpu.memory_space<hbm>>
    %dma_wait3A_992 = tpu.memref_slice %arg12[%dma_wait3A_982] : memref<2x!tpu.dma_semaphore, #tpu.memory_space<semaphore_mem>> -> memref<1x!tpu.dma_semaphore, #tpu.memory_space<semaphore_mem>>
    %dma_wait3A_993 = tpu.memref_squeeze %dma_wait3A_992 : memref<1x!tpu.dma_semaphore, #tpu.memory_space<semaphore_mem>> -> memref<!tpu.dma_semaphore, #tpu.memory_space<semaphore_mem>>
    tpu.wait_indirect_dma semaphore(%dma_wait3A_993 : memref<!tpu.dma_semaphore, #tpu.memory_space<semaphore_mem>>) src(%dma_wait3A_991 : memref<100096x8xf32, #tpu.memory_space<hbm>>) dst(%dma_wait3A_986 : memref<784x8xf32, #tpu.memory_space<vmem>>)
    %dma_wait3A_994 = arith.constant 0 : i32
    %dma_wait3A_995 = arith.constant 1 : i32
    %dma_wait3A_996 = arith.constant 0 : i32
    %dma_wait3A_997 = arith.constant 0 : i32
    %dma_wait3A_998 = arith.constant 0 : i32
    %dma_wait3A_999 = tpu.memref_slice %arg10[%dma_wait3A_994, %dma_wait3A_995, %dma_wait3A_997, %dma_wait3A_998] : memref<2x3x784x8xf32, #tpu.memory_space<vmem>> -> memref<1x1x784x8xf32, #tpu.memory_space<vmem>>
    %dma_wait3A_1000 = tpu.memref_squeeze %dma_wait3A_999 : memref<1x1x784x8xf32, #tpu.memory_space<vmem>> -> memref<784x8xf32, #tpu.memory_space<vmem>>
    %dma_wait3A_1001 = arith.constant 0 : i32
    %dma_wait3A_1002 = tpu.memref_slice %arg8[%dma_wait3A_1001] : memref<6272xi32, #tpu.memory_space<vmem>> -> memref<784xi32, #tpu.memory_space<vmem>>
    %dma_wait3A_1003 = arith.constant 0 : i32
    %dma_wait3A_1004 = arith.constant 0 : i32
    %dma_wait3A_1005 = tpu.memref_slice %arg2[%dma_wait3A_1003, %dma_wait3A_1004] : memref<100096x8xf32, #tpu.memory_space<hbm>> -> memref<100096x8xf32, #tpu.memory_space<hbm>>
    %dma_wait3A_1006 = tpu.memref_slice %arg12[%dma_wait3A_996] : memref<2x!tpu.dma_semaphore, #tpu.memory_space<semaphore_mem>> -> memref<1x!tpu.dma_semaphore, #tpu.memory_space<semaphore_mem>>
    %dma_wait3A_1007 = tpu.memref_squeeze %dma_wait3A_1006 : memref<1x!tpu.dma_semaphore, #tpu.memory_space<semaphore_mem>> -> memref<!tpu.dma_semaphore, #tpu.memory_space<semaphore_mem>>
    tpu.wait_indirect_dma semaphore(%dma_wait3A_1007 : memref<!tpu.dma_semaphore, #tpu.memory_space<semaphore_mem>>) src(%dma_wait3A_1005 : memref<100096x8xf32, #tpu.memory_space<hbm>>) dst(%dma_wait3A_1000 : memref<784x8xf32, #tpu.memory_space<vmem>>)
    %dma_wait3A_1008 = arith.constant 0 : i32
    %dma_wait3A_1009 = arith.constant 2 : i32
    %dma_wait3A_1010 = arith.constant 0 : i32
    %dma_wait3A_1011 = arith.constant 0 : i32
    %dma_wait3A_1012 = arith.constant 0 : i32
    %dma_wait3A_1013 = tpu.memref_slice %arg10[%dma_wait3A_1008, %dma_wait3A_1009, %dma_wait3A_1011, %dma_wait3A_1012] : memref<2x3x784x8xf32, #tpu.memory_space<vmem>> -> memref<1x1x784x8xf32, #tpu.memory_space<vmem>>
    %dma_wait3A_1014 = tpu.memref_squeeze %dma_wait3A_1013 : memref<1x1x784x8xf32, #tpu.memory_space<vmem>> -> memref<784x8xf32, #tpu.memory_space<vmem>>
    %dma_wait3A_1015 = arith.constant 0 : i32
    %dma_wait3A_1016 = tpu.memref_slice %arg9[%dma_wait3A_1015] : memref<6272xi32, #tpu.memory_space<vmem>> -> memref<784xi32, #tpu.memory_space<vmem>>
    %dma_wait3A_1017 = arith.constant 0 : i32
    %dma_wait3A_1018 = arith.constant 0 : i32
    %dma_wait3A_1019 = tpu.memref_slice %arg2[%dma_wait3A_1017, %dma_wait3A_1018] : memref<100096x8xf32, #tpu.memory_space<hbm>> -> memref<100096x8xf32, #tpu.memory_space<hbm>>
    %dma_wait3A_1020 = tpu.memref_slice %arg12[%dma_wait3A_1010] : memref<2x!tpu.dma_semaphore, #tpu.memory_space<semaphore_mem>> -> memref<1x!tpu.dma_semaphore, #tpu.memory_space<semaphore_mem>>
    %dma_wait3A_1021 = tpu.memref_squeeze %dma_wait3A_1020 : memref<1x!tpu.dma_semaphore, #tpu.memory_space<semaphore_mem>> -> memref<!tpu.dma_semaphore, #tpu.memory_space<semaphore_mem>>
    tpu.wait_indirect_dma semaphore(%dma_wait3A_1021 : memref<!tpu.dma_semaphore, #tpu.memory_space<semaphore_mem>>) src(%dma_wait3A_1019 : memref<100096x8xf32, #tpu.memory_space<hbm>>) dst(%dma_wait3A_1014 : memref<784x8xf32, #tpu.memory_space<vmem>>)
    %dma_start3A_1022 = arith.constant 1 : i32
    %dma_start3A_1023 = arith.constant 0 : i32
    %dma_start3A_1024 = arith.constant 1 : i32
    %dma_start3A_1025 = arith.constant 0 : i32
    %dma_start3A_1026 = arith.constant 0 : i32
    %dma_start3A_1027 = tpu.memref_slice %arg10[%dma_start3A_1022, %dma_start3A_1023, %dma_start3A_1025, %dma_start3A_1026] : memref<2x3x784x8xf32, #tpu.memory_space<vmem>> -> memref<1x1x784x8xf32, #tpu.memory_space<vmem>>
    %dma_start3A_1028 = tpu.memref_squeeze %dma_start3A_1027 : memref<1x1x784x8xf32, #tpu.memory_space<vmem>> -> memref<784x8xf32, #tpu.memory_space<vmem>>
    %dma_start3A_1029 = arith.constant 5488 : i32
    %dma_start3A_1030 = tpu.memref_slice %arg7[%dma_start3A_1029] : memref<6272xi32, #tpu.memory_space<vmem>> -> memref<784xi32, #tpu.memory_space<vmem>>
    %dma_start3A_1031 = arith.constant 0 : i32
    %dma_start3A_1032 = arith.constant 0 : i32
    %dma_start3A_1033 = tpu.memref_slice %arg2[%dma_start3A_1031, %dma_start3A_1032] : memref<100096x8xf32, #tpu.memory_space<hbm>> -> memref<100096x8xf32, #tpu.memory_space<hbm>>
    %dma_start3A_1034 = tpu.memref_slice %arg12[%dma_start3A_1024] : memref<2x!tpu.dma_semaphore, #tpu.memory_space<semaphore_mem>> -> memref<1x!tpu.dma_semaphore, #tpu.memory_space<semaphore_mem>>
    %dma_start3A_1035 = tpu.memref_squeeze %dma_start3A_1034 : memref<1x!tpu.dma_semaphore, #tpu.memory_space<semaphore_mem>> -> memref<!tpu.dma_semaphore, #tpu.memory_space<semaphore_mem>>
    tpu.enqueue_indirect_dma source(%dma_start3A_1033 : memref<100096x8xf32, #tpu.memory_space<hbm>>) target(%dma_start3A_1028 : memref<784x8xf32, #tpu.memory_space<vmem>>) offsets(%dma_start3A_1030 : memref<784xi32, #tpu.memory_space<vmem>>) semaphore(%dma_start3A_1035 : memref<!tpu.dma_semaphore, #tpu.memory_space<semaphore_mem>>)
    %dma_start3A_1036 = arith.constant 1 : i32
    %dma_start3A_1037 = arith.constant 1 : i32
    %dma_start3A_1038 = arith.constant 1 : i32
    %dma_start3A_1039 = arith.constant 0 : i32
    %dma_start3A_1040 = arith.constant 0 : i32
    %dma_start3A_1041 = tpu.memref_slice %arg10[%dma_start3A_1036, %dma_start3A_1037, %dma_start3A_1039, %dma_start3A_1040] : memref<2x3x784x8xf32, #tpu.memory_space<vmem>> -> memref<1x1x784x8xf32, #tpu.memory_space<vmem>>
    %dma_start3A_1042 = tpu.memref_squeeze %dma_start3A_1041 : memref<1x1x784x8xf32, #tpu.memory_space<vmem>> -> memref<784x8xf32, #tpu.memory_space<vmem>>
    %dma_start3A_1043 = arith.constant 5488 : i32
    %dma_start3A_1044 = tpu.memref_slice %arg8[%dma_start3A_1043] : memref<6272xi32, #tpu.memory_space<vmem>> -> memref<784xi32, #tpu.memory_space<vmem>>
    %dma_start3A_1045 = arith.constant 0 : i32
    %dma_start3A_1046 = arith.constant 0 : i32
    %dma_start3A_1047 = tpu.memref_slice %arg2[%dma_start3A_1045, %dma_start3A_1046] : memref<100096x8xf32, #tpu.memory_space<hbm>> -> memref<100096x8xf32, #tpu.memory_space<hbm>>
    %dma_start3A_1048 = tpu.memref_slice %arg12[%dma_start3A_1038] : memref<2x!tpu.dma_semaphore, #tpu.memory_space<semaphore_mem>> -> memref<1x!tpu.dma_semaphore, #tpu.memory_space<semaphore_mem>>
    %dma_start3A_1049 = tpu.memref_squeeze %dma_start3A_1048 : memref<1x!tpu.dma_semaphore, #tpu.memory_space<semaphore_mem>> -> memref<!tpu.dma_semaphore, #tpu.memory_space<semaphore_mem>>
    tpu.enqueue_indirect_dma source(%dma_start3A_1047 : memref<100096x8xf32, #tpu.memory_space<hbm>>) target(%dma_start3A_1042 : memref<784x8xf32, #tpu.memory_space<vmem>>) offsets(%dma_start3A_1044 : memref<784xi32, #tpu.memory_space<vmem>>) semaphore(%dma_start3A_1049 : memref<!tpu.dma_semaphore, #tpu.memory_space<semaphore_mem>>)
    %dma_start3A_1050 = arith.constant 1 : i32
    %dma_start3A_1051 = arith.constant 2 : i32
    %dma_start3A_1052 = arith.constant 1 : i32
    %dma_start3A_1053 = arith.constant 0 : i32
    %dma_start3A_1054 = arith.constant 0 : i32
    %dma_start3A_1055 = tpu.memref_slice %arg10[%dma_start3A_1050, %dma_start3A_1051, %dma_start3A_1053, %dma_start3A_1054] : memref<2x3x784x8xf32, #tpu.memory_space<vmem>> -> memref<1x1x784x8xf32, #tpu.memory_space<vmem>>
    %dma_start3A_1056 = tpu.memref_squeeze %dma_start3A_1055 : memref<1x1x784x8xf32, #tpu.memory_space<vmem>> -> memref<784x8xf32, #tpu.memory_space<vmem>>
    %dma_start3A_1057 = arith.constant 5488 : i32
    %dma_start3A_1058 = tpu.memref_slice %arg9[%dma_start3A_1057] : memref<6272xi32, #tpu.memory_space<vmem>> -> memref<784xi32, #tpu.memory_space<vmem>>
    %dma_start3A_1059 = arith.constant 0 : i32
    %dma_start3A_1060 = arith.constant 0 : i32
    %dma_start3A_1061 = tpu.memref_slice %arg2[%dma_start3A_1059, %dma_start3A_1060] : memref<100096x8xf32, #tpu.memory_space<hbm>> -> memref<100096x8xf32, #tpu.memory_space<hbm>>
    %dma_start3A_1062 = tpu.memref_slice %arg12[%dma_start3A_1052] : memref<2x!tpu.dma_semaphore, #tpu.memory_space<semaphore_mem>> -> memref<1x!tpu.dma_semaphore, #tpu.memory_space<semaphore_mem>>
    %dma_start3A_1063 = tpu.memref_squeeze %dma_start3A_1062 : memref<1x!tpu.dma_semaphore, #tpu.memory_space<semaphore_mem>> -> memref<!tpu.dma_semaphore, #tpu.memory_space<semaphore_mem>>
    tpu.enqueue_indirect_dma source(%dma_start3A_1061 : memref<100096x8xf32, #tpu.memory_space<hbm>>) target(%dma_start3A_1056 : memref<784x8xf32, #tpu.memory_space<vmem>>) offsets(%dma_start3A_1058 : memref<784xi32, #tpu.memory_space<vmem>>) semaphore(%dma_start3A_1063 : memref<!tpu.dma_semaphore, #tpu.memory_space<semaphore_mem>>)
    %dma_wait3A_1064 = arith.constant 0 : i32
    %dma_wait3A_1065 = arith.constant 0 : i32
    %dma_wait3A_1066 = arith.constant 0 : i32
    %dma_wait3A_1067 = arith.constant 0 : i32
    %dma_wait3A_1068 = tpu.memref_slice %arg11[%dma_wait3A_1064, %dma_wait3A_1066, %dma_wait3A_1067] : memref<2x784x8xf32, #tpu.memory_space<vmem>> -> memref<1x784x8xf32, #tpu.memory_space<vmem>>
    %dma_wait3A_1069 = tpu.memref_squeeze %dma_wait3A_1068 : memref<1x784x8xf32, #tpu.memory_space<vmem>> -> memref<784x8xf32, #tpu.memory_space<vmem>>
    %dma_wait3A_1070 = arith.constant 0 : i32
    %dma_wait3A_1071 = tpu.memref_slice %arg7[%dma_wait3A_1070] : memref<6272xi32, #tpu.memory_space<vmem>> -> memref<784xi32, #tpu.memory_space<vmem>>
    %dma_wait3A_1072 = arith.constant 0 : i32
    %dma_wait3A_1073 = arith.constant 0 : i32
    %dma_wait3A_1074 = tpu.memref_slice %arg6[%dma_wait3A_1072, %dma_wait3A_1073] : memref<100096x8xf32, #tpu.memory_space<vmem_shared>> -> memref<100096x8xf32, #tpu.memory_space<vmem_shared>>
    %dma_wait3A_1075 = tpu.memref_slice %arg13[%dma_wait3A_1065] : memref<2x!tpu.dma_semaphore, #tpu.memory_space<semaphore_mem>> -> memref<1x!tpu.dma_semaphore, #tpu.memory_space<semaphore_mem>>
    %dma_wait3A_1076 = tpu.memref_squeeze %dma_wait3A_1075 : memref<1x!tpu.dma_semaphore, #tpu.memory_space<semaphore_mem>> -> memref<!tpu.dma_semaphore, #tpu.memory_space<semaphore_mem>>
    tpu.wait_indirect_dma semaphore(%dma_wait3A_1076 : memref<!tpu.dma_semaphore, #tpu.memory_space<semaphore_mem>>) src(%dma_wait3A_1069 : memref<784x8xf32, #tpu.memory_space<vmem>>) dst(%dma_wait3A_1074 : memref<100096x8xf32, #tpu.memory_space<vmem_shared>>)
    %dma_wait3A_1077 = arith.constant 0 : i32
    %dma_wait3A_1078 = arith.constant 0 : i32
    %dma_wait3A_1079 = arith.constant 0 : i32
    %dma_wait3A_1080 = arith.constant 0 : i32
    %dma_wait3A_1081 = tpu.memref_slice %arg11[%dma_wait3A_1077, %dma_wait3A_1079, %dma_wait3A_1080] : memref<2x784x8xf32, #tpu.memory_space<vmem>> -> memref<1x784x8xf32, #tpu.memory_space<vmem>>
    %dma_wait3A_1082 = tpu.memref_squeeze %dma_wait3A_1081 : memref<1x784x8xf32, #tpu.memory_space<vmem>> -> memref<784x8xf32, #tpu.memory_space<vmem>>
    %dma_wait3A_1083 = arith.constant 0 : i32
    %dma_wait3A_1084 = tpu.memref_slice %arg8[%dma_wait3A_1083] : memref<6272xi32, #tpu.memory_space<vmem>> -> memref<784xi32, #tpu.memory_space<vmem>>
    %dma_wait3A_1085 = arith.constant 0 : i32
    %dma_wait3A_1086 = arith.constant 0 : i32
    %dma_wait3A_1087 = tpu.memref_slice %arg6[%dma_wait3A_1085, %dma_wait3A_1086] : memref<100096x8xf32, #tpu.memory_space<vmem_shared>> -> memref<100096x8xf32, #tpu.memory_space<vmem_shared>>
    %dma_wait3A_1088 = tpu.memref_slice %arg13[%dma_wait3A_1078] : memref<2x!tpu.dma_semaphore, #tpu.memory_space<semaphore_mem>> -> memref<1x!tpu.dma_semaphore, #tpu.memory_space<semaphore_mem>>
    %dma_wait3A_1089 = tpu.memref_squeeze %dma_wait3A_1088 : memref<1x!tpu.dma_semaphore, #tpu.memory_space<semaphore_mem>> -> memref<!tpu.dma_semaphore, #tpu.memory_space<semaphore_mem>>
    tpu.wait_indirect_dma semaphore(%dma_wait3A_1089 : memref<!tpu.dma_semaphore, #tpu.memory_space<semaphore_mem>>) src(%dma_wait3A_1082 : memref<784x8xf32, #tpu.memory_space<vmem>>) dst(%dma_wait3A_1087 : memref<100096x8xf32, #tpu.memory_space<vmem_shared>>)
    %dma_wait3A_1090 = arith.constant 0 : i32
    %dma_wait3A_1091 = arith.constant 0 : i32
    %dma_wait3A_1092 = arith.constant 0 : i32
    %dma_wait3A_1093 = arith.constant 0 : i32
    %dma_wait3A_1094 = tpu.memref_slice %arg11[%dma_wait3A_1090, %dma_wait3A_1092, %dma_wait3A_1093] : memref<2x784x8xf32, #tpu.memory_space<vmem>> -> memref<1x784x8xf32, #tpu.memory_space<vmem>>
    %dma_wait3A_1095 = tpu.memref_squeeze %dma_wait3A_1094 : memref<1x784x8xf32, #tpu.memory_space<vmem>> -> memref<784x8xf32, #tpu.memory_space<vmem>>
    %dma_wait3A_1096 = arith.constant 0 : i32
    %dma_wait3A_1097 = tpu.memref_slice %arg9[%dma_wait3A_1096] : memref<6272xi32, #tpu.memory_space<vmem>> -> memref<784xi32, #tpu.memory_space<vmem>>
    %dma_wait3A_1098 = arith.constant 0 : i32
    %dma_wait3A_1099 = arith.constant 0 : i32
    %dma_wait3A_1100 = tpu.memref_slice %arg6[%dma_wait3A_1098, %dma_wait3A_1099] : memref<100096x8xf32, #tpu.memory_space<vmem_shared>> -> memref<100096x8xf32, #tpu.memory_space<vmem_shared>>
    %dma_wait3A_1101 = tpu.memref_slice %arg13[%dma_wait3A_1091] : memref<2x!tpu.dma_semaphore, #tpu.memory_space<semaphore_mem>> -> memref<1x!tpu.dma_semaphore, #tpu.memory_space<semaphore_mem>>
    %dma_wait3A_1102 = tpu.memref_squeeze %dma_wait3A_1101 : memref<1x!tpu.dma_semaphore, #tpu.memory_space<semaphore_mem>> -> memref<!tpu.dma_semaphore, #tpu.memory_space<semaphore_mem>>
    tpu.wait_indirect_dma semaphore(%dma_wait3A_1102 : memref<!tpu.dma_semaphore, #tpu.memory_space<semaphore_mem>>) src(%dma_wait3A_1095 : memref<784x8xf32, #tpu.memory_space<vmem>>) dst(%dma_wait3A_1100 : memref<100096x8xf32, #tpu.memory_space<vmem_shared>>)
    %scan3A_1103 = arith.constant 0 : i32
    %scan3A_1104 = arith.constant 49 : i32
    %scan3A_1105 = arith.addi %scan3A_1103, %scan3A_1104 : i32
    %scan3A_1106 = arith.constant 1 : i32
    scf.for %scan3A_1354 = %scan3A_1103 to %scan3A_1105 step %scan3A_1106  : i32 {
      %mul3A_1355 = arith.constant 1 : i32
      %mul3A_1356 = arith.muli %scan3A_1354, %mul3A_1355 : i32
      %add3A_1357 = arith.constant 0 : i32
      %add3A_1358 = arith.addi %add3A_1357, %mul3A_1356 : i32
      %mul3A_1359 = arith.constant 16 : i32
      %mul3A_1360 = arith.muli %add3A_1358, %mul3A_1359 : i32
      %add3A_1361 = vector.broadcast %mul3A_1360 : i32 to vector<16xi32>
      %add3A_1362 = arith.addi %add3A_1361, %iota3A : vector<16xi32>
      %broadcast_in_dim3A_1363 = arith.constant 0 : i32
      %broadcast_in_dim3A_1364 = vector.broadcast %broadcast_in_dim3A_1363 : i32 to vector<16xi32>
      %broadcast_in_dim3A_1365 = arith.constant 0 : i32
      %broadcast_in_dim3A_1366 = vector.broadcast %broadcast_in_dim3A_1365 : i32 to vector<16xi32>
      %broadcast_in_dim3A_1367 = arith.constant 0 : i32
      %broadcast_in_dim3A_1368 = vector.broadcast %broadcast_in_dim3A_1367 : i32 to vector<16xi32>
      %gather3A = tpu.vector_load_idx %arg10[%broadcast_in_dim3A_1364, %broadcast_in_dim3A_1366, %add3A_1362, %broadcast_in_dim3A_1368] : memref<2x3x784x8xf32, #tpu.memory_space<vmem>>[vector<16xi32>, vector<16xi32>, vector<16xi32>, vector<16xi32>], vector<16xf32>,
      %broadcast_in_dim3A_1369 = arith.constant 0 : i32
      %broadcast_in_dim3A_1370 = vector.broadcast %broadcast_in_dim3A_1369 : i32 to vector<16xi32>
      %broadcast_in_dim3A_1371 = arith.constant 1 : i32
      %broadcast_in_dim3A_1372 = vector.broadcast %broadcast_in_dim3A_1371 : i32 to vector<16xi32>
      %gather3A_1373 = tpu.vector_load_idx %arg10[%broadcast_in_dim3A_1364, %broadcast_in_dim3A_1370, %add3A_1362, %broadcast_in_dim3A_1372] : memref<2x3x784x8xf32, #tpu.memory_space<vmem>>[vector<16xi32>, vector<16xi32>, vector<16xi32>, vector<16xi32>], vector<16xf32>,
      %broadcast_in_dim3A_1374 = arith.constant 0 : i32
      %broadcast_in_dim3A_1375 = vector.broadcast %broadcast_in_dim3A_1374 : i32 to vector<16xi32>
      %broadcast_in_dim3A_1376 = arith.constant 2 : i32
      %broadcast_in_dim3A_1377 = vector.broadcast %broadcast_in_dim3A_1376 : i32 to vector<16xi32>
      %gather3A_1378 = tpu.vector_load_idx %arg10[%broadcast_in_dim3A_1364, %broadcast_in_dim3A_1375, %add3A_1362, %broadcast_in_dim3A_1377] : memref<2x3x784x8xf32, #tpu.memory_space<vmem>>[vector<16xi32>, vector<16xi32>, vector<16xi32>, vector<16xi32>], vector<16xf32>,
      %broadcast_in_dim3A_1379 = arith.constant 1 : i32
      %broadcast_in_dim3A_1380 = vector.broadcast %broadcast_in_dim3A_1379 : i32 to vector<16xi32>
      %broadcast_in_dim3A_1381 = arith.constant 0 : i32
      %broadcast_in_dim3A_1382 = vector.broadcast %broadcast_in_dim3A_1381 : i32 to vector<16xi32>
      %gather3A_1383 = tpu.vector_load_idx %arg10[%broadcast_in_dim3A_1364, %broadcast_in_dim3A_1380, %add3A_1362, %broadcast_in_dim3A_1382] : memref<2x3x784x8xf32, #tpu.memory_space<vmem>>[vector<16xi32>, vector<16xi32>, vector<16xi32>, vector<16xi32>], vector<16xf32>,
      %broadcast_in_dim3A_1384 = arith.constant 1 : i32
      %broadcast_in_dim3A_1385 = vector.broadcast %broadcast_in_dim3A_1384 : i32 to vector<16xi32>
      %broadcast_in_dim3A_1386 = arith.constant 1 : i32
      %broadcast_in_dim3A_1387 = vector.broadcast %broadcast_in_dim3A_1386 : i32 to vector<16xi32>
      %gather3A_1388 = tpu.vector_load_idx %arg10[%broadcast_in_dim3A_1364, %broadcast_in_dim3A_1385, %add3A_1362, %broadcast_in_dim3A_1387] : memref<2x3x784x8xf32, #tpu.memory_space<vmem>>[vector<16xi32>, vector<16xi32>, vector<16xi32>, vector<16xi32>], vector<16xf32>,
      %broadcast_in_dim3A_1389 = arith.constant 1 : i32
      %broadcast_in_dim3A_1390 = vector.broadcast %broadcast_in_dim3A_1389 : i32 to vector<16xi32>
      %broadcast_in_dim3A_1391 = arith.constant 2 : i32
      %broadcast_in_dim3A_1392 = vector.broadcast %broadcast_in_dim3A_1391 : i32 to vector<16xi32>
      %gather3A_1393 = tpu.vector_load_idx %arg10[%broadcast_in_dim3A_1364, %broadcast_in_dim3A_1390, %add3A_1362, %broadcast_in_dim3A_1392] : memref<2x3x784x8xf32, #tpu.memory_space<vmem>>[vector<16xi32>, vector<16xi32>, vector<16xi32>, vector<16xi32>], vector<16xf32>,
      %broadcast_in_dim3A_1394 = arith.constant 2 : i32
      %broadcast_in_dim3A_1395 = vector.broadcast %broadcast_in_dim3A_1394 : i32 to vector<16xi32>
      %broadcast_in_dim3A_1396 = arith.constant 0 : i32
      %broadcast_in_dim3A_1397 = vector.broadcast %broadcast_in_dim3A_1396 : i32 to vector<16xi32>
      %gather3A_1398 = tpu.vector_load_idx %arg10[%broadcast_in_dim3A_1364, %broadcast_in_dim3A_1395, %add3A_1362, %broadcast_in_dim3A_1397] : memref<2x3x784x8xf32, #tpu.memory_space<vmem>>[vector<16xi32>, vector<16xi32>, vector<16xi32>, vector<16xi32>], vector<16xf32>,
      %broadcast_in_dim3A_1399 = arith.constant 2 : i32
      %broadcast_in_dim3A_1400 = vector.broadcast %broadcast_in_dim3A_1399 : i32 to vector<16xi32>
      %broadcast_in_dim3A_1401 = arith.constant 1 : i32
      %broadcast_in_dim3A_1402 = vector.broadcast %broadcast_in_dim3A_1401 : i32 to vector<16xi32>
      %gather3A_1403 = tpu.vector_load_idx %arg10[%broadcast_in_dim3A_1364, %broadcast_in_dim3A_1400, %add3A_1362, %broadcast_in_dim3A_1402] : memref<2x3x784x8xf32, #tpu.memory_space<vmem>>[vector<16xi32>, vector<16xi32>, vector<16xi32>, vector<16xi32>], vector<16xf32>,
      %broadcast_in_dim3A_1404 = arith.constant 2 : i32
      %broadcast_in_dim3A_1405 = vector.broadcast %broadcast_in_dim3A_1404 : i32 to vector<16xi32>
      %broadcast_in_dim3A_1406 = arith.constant 2 : i32
      %broadcast_in_dim3A_1407 = vector.broadcast %broadcast_in_dim3A_1406 : i32 to vector<16xi32>
      %gather3A_1408 = tpu.vector_load_idx %arg10[%broadcast_in_dim3A_1364, %broadcast_in_dim3A_1405, %add3A_1362, %broadcast_in_dim3A_1407] : memref<2x3x784x8xf32, #tpu.memory_space<vmem>>[vector<16xi32>, vector<16xi32>, vector<16xi32>, vector<16xi32>], vector<16xf32>,
      %sub3A = arith.subf %gather3A_1383, %gather3A : vector<16xf32>
      %sub3A_1409 = arith.subf %gather3A_1388, %gather3A_1373 : vector<16xf32>
      %sub3A_1410 = arith.subf %gather3A_1393, %gather3A_1378 : vector<16xf32>
      %sub3A_1411 = arith.subf %gather3A_1398, %gather3A : vector<16xf32>
      %sub3A_1412 = arith.subf %gather3A_1403, %gather3A_1373 : vector<16xf32>
      %sub3A_1413 = arith.subf %gather3A_1408, %gather3A_1378 : vector<16xf32>
      %mul3A_1414 = arith.mulf %sub3A_1409, %sub3A_1413 : vector<16xf32>
      %mul3A_1415 = arith.mulf %sub3A_1410, %sub3A_1412 : vector<16xf32>
      %sub3A_1416 = arith.subf %mul3A_1414, %mul3A_1415 : vector<16xf32>
      %mul3A_1417 = arith.mulf %sub3A_1410, %sub3A_1411 : vector<16xf32>
      %mul3A_1418 = arith.mulf %sub3A, %sub3A_1413 : vector<16xf32>
      %sub3A_1419 = arith.subf %mul3A_1417, %mul3A_1418 : vector<16xf32>
      %mul3A_1420 = arith.mulf %sub3A, %sub3A_1412 : vector<16xf32>
      %mul3A_1421 = arith.mulf %sub3A_1409, %sub3A_1411 : vector<16xf32>
      %sub3A_1422 = arith.subf %mul3A_1420, %mul3A_1421 : vector<16xf32>
      %broadcast_in_dim3A_1423 = arith.constant 0 : i32
      %broadcast_in_dim3A_1424 = vector.broadcast %broadcast_in_dim3A_1423 : i32 to vector<16xi32>
      tpu.vector_store_idx %arg11[%broadcast_in_dim3A_1364, %add3A_1362, %broadcast_in_dim3A_1424], %sub3A_1416 : memref<2x784x8xf32, #tpu.memory_space<vmem>>[vector<16xi32>, vector<16xi32>, vector<16xi32>], vector<16xf32>,
      %broadcast_in_dim3A_1425 = arith.constant 1 : i32
      %broadcast_in_dim3A_1426 = vector.broadcast %broadcast_in_dim3A_1425 : i32 to vector<16xi32>
      tpu.vector_store_idx %arg11[%broadcast_in_dim3A_1364, %add3A_1362, %broadcast_in_dim3A_1426], %sub3A_1419 : memref<2x784x8xf32, #tpu.memory_space<vmem>>[vector<16xi32>, vector<16xi32>, vector<16xi32>], vector<16xf32>,
      %broadcast_in_dim3A_1427 = arith.constant 2 : i32
      %broadcast_in_dim3A_1428 = vector.broadcast %broadcast_in_dim3A_1427 : i32 to vector<16xi32>
      tpu.vector_store_idx %arg11[%broadcast_in_dim3A_1364, %add3A_1362, %broadcast_in_dim3A_1428], %sub3A_1422 : memref<2x784x8xf32, #tpu.memory_space<vmem>>[vector<16xi32>, vector<16xi32>, vector<16xi32>], vector<16xf32>,
    }
    %scan3A_1107 = arith.constant 49 : i32
    %dma_start3A_1108 = arith.constant 0 : i32
    %dma_start3A_1109 = arith.constant 0 : i32
    %dma_start3A_1110 = arith.constant 0 : i32
    %dma_start3A_1111 = arith.constant 0 : i32
    %dma_start3A_1112 = tpu.memref_slice %arg11[%dma_start3A_1108, %dma_start3A_1110, %dma_start3A_1111] : memref<2x784x8xf32, #tpu.memory_space<vmem>> -> memref<1x784x8xf32, #tpu.memory_space<vmem>>
    %dma_start3A_1113 = tpu.memref_squeeze %dma_start3A_1112 : memref<1x784x8xf32, #tpu.memory_space<vmem>> -> memref<784x8xf32, #tpu.memory_space<vmem>>
    %dma_start3A_1114 = arith.constant 4704 : i32
    %dma_start3A_1115 = tpu.memref_slice %arg7[%dma_start3A_1114] : memref<6272xi32, #tpu.memory_space<vmem>> -> memref<784xi32, #tpu.memory_space<vmem>>
    %dma_start3A_1116 = arith.constant 0 : i32
    %dma_start3A_1117 = arith.constant 0 : i32
    %dma_start3A_1118 = tpu.memref_slice %arg6[%dma_start3A_1116, %dma_start3A_1117] : memref<100096x8xf32, #tpu.memory_space<vmem_shared>> -> memref<100096x8xf32, #tpu.memory_space<vmem_shared>>
    %dma_start3A_1119 = tpu.memref_slice %arg13[%dma_start3A_1109] : memref<2x!tpu.dma_semaphore, #tpu.memory_space<semaphore_mem>> -> memref<1x!tpu.dma_semaphore, #tpu.memory_space<semaphore_mem>>
    %dma_start3A_1120 = tpu.memref_squeeze %dma_start3A_1119 : memref<1x!tpu.dma_semaphore, #tpu.memory_space<semaphore_mem>> -> memref<!tpu.dma_semaphore, #tpu.memory_space<semaphore_mem>>
    tpu.enqueue_indirect_dma source(%dma_start3A_1113 : memref<784x8xf32, #tpu.memory_space<vmem>>) target(%dma_start3A_1118 : memref<100096x8xf32, #tpu.memory_space<vmem_shared>>) offsets(%dma_start3A_1115 : memref<784xi32, #tpu.memory_space<vmem>>) semaphore(%dma_start3A_1120 : memref<!tpu.dma_semaphore, #tpu.memory_space<semaphore_mem>>) {add = true}
    %dma_start3A_1121 = arith.constant 0 : i32
    %dma_start3A_1122 = arith.constant 0 : i32
    %dma_start3A_1123 = arith.constant 0 : i32
    %dma_start3A_1124 = arith.constant 0 : i32
    %dma_start3A_1125 = tpu.memref_slice %arg11[%dma_start3A_1121, %dma_start3A_1123, %dma_start3A_1124] : memref<2x784x8xf32, #tpu.memory_space<vmem>> -> memref<1x784x8xf32, #tpu.memory_space<vmem>>
    %dma_start3A_1126 = tpu.memref_squeeze %dma_start3A_1125 : memref<1x784x8xf32, #tpu.memory_space<vmem>> -> memref<784x8xf32, #tpu.memory_space<vmem>>
    %dma_start3A_1127 = arith.constant 4704 : i32
    %dma_start3A_1128 = tpu.memref_slice %arg8[%dma_start3A_1127] : memref<6272xi32, #tpu.memory_space<vmem>> -> memref<784xi32, #tpu.memory_space<vmem>>
    %dma_start3A_1129 = arith.constant 0 : i32
    %dma_start3A_1130 = arith.constant 0 : i32
    %dma_start3A_1131 = tpu.memref_slice %arg6[%dma_start3A_1129, %dma_start3A_1130] : memref<100096x8xf32, #tpu.memory_space<vmem_shared>> -> memref<100096x8xf32, #tpu.memory_space<vmem_shared>>
    %dma_start3A_1132 = tpu.memref_slice %arg13[%dma_start3A_1122] : memref<2x!tpu.dma_semaphore, #tpu.memory_space<semaphore_mem>> -> memref<1x!tpu.dma_semaphore, #tpu.memory_space<semaphore_mem>>
    %dma_start3A_1133 = tpu.memref_squeeze %dma_start3A_1132 : memref<1x!tpu.dma_semaphore, #tpu.memory_space<semaphore_mem>> -> memref<!tpu.dma_semaphore, #tpu.memory_space<semaphore_mem>>
    tpu.enqueue_indirect_dma source(%dma_start3A_1126 : memref<784x8xf32, #tpu.memory_space<vmem>>) target(%dma_start3A_1131 : memref<100096x8xf32, #tpu.memory_space<vmem_shared>>) offsets(%dma_start3A_1128 : memref<784xi32, #tpu.memory_space<vmem>>) semaphore(%dma_start3A_1133 : memref<!tpu.dma_semaphore, #tpu.memory_space<semaphore_mem>>) {add = true}
    %dma_start3A_1134 = arith.constant 0 : i32
    %dma_start3A_1135 = arith.constant 0 : i32
    %dma_start3A_1136 = arith.constant 0 : i32
    %dma_start3A_1137 = arith.constant 0 : i32
    %dma_start3A_1138 = tpu.memref_slice %arg11[%dma_start3A_1134, %dma_start3A_1136, %dma_start3A_1137] : memref<2x784x8xf32, #tpu.memory_space<vmem>> -> memref<1x784x8xf32, #tpu.memory_space<vmem>>
    %dma_start3A_1139 = tpu.memref_squeeze %dma_start3A_1138 : memref<1x784x8xf32, #tpu.memory_space<vmem>> -> memref<784x8xf32, #tpu.memory_space<vmem>>
    %dma_start3A_1140 = arith.constant 4704 : i32
    %dma_start3A_1141 = tpu.memref_slice %arg9[%dma_start3A_1140] : memref<6272xi32, #tpu.memory_space<vmem>> -> memref<784xi32, #tpu.memory_space<vmem>>
    %dma_start3A_1142 = arith.constant 0 : i32
    %dma_start3A_1143 = arith.constant 0 : i32
    %dma_start3A_1144 = tpu.memref_slice %arg6[%dma_start3A_1142, %dma_start3A_1143] : memref<100096x8xf32, #tpu.memory_space<vmem_shared>> -> memref<100096x8xf32, #tpu.memory_space<vmem_shared>>
    %dma_start3A_1145 = tpu.memref_slice %arg13[%dma_start3A_1135] : memref<2x!tpu.dma_semaphore, #tpu.memory_space<semaphore_mem>> -> memref<1x!tpu.dma_semaphore, #tpu.memory_space<semaphore_mem>>
    %dma_start3A_1146 = tpu.memref_squeeze %dma_start3A_1145 : memref<1x!tpu.dma_semaphore, #tpu.memory_space<semaphore_mem>> -> memref<!tpu.dma_semaphore, #tpu.memory_space<semaphore_mem>>
    tpu.enqueue_indirect_dma source(%dma_start3A_1139 : memref<784x8xf32, #tpu.memory_space<vmem>>) target(%dma_start3A_1144 : memref<100096x8xf32, #tpu.memory_space<vmem_shared>>) offsets(%dma_start3A_1141 : memref<784xi32, #tpu.memory_space<vmem>>) semaphore(%dma_start3A_1146 : memref<!tpu.dma_semaphore, #tpu.memory_space<semaphore_mem>>) {add = true}
    %dma_wait3A_1147 = arith.constant 1 : i32
    %dma_wait3A_1148 = arith.constant 0 : i32
    %dma_wait3A_1149 = arith.constant 1 : i32
    %dma_wait3A_1150 = arith.constant 0 : i32
    %dma_wait3A_1151 = arith.constant 0 : i32
    %dma_wait3A_1152 = tpu.memref_slice %arg10[%dma_wait3A_1147, %dma_wait3A_1148, %dma_wait3A_1150, %dma_wait3A_1151] : memref<2x3x784x8xf32, #tpu.memory_space<vmem>> -> memref<1x1x784x8xf32, #tpu.memory_space<vmem>>
    %dma_wait3A_1153 = tpu.memref_squeeze %dma_wait3A_1152 : memref<1x1x784x8xf32, #tpu.memory_space<vmem>> -> memref<784x8xf32, #tpu.memory_space<vmem>>
    %dma_wait3A_1154 = arith.constant 0 : i32
    %dma_wait3A_1155 = tpu.memref_slice %arg7[%dma_wait3A_1154] : memref<6272xi32, #tpu.memory_space<vmem>> -> memref<784xi32, #tpu.memory_space<vmem>>
    %dma_wait3A_1156 = arith.constant 0 : i32
    %dma_wait3A_1157 = arith.constant 0 : i32
    %dma_wait3A_1158 = tpu.memref_slice %arg2[%dma_wait3A_1156, %dma_wait3A_1157] : memref<100096x8xf32, #tpu.memory_space<hbm>> -> memref<100096x8xf32, #tpu.memory_space<hbm>>
    %dma_wait3A_1159 = tpu.memref_slice %arg12[%dma_wait3A_1149] : memref<2x!tpu.dma_semaphore, #tpu.memory_space<semaphore_mem>> -> memref<1x!tpu.dma_semaphore, #tpu.memory_space<semaphore_mem>>
    %dma_wait3A_1160 = tpu.memref_squeeze %dma_wait3A_1159 : memref<1x!tpu.dma_semaphore, #tpu.memory_space<semaphore_mem>> -> memref<!tpu.dma_semaphore, #tpu.memory_space<semaphore_mem>>
    tpu.wait_indirect_dma semaphore(%dma_wait3A_1160 : memref<!tpu.dma_semaphore, #tpu.memory_space<semaphore_mem>>) src(%dma_wait3A_1158 : memref<100096x8xf32, #tpu.memory_space<hbm>>) dst(%dma_wait3A_1153 : memref<784x8xf32, #tpu.memory_space<vmem>>)
    %dma_wait3A_1161 = arith.constant 1 : i32
    %dma_wait3A_1162 = arith.constant 1 : i32
    %dma_wait3A_1163 = arith.constant 1 : i32
    %dma_wait3A_1164 = arith.constant 0 : i32
    %dma_wait3A_1165 = arith.constant 0 : i32
    %dma_wait3A_1166 = tpu.memref_slice %arg10[%dma_wait3A_1161, %dma_wait3A_1162, %dma_wait3A_1164, %dma_wait3A_1165] : memref<2x3x784x8xf32, #tpu.memory_space<vmem>> -> memref<1x1x784x8xf32, #tpu.memory_space<vmem>>
    %dma_wait3A_1167 = tpu.memref_squeeze %dma_wait3A_1166 : memref<1x1x784x8xf32, #tpu.memory_space<vmem>> -> memref<784x8xf32, #tpu.memory_space<vmem>>
    %dma_wait3A_1168 = arith.constant 0 : i32
    %dma_wait3A_1169 = tpu.memref_slice %arg8[%dma_wait3A_1168] : memref<6272xi32, #tpu.memory_space<vmem>> -> memref<784xi32, #tpu.memory_space<vmem>>
    %dma_wait3A_1170 = arith.constant 0 : i32
    %dma_wait3A_1171 = arith.constant 0 : i32
    %dma_wait3A_1172 = tpu.memref_slice %arg2[%dma_wait3A_1170, %dma_wait3A_1171] : memref<100096x8xf32, #tpu.memory_space<hbm>> -> memref<100096x8xf32, #tpu.memory_space<hbm>>
    %dma_wait3A_1173 = tpu.memref_slice %arg12[%dma_wait3A_1163] : memref<2x!tpu.dma_semaphore, #tpu.memory_space<semaphore_mem>> -> memref<1x!tpu.dma_semaphore, #tpu.memory_space<semaphore_mem>>
    %dma_wait3A_1174 = tpu.memref_squeeze %dma_wait3A_1173 : memref<1x!tpu.dma_semaphore, #tpu.memory_space<semaphore_mem>> -> memref<!tpu.dma_semaphore, #tpu.memory_space<semaphore_mem>>
    tpu.wait_indirect_dma semaphore(%dma_wait3A_1174 : memref<!tpu.dma_semaphore, #tpu.memory_space<semaphore_mem>>) src(%dma_wait3A_1172 : memref<100096x8xf32, #tpu.memory_space<hbm>>) dst(%dma_wait3A_1167 : memref<784x8xf32, #tpu.memory_space<vmem>>)
    %dma_wait3A_1175 = arith.constant 1 : i32
    %dma_wait3A_1176 = arith.constant 2 : i32
    %dma_wait3A_1177 = arith.constant 1 : i32
    %dma_wait3A_1178 = arith.constant 0 : i32
    %dma_wait3A_1179 = arith.constant 0 : i32
    %dma_wait3A_1180 = tpu.memref_slice %arg10[%dma_wait3A_1175, %dma_wait3A_1176, %dma_wait3A_1178, %dma_wait3A_1179] : memref<2x3x784x8xf32, #tpu.memory_space<vmem>> -> memref<1x1x784x8xf32, #tpu.memory_space<vmem>>
    %dma_wait3A_1181 = tpu.memref_squeeze %dma_wait3A_1180 : memref<1x1x784x8xf32, #tpu.memory_space<vmem>> -> memref<784x8xf32, #tpu.memory_space<vmem>>
    %dma_wait3A_1182 = arith.constant 0 : i32
    %dma_wait3A_1183 = tpu.memref_slice %arg9[%dma_wait3A_1182] : memref<6272xi32, #tpu.memory_space<vmem>> -> memref<784xi32, #tpu.memory_space<vmem>>
    %dma_wait3A_1184 = arith.constant 0 : i32
    %dma_wait3A_1185 = arith.constant 0 : i32
    %dma_wait3A_1186 = tpu.memref_slice %arg2[%dma_wait3A_1184, %dma_wait3A_1185] : memref<100096x8xf32, #tpu.memory_space<hbm>> -> memref<100096x8xf32, #tpu.memory_space<hbm>>
    %dma_wait3A_1187 = tpu.memref_slice %arg12[%dma_wait3A_1177] : memref<2x!tpu.dma_semaphore, #tpu.memory_space<semaphore_mem>> -> memref<1x!tpu.dma_semaphore, #tpu.memory_space<semaphore_mem>>
    %dma_wait3A_1188 = tpu.memref_squeeze %dma_wait3A_1187 : memref<1x!tpu.dma_semaphore, #tpu.memory_space<semaphore_mem>> -> memref<!tpu.dma_semaphore, #tpu.memory_space<semaphore_mem>>
    tpu.wait_indirect_dma semaphore(%dma_wait3A_1188 : memref<!tpu.dma_semaphore, #tpu.memory_space<semaphore_mem>>) src(%dma_wait3A_1186 : memref<100096x8xf32, #tpu.memory_space<hbm>>) dst(%dma_wait3A_1181 : memref<784x8xf32, #tpu.memory_space<vmem>>)
    %dma_wait3A_1189 = arith.constant 1 : i32
    %dma_wait3A_1190 = arith.constant 1 : i32
    %dma_wait3A_1191 = arith.constant 0 : i32
    %dma_wait3A_1192 = arith.constant 0 : i32
    %dma_wait3A_1193 = tpu.memref_slice %arg11[%dma_wait3A_1189, %dma_wait3A_1191, %dma_wait3A_1192] : memref<2x784x8xf32, #tpu.memory_space<vmem>> -> memref<1x784x8xf32, #tpu.memory_space<vmem>>
    %dma_wait3A_1194 = tpu.memref_squeeze %dma_wait3A_1193 : memref<1x784x8xf32, #tpu.memory_space<vmem>> -> memref<784x8xf32, #tpu.memory_space<vmem>>
    %dma_wait3A_1195 = arith.constant 0 : i32
    %dma_wait3A_1196 = tpu.memref_slice %arg7[%dma_wait3A_1195] : memref<6272xi32, #tpu.memory_space<vmem>> -> memref<784xi32, #tpu.memory_space<vmem>>
    %dma_wait3A_1197 = arith.constant 0 : i32
    %dma_wait3A_1198 = arith.constant 0 : i32
    %dma_wait3A_1199 = tpu.memref_slice %arg6[%dma_wait3A_1197, %dma_wait3A_1198] : memref<100096x8xf32, #tpu.memory_space<vmem_shared>> -> memref<100096x8xf32, #tpu.memory_space<vmem_shared>>
    %dma_wait3A_1200 = tpu.memref_slice %arg13[%dma_wait3A_1190] : memref<2x!tpu.dma_semaphore, #tpu.memory_space<semaphore_mem>> -> memref<1x!tpu.dma_semaphore, #tpu.memory_space<semaphore_mem>>
    %dma_wait3A_1201 = tpu.memref_squeeze %dma_wait3A_1200 : memref<1x!tpu.dma_semaphore, #tpu.memory_space<semaphore_mem>> -> memref<!tpu.dma_semaphore, #tpu.memory_space<semaphore_mem>>
    tpu.wait_indirect_dma semaphore(%dma_wait3A_1201 : memref<!tpu.dma_semaphore, #tpu.memory_space<semaphore_mem>>) src(%dma_wait3A_1194 : memref<784x8xf32, #tpu.memory_space<vmem>>) dst(%dma_wait3A_1199 : memref<100096x8xf32, #tpu.memory_space<vmem_shared>>)
    %dma_wait3A_1202 = arith.constant 1 : i32
    %dma_wait3A_1203 = arith.constant 1 : i32
    %dma_wait3A_1204 = arith.constant 0 : i32
    %dma_wait3A_1205 = arith.constant 0 : i32
    %dma_wait3A_1206 = tpu.memref_slice %arg11[%dma_wait3A_1202, %dma_wait3A_1204, %dma_wait3A_1205] : memref<2x784x8xf32, #tpu.memory_space<vmem>> -> memref<1x784x8xf32, #tpu.memory_space<vmem>>
    %dma_wait3A_1207 = tpu.memref_squeeze %dma_wait3A_1206 : memref<1x784x8xf32, #tpu.memory_space<vmem>> -> memref<784x8xf32, #tpu.memory_space<vmem>>
    %dma_wait3A_1208 = arith.constant 0 : i32
    %dma_wait3A_1209 = tpu.memref_slice %arg8[%dma_wait3A_1208] : memref<6272xi32, #tpu.memory_space<vmem>> -> memref<784xi32, #tpu.memory_space<vmem>>
    %dma_wait3A_1210 = arith.constant 0 : i32
    %dma_wait3A_1211 = arith.constant 0 : i32
    %dma_wait3A_1212 = tpu.memref_slice %arg6[%dma_wait3A_1210, %dma_wait3A_1211] : memref<100096x8xf32, #tpu.memory_space<vmem_shared>> -> memref<100096x8xf32, #tpu.memory_space<vmem_shared>>
    %dma_wait3A_1213 = tpu.memref_slice %arg13[%dma_wait3A_1203] : memref<2x!tpu.dma_semaphore, #tpu.memory_space<semaphore_mem>> -> memref<1x!tpu.dma_semaphore, #tpu.memory_space<semaphore_mem>>
    %dma_wait3A_1214 = tpu.memref_squeeze %dma_wait3A_1213 : memref<1x!tpu.dma_semaphore, #tpu.memory_space<semaphore_mem>> -> memref<!tpu.dma_semaphore, #tpu.memory_space<semaphore_mem>>
    tpu.wait_indirect_dma semaphore(%dma_wait3A_1214 : memref<!tpu.dma_semaphore, #tpu.memory_space<semaphore_mem>>) src(%dma_wait3A_1207 : memref<784x8xf32, #tpu.memory_space<vmem>>) dst(%dma_wait3A_1212 : memref<100096x8xf32, #tpu.memory_space<vmem_shared>>)
    %dma_wait3A_1215 = arith.constant 1 : i32
    %dma_wait3A_1216 = arith.constant 1 : i32
    %dma_wait3A_1217 = arith.constant 0 : i32
    %dma_wait3A_1218 = arith.constant 0 : i32
    %dma_wait3A_1219 = tpu.memref_slice %arg11[%dma_wait3A_1215, %dma_wait3A_1217, %dma_wait3A_1218] : memref<2x784x8xf32, #tpu.memory_space<vmem>> -> memref<1x784x8xf32, #tpu.memory_space<vmem>>
    %dma_wait3A_1220 = tpu.memref_squeeze %dma_wait3A_1219 : memref<1x784x8xf32, #tpu.memory_space<vmem>> -> memref<784x8xf32, #tpu.memory_space<vmem>>
    %dma_wait3A_1221 = arith.constant 0 : i32
    %dma_wait3A_1222 = tpu.memref_slice %arg9[%dma_wait3A_1221] : memref<6272xi32, #tpu.memory_space<vmem>> -> memref<784xi32, #tpu.memory_space<vmem>>
    %dma_wait3A_1223 = arith.constant 0 : i32
    %dma_wait3A_1224 = arith.constant 0 : i32
    %dma_wait3A_1225 = tpu.memref_slice %arg6[%dma_wait3A_1223, %dma_wait3A_1224] : memref<100096x8xf32, #tpu.memory_space<vmem_shared>> -> memref<100096x8xf32, #tpu.memory_space<vmem_shared>>
    %dma_wait3A_1226 = tpu.memref_slice %arg13[%dma_wait3A_1216] : memref<2x!tpu.dma_semaphore, #tpu.memory_space<semaphore_mem>> -> memref<1x!tpu.dma_semaphore, #tpu.memory_space<semaphore_mem>>
    %dma_wait3A_1227 = tpu.memref_squeeze %dma_wait3A_1226 : memref<1x!tpu.dma_semaphore, #tpu.memory_space<semaphore_mem>> -> memref<!tpu.dma_semaphore, #tpu.memory_space<semaphore_mem>>
    tpu.wait_indirect_dma semaphore(%dma_wait3A_1227 : memref<!tpu.dma_semaphore, #tpu.memory_space<semaphore_mem>>) src(%dma_wait3A_1220 : memref<784x8xf32, #tpu.memory_space<vmem>>) dst(%dma_wait3A_1225 : memref<100096x8xf32, #tpu.memory_space<vmem_shared>>)
    %scan3A_1228 = arith.constant 0 : i32
    %scan3A_1229 = arith.constant 49 : i32
    %scan3A_1230 = arith.addi %scan3A_1228, %scan3A_1229 : i32
    %scan3A_1231 = arith.constant 1 : i32
    scf.for %scan3A_1354 = %scan3A_1228 to %scan3A_1230 step %scan3A_1231  : i32 {
      %mul3A_1355 = arith.constant 1 : i32
      %mul3A_1356 = arith.muli %scan3A_1354, %mul3A_1355 : i32
      %add3A_1357 = arith.constant 0 : i32
      %add3A_1358 = arith.addi %add3A_1357, %mul3A_1356 : i32
      %mul3A_1359 = arith.constant 16 : i32
      %mul3A_1360 = arith.muli %add3A_1358, %mul3A_1359 : i32
      %add3A_1361 = vector.broadcast %mul3A_1360 : i32 to vector<16xi32>
      %add3A_1362 = arith.addi %add3A_1361, %iota3A : vector<16xi32>
      %broadcast_in_dim3A_1363 = arith.constant 1 : i32
      %broadcast_in_dim3A_1364 = vector.broadcast %broadcast_in_dim3A_1363 : i32 to vector<16xi32>
      %broadcast_in_dim3A_1365 = arith.constant 0 : i32
      %broadcast_in_dim3A_1366 = vector.broadcast %broadcast_in_dim3A_1365 : i32 to vector<16xi32>
      %broadcast_in_dim3A_1367 = arith.constant 0 : i32
      %broadcast_in_dim3A_1368 = vector.broadcast %broadcast_in_dim3A_1367 : i32 to vector<16xi32>
      %gather3A = tpu.vector_load_idx %arg10[%broadcast_in_dim3A_1364, %broadcast_in_dim3A_1366, %add3A_1362, %broadcast_in_dim3A_1368] : memref<2x3x784x8xf32, #tpu.memory_space<vmem>>[vector<16xi32>, vector<16xi32>, vector<16xi32>, vector<16xi32>], vector<16xf32>,
      %broadcast_in_dim3A_1369 = arith.constant 0 : i32
      %broadcast_in_dim3A_1370 = vector.broadcast %broadcast_in_dim3A_1369 : i32 to vector<16xi32>
      %broadcast_in_dim3A_1371 = arith.constant 1 : i32
      %broadcast_in_dim3A_1372 = vector.broadcast %broadcast_in_dim3A_1371 : i32 to vector<16xi32>
      %gather3A_1373 = tpu.vector_load_idx %arg10[%broadcast_in_dim3A_1364, %broadcast_in_dim3A_1370, %add3A_1362, %broadcast_in_dim3A_1372] : memref<2x3x784x8xf32, #tpu.memory_space<vmem>>[vector<16xi32>, vector<16xi32>, vector<16xi32>, vector<16xi32>], vector<16xf32>,
      %broadcast_in_dim3A_1374 = arith.constant 0 : i32
      %broadcast_in_dim3A_1375 = vector.broadcast %broadcast_in_dim3A_1374 : i32 to vector<16xi32>
      %broadcast_in_dim3A_1376 = arith.constant 2 : i32
      %broadcast_in_dim3A_1377 = vector.broadcast %broadcast_in_dim3A_1376 : i32 to vector<16xi32>
      %gather3A_1378 = tpu.vector_load_idx %arg10[%broadcast_in_dim3A_1364, %broadcast_in_dim3A_1375, %add3A_1362, %broadcast_in_dim3A_1377] : memref<2x3x784x8xf32, #tpu.memory_space<vmem>>[vector<16xi32>, vector<16xi32>, vector<16xi32>, vector<16xi32>], vector<16xf32>,
      %broadcast_in_dim3A_1379 = arith.constant 1 : i32
      %broadcast_in_dim3A_1380 = vector.broadcast %broadcast_in_dim3A_1379 : i32 to vector<16xi32>
      %broadcast_in_dim3A_1381 = arith.constant 0 : i32
      %broadcast_in_dim3A_1382 = vector.broadcast %broadcast_in_dim3A_1381 : i32 to vector<16xi32>
      %gather3A_1383 = tpu.vector_load_idx %arg10[%broadcast_in_dim3A_1364, %broadcast_in_dim3A_1380, %add3A_1362, %broadcast_in_dim3A_1382] : memref<2x3x784x8xf32, #tpu.memory_space<vmem>>[vector<16xi32>, vector<16xi32>, vector<16xi32>, vector<16xi32>], vector<16xf32>,
      %broadcast_in_dim3A_1384 = arith.constant 1 : i32
      %broadcast_in_dim3A_1385 = vector.broadcast %broadcast_in_dim3A_1384 : i32 to vector<16xi32>
      %broadcast_in_dim3A_1386 = arith.constant 1 : i32
      %broadcast_in_dim3A_1387 = vector.broadcast %broadcast_in_dim3A_1386 : i32 to vector<16xi32>
      %gather3A_1388 = tpu.vector_load_idx %arg10[%broadcast_in_dim3A_1364, %broadcast_in_dim3A_1385, %add3A_1362, %broadcast_in_dim3A_1387] : memref<2x3x784x8xf32, #tpu.memory_space<vmem>>[vector<16xi32>, vector<16xi32>, vector<16xi32>, vector<16xi32>], vector<16xf32>,
      %broadcast_in_dim3A_1389 = arith.constant 1 : i32
      %broadcast_in_dim3A_1390 = vector.broadcast %broadcast_in_dim3A_1389 : i32 to vector<16xi32>
      %broadcast_in_dim3A_1391 = arith.constant 2 : i32
      %broadcast_in_dim3A_1392 = vector.broadcast %broadcast_in_dim3A_1391 : i32 to vector<16xi32>
      %gather3A_1393 = tpu.vector_load_idx %arg10[%broadcast_in_dim3A_1364, %broadcast_in_dim3A_1390, %add3A_1362, %broadcast_in_dim3A_1392] : memref<2x3x784x8xf32, #tpu.memory_space<vmem>>[vector<16xi32>, vector<16xi32>, vector<16xi32>, vector<16xi32>], vector<16xf32>,
      %broadcast_in_dim3A_1394 = arith.constant 2 : i32
      %broadcast_in_dim3A_1395 = vector.broadcast %broadcast_in_dim3A_1394 : i32 to vector<16xi32>
      %broadcast_in_dim3A_1396 = arith.constant 0 : i32
      %broadcast_in_dim3A_1397 = vector.broadcast %broadcast_in_dim3A_1396 : i32 to vector<16xi32>
      %gather3A_1398 = tpu.vector_load_idx %arg10[%broadcast_in_dim3A_1364, %broadcast_in_dim3A_1395, %add3A_1362, %broadcast_in_dim3A_1397] : memref<2x3x784x8xf32, #tpu.memory_space<vmem>>[vector<16xi32>, vector<16xi32>, vector<16xi32>, vector<16xi32>], vector<16xf32>,
      %broadcast_in_dim3A_1399 = arith.constant 2 : i32
      %broadcast_in_dim3A_1400 = vector.broadcast %broadcast_in_dim3A_1399 : i32 to vector<16xi32>
      %broadcast_in_dim3A_1401 = arith.constant 1 : i32
      %broadcast_in_dim3A_1402 = vector.broadcast %broadcast_in_dim3A_1401 : i32 to vector<16xi32>
      %gather3A_1403 = tpu.vector_load_idx %arg10[%broadcast_in_dim3A_1364, %broadcast_in_dim3A_1400, %add3A_1362, %broadcast_in_dim3A_1402] : memref<2x3x784x8xf32, #tpu.memory_space<vmem>>[vector<16xi32>, vector<16xi32>, vector<16xi32>, vector<16xi32>], vector<16xf32>,
      %broadcast_in_dim3A_1404 = arith.constant 2 : i32
      %broadcast_in_dim3A_1405 = vector.broadcast %broadcast_in_dim3A_1404 : i32 to vector<16xi32>
      %broadcast_in_dim3A_1406 = arith.constant 2 : i32
      %broadcast_in_dim3A_1407 = vector.broadcast %broadcast_in_dim3A_1406 : i32 to vector<16xi32>
      %gather3A_1408 = tpu.vector_load_idx %arg10[%broadcast_in_dim3A_1364, %broadcast_in_dim3A_1405, %add3A_1362, %broadcast_in_dim3A_1407] : memref<2x3x784x8xf32, #tpu.memory_space<vmem>>[vector<16xi32>, vector<16xi32>, vector<16xi32>, vector<16xi32>], vector<16xf32>,
      %sub3A = arith.subf %gather3A_1383, %gather3A : vector<16xf32>
      %sub3A_1409 = arith.subf %gather3A_1388, %gather3A_1373 : vector<16xf32>
      %sub3A_1410 = arith.subf %gather3A_1393, %gather3A_1378 : vector<16xf32>
      %sub3A_1411 = arith.subf %gather3A_1398, %gather3A : vector<16xf32>
      %sub3A_1412 = arith.subf %gather3A_1403, %gather3A_1373 : vector<16xf32>
      %sub3A_1413 = arith.subf %gather3A_1408, %gather3A_1378 : vector<16xf32>
      %mul3A_1414 = arith.mulf %sub3A_1409, %sub3A_1413 : vector<16xf32>
      %mul3A_1415 = arith.mulf %sub3A_1410, %sub3A_1412 : vector<16xf32>
      %sub3A_1416 = arith.subf %mul3A_1414, %mul3A_1415 : vector<16xf32>
      %mul3A_1417 = arith.mulf %sub3A_1410, %sub3A_1411 : vector<16xf32>
      %mul3A_1418 = arith.mulf %sub3A, %sub3A_1413 : vector<16xf32>
      %sub3A_1419 = arith.subf %mul3A_1417, %mul3A_1418 : vector<16xf32>
      %mul3A_1420 = arith.mulf %sub3A, %sub3A_1412 : vector<16xf32>
      %mul3A_1421 = arith.mulf %sub3A_1409, %sub3A_1411 : vector<16xf32>
      %sub3A_1422 = arith.subf %mul3A_1420, %mul3A_1421 : vector<16xf32>
      %broadcast_in_dim3A_1423 = arith.constant 0 : i32
      %broadcast_in_dim3A_1424 = vector.broadcast %broadcast_in_dim3A_1423 : i32 to vector<16xi32>
      tpu.vector_store_idx %arg11[%broadcast_in_dim3A_1364, %add3A_1362, %broadcast_in_dim3A_1424], %sub3A_1416 : memref<2x784x8xf32, #tpu.memory_space<vmem>>[vector<16xi32>, vector<16xi32>, vector<16xi32>], vector<16xf32>,
      %broadcast_in_dim3A_1425 = arith.constant 1 : i32
      %broadcast_in_dim3A_1426 = vector.broadcast %broadcast_in_dim3A_1425 : i32 to vector<16xi32>
      tpu.vector_store_idx %arg11[%broadcast_in_dim3A_1364, %add3A_1362, %broadcast_in_dim3A_1426], %sub3A_1419 : memref<2x784x8xf32, #tpu.memory_space<vmem>>[vector<16xi32>, vector<16xi32>, vector<16xi32>], vector<16xf32>,
      %broadcast_in_dim3A_1427 = arith.constant 2 : i32
      %broadcast_in_dim3A_1428 = vector.broadcast %broadcast_in_dim3A_1427 : i32 to vector<16xi32>
      tpu.vector_store_idx %arg11[%broadcast_in_dim3A_1364, %add3A_1362, %broadcast_in_dim3A_1428], %sub3A_1422 : memref<2x784x8xf32, #tpu.memory_space<vmem>>[vector<16xi32>, vector<16xi32>, vector<16xi32>], vector<16xf32>,
    }
    %scan3A_1232 = arith.constant 49 : i32
    %dma_start3A_1233 = arith.constant 1 : i32
    %dma_start3A_1234 = arith.constant 1 : i32
    %dma_start3A_1235 = arith.constant 0 : i32
    %dma_start3A_1236 = arith.constant 0 : i32
    %dma_start3A_1237 = tpu.memref_slice %arg11[%dma_start3A_1233, %dma_start3A_1235, %dma_start3A_1236] : memref<2x784x8xf32, #tpu.memory_space<vmem>> -> memref<1x784x8xf32, #tpu.memory_space<vmem>>
    %dma_start3A_1238 = tpu.memref_squeeze %dma_start3A_1237 : memref<1x784x8xf32, #tpu.memory_space<vmem>> -> memref<784x8xf32, #tpu.memory_space<vmem>>
    %dma_start3A_1239 = arith.constant 5488 : i32
    %dma_start3A_1240 = tpu.memref_slice %arg7[%dma_start3A_1239] : memref<6272xi32, #tpu.memory_space<vmem>> -> memref<784xi32, #tpu.memory_space<vmem>>
    %dma_start3A_1241 = arith.constant 0 : i32
    %dma_start3A_1242 = arith.constant 0 : i32
    %dma_start3A_1243 = tpu.memref_slice %arg6[%dma_start3A_1241, %dma_start3A_1242] : memref<100096x8xf32, #tpu.memory_space<vmem_shared>> -> memref<100096x8xf32, #tpu.memory_space<vmem_shared>>
    %dma_start3A_1244 = tpu.memref_slice %arg13[%dma_start3A_1234] : memref<2x!tpu.dma_semaphore, #tpu.memory_space<semaphore_mem>> -> memref<1x!tpu.dma_semaphore, #tpu.memory_space<semaphore_mem>>
    %dma_start3A_1245 = tpu.memref_squeeze %dma_start3A_1244 : memref<1x!tpu.dma_semaphore, #tpu.memory_space<semaphore_mem>> -> memref<!tpu.dma_semaphore, #tpu.memory_space<semaphore_mem>>
    tpu.enqueue_indirect_dma source(%dma_start3A_1238 : memref<784x8xf32, #tpu.memory_space<vmem>>) target(%dma_start3A_1243 : memref<100096x8xf32, #tpu.memory_space<vmem_shared>>) offsets(%dma_start3A_1240 : memref<784xi32, #tpu.memory_space<vmem>>) semaphore(%dma_start3A_1245 : memref<!tpu.dma_semaphore, #tpu.memory_space<semaphore_mem>>) {add = true}
    %dma_start3A_1246 = arith.constant 1 : i32
    %dma_start3A_1247 = arith.constant 1 : i32
    %dma_start3A_1248 = arith.constant 0 : i32
    %dma_start3A_1249 = arith.constant 0 : i32
    %dma_start3A_1250 = tpu.memref_slice %arg11[%dma_start3A_1246, %dma_start3A_1248, %dma_start3A_1249] : memref<2x784x8xf32, #tpu.memory_space<vmem>> -> memref<1x784x8xf32, #tpu.memory_space<vmem>>
    %dma_start3A_1251 = tpu.memref_squeeze %dma_start3A_1250 : memref<1x784x8xf32, #tpu.memory_space<vmem>> -> memref<784x8xf32, #tpu.memory_space<vmem>>
    %dma_start3A_1252 = arith.constant 5488 : i32
    %dma_start3A_1253 = tpu.memref_slice %arg8[%dma_start3A_1252] : memref<6272xi32, #tpu.memory_space<vmem>> -> memref<784xi32, #tpu.memory_space<vmem>>
    %dma_start3A_1254 = arith.constant 0 : i32
    %dma_start3A_1255 = arith.constant 0 : i32
    %dma_start3A_1256 = tpu.memref_slice %arg6[%dma_start3A_1254, %dma_start3A_1255] : memref<100096x8xf32, #tpu.memory_space<vmem_shared>> -> memref<100096x8xf32, #tpu.memory_space<vmem_shared>>
    %dma_start3A_1257 = tpu.memref_slice %arg13[%dma_start3A_1247] : memref<2x!tpu.dma_semaphore, #tpu.memory_space<semaphore_mem>> -> memref<1x!tpu.dma_semaphore, #tpu.memory_space<semaphore_mem>>
    %dma_start3A_1258 = tpu.memref_squeeze %dma_start3A_1257 : memref<1x!tpu.dma_semaphore, #tpu.memory_space<semaphore_mem>> -> memref<!tpu.dma_semaphore, #tpu.memory_space<semaphore_mem>>
    tpu.enqueue_indirect_dma source(%dma_start3A_1251 : memref<784x8xf32, #tpu.memory_space<vmem>>) target(%dma_start3A_1256 : memref<100096x8xf32, #tpu.memory_space<vmem_shared>>) offsets(%dma_start3A_1253 : memref<784xi32, #tpu.memory_space<vmem>>) semaphore(%dma_start3A_1258 : memref<!tpu.dma_semaphore, #tpu.memory_space<semaphore_mem>>) {add = true}
    %dma_start3A_1259 = arith.constant 1 : i32
    %dma_start3A_1260 = arith.constant 1 : i32
    %dma_start3A_1261 = arith.constant 0 : i32
    %dma_start3A_1262 = arith.constant 0 : i32
    %dma_start3A_1263 = tpu.memref_slice %arg11[%dma_start3A_1259, %dma_start3A_1261, %dma_start3A_1262] : memref<2x784x8xf32, #tpu.memory_space<vmem>> -> memref<1x784x8xf32, #tpu.memory_space<vmem>>
    %dma_start3A_1264 = tpu.memref_squeeze %dma_start3A_1263 : memref<1x784x8xf32, #tpu.memory_space<vmem>> -> memref<784x8xf32, #tpu.memory_space<vmem>>
    %dma_start3A_1265 = arith.constant 5488 : i32
    %dma_start3A_1266 = tpu.memref_slice %arg9[%dma_start3A_1265] : memref<6272xi32, #tpu.memory_space<vmem>> -> memref<784xi32, #tpu.memory_space<vmem>>
    %dma_start3A_1267 = arith.constant 0 : i32
    %dma_start3A_1268 = arith.constant 0 : i32
    %dma_start3A_1269 = tpu.memref_slice %arg6[%dma_start3A_1267, %dma_start3A_1268] : memref<100096x8xf32, #tpu.memory_space<vmem_shared>> -> memref<100096x8xf32, #tpu.memory_space<vmem_shared>>
    %dma_start3A_1270 = tpu.memref_slice %arg13[%dma_start3A_1260] : memref<2x!tpu.dma_semaphore, #tpu.memory_space<semaphore_mem>> -> memref<1x!tpu.dma_semaphore, #tpu.memory_space<semaphore_mem>>
    %dma_start3A_1271 = tpu.memref_squeeze %dma_start3A_1270 : memref<1x!tpu.dma_semaphore, #tpu.memory_space<semaphore_mem>> -> memref<!tpu.dma_semaphore, #tpu.memory_space<semaphore_mem>>
    tpu.enqueue_indirect_dma source(%dma_start3A_1264 : memref<784x8xf32, #tpu.memory_space<vmem>>) target(%dma_start3A_1269 : memref<100096x8xf32, #tpu.memory_space<vmem_shared>>) offsets(%dma_start3A_1266 : memref<784xi32, #tpu.memory_space<vmem>>) semaphore(%dma_start3A_1271 : memref<!tpu.dma_semaphore, #tpu.memory_space<semaphore_mem>>) {add = true}
    %dma_wait3A_1272 = arith.constant 0 : i32
    %dma_wait3A_1273 = arith.constant 0 : i32
    %dma_wait3A_1274 = arith.constant 0 : i32
    %dma_wait3A_1275 = arith.constant 0 : i32
    %dma_wait3A_1276 = tpu.memref_slice %arg11[%dma_wait3A_1272, %dma_wait3A_1274, %dma_wait3A_1275] : memref<2x784x8xf32, #tpu.memory_space<vmem>> -> memref<1x784x8xf32, #tpu.memory_space<vmem>>
    %dma_wait3A_1277 = tpu.memref_squeeze %dma_wait3A_1276 : memref<1x784x8xf32, #tpu.memory_space<vmem>> -> memref<784x8xf32, #tpu.memory_space<vmem>>
    %dma_wait3A_1278 = arith.constant 0 : i32
    %dma_wait3A_1279 = tpu.memref_slice %arg7[%dma_wait3A_1278] : memref<6272xi32, #tpu.memory_space<vmem>> -> memref<784xi32, #tpu.memory_space<vmem>>
    %dma_wait3A_1280 = arith.constant 0 : i32
    %dma_wait3A_1281 = arith.constant 0 : i32
    %dma_wait3A_1282 = tpu.memref_slice %arg6[%dma_wait3A_1280, %dma_wait3A_1281] : memref<100096x8xf32, #tpu.memory_space<vmem_shared>> -> memref<100096x8xf32, #tpu.memory_space<vmem_shared>>
    %dma_wait3A_1283 = tpu.memref_slice %arg13[%dma_wait3A_1273] : memref<2x!tpu.dma_semaphore, #tpu.memory_space<semaphore_mem>> -> memref<1x!tpu.dma_semaphore, #tpu.memory_space<semaphore_mem>>
    %dma_wait3A_1284 = tpu.memref_squeeze %dma_wait3A_1283 : memref<1x!tpu.dma_semaphore, #tpu.memory_space<semaphore_mem>> -> memref<!tpu.dma_semaphore, #tpu.memory_space<semaphore_mem>>
    tpu.wait_indirect_dma semaphore(%dma_wait3A_1284 : memref<!tpu.dma_semaphore, #tpu.memory_space<semaphore_mem>>) src(%dma_wait3A_1277 : memref<784x8xf32, #tpu.memory_space<vmem>>) dst(%dma_wait3A_1282 : memref<100096x8xf32, #tpu.memory_space<vmem_shared>>)
    %dma_wait3A_1285 = arith.constant 0 : i32
    %dma_wait3A_1286 = arith.constant 0 : i32
    %dma_wait3A_1287 = arith.constant 0 : i32
    %dma_wait3A_1288 = arith.constant 0 : i32
    %dma_wait3A_1289 = tpu.memref_slice %arg11[%dma_wait3A_1285, %dma_wait3A_1287, %dma_wait3A_1288] : memref<2x784x8xf32, #tpu.memory_space<vmem>> -> memref<1x784x8xf32, #tpu.memory_space<vmem>>
    %dma_wait3A_1290 = tpu.memref_squeeze %dma_wait3A_1289 : memref<1x784x8xf32, #tpu.memory_space<vmem>> -> memref<784x8xf32, #tpu.memory_space<vmem>>
    %dma_wait3A_1291 = arith.constant 0 : i32
    %dma_wait3A_1292 = tpu.memref_slice %arg8[%dma_wait3A_1291] : memref<6272xi32, #tpu.memory_space<vmem>> -> memref<784xi32, #tpu.memory_space<vmem>>
    %dma_wait3A_1293 = arith.constant 0 : i32
    %dma_wait3A_1294 = arith.constant 0 : i32
    %dma_wait3A_1295 = tpu.memref_slice %arg6[%dma_wait3A_1293, %dma_wait3A_1294] : memref<100096x8xf32, #tpu.memory_space<vmem_shared>> -> memref<100096x8xf32, #tpu.memory_space<vmem_shared>>
    %dma_wait3A_1296 = tpu.memref_slice %arg13[%dma_wait3A_1286] : memref<2x!tpu.dma_semaphore, #tpu.memory_space<semaphore_mem>> -> memref<1x!tpu.dma_semaphore, #tpu.memory_space<semaphore_mem>>
    %dma_wait3A_1297 = tpu.memref_squeeze %dma_wait3A_1296 : memref<1x!tpu.dma_semaphore, #tpu.memory_space<semaphore_mem>> -> memref<!tpu.dma_semaphore, #tpu.memory_space<semaphore_mem>>
    tpu.wait_indirect_dma semaphore(%dma_wait3A_1297 : memref<!tpu.dma_semaphore, #tpu.memory_space<semaphore_mem>>) src(%dma_wait3A_1290 : memref<784x8xf32, #tpu.memory_space<vmem>>) dst(%dma_wait3A_1295 : memref<100096x8xf32, #tpu.memory_space<vmem_shared>>)
    %dma_wait3A_1298 = arith.constant 0 : i32
    %dma_wait3A_1299 = arith.constant 0 : i32
    %dma_wait3A_1300 = arith.constant 0 : i32
    %dma_wait3A_1301 = arith.constant 0 : i32
    %dma_wait3A_1302 = tpu.memref_slice %arg11[%dma_wait3A_1298, %dma_wait3A_1300, %dma_wait3A_1301] : memref<2x784x8xf32, #tpu.memory_space<vmem>> -> memref<1x784x8xf32, #tpu.memory_space<vmem>>
    %dma_wait3A_1303 = tpu.memref_squeeze %dma_wait3A_1302 : memref<1x784x8xf32, #tpu.memory_space<vmem>> -> memref<784x8xf32, #tpu.memory_space<vmem>>
    %dma_wait3A_1304 = arith.constant 0 : i32
    %dma_wait3A_1305 = tpu.memref_slice %arg9[%dma_wait3A_1304] : memref<6272xi32, #tpu.memory_space<vmem>> -> memref<784xi32, #tpu.memory_space<vmem>>
    %dma_wait3A_1306 = arith.constant 0 : i32
    %dma_wait3A_1307 = arith.constant 0 : i32
    %dma_wait3A_1308 = tpu.memref_slice %arg6[%dma_wait3A_1306, %dma_wait3A_1307] : memref<100096x8xf32, #tpu.memory_space<vmem_shared>> -> memref<100096x8xf32, #tpu.memory_space<vmem_shared>>
    %dma_wait3A_1309 = tpu.memref_slice %arg13[%dma_wait3A_1299] : memref<2x!tpu.dma_semaphore, #tpu.memory_space<semaphore_mem>> -> memref<1x!tpu.dma_semaphore, #tpu.memory_space<semaphore_mem>>
    %dma_wait3A_1310 = tpu.memref_squeeze %dma_wait3A_1309 : memref<1x!tpu.dma_semaphore, #tpu.memory_space<semaphore_mem>> -> memref<!tpu.dma_semaphore, #tpu.memory_space<semaphore_mem>>
    tpu.wait_indirect_dma semaphore(%dma_wait3A_1310 : memref<!tpu.dma_semaphore, #tpu.memory_space<semaphore_mem>>) src(%dma_wait3A_1303 : memref<784x8xf32, #tpu.memory_space<vmem>>) dst(%dma_wait3A_1308 : memref<100096x8xf32, #tpu.memory_space<vmem_shared>>)
    %dma_wait3A_1311 = arith.constant 1 : i32
    %dma_wait3A_1312 = arith.constant 1 : i32
    %dma_wait3A_1313 = arith.constant 0 : i32
    %dma_wait3A_1314 = arith.constant 0 : i32
    %dma_wait3A_1315 = tpu.memref_slice %arg11[%dma_wait3A_1311, %dma_wait3A_1313, %dma_wait3A_1314] : memref<2x784x8xf32, #tpu.memory_space<vmem>> -> memref<1x784x8xf32, #tpu.memory_space<vmem>>
    %dma_wait3A_1316 = tpu.memref_squeeze %dma_wait3A_1315 : memref<1x784x8xf32, #tpu.memory_space<vmem>> -> memref<784x8xf32, #tpu.memory_space<vmem>>
    %dma_wait3A_1317 = arith.constant 0 : i32
    %dma_wait3A_1318 = tpu.memref_slice %arg7[%dma_wait3A_1317] : memref<6272xi32, #tpu.memory_space<vmem>> -> memref<784xi32, #tpu.memory_space<vmem>>
    %dma_wait3A_1319 = arith.constant 0 : i32
    %dma_wait3A_1320 = arith.constant 0 : i32
    %dma_wait3A_1321 = tpu.memref_slice %arg6[%dma_wait3A_1319, %dma_wait3A_1320] : memref<100096x8xf32, #tpu.memory_space<vmem_shared>> -> memref<100096x8xf32, #tpu.memory_space<vmem_shared>>
    %dma_wait3A_1322 = tpu.memref_slice %arg13[%dma_wait3A_1312] : memref<2x!tpu.dma_semaphore, #tpu.memory_space<semaphore_mem>> -> memref<1x!tpu.dma_semaphore, #tpu.memory_space<semaphore_mem>>
    %dma_wait3A_1323 = tpu.memref_squeeze %dma_wait3A_1322 : memref<1x!tpu.dma_semaphore, #tpu.memory_space<semaphore_mem>> -> memref<!tpu.dma_semaphore, #tpu.memory_space<semaphore_mem>>
    tpu.wait_indirect_dma semaphore(%dma_wait3A_1323 : memref<!tpu.dma_semaphore, #tpu.memory_space<semaphore_mem>>) src(%dma_wait3A_1316 : memref<784x8xf32, #tpu.memory_space<vmem>>) dst(%dma_wait3A_1321 : memref<100096x8xf32, #tpu.memory_space<vmem_shared>>)
    %dma_wait3A_1324 = arith.constant 1 : i32
    %dma_wait3A_1325 = arith.constant 1 : i32
    %dma_wait3A_1326 = arith.constant 0 : i32
    %dma_wait3A_1327 = arith.constant 0 : i32
    %dma_wait3A_1328 = tpu.memref_slice %arg11[%dma_wait3A_1324, %dma_wait3A_1326, %dma_wait3A_1327] : memref<2x784x8xf32, #tpu.memory_space<vmem>> -> memref<1x784x8xf32, #tpu.memory_space<vmem>>
    %dma_wait3A_1329 = tpu.memref_squeeze %dma_wait3A_1328 : memref<1x784x8xf32, #tpu.memory_space<vmem>> -> memref<784x8xf32, #tpu.memory_space<vmem>>
    %dma_wait3A_1330 = arith.constant 0 : i32
    %dma_wait3A_1331 = tpu.memref_slice %arg8[%dma_wait3A_1330] : memref<6272xi32, #tpu.memory_space<vmem>> -> memref<784xi32, #tpu.memory_space<vmem>>
    %dma_wait3A_1332 = arith.constant 0 : i32
    %dma_wait3A_1333 = arith.constant 0 : i32
    %dma_wait3A_1334 = tpu.memref_slice %arg6[%dma_wait3A_1332, %dma_wait3A_1333] : memref<100096x8xf32, #tpu.memory_space<vmem_shared>> -> memref<100096x8xf32, #tpu.memory_space<vmem_shared>>
    %dma_wait3A_1335 = tpu.memref_slice %arg13[%dma_wait3A_1325] : memref<2x!tpu.dma_semaphore, #tpu.memory_space<semaphore_mem>> -> memref<1x!tpu.dma_semaphore, #tpu.memory_space<semaphore_mem>>
    %dma_wait3A_1336 = tpu.memref_squeeze %dma_wait3A_1335 : memref<1x!tpu.dma_semaphore, #tpu.memory_space<semaphore_mem>> -> memref<!tpu.dma_semaphore, #tpu.memory_space<semaphore_mem>>
    tpu.wait_indirect_dma semaphore(%dma_wait3A_1336 : memref<!tpu.dma_semaphore, #tpu.memory_space<semaphore_mem>>) src(%dma_wait3A_1329 : memref<784x8xf32, #tpu.memory_space<vmem>>) dst(%dma_wait3A_1334 : memref<100096x8xf32, #tpu.memory_space<vmem_shared>>)
    %dma_wait3A_1337 = arith.constant 1 : i32
    %dma_wait3A_1338 = arith.constant 1 : i32
    %dma_wait3A_1339 = arith.constant 0 : i32
    %dma_wait3A_1340 = arith.constant 0 : i32
    %dma_wait3A_1341 = tpu.memref_slice %arg11[%dma_wait3A_1337, %dma_wait3A_1339, %dma_wait3A_1340] : memref<2x784x8xf32, #tpu.memory_space<vmem>> -> memref<1x784x8xf32, #tpu.memory_space<vmem>>
    %dma_wait3A_1342 = tpu.memref_squeeze %dma_wait3A_1341 : memref<1x784x8xf32, #tpu.memory_space<vmem>> -> memref<784x8xf32, #tpu.memory_space<vmem>>
    %dma_wait3A_1343 = arith.constant 0 : i32
    %dma_wait3A_1344 = tpu.memref_slice %arg9[%dma_wait3A_1343] : memref<6272xi32, #tpu.memory_space<vmem>> -> memref<784xi32, #tpu.memory_space<vmem>>
    %dma_wait3A_1345 = arith.constant 0 : i32
    %dma_wait3A_1346 = arith.constant 0 : i32
    %dma_wait3A_1347 = tpu.memref_slice %arg6[%dma_wait3A_1345, %dma_wait3A_1346] : memref<100096x8xf32, #tpu.memory_space<vmem_shared>> -> memref<100096x8xf32, #tpu.memory_space<vmem_shared>>
    %dma_wait3A_1348 = tpu.memref_slice %arg13[%dma_wait3A_1338] : memref<2x!tpu.dma_semaphore, #tpu.memory_space<semaphore_mem>> -> memref<1x!tpu.dma_semaphore, #tpu.memory_space<semaphore_mem>>
    %dma_wait3A_1349 = tpu.memref_squeeze %dma_wait3A_1348 : memref<1x!tpu.dma_semaphore, #tpu.memory_space<semaphore_mem>> -> memref<!tpu.dma_semaphore, #tpu.memory_space<semaphore_mem>>
    tpu.wait_indirect_dma semaphore(%dma_wait3A_1349 : memref<!tpu.dma_semaphore, #tpu.memory_space<semaphore_mem>>) src(%dma_wait3A_1342 : memref<784x8xf32, #tpu.memory_space<vmem>>) dst(%dma_wait3A_1347 : memref<100096x8xf32, #tpu.memory_space<vmem_shared>>)
    %barrier3A = arith.constant 0 : index
    tpu.barrier barrier_id(%barrier3A)
    %mul3A_1350 = arith.constant 6256 : i32
    %mul3A_1351 = arith.muli %arg1, %mul3A_1350 : i32
    %mul3A_1352 = arith.constant 6256 : i32
    %mul3A_1353 = arith.muli %arg1, %mul3A_1352 : i32
    "tpu.region"() ({
      %run_scoped3A = tpu.sem_alloc : memref<!tpu.dma_semaphore, #tpu.memory_space<semaphore_mem>>
      %dma_start3A_1354 = arith.constant 0 : i32
      %dma_start3A_1355 = tpu.memref_slice %arg5[%arg0, %mul3A_1353, %dma_start3A_1354] : memref<2x100096x8xf32, #tpu.memory_space<hbm>> -> memref<1x6256x8xf32, #tpu.memory_space<hbm>>
      %dma_start3A_1356 = tpu.memref_squeeze %dma_start3A_1355 : memref<1x6256x8xf32, #tpu.memory_space<hbm>> -> memref<6256x8xf32, #tpu.memory_space<hbm>>
      %dma_start3A_1357 = arith.constant 0 : i32
      %dma_start3A_1358 = tpu.memref_slice %arg6[%mul3A_1351, %dma_start3A_1357] : memref<100096x8xf32, #tpu.memory_space<vmem_shared>> -> memref<6256x8xf32, #tpu.memory_space<vmem_shared>>
      tpu.enqueue_dma source(%dma_start3A_1358 : memref<6256x8xf32, #tpu.memory_space<vmem_shared>>) target(%dma_start3A_1356 : memref<6256x8xf32, #tpu.memory_space<hbm>>) target_semaphore(%run_scoped3A : memref<!tpu.dma_semaphore, #tpu.memory_space<semaphore_mem>>)
      %dma_wait3A_1359 = arith.constant 0 : i32
      %dma_wait3A_1360 = tpu.memref_slice %arg5[%arg0, %mul3A_1353, %dma_wait3A_1359] : memref<2x100096x8xf32, #tpu.memory_space<hbm>> -> memref<1x6256x8xf32, #tpu.memory_space<hbm>>
      %dma_wait3A_1361 = tpu.memref_squeeze %dma_wait3A_1360 : memref<1x6256x8xf32, #tpu.memory_space<hbm>> -> memref<6256x8xf32, #tpu.memory_space<hbm>>
      %dma_wait3A_1362 = arith.constant 0 : i32
      %dma_wait3A_1363 = tpu.memref_slice %arg6[%mul3A_1351, %dma_wait3A_1362] : memref<100096x8xf32, #tpu.memory_space<vmem_shared>> -> memref<6256x8xf32, #tpu.memory_space<vmem_shared>>
      tpu.wait_dma2 semaphore(%run_scoped3A : memref<!tpu.dma_semaphore, #tpu.memory_space<semaphore_mem>>) src(%dma_wait3A_1363 : memref<6256x8xf32, #tpu.memory_space<vmem_shared>>) dst(%dma_wait3A_1361 : memref<6256x8xf32, #tpu.memory_space<hbm>>)
      tpu.yield
    }) : () -> ()
    return
  }
}

#map = affine_map<(d0, d1) -> (0, 0, 0)>
#map1 = affine_map<(d0, d1) -> (0, 0)>
module attributes {stable_mosaic.version = 14 : i64} {
  func.func @_sc_norm_body(%arg0: i32, %arg1: i32, %arg2: memref<2x100096x8xf32, #tpu.memory_space<hbm>>, %arg3: memref<3x100096xf32, #tpu.memory_space<hbm>>, %arg4: memref<3128x8xf32, #tpu.memory_space<vmem>>, %arg5: memref<3128x8xf32, #tpu.memory_space<vmem>>, %arg6: memref<3136xf32, #tpu.memory_space<vmem>>, %arg7: memref<3136xf32, #tpu.memory_space<vmem>>, %arg8: memref<3136xf32, #tpu.memory_space<vmem>>) attributes {dimension_semantics = [#tpu.dimension_semantics<core_parallel>, #tpu.dimension_semantics<subcore_parallel>], iteration_bounds = array<i64: 2, 16>, scalar_prefetch = 0 : i64, scratch_operands = 5 : i64, tpu.core_type = #tpu.core_type<sc_vector_subcore>, window_params = [{transform_indices = #map}, {transform_indices = #map1}]} {
    %mul3A = arith.constant 2 : i32
    %mul3A_0 = arith.muli %arg1, %mul3A : i32
    %add3A = arith.addi %mul3A_0, %arg0 : i32
    %mul3A_1 = arith.constant 3128 : i32
    %mul3A_2 = arith.muli %add3A, %mul3A_1 : i32
    %run_scoped3A = arith.constant 0 : i32
    "tpu.region"() ({
      %run_scoped3A_11 = tpu.sem_alloc : memref<!tpu.dma_semaphore, #tpu.memory_space<semaphore_mem>>
      %dma_start3A = arith.constant 0 : i32
      %dma_start3A_12 = tpu.memref_slice %arg2[%run_scoped3A, %mul3A_2, %dma_start3A] : memref<2x100096x8xf32, #tpu.memory_space<hbm>> -> memref<1x3128x8xf32, #tpu.memory_space<hbm>>
      %dma_start3A_13 = tpu.memref_squeeze %dma_start3A_12 : memref<1x3128x8xf32, #tpu.memory_space<hbm>> -> memref<3128x8xf32, #tpu.memory_space<hbm>>
      %dma_start3A_14 = arith.constant 0 : i32
      %dma_start3A_15 = tpu.memref_slice %arg2[%run_scoped3A, %mul3A_2, %dma_start3A_14] : memref<2x100096x8xf32, #tpu.memory_space<hbm>> -> memref<1x3128x8xf32, #tpu.memory_space<hbm>>
      %dma_start3A_16 = tpu.memref_squeeze %dma_start3A_15 : memref<1x3128x8xf32, #tpu.memory_space<hbm>> -> memref<3128x8xf32, #tpu.memory_space<hbm>>
      tpu.enqueue_dma source(%dma_start3A_16 : memref<3128x8xf32, #tpu.memory_space<hbm>>) target(%arg4 : memref<3128x8xf32, #tpu.memory_space<vmem>>) target_semaphore(%run_scoped3A_11 : memref<!tpu.dma_semaphore, #tpu.memory_space<semaphore_mem>>)
      %dma_wait3A = arith.constant 0 : i32
      %dma_wait3A_17 = tpu.memref_slice %arg2[%run_scoped3A, %mul3A_2, %dma_wait3A] : memref<2x100096x8xf32, #tpu.memory_space<hbm>> -> memref<1x3128x8xf32, #tpu.memory_space<hbm>>
      %dma_wait3A_18 = tpu.memref_squeeze %dma_wait3A_17 : memref<1x3128x8xf32, #tpu.memory_space<hbm>> -> memref<3128x8xf32, #tpu.memory_space<hbm>>
      %dma_wait3A_19 = arith.constant 0 : i32
      %dma_wait3A_20 = tpu.memref_slice %arg2[%run_scoped3A, %mul3A_2, %dma_wait3A_19] : memref<2x100096x8xf32, #tpu.memory_space<hbm>> -> memref<1x3128x8xf32, #tpu.memory_space<hbm>>
      %dma_wait3A_21 = tpu.memref_squeeze %dma_wait3A_20 : memref<1x3128x8xf32, #tpu.memory_space<hbm>> -> memref<3128x8xf32, #tpu.memory_space<hbm>>
      tpu.wait_dma2 semaphore(%run_scoped3A_11 : memref<!tpu.dma_semaphore, #tpu.memory_space<semaphore_mem>>) src(%dma_wait3A_21 : memref<3128x8xf32, #tpu.memory_space<hbm>>) dst(%arg4 : memref<3128x8xf32, #tpu.memory_space<vmem>>)
      tpu.yield
    }) : () -> ()
    %run_scoped3A_3 = arith.constant 1 : i32
    "tpu.region"() ({
      %run_scoped3A_11 = tpu.sem_alloc : memref<!tpu.dma_semaphore, #tpu.memory_space<semaphore_mem>>
      %dma_start3A = arith.constant 0 : i32
      %dma_start3A_12 = tpu.memref_slice %arg2[%run_scoped3A_3, %mul3A_2, %dma_start3A] : memref<2x100096x8xf32, #tpu.memory_space<hbm>> -> memref<1x3128x8xf32, #tpu.memory_space<hbm>>
      %dma_start3A_13 = tpu.memref_squeeze %dma_start3A_12 : memref<1x3128x8xf32, #tpu.memory_space<hbm>> -> memref<3128x8xf32, #tpu.memory_space<hbm>>
      %dma_start3A_14 = arith.constant 0 : i32
      %dma_start3A_15 = tpu.memref_slice %arg2[%run_scoped3A_3, %mul3A_2, %dma_start3A_14] : memref<2x100096x8xf32, #tpu.memory_space<hbm>> -> memref<1x3128x8xf32, #tpu.memory_space<hbm>>
      %dma_start3A_16 = tpu.memref_squeeze %dma_start3A_15 : memref<1x3128x8xf32, #tpu.memory_space<hbm>> -> memref<3128x8xf32, #tpu.memory_space<hbm>>
      tpu.enqueue_dma source(%dma_start3A_16 : memref<3128x8xf32, #tpu.memory_space<hbm>>) target(%arg5 : memref<3128x8xf32, #tpu.memory_space<vmem>>) target_semaphore(%run_scoped3A_11 : memref<!tpu.dma_semaphore, #tpu.memory_space<semaphore_mem>>)
      %dma_wait3A = arith.constant 0 : i32
      %dma_wait3A_17 = tpu.memref_slice %arg2[%run_scoped3A_3, %mul3A_2, %dma_wait3A] : memref<2x100096x8xf32, #tpu.memory_space<hbm>> -> memref<1x3128x8xf32, #tpu.memory_space<hbm>>
      %dma_wait3A_18 = tpu.memref_squeeze %dma_wait3A_17 : memref<1x3128x8xf32, #tpu.memory_space<hbm>> -> memref<3128x8xf32, #tpu.memory_space<hbm>>
      %dma_wait3A_19 = arith.constant 0 : i32
      %dma_wait3A_20 = tpu.memref_slice %arg2[%run_scoped3A_3, %mul3A_2, %dma_wait3A_19] : memref<2x100096x8xf32, #tpu.memory_space<hbm>> -> memref<1x3128x8xf32, #tpu.memory_space<hbm>>
      %dma_wait3A_21 = tpu.memref_squeeze %dma_wait3A_20 : memref<1x3128x8xf32, #tpu.memory_space<hbm>> -> memref<3128x8xf32, #tpu.memory_space<hbm>>
      tpu.wait_dma2 semaphore(%run_scoped3A_11 : memref<!tpu.dma_semaphore, #tpu.memory_space<semaphore_mem>>) src(%dma_wait3A_21 : memref<3128x8xf32, #tpu.memory_space<hbm>>) dst(%arg5 : memref<3128x8xf32, #tpu.memory_space<vmem>>)
      tpu.yield
    }) : () -> ()
    %iota3A = tpu.iota {dimensions = array<i32: 0>} : vector<16xi32>
    %scan3A = arith.constant 0 : i32
    %scan3A_4 = arith.constant 196 : i32
    %scan3A_5 = arith.addi %scan3A, %scan3A_4 : i32
    %scan3A_6 = arith.constant 1 : i32
    scf.for %scan3A_11 = %scan3A to %scan3A_5 step %scan3A_6  : i32 {
      %mul3A_12 = arith.constant 1 : i32
      %mul3A_13 = arith.muli %scan3A_11, %mul3A_12 : i32
      %add3A_14 = arith.constant 0 : i32
      %add3A_15 = arith.addi %add3A_14, %mul3A_13 : i32
      %mul3A_16 = arith.constant 16 : i32
      %mul3A_17 = arith.muli %add3A_15, %mul3A_16 : i32
      %add3A_18 = vector.broadcast %mul3A_17 : i32 to vector<16xi32>
      %add3A_19 = arith.addi %add3A_18, %iota3A : vector<16xi32>
      %lt3A = arith.constant 3128 : i32
      %lt3A_20 = vector.broadcast %lt3A : i32 to vector<16xi32>
      %lt3A_21 = arith.cmpi slt, %add3A_19, %lt3A_20 : vector<16xi32>
      %broadcast_in_dim3A = arith.constant 0 : i32
      %broadcast_in_dim3A_22 = vector.broadcast %broadcast_in_dim3A : i32 to vector<16xi32>
      %gather3A = tpu.vector_load_idx %arg4[%add3A_19, %broadcast_in_dim3A_22] masked %lt3A_21 : memref<3128x8xf32, #tpu.memory_space<vmem>>[vector<16xi32>, vector<16xi32>], vector<16xf32>, vector<16xi1>
      %gather3A_23 = tpu.vector_load_idx %arg5[%add3A_19, %broadcast_in_dim3A_22] masked %lt3A_21 : memref<3128x8xf32, #tpu.memory_space<vmem>>[vector<16xi32>, vector<16xi32>], vector<16xf32>, vector<16xi1>
      %add3A_24 = arith.addf %gather3A, %gather3A_23 : vector<16xf32>
      %broadcast_in_dim3A_25 = arith.constant 1 : i32
      %broadcast_in_dim3A_26 = vector.broadcast %broadcast_in_dim3A_25 : i32 to vector<16xi32>
      %gather3A_27 = tpu.vector_load_idx %arg4[%add3A_19, %broadcast_in_dim3A_26] masked %lt3A_21 : memref<3128x8xf32, #tpu.memory_space<vmem>>[vector<16xi32>, vector<16xi32>], vector<16xf32>, vector<16xi1>
      %gather3A_28 = tpu.vector_load_idx %arg5[%add3A_19, %broadcast_in_dim3A_26] masked %lt3A_21 : memref<3128x8xf32, #tpu.memory_space<vmem>>[vector<16xi32>, vector<16xi32>], vector<16xf32>, vector<16xi1>
      %add3A_29 = arith.addf %gather3A_27, %gather3A_28 : vector<16xf32>
      %broadcast_in_dim3A_30 = arith.constant 2 : i32
      %broadcast_in_dim3A_31 = vector.broadcast %broadcast_in_dim3A_30 : i32 to vector<16xi32>
      %gather3A_32 = tpu.vector_load_idx %arg4[%add3A_19, %broadcast_in_dim3A_31] masked %lt3A_21 : memref<3128x8xf32, #tpu.memory_space<vmem>>[vector<16xi32>, vector<16xi32>], vector<16xf32>, vector<16xi1>
      %gather3A_33 = tpu.vector_load_idx %arg5[%add3A_19, %broadcast_in_dim3A_31] masked %lt3A_21 : memref<3128x8xf32, #tpu.memory_space<vmem>>[vector<16xi32>, vector<16xi32>], vector<16xf32>, vector<16xi1>
      %add3A_34 = arith.addf %gather3A_32, %gather3A_33 : vector<16xf32>
      %mul3A_35 = arith.mulf %add3A_24, %add3A_24 : vector<16xf32>
      %mul3A_36 = arith.mulf %add3A_29, %add3A_29 : vector<16xf32>
      %add3A_37 = arith.addf %mul3A_35, %mul3A_36 : vector<16xf32>
      %mul3A_38 = arith.mulf %add3A_34, %add3A_34 : vector<16xf32>
      %add3A_39 = arith.addf %add3A_37, %mul3A_38 : vector<16xf32>
      %gt3A = arith.constant 9.99999968E-21 : f32
      %gt3A_40 = vector.broadcast %gt3A : f32 to vector<16xf32>
      %gt3A_41 = arith.cmpf ogt, %add3A_39, %gt3A_40 : vector<16xf32>
      %jit3A = arith.constant 0.000000e+00 : f32
      %broadcast_in_dim3A_42 = vector.broadcast %jit3A : f32 to vector<16xf32>
      %select_n3A = arith.select %gt3A_41, %add3A_24, %broadcast_in_dim3A_42 : vector<16xi1>, vector<16xf32>
      %jit3A_43 = arith.constant 0.000000e+00 : f32
      %broadcast_in_dim3A_44 = vector.broadcast %jit3A_43 : f32 to vector<16xf32>
      %select_n3A_45 = arith.select %gt3A_41, %add3A_29, %broadcast_in_dim3A_44 : vector<16xi1>, vector<16xf32>
      %jit3A_46 = arith.constant 1.000000e+00 : f32
      %broadcast_in_dim3A_47 = vector.broadcast %jit3A_46 : f32 to vector<16xf32>
      %select_n3A_48 = arith.select %gt3A_41, %add3A_34, %broadcast_in_dim3A_47 : vector<16xi1>, vector<16xf32>
      %jit3A_49 = arith.constant 1.000000e+00 : f32
      %broadcast_in_dim3A_50 = vector.broadcast %jit3A_49 : f32 to vector<16xf32>
      %select_n3A_51 = arith.select %gt3A_41, %add3A_39, %broadcast_in_dim3A_50 : vector<16xi1>, vector<16xf32>
      %bitcast3A = vector.bitcast %select_n3A_51 : vector<16xf32> to vector<16xi32>
      %shift_right_logical3A = arith.constant 1 : i32
      %shift_right_logical3A_52 = vector.broadcast %shift_right_logical3A : i32 to vector<16xi32>
      %shift_right_logical3A_53 = arith.shrui %bitcast3A, %shift_right_logical3A_52 : vector<16xi32>
      %sub3A = arith.constant 1597463007 : i32
      %sub3A_54 = vector.broadcast %sub3A : i32 to vector<16xi32>
      %sub3A_55 = arith.subi %sub3A_54, %shift_right_logical3A_53 : vector<16xi32>
      %bitcast3A_56 = vector.bitcast %sub3A_55 : vector<16xi32> to vector<16xf32>
      %mul3A_57 = arith.constant 5.000000e-01 : f32
      %mul3A_58 = vector.broadcast %mul3A_57 : f32 to vector<16xf32>
      %mul3A_59 = arith.mulf %mul3A_58, %select_n3A_51 : vector<16xf32>
      %mul3A_60 = arith.mulf %mul3A_59, %bitcast3A_56 : vector<16xf32>
      %mul3A_61 = arith.mulf %mul3A_60, %bitcast3A_56 : vector<16xf32>
      %sub3A_62 = arith.constant 1.500000e+00 : f32
      %sub3A_63 = vector.broadcast %sub3A_62 : f32 to vector<16xf32>
      %sub3A_64 = arith.subf %sub3A_63, %mul3A_61 : vector<16xf32>
      %mul3A_65 = arith.mulf %bitcast3A_56, %sub3A_64 : vector<16xf32>
      %mul3A_66 = arith.constant 5.000000e-01 : f32
      %mul3A_67 = vector.broadcast %mul3A_66 : f32 to vector<16xf32>
      %mul3A_68 = arith.mulf %mul3A_67, %select_n3A_51 : vector<16xf32>
      %mul3A_69 = arith.mulf %mul3A_68, %mul3A_65 : vector<16xf32>
      %mul3A_70 = arith.mulf %mul3A_69, %mul3A_65 : vector<16xf32>
      %sub3A_71 = arith.constant 1.500000e+00 : f32
      %sub3A_72 = vector.broadcast %sub3A_71 : f32 to vector<16xf32>
      %sub3A_73 = arith.subf %sub3A_72, %mul3A_70 : vector<16xf32>
      %mul3A_74 = arith.mulf %mul3A_65, %sub3A_73 : vector<16xf32>
      %mul3A_75 = arith.constant 5.000000e-01 : f32
      %mul3A_76 = vector.broadcast %mul3A_75 : f32 to vector<16xf32>
      %mul3A_77 = arith.mulf %mul3A_76, %select_n3A_51 : vector<16xf32>
      %mul3A_78 = arith.mulf %mul3A_77, %mul3A_74 : vector<16xf32>
      %mul3A_79 = arith.mulf %mul3A_78, %mul3A_74 : vector<16xf32>
      %sub3A_80 = arith.constant 1.500000e+00 : f32
      %sub3A_81 = vector.broadcast %sub3A_80 : f32 to vector<16xf32>
      %sub3A_82 = arith.subf %sub3A_81, %mul3A_79 : vector<16xf32>
      %mul3A_83 = arith.mulf %mul3A_74, %sub3A_82 : vector<16xf32>
      %mul3A_84 = arith.mulf %select_n3A, %mul3A_83 : vector<16xf32>
      %mul3A_85 = arith.mulf %select_n3A_45, %mul3A_83 : vector<16xf32>
      %mul3A_86 = arith.mulf %select_n3A_48, %mul3A_83 : vector<16xf32>
      %mul3A_87 = arith.constant 16 : i32
      %mul3A_88 = arith.muli %add3A_15, %mul3A_87 : i32
      %swap3A = arith.index_cast %mul3A_88 : i32 to index
      %swap3A_89 = tpu.vector_load %arg6[%swap3A] {strides = array<i32>} : memref<3136xf32, #tpu.memory_space<vmem>>, vector<16xf32>,
      tpu.vector_store %arg6[%swap3A], %mul3A_84 {strides = array<i32>} : memref<3136xf32, #tpu.memory_space<vmem>>, vector<16xf32>,
      %mul3A_90 = arith.constant 16 : i32
      %mul3A_91 = arith.muli %add3A_15, %mul3A_90 : i32
      %swap3A_92 = arith.index_cast %mul3A_91 : i32 to index
      %swap3A_93 = tpu.vector_load %arg7[%swap3A_92] {strides = array<i32>} : memref<3136xf32, #tpu.memory_space<vmem>>, vector<16xf32>,
      tpu.vector_store %arg7[%swap3A_92], %mul3A_85 {strides = array<i32>} : memref<3136xf32, #tpu.memory_space<vmem>>, vector<16xf32>,
      %mul3A_94 = arith.constant 16 : i32
      %mul3A_95 = arith.muli %add3A_15, %mul3A_94 : i32
      %swap3A_96 = arith.index_cast %mul3A_95 : i32 to index
      %swap3A_97 = tpu.vector_load %arg8[%swap3A_96] {strides = array<i32>} : memref<3136xf32, #tpu.memory_space<vmem>>, vector<16xf32>,
      tpu.vector_store %arg8[%swap3A_96], %mul3A_86 {strides = array<i32>} : memref<3136xf32, #tpu.memory_space<vmem>>, vector<16xf32>,
    }
    %scan3A_7 = arith.constant 196 : i32
    %run_scoped3A_8 = arith.constant 0 : i32
    "tpu.region"() ({
      %run_scoped3A_11 = tpu.sem_alloc : memref<!tpu.dma_semaphore, #tpu.memory_space<semaphore_mem>>
      %dma_start3A = arith.constant 0 : i32
      %dma_start3A_12 = tpu.memref_slice %arg6[%dma_start3A] : memref<3136xf32, #tpu.memory_space<vmem>> -> memref<3128xf32, #tpu.memory_space<vmem>>
      %dma_start3A_13 = tpu.memref_slice %arg3[%run_scoped3A_8, %mul3A_2] : memref<3x100096xf32, #tpu.memory_space<hbm>> -> memref<1x3128xf32, #tpu.memory_space<hbm>>
      %dma_start3A_14 = tpu.memref_squeeze %dma_start3A_13 : memref<1x3128xf32, #tpu.memory_space<hbm>> -> memref<3128xf32, #tpu.memory_space<hbm>>
      %dma_start3A_15 = tpu.memref_slice %arg3[%run_scoped3A_8, %mul3A_2] : memref<3x100096xf32, #tpu.memory_space<hbm>> -> memref<1x3128xf32, #tpu.memory_space<hbm>>
      %dma_start3A_16 = tpu.memref_squeeze %dma_start3A_15 : memref<1x3128xf32, #tpu.memory_space<hbm>> -> memref<3128xf32, #tpu.memory_space<hbm>>
      %dma_start3A_17 = arith.constant 0 : i32
      %dma_start3A_18 = tpu.memref_slice %arg6[%dma_start3A_17] : memref<3136xf32, #tpu.memory_space<vmem>> -> memref<3128xf32, #tpu.memory_space<vmem>>
      tpu.enqueue_dma source(%dma_start3A_18 : memref<3128xf32, #tpu.memory_space<vmem>>) target(%dma_start3A_16 : memref<3128xf32, #tpu.memory_space<hbm>>) target_semaphore(%run_scoped3A_11 : memref<!tpu.dma_semaphore, #tpu.memory_space<semaphore_mem>>)
      %dma_wait3A = arith.constant 0 : i32
      %dma_wait3A_19 = tpu.memref_slice %arg6[%dma_wait3A] : memref<3136xf32, #tpu.memory_space<vmem>> -> memref<3128xf32, #tpu.memory_space<vmem>>
      %dma_wait3A_20 = tpu.memref_slice %arg3[%run_scoped3A_8, %mul3A_2] : memref<3x100096xf32, #tpu.memory_space<hbm>> -> memref<1x3128xf32, #tpu.memory_space<hbm>>
      %dma_wait3A_21 = tpu.memref_squeeze %dma_wait3A_20 : memref<1x3128xf32, #tpu.memory_space<hbm>> -> memref<3128xf32, #tpu.memory_space<hbm>>
      %dma_wait3A_22 = tpu.memref_slice %arg3[%run_scoped3A_8, %mul3A_2] : memref<3x100096xf32, #tpu.memory_space<hbm>> -> memref<1x3128xf32, #tpu.memory_space<hbm>>
      %dma_wait3A_23 = tpu.memref_squeeze %dma_wait3A_22 : memref<1x3128xf32, #tpu.memory_space<hbm>> -> memref<3128xf32, #tpu.memory_space<hbm>>
      %dma_wait3A_24 = arith.constant 0 : i32
      %dma_wait3A_25 = tpu.memref_slice %arg6[%dma_wait3A_24] : memref<3136xf32, #tpu.memory_space<vmem>> -> memref<3128xf32, #tpu.memory_space<vmem>>
      tpu.wait_dma2 semaphore(%run_scoped3A_11 : memref<!tpu.dma_semaphore, #tpu.memory_space<semaphore_mem>>) src(%dma_wait3A_25 : memref<3128xf32, #tpu.memory_space<vmem>>) dst(%dma_wait3A_23 : memref<3128xf32, #tpu.memory_space<hbm>>)
      tpu.yield
    }) : () -> ()
    %run_scoped3A_9 = arith.constant 1 : i32
    "tpu.region"() ({
      %run_scoped3A_11 = tpu.sem_alloc : memref<!tpu.dma_semaphore, #tpu.memory_space<semaphore_mem>>
      %dma_start3A = arith.constant 0 : i32
      %dma_start3A_12 = tpu.memref_slice %arg7[%dma_start3A] : memref<3136xf32, #tpu.memory_space<vmem>> -> memref<3128xf32, #tpu.memory_space<vmem>>
      %dma_start3A_13 = tpu.memref_slice %arg3[%run_scoped3A_9, %mul3A_2] : memref<3x100096xf32, #tpu.memory_space<hbm>> -> memref<1x3128xf32, #tpu.memory_space<hbm>>
      %dma_start3A_14 = tpu.memref_squeeze %dma_start3A_13 : memref<1x3128xf32, #tpu.memory_space<hbm>> -> memref<3128xf32, #tpu.memory_space<hbm>>
      %dma_start3A_15 = tpu.memref_slice %arg3[%run_scoped3A_9, %mul3A_2] : memref<3x100096xf32, #tpu.memory_space<hbm>> -> memref<1x3128xf32, #tpu.memory_space<hbm>>
      %dma_start3A_16 = tpu.memref_squeeze %dma_start3A_15 : memref<1x3128xf32, #tpu.memory_space<hbm>> -> memref<3128xf32, #tpu.memory_space<hbm>>
      %dma_start3A_17 = arith.constant 0 : i32
      %dma_start3A_18 = tpu.memref_slice %arg7[%dma_start3A_17] : memref<3136xf32, #tpu.memory_space<vmem>> -> memref<3128xf32, #tpu.memory_space<vmem>>
      tpu.enqueue_dma source(%dma_start3A_18 : memref<3128xf32, #tpu.memory_space<vmem>>) target(%dma_start3A_16 : memref<3128xf32, #tpu.memory_space<hbm>>) target_semaphore(%run_scoped3A_11 : memref<!tpu.dma_semaphore, #tpu.memory_space<semaphore_mem>>)
      %dma_wait3A = arith.constant 0 : i32
      %dma_wait3A_19 = tpu.memref_slice %arg7[%dma_wait3A] : memref<3136xf32, #tpu.memory_space<vmem>> -> memref<3128xf32, #tpu.memory_space<vmem>>
      %dma_wait3A_20 = tpu.memref_slice %arg3[%run_scoped3A_9, %mul3A_2] : memref<3x100096xf32, #tpu.memory_space<hbm>> -> memref<1x3128xf32, #tpu.memory_space<hbm>>
      %dma_wait3A_21 = tpu.memref_squeeze %dma_wait3A_20 : memref<1x3128xf32, #tpu.memory_space<hbm>> -> memref<3128xf32, #tpu.memory_space<hbm>>
      %dma_wait3A_22 = tpu.memref_slice %arg3[%run_scoped3A_9, %mul3A_2] : memref<3x100096xf32, #tpu.memory_space<hbm>> -> memref<1x3128xf32, #tpu.memory_space<hbm>>
      %dma_wait3A_23 = tpu.memref_squeeze %dma_wait3A_22 : memref<1x3128xf32, #tpu.memory_space<hbm>> -> memref<3128xf32, #tpu.memory_space<hbm>>
      %dma_wait3A_24 = arith.constant 0 : i32
      %dma_wait3A_25 = tpu.memref_slice %arg7[%dma_wait3A_24] : memref<3136xf32, #tpu.memory_space<vmem>> -> memref<3128xf32, #tpu.memory_space<vmem>>
      tpu.wait_dma2 semaphore(%run_scoped3A_11 : memref<!tpu.dma_semaphore, #tpu.memory_space<semaphore_mem>>) src(%dma_wait3A_25 : memref<3128xf32, #tpu.memory_space<vmem>>) dst(%dma_wait3A_23 : memref<3128xf32, #tpu.memory_space<hbm>>)
      tpu.yield
    }) : () -> ()
    %run_scoped3A_10 = arith.constant 2 : i32
    "tpu.region"() ({
      %run_scoped3A_11 = tpu.sem_alloc : memref<!tpu.dma_semaphore, #tpu.memory_space<semaphore_mem>>
      %dma_start3A = arith.constant 0 : i32
      %dma_start3A_12 = tpu.memref_slice %arg8[%dma_start3A] : memref<3136xf32, #tpu.memory_space<vmem>> -> memref<3128xf32, #tpu.memory_space<vmem>>
      %dma_start3A_13 = tpu.memref_slice %arg3[%run_scoped3A_10, %mul3A_2] : memref<3x100096xf32, #tpu.memory_space<hbm>> -> memref<1x3128xf32, #tpu.memory_space<hbm>>
      %dma_start3A_14 = tpu.memref_squeeze %dma_start3A_13 : memref<1x3128xf32, #tpu.memory_space<hbm>> -> memref<3128xf32, #tpu.memory_space<hbm>>
      %dma_start3A_15 = tpu.memref_slice %arg3[%run_scoped3A_10, %mul3A_2] : memref<3x100096xf32, #tpu.memory_space<hbm>> -> memref<1x3128xf32, #tpu.memory_space<hbm>>
      %dma_start3A_16 = tpu.memref_squeeze %dma_start3A_15 : memref<1x3128xf32, #tpu.memory_space<hbm>> -> memref<3128xf32, #tpu.memory_space<hbm>>
      %dma_start3A_17 = arith.constant 0 : i32
      %dma_start3A_18 = tpu.memref_slice %arg8[%dma_start3A_17] : memref<3136xf32, #tpu.memory_space<vmem>> -> memref<3128xf32, #tpu.memory_space<vmem>>
      tpu.enqueue_dma source(%dma_start3A_18 : memref<3128xf32, #tpu.memory_space<vmem>>) target(%dma_start3A_16 : memref<3128xf32, #tpu.memory_space<hbm>>) target_semaphore(%run_scoped3A_11 : memref<!tpu.dma_semaphore, #tpu.memory_space<semaphore_mem>>)
      %dma_wait3A = arith.constant 0 : i32
      %dma_wait3A_19 = tpu.memref_slice %arg8[%dma_wait3A] : memref<3136xf32, #tpu.memory_space<vmem>> -> memref<3128xf32, #tpu.memory_space<vmem>>
      %dma_wait3A_20 = tpu.memref_slice %arg3[%run_scoped3A_10, %mul3A_2] : memref<3x100096xf32, #tpu.memory_space<hbm>> -> memref<1x3128xf32, #tpu.memory_space<hbm>>
      %dma_wait3A_21 = tpu.memref_squeeze %dma_wait3A_20 : memref<1x3128xf32, #tpu.memory_space<hbm>> -> memref<3128xf32, #tpu.memory_space<hbm>>
      %dma_wait3A_22 = tpu.memref_slice %arg3[%run_scoped3A_10, %mul3A_2] : memref<3x100096xf32, #tpu.memory_space<hbm>> -> memref<1x3128xf32, #tpu.memory_space<hbm>>
      %dma_wait3A_23 = tpu.memref_squeeze %dma_wait3A_22 : memref<1x3128xf32, #tpu.memory_space<hbm>> -> memref<3128xf32, #tpu.memory_space<hbm>>
      %dma_wait3A_24 = arith.constant 0 : i32
      %dma_wait3A_25 = tpu.memref_slice %arg8[%dma_wait3A_24] : memref<3136xf32, #tpu.memory_space<vmem>> -> memref<3128xf32, #tpu.memory_space<vmem>>
      tpu.wait_dma2 semaphore(%run_scoped3A_11 : memref<!tpu.dma_semaphore, #tpu.memory_space<semaphore_mem>>) src(%dma_wait3A_25 : memref<3128xf32, #tpu.memory_space<vmem>>) dst(%dma_wait3A_23 : memref<3128xf32, #tpu.memory_space<hbm>>)
      tpu.yield
    }) : () -> ()
    return
  }
}

module attributes {stable_mosaic.version = 14 : i64} {
  func.func @_tc_prep_body(%arg0: i32, %arg1: memref<2048x3xi32, #tpu.memory_space<vmem>>, %arg2: memref<1024x3xf32, #tpu.memory_space<vmem>>, %arg3: memref<3x2048xi32, #tpu.memory_space<vmem>>, %arg4: memref<1024x8xf32, #tpu.memory_space<vmem>>) attributes {dimension_semantics = [#tpu.dimension_semantics<arbitrary>], iteration_bounds = array<i64: 98>, scalar_prefetch = 0 : i64, scratch_operands = 0 : i64, tpu.core_type = #tpu.core_type<tc>, window_params = [{transform_indices = @transform_0, window_bounds = array<i64: 2048, 3>}, {transform_indices = @transform_1, window_bounds = array<i64: 1024, 3>}, {transform_indices = @transform_2, window_bounds = array<i64: 3, 2048>}, {transform_indices = @transform_3, window_bounds = array<i64: 1024, 8>}]} {
    %get3A = arith.constant 0 : index
    %get3A_0 = arith.constant 0 : index
    %get3A_1 = vector.load %arg1[%get3A, %get3A_0] : memref<2048x3xi32, #tpu.memory_space<vmem>>, vector<2048x3xi32>
    %transpose3A = tpu.transpose %get3A_1, [1, 0] : vector<2048x3xi32> -> vector<3x2048xi32>
    %swap3A = arith.constant 0 : index
    %swap3A_2 = arith.constant 0 : index
    %swap3A_3 = vector.load %arg3[%swap3A, %swap3A_2] : memref<3x2048xi32, #tpu.memory_space<vmem>>, vector<3x2048xi32>
    tpu.vector_store %arg3[%swap3A, %swap3A_2], %transpose3A {strides = array<i32>} : memref<3x2048xi32, #tpu.memory_space<vmem>>, vector<3x2048xi32>,
    %get3A_4 = arith.constant 0 : index
    %get3A_5 = arith.constant 0 : index
    %get3A_6 = vector.load %arg2[%get3A_4, %get3A_5] : memref<1024x3xf32, #tpu.memory_space<vmem>>, vector<1024x3xf32>
    %jit3A = arith.constant 0 : i32
    %convert_element_type3A = arith.sitofp %jit3A : i32 to f32
    %pad3A = vector.broadcast %convert_element_type3A : f32 to vector<1024x5xf32>
    %pad3A_7 = tpu.concatenate %get3A_6, %pad3A in 1 : vector<1024x3xf32>, vector<1024x5xf32> -> vector<1024x8xf32>
    %swap3A_8 = arith.constant 0 : index
    %swap3A_9 = arith.constant 0 : index
    %swap3A_10 = vector.load %arg4[%swap3A_8, %swap3A_9] : memref<1024x8xf32, #tpu.memory_space<vmem>>, vector<1024x8xf32>
    tpu.vector_store %arg4[%swap3A_8, %swap3A_9], %pad3A_7 {strides = array<i32>} : memref<1024x8xf32, #tpu.memory_space<vmem>>, vector<1024x8xf32>,
    return
  }
  func.func @transform_0(%arg0: i32) -> (i32, i32) {
    %c0_i32 = arith.constant 0 : i32
    %c0_i32_0 = arith.constant 0 : i32
    return %arg0, %c0_i32 : i32, i32
  }
  func.func @transform_1(%arg0: i32) -> (i32, i32) {
    %c0_i32 = arith.constant 0 : i32
    %c0_i32_0 = arith.constant 0 : i32
    return %arg0, %c0_i32 : i32, i32
  }
  func.func @transform_2(%arg0: i32) -> (i32, i32) {
    %c0_i32 = arith.constant 0 : i32
    %c0_i32_0 = arith.constant 0 : i32
    return %c0_i32, %arg0 : i32, i32
  }
  func.func @transform_3(%arg0: i32) -> (i32, i32) {
    %c0_i32 = arith.constant 0 : i32
    %c0_i32_0 = arith.constant 0 : i32
    return %arg0, %c0_i32 : i32, i32
  }
}

module attributes {stable_mosaic.version = 14 : i64} {
  func.func @_tc_out_body(%arg0: i32, %arg1: memref<3x2048xf32, #tpu.memory_space<vmem>>, %arg2: memref<2048x3xf32, #tpu.memory_space<vmem>>) attributes {dimension_semantics = [#tpu.dimension_semantics<arbitrary>], iteration_bounds = array<i64: 49>, scalar_prefetch = 0 : i64, scratch_operands = 0 : i64, tpu.core_type = #tpu.core_type<tc>, window_params = [{transform_indices = @transform_0, window_bounds = array<i64: 3, 2048>}, {transform_indices = @transform_1, window_bounds = array<i64: 2048, 3>}]} {
    %get3A = arith.constant 0 : index
    %get3A_0 = arith.constant 0 : index
    %get3A_1 = vector.load %arg1[%get3A, %get3A_0] : memref<3x2048xf32, #tpu.memory_space<vmem>>, vector<3x2048xf32>
    %transpose3A = tpu.transpose %get3A_1, [1, 0] : vector<3x2048xf32> -> vector<2048x3xf32>
    %swap3A = arith.constant 0 : index
    %swap3A_2 = arith.constant 0 : index
    %swap3A_3 = vector.load %arg2[%swap3A, %swap3A_2] : memref<2048x3xf32, #tpu.memory_space<vmem>>, vector<2048x3xf32>
    tpu.vector_store %arg2[%swap3A, %swap3A_2], %transpose3A {strides = array<i32>} : memref<2048x3xf32, #tpu.memory_space<vmem>>, vector<2048x3xf32>,
    return
  }
  func.func @transform_0(%arg0: i32) -> (i32, i32) {
    %c0_i32 = arith.constant 0 : i32
    %c0_i32_0 = arith.constant 0 : i32
    return %c0_i32, %arg0 : i32, i32
  }
  func.func @transform_1(%arg0: i32) -> (i32, i32) {
    %c0_i32 = arith.constant 0 : i32
    %c0_i32_0 = arith.constant 0 : i32
    return %arg0, %c0_i32 : i32, i32
  }
}

</mosaic_0001>

<sc_bundles>
// kernel: kernel.6.cloned.1.call-start
scs
__scs_entry_jumppad:
0x0: {  	(pc) =	sbr.rel $0x88, $3  }
0x1: {  	(tag) =	ssettag $0x0;
	lr =	simm.s32 $0x1  }
0x2: {  	[smem:$0x3F9F] =	sst lr;
	_ =	strace $0xD0000000  }
0x3: {  	_ = 	snop  }
0x4: {  	_ = 	snop  }
0x5: {  	_ = 	snop  }
0x6: {  	_ = 	snop  }
0x7: {  	_ = 	snop  }
__scs_overlays_trampoline_lowered:
0x8: {  	[smem:$0x3FAE] =	sst s0  }
0x9: {  	[smem:$0x3FAF] =	sst s1  }
0xa: {  	[smem:$0x3FB0] =	sst s2  }
0xb: {  	[smem:$0x3FB1] =	sst s3  }
0xc: {  	[smem:$0x3FB2] =	sst s4  }
0xd: {  	[smem:$0x3FB3] =	sst s5  }
0xe: {  	[smem:$0x3FB4] =	sst s6  }
0xf: {  	[smem:$0x3FB5] =	sst s7  }
0x10: {  	[smem:$0x3FB6] =	sst s8  }
0x11: {  	[smem:$0x3FB7] =	sst s9;
	s0 =	simm.s32 @!p0 $0x0  }
0x12: {  	s1 =	sld [smem:$0x3F9D];
	s0 =	simm.s32 @p0 $0x1  }
0x13: {  	[smem:$0x3FB8] =	sst s0;
	s0 =	simm.s32 @!p1 $0x0  }
0x14: {  	s2 =	sld [smem:$0x3F9C];
	s0 =	simm.s32 @p1 $0x1  }
0x15: {  	[smem:$0x3FB9] =	sst s0;
	s0 =	simm.s32 @!p2 $0x0  }
0x16: {  	s3 =	sld [smem:$0x3FDB];
	s0 =	simm.s32 @p2 $0x1  }
0x17: {  	s4 =	simm.s32 $0x1BF5;
	[smem:$0x3FBB] =	sst s0  }
0x18: {  	s0 =	sld [smem:$0x3F9E];
	_ =	swait.ge [sflag:s4], $0x0  }
0x19: {  	s7 =	sld [smem:$0x3F9F]  }
0x1a: {  	s8 =	sadd.s32 $0xFFFFE003, lr  }
0x1b: {  	s9 =	sadd.s32 $0xFFFFFEF7, lr;
	s5 =	simm.s32 $0xFFFFFFFF;
	p2 =	slt.u32 s8, $0xFFFFF086  }
0x1c: {  	p1 =	slt.u32 s9, $0xF7A;
	s5 =	simm.s32 @!p2 $0x0  }
0x1d: {  	s5 =	simm.s32 @p1 $0x1;
	p0 =	seq.s32 s7, s2  }
0x1e: {  	s7 =	smul.u32 @!p0 $0xF7A, s2;
	p2 =	seq.s32 @!p0 s5, $0x0  }
0x1f: {  	s9 =	smul.u32 $0xF7A, s1;
	s8 =	simm.s32 @!p0 $0x1BF5;
	p2 =	por !p2, p0  }
0x20: {  	[sflag:s8] =	ssyncset.s32 @!p0 $0xFFFFF086;
	s6 =	sadd.s32 @!p0 s3, s7;
	s7 =	simm.s32 @!p0 $0x108  }
0x21: {  	s3 =	sadd.s32 s3, s9;
	s6 =	sadd.s32 @!p0 $0x88, s6;
	s7 =	simm.s32 @p2 $0x1082  }
0x22: {  	[simem:s7], [sflag:s8] =	dma.local @!p0 [hbm:s6], $0xF7A  }
0x23: {  	s9 =	sor.u32 $0xD0000000, s2;
	s6 =	simm.s32 $0x108;
	_ =	swait.ge @!p0 [sflag:s8], $0x0  }
0x24: {  	s3 =	sadd.s32 $0x88, s3;
	s6 =	simm.s32 @!p1 $0x1082;
	[sflag:s4] =	ssyncset.s32 $0xFFFFF086  }
0x25: {  	[simem:s6], [sflag:s4] =	dma.local [hbm:s3], $0xF7A  }
0x26: {  	[smem:$0x3F9F] =	sst s1;
	(tag) =	ssettag s2;
	_ =	strace s9  }
0x27: {  	s1 =	sld [smem:$0x3FAF]  }
0x28: {  	s2 =	sld [smem:$0x3FB0]  }
0x29: {  	s4 =	sld [smem:$0x3FB2]  }
0x2a: {  	p0 =	seq.s32 s5, $0x0;
	s5 =	sld [smem:$0x3FB3]  }
0x2b: {  	s6 =	sld [smem:$0x3FB4]  }
0x2c: {  	s7 =	sld [smem:$0x3FB5]  }
0x2d: {  	s3 =	simm.s32 $0x108;
	s8 =	sld [smem:$0x3FB6]  }
0x2e: {  	s3 =	simm.s32 @!p0 $0x1082;
	s9 =	sld [smem:$0x3FB7]  }
0x2f: {  	lr =	sadd.s32 s0, s3;
	s0 =	sld [smem:$0x3FAE]  }
0x30: {  	s3 =	sld [smem:$0x3FB1]  }
0x31: {  	[smem:$0x3FBA] =	sst s10  }
0x32: {  	s10 =	sld [smem:$0x3FB8];
	_ =	sdelay $0x3  }
0x33: {  	p0 =	seq.s32 s10, $0x1;
	s10 =	sld [smem:$0x3FBA];
	_ =	sdelay $0x3  }
0x34: {  	[smem:$0x3FBA] =	sst s10  }
0x35: {  	s10 =	sld [smem:$0x3FB9];
	_ =	sdelay $0x3  }
0x36: {  	p1 =	seq.s32 s10, $0x1;
	s10 =	sld [smem:$0x3FBA];
	_ =	sdelay $0x3  }
0x37: {  	[smem:$0x3FBA] =	sst s10  }
0x38: {  	s10 =	sld [smem:$0x3FBB]  }
0x39: {  	_ = 	snop;
	(pc) =	sbr.ind lr, $3  }
0x3a: {  	_ = 	snop  }
0x3b: {  	_ = 	snop  }
0x3c: {  	p2 =	seq.s32 s10, $0x1;
	s10 =	sld [smem:$0x3FBA]  }
0x3d: {  	_ =	shalt  }
0x3e: {  	_ =	shalt  }
0x3f: {  	_ =	shalt  }
0x40: {  	_ =	shalt  }
0x41: {  	_ =	shalt  }
0x42: {  	_ =	shalt  }
0x43: {  	_ =	shalt  }
0x44: {  	_ =	shalt  }
0x45: {  	_ =	shalt  }
0x46: {  	_ =	shalt  }
0x47: {  	_ =	shalt  }
0x48: {  	_ =	shalt  }
0x49: {  	_ =	shalt  }
0x4a: {  	_ =	shalt  }
0x4b: {  	_ =	shalt  }
0x4c: {  	_ =	shalt  }
0x4d: {  	_ =	shalt  }
0x4e: {  	_ =	shalt  }
0x4f: {  	_ =	shalt  }
0x50: {  	_ =	shalt  }
0x51: {  	_ =	shalt  }
0x52: {  	_ =	shalt  }
0x53: {  	_ =	shalt  }
0x54: {  	_ =	shalt  }
0x55: {  	_ =	shalt  }
0x56: {  	_ =	shalt  }
0x57: {  	_ =	shalt  }
0x58: {  	_ =	shalt  }
0x59: {  	_ =	shalt  }
0x5a: {  	_ =	shalt  }
0x5b: {  	_ =	shalt  }
0x5c: {  	_ =	shalt  }
0x5d: {  	_ =	shalt  }
0x5e: {  	_ =	shalt  }
0x5f: {  	_ =	shalt  }
0x60: {  	_ =	shalt  }
0x61: {  	_ =	shalt  }
0x62: {  	_ =	shalt  }
0x63: {  	_ =	shalt  }
0x64: {  	_ =	shalt  }
0x65: {  	_ =	shalt  }
0x66: {  	_ =	shalt  }
0x67: {  	_ =	shalt  }
0x68: {  	_ =	shalt  }
0x69: {  	_ =	shalt  }
0x6a: {  	_ =	shalt  }
0x6b: {  	_ =	shalt  }
0x6c: {  	_ =	shalt  }
0x6d: {  	_ =	shalt  }
0x6e: {  	_ =	shalt  }
0x6f: {  	_ =	shalt  }
0x70: {  	_ =	shalt  }
0x71: {  	_ =	shalt  }
0x72: {  	_ =	shalt  }
0x73: {  	_ =	shalt  }
0x74: {  	_ =	shalt  }
0x75: {  	_ =	shalt  }
0x76: {  	_ =	shalt  }
0x77: {  	_ =	shalt  }
0x78: {  	_ =	shalt  }
0x79: {  	_ =	shalt  }
0x7a: {  	_ =	shalt  }
0x7b: {  	_ =	shalt  }
0x7c: {  	_ =	shalt  }
0x7d: {  	_ =	shalt  }
0x7e: {  	_ =	shalt  }
0x7f: {  	_ =	shalt  }
0x80: {  	_ =	shalt  }
0x81: {  	_ =	shalt  }
0x82: {  	_ =	shalt  }
0x83: {  	_ =	shalt  }
0x84: {  	_ =	shalt  }
0x85: {  	_ =	shalt  }
0x86: {  	_ =	shalt  }
0x87: {  	_ =	shalt  }
.Lfunc_end0:
.L_simem_size_0:
called_computation_lowered:
.L_overlay_start_0:
0x88: {  	s2 =	sld [smem:$0x3FD9]  }
0x89: {  	s3 =	sld [smem:$0x3FFE];
	_ =	sdelay $0x1  }
0x8a: {  	s1 =	srdreg.scid  }
0x8b: {  	s0 =	sand.u32 $0x1, s1  }
0x8c: {  	s17 =	sshll.u32 s0, $0xA;
	s2 =	sadd.s32 s3, s2  }
0x8d: {  	s2 =	sadd.s32 s2, s17  }
0x8e: {  	[smem:$0x3FC6] =	sst s2  }
0x8f: {  	_ = 	snop  }
0x90: {  	s2 =	sld [smem:$0x3FD0];
	(tm) =	ssettm $0x1  }
0x91: {  	s18 =	sld [smem:$0x3FFB];
	_ =	sdelay $0x3  }
0x92: {  	_ =	strace s18  }
0x93: {  	s3 =	sld [smem:$0x3FFC];
	_ =	sdelay $0x3  }
0x94: {  	_ =	strace s3  }
0x95: {  	s3 =	sld [smem:$0x3FFD];
	_ =	sdelay $0x3  }
0x96: {  	_ =	strace s3  }
0x97: {  	_ =	strace $0x8FFFFFFF  }
0x98: {  	s19 =	sld [smem:$0x3FDB];
	_ =	sdelay $0x1  }
0x99: {  	s4 =	simm.s32 $_scs_section_size  }
0x9a: {  	s5 =	simm.s32 $_size__tile_overlayer_lowered;
	s6 =	simm.s32 $_tile_overlayer_lowered  }
0x9b: {  	s22 =	simm.s32 $0x1BFF;
	s21 =	sshll.u32 s6, $0x1;
	s3 =	sadd.s32 s4, s19  }
0x9c: {  	s7 =	simm.s32 $0x0;
	s20 =	sshll.u32 s5, $0x1;
	s5 =	sadd.s32 s21, s3  }
0x9d: {  	[timem:s7], [sflag:s22] =	dma.local [hbm:s5], s20  }
0x9e: {  	_ =	swait.ge [sflag:s22], s20  }
0x9f: {  	s4 =	ssub.s32 $0x0, s20;
	[sflag:s22] =	ssyncset.done $0x0  }
0xa0: {  	[sflag:s22] =	ssyncadd.s32 s4;
	_ =	sdelay $0x1  }
0xa1: {  	s23 =	simm.s32 $0x1B8B  }
0xa2: {  	_ =	swait.ge [sflag:s23], $0x1  }
0xa3: {  	[sflag:s23] =	ssyncset.done $0x0  }
0xa4: {  	s25 =	simm.s32 $0x1B8E;
	s24 =	sld [smem:$0x3FFE];
	[sflag:s23] =	ssyncadd.s32 $0xFFFFFFFF  }
0xa5: {  	s26 =	simm.s32 $execute0_lowered;
	[smem:$0x3FD2] =	sst s25  }
0xa6: {  	s5 =	sshll.u32 s26, $0x1;
	_ =	strace $0x80000046;
	[dreg:$0x1] =	wrdreg $0xFFFFFFFF  }
0xa7: {  	s28 =	simm.s32 $_size_execute0_lowered;
	s3 =	sadd.s32 s3, s5;
	[dreg:$0x0] =	wrdreg $0x0  }
0xa8: {  	s5 =	sshll.u32 s28, $0x1;
	[dreg:$0x2] =	wrdreg s3  }
0xa9: {  	[dreg:$0x3] =	wrdreg s5  }
0xaa: {  	[dreg:$0x4] =	wrdreg $0xC0  }
0xab: {  	_ =	task [dreg:s7], $0x5FFFF  }
0xac: {  	[dreg:$0x1] =	wrdreg $0xFFFFFFFF  }
0xad: {  	[dreg:$0x0] =	wrdreg $0x60  }
0xae: {  	[dreg:$0x2] =	wrdreg s24  }
0xaf: {  	[dreg:$0x3] =	wrdreg s2  }
0xb0: {  	[dreg:$0x4] =	wrdreg $0x0  }
0xb1: {  	[dreg:$0x5] =	wrdreg $0x9  }
0xb2: {  	_ =	task.clear_ibuf [dreg:s7], $0x6FFFF;
	_ =	strace $0x90000046  }
0xb3: {  	s29 =	simm.s32 $0x9;
	_ =	strace $0x80000048  }
0xb4: {  	_ =	swait.ge [sflag:s29], $0x1  }
0xb5: {  	[sflag:s29] =	ssyncadd.s32 $0xFFFFFFFF  }
0xb6: {  	_ =	strace $0x90000048  }
0xb7: {  	_ =	sfence  }
0xb8: {  	s30 =	sld [smem:$0x0];
	_ =	sdelay $0x2  }
0xb9: {  	s31 =	sshll.u32 s1, $0xD;
	s1 =	sshrl.u32 s1, $0x2  }
0xba: {  	s3 =	sand.u32 $0x4000, s31;
	s1 =	sadd.s32 s1, s30  }
0xbb: {  	s0 =	sor.u32 s3, s0;
	s1 =	sshll.u32 s1, $0x11  }
0xbc: {  	s0 =	sor.u32 s1, s0  }
0xbd: {  	s0 =	sadd.s32 $0x8F2B, s0  }
0xbe: {  	[sflag:s0] =	ssyncadd.remote.s32 $0x1  }
0xbf: {  	_ =	sfence.sel $0xFFFF  }
0xc0: {  	[dreg:$0x0] =	wrdreg $0xFFFFFFFF;
	(pc) =	sbr.abs _section_cstart, $3  }
0xc1: {  	[dreg:$0x1] =	wrdreg $0xFFFFFFFF  }
0xc2: {  	_ =	task.clear_ibuf [dreg:s7], $0x2FFFF;
	_ =	strace $0x9FFFFFFF  }
0xc3: {  	(tm) =	ssettm $0x7FFFFFFF  }
tec
execute0_lowered:
.L_overlay_start_1:
0x0: {  	(tag) =	ssettag $0x1  }
0x1: {  	s0 =	srdreg.scid;
	s1 =	rddreg [dreg:$0x0]  }
0x2: {  	s5 =	stileid.u32;
	s8 =	rddreg [dreg:$0x2]  }
0x3: {  	s6 =	simm.s32 $0x0;
	s0 =	sand.u32 $0x1, s0;
	s2 =	sshll.u32 s5, $0x1  }
0x4: {  	s4 =	smul.u32 $0xC380, s5;
	[smem:$0x7FF] =	sst s6;
	s7 =	sadd.s32 $0xC00, s1  }
0x5: {  	s25 =	sshll.u32 s5, $0x6;
	s29 =	sadd.s32 $0x1F2F0, s1;
	s30 =	sadd.s32 $0x254F0, s1  }
0x6: {  	s2 =	sor.u32 s0, s2;
	_ =	strace $0x80000047;
	[dreg:$0x7] =	wrdreg s7  }
0x7: {  	s23 =	smul.u32 $0xC3800, s0;
	s0 =	ssub.s32 $0x2, s0;
	[dreg:$0xc] =	wrdreg s29  }
0x8: {  	s5 =	sor.u32 $0x1C05, s25;
	[dreg:$0xd] =	wrdreg s30;
	s3 =	smul.u32 $0x1880, s2  }
0x9: {  	s22 =	simm.s32 $0x10D00;
	s24 =	sshrl.u32 s0, $0x1;
	[dreg:$0x8] =	wrdreg s5  }
0xa: {  	vm0 =	vcmask $0x3F24;
	v0 =	vimm.s32 $0x0;
	vm1 =	vcmask $0x1F04;
	s6 =	sadd.s32 s4, s23;
	s0 =	ssub.s32 s0, s24;
	s3 =	sshrl.u32 s3, $0x3  }
0xb: {  	v2 =	vimm.s32 $0xECA86420;
	v1 =	vlaneseq.u32;
	vm2 =	vcmask $0x1310;
	s6 =	sshrl.u32 s6, $0x3;
	s0 =	smax.u32 s0, $0x1;
	s3 =	sadd.s32 s3, s1  }
0xc: {  	vm3 =	vcmask $0x1B18;
	vm15 =	vcmask $0x2320;
	vm6 =	vcmask $0x2B28;
	s6 =	sadd.s32 s6, s1;
	s1 =	sadd.s32 $0x2B6F0, s1;
	[dreg:$0x10] =	wrdreg s0  }
0xd: {  	vm7 =	vcmask $0x3330;
	vm8 =	vcmask $0x3B38;
	vm9 =	vmmov $0xff;
	s7 =	simm.s32 $0xF480;
	s26 =	sadd.s32 $0x19400, s3;
	[dreg:$0xe] =	wrdreg s1  }
0xe: {  	vm13 =	vcmask $0x704;
	vm12 =	vcmask $0xF0C;
	vm14 =	vcmask $0x1714;
	p0 =	seq.s32 s2, $0x1F;
	s28 =	sadd.s32 $0x1F600, s3;
	[dreg:$0x9] =	wrdreg s26  }
0xf: {  	vm10 =	vcmask $0x1F1C;
	vm5 =	vcmask $0x2724;
	v5 =	vimm.f32 $0.0e+00;
	s2 =	simm.s32 $0x5;
	s3 =	sadd.s32 $0x25800, s3;
	[dreg:$0xa] =	wrdreg s28  }
0x10: {  	v7 =	vimm.s32 $0x0;
	vm11 =	vmor vm1, vm0;
	v2 =	vunpack.c.l.s4.s8 v2;
	s4 =	sadd.s32 s4, s8;
	s31 =	sadd.s32 $0x2BA00, s6;
	[dreg:$0xb] =	wrdreg s3  }
0x11: {  	vm1 =	vcmask $0xB08;
	v3 =	vmul.u32 $0x2, v1;
	v7 =	vsel vm11, $0xFFFFFFFF, v7;
	s1 =	sshrl.u32 s4, $0x3;
	s4 =	simm.s32 $0xC380;
	[dreg:$0xf] =	wrdreg s31  }
0x12: {  	v4 =	vand.u32 $0x7, v1;
	v6 =	vmul.u32 $0x8, v1;
	v2 =	vunpack.c.0.s8.s32 v2;
	[tilespmem:$0x1FFF0] =	vst v7;
	s6 =	simm.s32 $0xDC00;
	s3 =	simm.s32 $0x0;
	[dreg:$0x11] =	wrdreg s1  }
.LBB2_1:
0x13: {  	[dreg:$0x12] =	wrdreg s3  }
.Ltmp0:
0x14: {  	s0 =	rddreg [dreg:$0x1];
	(pc) =	sbr.rel @!p0 .LBB2_2-.Ltmp0, $4  }
0x15: {  	[spmem:s1], [sflag:s5] =	dma.local [hbm:s0], $0x1870  }
0x16: {  	_ =	swait.ge [sflag:s2], $0x1870  }
0x17: {  	[sflag:s2] =	ssyncset.done $0x0  }
0x18: {  	s0 =	simm.s32 $0x0;
	[sflag:s2] =	ssyncadd.s32 $0xFFFFE790  }
0x19: {  	s1 =	rddreg [dreg:$0xc]  }
0x1a: {  	[tilespmem:s4], [sflag:$0x5] =	stream.linear.gather [hbm4b:s1+s0], $0x15C0, $0x38;
	[tilespmem:$0x1D100] =	vst v63  }
0x1b: {  	_ =	swait.ge [sflag:s2], $0x15C0  }
0x1c: {  	[sflag:s2] =	ssyncset.done $0x0  }
0x1d: {  	s30 =	rddreg [dreg:$0xd];
	[sflag:s2] =	ssyncadd.s32 $0xFFFFEA40  }
0x1e: {  	[tilespmem:s6], [sflag:$0x5] =	stream.linear.gather [hbm4b:s30+s0], $0x15C0, $0x38;
	[tilespmem:$0x1D100] =	vst v63  }
0x1f: {  	_ =	swait.ge [sflag:s2], $0x15C0  }
0x20: {  	[sflag:s2] =	ssyncset.done $0x0  }
0x21: {  	s31 =	rddreg [dreg:$0xe];
	[sflag:s2] =	ssyncadd.s32 $0xFFFFEA40  }
0x22: {  	[tilespmem:s7], [sflag:$0x5] =	stream.linear.gather [hbm4b:s31+s0], $0x15C0, $0x38;
	[tilespmem:$0x1D100] =	vst v63  }
0x23: {  	_ =	swait.ge [sflag:s2], $0x15C0  }
0x24: {  	[sflag:s2] =	ssyncset.done $0x0  }
0x25: {  	s1 =	simm.s32 $0x0;
	s0 =	simm.s32 $0x40;
	[sflag:s2] =	ssyncadd.s32 $0xFFFFEA40  }
.LBB2_4:
0x26: {  	p1 =	sne.s32 s0, $0xAC0;
	[tilespmem:s1+$0x10A40] =	vst v0;
	s3 =	smov.u32 s0;
	s0 =	sadd.s32 $0x40, s0  }
.Ltmp1:
0x27: {  	[tilespmem:s1+$0xD940] =	vst v0;
	(pc) =	sbr.rel @p1 .LBB2_4-.Ltmp1, $2  }
0x28: {  	[tilespmem:s1+$0xF1C0] =	vst v0;
	_ =	sdelay $0x2  }
0x29: {  	s1 =	sshra.s32 s3, $0x2  }
.Ltmp2:
0x2a: {  	(pc) =	sbr.rel .LBB2_6-.Ltmp2, $4  }
0x2b: {  	_ = 	snop  }
0x2c: {  	[tilespmem:s1+$0x10A40] =	vst v0  }
0x2d: {  	[tilespmem:s1+$0xD940] =	vst v0  }
0x2e: {  	[tilespmem:s1+$0xF1C0] =	vst v0  }
.LBB2_2:
0x2f: {  	s1 =	rddreg [dreg:$0x9]  }
0x30: {  	[tilespmem:s4], [sflag:$0x5] =	stream.linear.gather [hbm4b:s1+s0], $0x1880, $0x38;
	[tilespmem:$0x1D100] =	vst v63  }
0x31: {  	_ =	swait.ge [sflag:s2], $0x1880  }
0x32: {  	[sflag:s2] =	ssyncset.done $0x0  }
0x33: {  	s30 =	rddreg [dreg:$0xa];
	[sflag:s2] =	ssyncadd.s32 $0xFFFFE780  }
0x34: {  	[tilespmem:s6], [sflag:$0x5] =	stream.linear.gather [hbm4b:s30+s0], $0x1880, $0x38;
	[tilespmem:$0x1D100] =	vst v63  }
0x35: {  	_ =	swait.ge [sflag:s2], $0x1880  }
0x36: {  	[sflag:s2] =	ssyncset.done $0x0  }
0x37: {  	s31 =	rddreg [dreg:$0xb];
	[sflag:s2] =	ssyncadd.s32 $0xFFFFE780  }
0x38: {  	[tilespmem:s7], [sflag:$0x5] =	stream.linear.gather [hbm4b:s31+s0], $0x1880, $0x38;
	[tilespmem:$0x1D100] =	vst v63  }
0x39: {  	_ =	swait.ge [sflag:s2], $0x1880  }
0x3a: {  	[sflag:s2] =	ssyncset.done $0x0  }
0x3b: {  	[sflag:s2] =	ssyncadd.s32 $0xFFFFE780  }
.LBB2_6:
0x3c: {  	s0 =	simm.s32 $0x0  }
0x3d: {  	v8 =	vmov s0  }
0x3e: {  	v7 =	vimm.s32 $0x0;
	vm0 =	veq.s32 v8, v1  }
0x3f: {  	v9 =	vor.u32 s0, v1;
	v7 =	vsel vm0, $0xFFFFFFFF, v7;
	vm0 =	vmand vm0, vm11  }
0x40: {  	[tilespmem:$0x1FFE0] =	vst v7;
	v7 =	vshrl.u32 v9, $0x3;
	v10 =	vsel vm0, $0xFFFFFFFF, v0  }
0x41: {  	v7 =	vadd.s32 v10, v7  }
0x42: {  	(v2sf) =	vpush v7, $0x0  }
0x43: {  	(v2sf) =	vpush v7, $0x7;
	_ =	sdelay $0x1  }
0x44: {  	(v2sf) =	vpush v7, $0x1  }
0x45: {  	(v2sf) =	vpush v7, $0x2;
	_ =	sdelay $0x1  }
0x46: {  	(v2sf) =	vpush v7, $0xB;
	_ =	sdelay $0x2  }
0x47: {  	(v2sf) =	vpush v7, $0x3;
	_ =	sdelay $0x1  }
0x48: {  	(v2sf) =	vpush v7, $0x4;
	_ =	sdelay $0x1  }
0x49: {  	(v2sf) =	vpush v7, $0x5;
	_ =	sdelay $0x1  }
0x4a: {  	s24 =	spop (v2sf)  }
0x4b: {  	(v2sf) =	vpush v7, $0xC;
	s1 =	spop (v2sf);
	s3 =	smulhi.u32 $0x5397829D, s24  }
0x4c: {  	s7 =	sshra.s32 s1, $0x1F;
	s1 =	smulhi.u32 $0x5397829D, s1  }
0x4d: {  	s4 =	spop (v2sf);
	s7 =	smul.u32 $0x5397829D, s7  }
0x4e: {  	(v2sf) =	vpush v7, $0x8;
	s6 =	spop (v2sf);
	s13 =	smulhi.u32 $0x5397829D, s4  }
0x4f: {  	(v2sf) =	vpush v7, $0x6;
	s11 =	sshra.s32 s4, $0x1F;
	s17 =	smulhi.u32 $0x5397829D, s6  }
0x50: {  	(v2sf) =	vpush v7, $0x9;
	s8 =	spop (v2sf);
	s11 =	smul.u32 $0x5397829D, s11  }
0x51: {  	s14 =	sshra.s32 s6, $0x1F;
	s9 =	smulhi.u32 $0x5397829D, s8  }
0x52: {  	s10 =	sshra.s32 s24, $0x1F;
	s25 =	sshra.s32 s8, $0x1F;
	s14 =	smul.u32 $0x5397829D, s14  }
0x53: {  	s4 =	spop (v2sf);
	s5 =	sadd.s32 s7, s1;
	s7 =	smul.u32 $0x5397829D, s10  }
0x54: {  	s12 =	simm.s32 $0x10;
	s15 =	smul.u32 $0x5397829D, s25;
	s26 =	sshra.s32 s4, $0x1F  }
0x55: {  	s16 =	spop (v2sf);
	s19 =	sshra.s32 s5, $0x1F;
	s11 =	sadd.s32 s11, s13  }
0x56: {  	[dreg:$0x5] =	wrdreg s5;
	s5 =	sshrl.u32 s5, $0x1F;
	s4 =	smulhi.u32 $0x5397829D, s4  }
0x57: {  	s18 =	sshra.s32 s16, $0x1F;
	s2 =	spop (v2sf);
	s0 =	smul.u32 $0x5397829D, s26  }
0x58: {  	(v2sf) =	vpush v7, $0xE;
	s26 =	simm.s32 $0x20;
	s1 =	sadd.s32 s14, s17;
	s31 =	sadd.s32 s7, s3  }
0x59: {  	v9 =	vmul.u32 $0x1A1F58D1, v9;
	[dreg:$0x6] =	wrdreg s5;
	s5 =	sshra.s32 s11, $0x1F;
	s28 =	smulhi.u32 $0x5397829D, s2  }
0x5a: {  	v14 =	vmulhi.u32 $0x5397829D, v8;
	v8 =	vld [tilespmem:$0x1FFF0];
	(v2sf) =	vpush v7, $0xD;
	s8 =	spop (v2sf);
	s24 =	sshra.s32 s2, $0x1F;
	s18 =	smul.u32 $0x5397829D, s18  }
0x5b: {  	(v2sf) =	vpush v7, $0xA;
	s9 =	sadd.s32 s15, s9;
	s10 =	sshrl.u32 s1, $0x1F;
	s20 =	smulhi.u32 $0x5397829D, s8  }
0x5c: {  	s14 =	sshra.s32 s31, $0x8;
	s29 =	sshra.s32 s8, $0x1F;
	s8 =	smul.u32 $0x5397829D, s24  }
0x5d: {  	v13 =	vmov s12;
	vm0 =	vcmask $0x300;
	v11 =	vshll.u32 v9, $0x19;
	s7 =	sshrl.u32 s31, $0x1F;
	s23 =	spop (v2sf);
	s29 =	smul.u32 $0x5397829D, s29  }
0x5e: {  	v9 =	vshrl.u32 v9, $0x7;
	v10 =	vmov s19;
	(v2sf) =	vpush v7, $0xF;
	s25 =	spop (v2sf);
	s30 =	sshra.s32 s23, $0x1F;
	s23 =	smulhi.u32 $0x5397829D, s23  }
0x5f: {  	vm4 =	vnez.u8 v8;
	s2 =	sshrl.u32 s9, $0x1F;
	v10 =	vsel vm0, s14, v10;
	vm0 =	veq.s32 v13, v1;
	s6 =	smulhi.u32 $0x5397829D, s25;
	s21 =	spop (v2sf)  }
0x60: {  	v9 =	vor.u32 v11, v9;
	s14 =	sshra.s32 s31, $0x1F;
	s0 =	sadd.s32 s0, s4;
	vm11 =	vmand vm0, vm4;
	s15 =	smulhi.u32 $0x5397829D, s21  }
0x61: {  	v16 =	vsel vm11, $0xFFFFFFFF, v0;
	vm11 =	vgt.u32 v9, $0xA72F0;
	v9 =	vld [tilespmem:$0x1FFE0];
	s17 =	sshra.s32 s21, $0x1F;
	s19 =	sadd.s32 s29, s20;
	s20 =	smulhi.u32 $0x5397829D, s16  }
0x62: {  	v12 =	vor.u32 s12, v1;
	v10 =	vsel vm13, s14, v10;
	s14 =	sadd.s32 s8, s28;
	s21 =	sshra.s32 s11, $0x8;
	s8 =	smul.u32 $0x5397829D, s17  }
0x63: {  	v8 =	vshrl.u32 v12, $0x3;
	v10 =	vsel vm1, s21, v10;
	s21 =	sshra.s32 s25, $0x1F;
	s29 =	sadd.s32 s18, s20;
	s20 =	smul.u32 $0x5397829D, s30  }
0x64: {  	v15 =	vmov s7;
	[dreg:$0x4] =	wrdreg s2;
	v8 =	vadd.s32 v16, v8;
	s18 =	sshrl.u32 s19, $0x1F;
	s16 =	smul.u32 $0x5397829D, s21  }
0x65: {  	v13 =	vmulhi.u32 $0x5397829D, v13;
	(v2sf) =	vpush v8, $0x0;
	s15 =	sadd.s32 s8, s15;
	v11 =	vmov s18;
	s18 =	sshra.s32 s19, $0x8;
	s8 =	sshra.s32 s1, $0x8  }
0x66: {  	(v2sf) =	vpush v8, $0x7;
	s12 =	sshra.s32 s29, $0x1F;
	vm4 =	vnez.u8 v9;
	v9 =	vshrl.u32 v14, $0xB;
	s19 =	sadd.s32 s20, s23;
	s23 =	sshrl.u32 s11, $0x1F  }
0x67: {  	v14 =	vmul.u32 $0x1A1F58D1, v12;
	s11 =	sshra.s32 s9, $0x8;
	s20 =	sshra.s32 s1, $0x1F;
	s2 =	spop (v2sf);
	vm11 =	vmand vm4, vm11;
	vm4 =	vcmask $0x300  }
0x68: {  	v10 =	vsel vm12, s5, v10;
	s28 =	sadd.s32 s16, s6;
	(v2sf) =	vpush v8, $0x1;
	s24 =	sshra.s32 s2, $0x1F;
	s2 =	smulhi.u32 $0x5397829D, s2;
	v12 =	vnsel vm4, $0x0, v15  }
0x69: {  	v16 =	vshll.u32 v14, $0x19;
	v14 =	vshrl.u32 v14, $0x7;
	s3 =	spop (v2sf);
	v12 =	vsel vm1, s23, v12;
	s24 =	smul.u32 $0x5397829D, s24;
	s23 =	sshra.s32 s15, $0x8  }
0x6a: {  	v15 =	vsel vm11, $0xFFFFFFFF, v0;
	(v2sf) =	vpush v8, $0x2;
	v14 =	vor.u32 v16, v14;
	s15 =	sshrl.u32 s15, $0x1F;
	s13 =	spop (v2sf);
	s17 =	sshra.s32 s3, $0x1F  }
0x6b: {  	(v2sf) =	vpush v8, $0xB;
	vm11 =	vgt.u32 v14, $0xA72F0;
	v14 =	vmov s18;
	s18 =	sshra.s32 s0, $0x1F;
	s25 =	sshra.s32 s13, $0x1F;
	s7 =	smulhi.u32 $0x5397829D, s13  }
0x6c: {  	v10 =	vsel vm2, s8, v10;
	v9 =	vadd.s32 v15, v9;
	(v2sf) =	vpush v8, $0x3;
	s30 =	sadd.s32 s24, s2;
	s13 =	sshra.s32 s19, $0x8;
	s4 =	smul.u32 $0x5397829D, s25  }
0x6d: {  	v16 =	vsel vm14, s20, v10;
	v10 =	vshrl.u32 v13, $0xB;
	(v2sf) =	vpush v8, $0x4;
	s9 =	smul.u32 $0x5397829D, s17;
	s17 =	sshra.s32 s29, $0x8;
	s21 =	spop (v2sf)  }
0x6e: {  	vm11 =	vmand vm0, vm11;
	v15 =	vmov s13;
	(v2sf) =	vpush v8, $0x5;
	s1 =	sadd.s32 s4, s7;
	s4 =	smulhi.u32 $0x5397829D, s3;
	s25 =	sshra.s32 s21, $0x1F  }
0x6f: {  	v13 =	vsel vm11, $0xFFFFFFFF, v0;
	v15 =	vsel vm1, s23, v15;
	s23 =	sshrl.u32 s0, $0x1F;
	s0 =	sshra.s32 s0, $0x8;
	(v2sf) =	vpush v8, $0xC;
	s16 =	smul.u32 $0x5397829D, s25  }
0x70: {  	v10 =	vadd.s32 v13, v10;
	s3 =	sshrl.u32 s19, $0x1F;
	v13 =	vsel vm3, s0, v16;
	(v2sf) =	vpush v8, $0x8;
	s31 =	sshrl.u32 s1, $0x1F;
	s25 =	smulhi.u32 $0x5397829D, s21  }
.LBB2_7:
0x71: {  	s2 =	sshrl.u32 s30, $0x1F  }
0x72: {  	s6 =	sshra.s32 s30, $0x8;
	s0 =	sshra.s32 s1, $0x8;
	s24 =	smov.u32 s26  }
0x73: {  	v16 =	vmov s3;
	s5 =	sadd.s32 s9, s4;
	s3 =	sshra.s32 s28, $0x1F;
	s7 =	sshrl.u32 s29, $0x1F  }
0x74: {  	s19 =	sshrl.u32 s14, $0x1F;
	p1 =	sne.s32 s26, $0x30F0;
	v15 =	vsel vm2, s0, v15;
	s0 =	sshra.s32 s28, $0x8  }
0x75: {  	v12 =	vsel vm2, s10, v12;
	s4 =	sadd.s32 s16, s25;
	s8 =	sshra.s32 s5, $0x8;
	s1 =	sshrl.u32 s5, $0x1F  }
0x76: {  	v12 =	vsel vm3, s23, v12;
	s23 =	sshrl.u32 s28, $0x1F;
	s5 =	rddreg [dreg:$0x6];
	v11 =	vsel vm1, s1, v11;
	s13 =	spop (v2sf)  }
0x77: {  	(v2sf) =	vpush v8, $0x6;
	v11 =	vsel vm2, s2, v11;
	s2 =	sshrl.u32 s4, $0x1F;
	s9 =	smulhi.u32 $0x5397829D, s13;
	s20 =	spop (v2sf)  }
0x78: {  	v12 =	vsel vm15, s7, v12;
	s4 =	sshra.s32 s4, $0x8;
	s7 =	sshra.s32 s20, $0x1F;
	s10 =	smulhi.u32 $0x5397829D, s20  }
0x79: {  	v14 =	vsel vm1, s8, v14;
	v12 =	vsel vm6, s19, v12;
	s1 =	sshra.s32 s13, $0x1F;
	s25 =	spop (v2sf);
	s28 =	smul.u32 $0x5397829D, s7  }
0x7a: {  	v13 =	vsel vm10, s18, v13;
	v14 =	vsel vm2, s6, v14;
	v12 =	vsel vm7, s23, v12;
	s20 =	sshra.s32 s14, $0x8;
	s21 =	spop (v2sf);
	s6 =	smulhi.u32 $0x5397829D, s25  }
0x7b: {  	v16 =	vsel vm1, s15, v16;
	(v2sf) =	vpush v8, $0x9;
	v12 =	vsel vm8, s5, v12;
	s14 =	sshra.s32 s14, $0x1F;
	s19 =	spop (v2sf);
	s5 =	smulhi.u32 $0x5397829D, s21  }
0x7c: {  	vm0 =	vcmask $0x2F2C;
	v13 =	vsel vm15, s17, v13;
	v16 =	vsel vm2, s31, v16;
	s15 =	sshra.s32 s25, $0x1F;
	s8 =	sshra.s32 s19, $0x1F;
	s19 =	smulhi.u32 $0x5397829D, s19  }
0x7d: {  	v15 =	vsel vm3, s11, v15;
	v13 =	vsel vm5, s12, v13;
	v14 =	vsel vm3, s4, v14;
	s13 =	sshra.s32 s21, $0x1F;
	s23 =	spop (v2sf);
	s25 =	smul.u32 $0x5397829D, s8  }
0x7e: {  	v11 =	vsel vm3, s2, v11;
	(v2sf) =	vpush v8, $0xE;
	v13 =	vsel vm6, s20, v13;
	s15 =	smul.u32 $0x5397829D, s15;
	s30 =	sadd.s32 s28, s10;
	s29 =	sshra.s32 s23, $0x1F  }
0x7f: {  	v14 =	vcombine.low v15, v14;
	(v2sf) =	vpush v8, $0xD;
	v13 =	vsel vm0, s14, v13;
	s11 =	spop (v2sf);
	s16 =	sadd.s32 s25, s19;
	s19 =	rddreg [dreg:$0x4]  }
0x80: {  	vm0 =	vcmask $0x3734;
	v13 =	vsel vm7, s0, v13;
	s8 =	rddreg [dreg:$0x5];
	s4 =	sshra.s32 s11, $0x1F;
	s17 =	smul.u32 $0x5397829D, s29;
	v15 =	vsel vm3, s19, v16  }
0x81: {  	(v2sf) =	vpush v8, $0xA;
	v13 =	vsel vm0, s3, v13;
	s7 =	spop (v2sf);
	s2 =	sshra.s32 s8, $0x8;
	s25 =	smul.u32 $0x5397829D, s13;
	v11 =	vcombine.low v15, v11  }
0x82: {  	v12 =	vperm.xlane v12, v3;
	v14 =	vperm.xlane v14, v2;
	s8 =	smov.u32 s30;
	s31 =	spop (v2sf);
	s14 =	smulhi.u32 $0x5397829D, s7;
	v13 =	vsel vm8, s2, v13  }
0x83: {  	s21 =	sshra.s32 s7, $0x1F;
	[dreg:$0x5] =	wrdreg s8;
	s4 =	smul.u32 $0x5397829D, s4;
	v13 =	vperm.xlane v13, v3;
	v11 =	vperm.xlane v11, v2  }
0x84: {  	s8 =	sshrl.u32 s8, $0x1F;
	s29 =	spop (v2sf);
	s0 =	smulhi.u32 $0x5397829D, s31  }
0x85: {  	vm4 =	vmmov vm9;
	s28 =	sshra.s32 s30, $0x1F;
	s21 =	smul.u32 $0x5397829D, s21;
	[dreg:$0x6] =	wrdreg s8;
	v11 =	vsel vm9, v12, v11;
	v12 =	vsel vm9, v13, v14  }
0x86: {  	vm0 =	vmmov vm10;
	s18 =	sshra.s32 s31, $0x1F;
	s8 =	smulhi.u32 $0x5397829D, s11;
	s20 =	spop (v2sf);
	(v2sf) =	vpush v8, $0xF;
	v11 =	vadd.s32 v11, v12  }
0x87: {  	vm10 =	vmmov vm14;
	s13 =	sshrl.u32 s16, $0x1F;
	s25 =	sadd.s32 s25, s5;
	s5 =	smul.u32 $0x5397829D, s18;
	vm9 =	vmmov vm8;
	v11 =	vmul.u32 $0x310, v11  }
0x88: {  	s15 =	sadd.s32 s15, s6;
	[dreg:$0x4] =	wrdreg s13;
	s13 =	smul.u32 $0x5397829D, s1;
	vm8 =	vmmov vm7;
	vm7 =	vmmov vm6;
	vm6 =	vmmov vm15  }
0x89: {  	s19 =	sadd.s32 $0x10, s26;
	s11 =	sshra.s32 s16, $0x8;
	s18 =	smulhi.u32 $0x5397829D, s29;
	vm15 =	vmmov vm12;
	v12 =	vmul.u32 $0x1880, v9;
	v11 =	vsub.s32 v7, v11;
	v7 =	vmovc v8;
	v8 =	vld [tilespmem:$0x1FFF0]  }
0x8a: {  	s12 =	sshra.s32 s29, $0x1F;
	s7 =	spop (v2sf);
	s6 =	smulhi.u32 $0x5397829D, s20;
	v9 =	vmovc v10;
	v10 =	vmov s24;
	vm12 =	vlt.s32 v11, $0x0;
	v11 =	vshll.u32 v11, $0x3  }
0x8b: {  	s2 =	sshra.s32 s7, $0x1F;
	s9 =	sadd.s32 s13, s9;
	s0 =	sadd.s32 s5, s0;
	vm11 =	veq.s32 v10, v1;
	v10 =	vmulhi.u32 $0x5397829D, v10;
	v15 =	vadd.s32 $0x1880, v11  }
0x8c: {  	vm14 =	vmmov vm13;
	s5 =	smulhi.u32 $0x5397829D, s7;
	s7 =	sshra.s32 s20, $0x1F;
	s29 =	sshra.s32 s9, $0x8;
	v13 =	vmov s28;
	v11 =	vsel vm12, v15, v11  }
0x8d: {  	s20 =	sshrl.u32 s0, $0x1F;
	s30 =	sshra.s32 s9, $0x1F;
	s9 =	sshrl.u32 s9, $0x1F;
	v14 =	vor.u32 s24, v1;
	v10 =	vshrl.u32 v10, $0xB;
	v11 =	vadd.s32 v12, v11  }
0x8e: {  	s2 =	smul.u32 $0x5397829D, s2;
	s24 =	sshra.s32 s0, $0x8;
	s26 =	spop (v2sf);
	v12 =	vmov s9;
	vm13 =	vnez.u8 v8;
	v8 =	vshrl.u32 v14, $0x3  }
0x8f: {  	s0 =	smul.u32 $0x5397829D, s7;
	s3 =	sshra.s32 s26, $0x1F;
	s1 =	spop (v2sf);
	v15 =	vor.u32 v4, v11;
	v14 =	vmul.u32 $0x1A1F58D1, v14;
	vm13 =	vmand vm11, vm13  }
0x90: {  	s16 =	sshrl.u32 s15, $0x1F;
	s3 =	smul.u32 $0x5397829D, s3;
	s28 =	spop (v2sf);
	v11 =	vmov s20;
	v16 =	vsel vm13, $0xFFFFFFFF, v0;
	vm13 =	vmmov vm14  }
0x91: {  	s14 =	sadd.s32 s21, s14;
	s13 =	sshra.s32 s28, $0x1F;
	s21 =	smulhi.u32 $0x5397829D, s28;
	vm14 =	vmmov vm10;
	vm10 =	vmmov vm0;
	vm0 =	vcmask $0x300  }
0x92: {  	s10 =	sshrl.u32 s25, $0x1F;
	s31 =	sshra.s32 s1, $0x1F;
	s13 =	smul.u32 $0x5397829D, s13;
	v13 =	vsel vm0, s29, v13;
	v8 =	vadd.s32 v16, v8;
	v12 =	vnsel vm0, $0x0, v12  }
0x93: {  	s7 =	sshra.s32 s15, $0x8;
	s15 =	sshra.s32 s15, $0x1F;
	s9 =	smul.u32 $0x5397829D, s31;
	v16 =	vshll.u32 v14, $0x19;
	v14 =	vshrl.u32 v14, $0x7;
	v13 =	vsel vm13, s30, v13  }
0x94: {  	s2 =	sadd.s32 s2, s5;
	s29 =	sadd.s32 s4, s8;
	s4 =	smulhi.u32 $0x5397829D, s23;
	(v2sf) =	vpush v8, $0x0;
	v12 =	vsel vm1, s16, v12;
	v14 =	vor.u32 v16, v14  }
0x95: {  	s20 =	spop (v2sf);
	s8 =	sshra.s32 s25, $0x1F;
	s23 =	smul.u32 $0x5397829D, s12;
	v13 =	vsel vm1, s7, v13;
	(v2sf) =	vpush v8, $0x7;
	vm12 =	vgt.u32 v14, $0xA72F0  }
0x96: {  	s25 =	sshra.s32 s25, $0x8;
	s16 =	sshra.s32 s20, $0x1F;
	s12 =	sshra.s32 s29, $0x1F;
	(v2sf) =	vpush v8, $0x1;
	vm11 =	vmand vm11, vm12;
	vm12 =	vmmov vm15  }
0x97: {  	s7 =	smulhi.u32 $0x5397829D, s26;
	s26 =	sshra.s32 s2, $0x8;
	s5 =	sadd.s32 s23, s18;
	vm15 =	vmmov vm6;
	vm6 =	vmmov vm7;
	(v2sf) =	vpush v8, $0x2  }
0x98: {  	s28 =	sadd.s32 s17, s4;
	s23 =	simm.s32 $0x1A000;
	s16 =	smul.u32 $0x5397829D, s16;
	vm7 =	vmmov vm8;
	vm8 =	vmmov vm9;
	(v2sf) =	vpush v8, $0xB  }
.Ltmp3:
0x99: {  	s17 =	sshra.s32 s29, $0x8;
	vm9 =	vmmov vm4;
	s31 =	sshra.s32 s5, $0x8;
	v14 =	vsel vm11, $0xFFFFFFFF, v0;
	(v2sf) =	vpush v8, $0x3;
	(pc) =	sbr.rel @p1 .LBB2_7-.Ltmp3, $4  }
0x9a: {  	s4 =	smulhi.u32 $0x5397829D, s1;
	s1 =	sadd.s32 s13, s21;
	[tilespmem:v15+s23+$0x0] =	vst.idx.msk $0xffff, v5;
	s23 =	sshrl.u32 s28, $0x1F;
	v13 =	vsel vm12, s15, v13;
	v15 =	vmov s31;
	(v2sf) =	vpush v8, $0x4  }
0x9b: {  	s18 =	sshra.s32 s28, $0x1F;
	s30 =	sadd.s32 s3, s7;
	s15 =	sshrl.u32 s2, $0x1F;
	v13 =	vsel vm2, s25, v13;
	v10 =	vadd.s32 v14, v10;
	(v2sf) =	vpush v8, $0x5  }
0x9c: {  	s3 =	sshrl.u32 s5, $0x1F;
	s31 =	sshrl.u32 s1, $0x1F;
	v15 =	vsel vm1, s26, v15;
	s26 =	sshra.s32 s28, $0x8;
	v13 =	vsel vm14, s8, v13;
	(v2sf) =	vpush v8, $0xC  }
0x9d: {  	s25 =	smulhi.u32 $0x5397829D, s20;
	s28 =	sadd.s32 s0, s6;
	v14 =	vmov s24;
	v13 =	vsel vm3, s26, v13;
	s26 =	smov.u32 s19;
	(v2sf) =	vpush v8, $0x8  }
0x9e: {  	_ =	sdelay $0x4  }
0x9f: {  	s20 =	spop (v2sf)  }
0xa0: {  	v16 =	vmov s3;
	s2 =	spop (v2sf)  }
0xa1: {  	v16 =	vsel vm1, s15, v16;
	s15 =	rddreg [dreg:$0x5];
	s7 =	sshra.s32 s2, $0x1F;
	s0 =	smulhi.u32 $0x5397829D, s2  }
0xa2: {  	s5 =	spop (v2sf);
	s19 =	smul.u32 $0x5397829D, s7  }
0xa3: {  	s6 =	spop (v2sf);
	s2 =	smulhi.u32 $0x5397829D, s5  }
0xa4: {  	[dreg:$0x19] =	wrdreg s0;
	s8 =	spop (v2sf)  }
0xa5: {  	s7 =	smulhi.u32 $0x5397829D, s6;
	[dreg:$0x1a] =	wrdreg s19  }
0xa6: {  	s16 =	sadd.s32 s16, s25;
	s21 =	smulhi.u32 $0x5397829D, s8;
	[dreg:$0x1c] =	wrdreg s2  }
0xa7: {  	s13 =	sshra.s32 s8, $0x1F;
	s8 =	spop (v2sf);
	[dreg:$0x1e] =	wrdreg s7  }
0xa8: {  	s24 =	smul.u32 $0x5397829D, s13;
	s19 =	sshra.s32 s8, $0x1F;
	s25 =	rddreg [dreg:$0x1a]  }
0xa9: {  	s26 =	smul.u32 $0x5397829D, s19;
	s19 =	spop (v2sf)  }
0xaa: {  	s6 =	sshra.s32 s6, $0x1F;
	[dreg:$0x1d] =	wrdreg s24;
	s13 =	spop (v2sf)  }
0xab: {  	(v2sf) =	vpush v8, $0x6;
	s5 =	sshra.s32 s5, $0x1F;
	s24 =	smul.u32 $0x5397829D, s6;
	[dreg:$0x18] =	wrdreg s26  }
0xac: {  	s26 =	smul.u32 $0x5397829D, s5;
	s5 =	spop (v2sf)  }
0xad: {  	(v2sf) =	vpush v8, $0x9;
	[dreg:$0x1b] =	wrdreg s21;
	s2 =	sshra.s32 s13, $0x1F;
	s0 =	smulhi.u32 $0x5397829D, s5  }
0xae: {  	[dreg:$0x1f] =	wrdreg s24;
	s6 =	sshra.s32 s5, $0x1F;
	s24 =	smulhi.u32 $0x5397829D, s13  }
0xaf: {  	s13 =	sshra.s32 s19, $0x1F;
	s5 =	smulhi.u32 $0x5397829D, s19;
	s19 =	rddreg [dreg:$0x19]  }
0xb0: {  	s9 =	sadd.s32 s9, s4;
	s4 =	sadd.s32 s25, s19;
	s19 =	rddreg [dreg:$0x1d]  }
0xb1: {  	[smem:$0x7FB] =	sst s0  }
0xb2: {  	s1 =	sshra.s32 s1, $0x8;
	s7 =	smul.u32 $0x5397829D, s6;
	[dreg:$0x17] =	wrdreg s4  }
0xb3: {  	s3 =	sshrl.u32 s14, $0x1F;
	s8 =	smulhi.u32 $0x5397829D, s8;
	s4 =	rddreg [dreg:$0x1b]  }
0xb4: {  	s21 =	smulhi.u32 $0x5397829D, s20;
	s20 =	sshra.s32 s20, $0x1F;
	[smem:$0x7FC] =	sst s7  }
0xb5: {  	v13 =	vsel vm10, s18, v13;
	s20 =	smul.u32 $0x5397829D, s20;
	s4 =	sadd.s32 s19, s4;
	s19 =	rddreg [dreg:$0x1c]  }
0xb6: {  	v12 =	vsel vm2, s10, v12;
	v13 =	vsel vm15, s17, v13;
	s10 =	sshra.s32 s15, $0x8;
	(v2sf) =	vpush v8, $0xE;
	s6 =	smul.u32 $0x5397829D, s13;
	s17 =	rddreg [dreg:$0x17]  }
0xb7: {  	(v2sf) =	vpush v8, $0xD;
	s20 =	sadd.s32 s20, s21;
	s7 =	smul.u32 $0x5397829D, s2;
	[dreg:$0x13] =	wrdreg s4  }
0xb8: {  	s2 =	spop (v2sf);
	s19 =	sadd.s32 s26, s19;
	s26 =	rddreg [dreg:$0x1f]  }
0xb9: {  	v13 =	vsel vm5, s12, v13;
	s12 =	sshra.s32 s20, $0x1F;
	s4 =	smulhi.u32 $0x5397829D, s2;
	[smem:$0x7FD] =	sst s19  }
0xba: {  	(v2sf) =	vpush v8, $0xA;
	s2 =	sshra.s32 s2, $0x1F;
	s13 =	spop (v2sf);
	s19 =	rddreg [dreg:$0x1e]  }
0xbb: {  	s21 =	smul.u32 $0x5397829D, s2;
	s2 =	sld [smem:$0x7FB];
	s7 =	sadd.s32 s7, s24  }
0xbc: {  	s0 =	spop (v2sf);
	s19 =	sadd.s32 s26, s19;
	s26 =	sld [smem:$0x7FC]  }
0xbd: {  	s24 =	sadd.s32 s6, s5;
	[dreg:$0x14] =	wrdreg s7;
	s15 =	smulhi.u32 $0x5397829D, s13  }
0xbe: {  	s7 =	rddreg [dreg:$0x18];
	s13 =	sshra.s32 s13, $0x1F;
	s25 =	smulhi.u32 $0x5397829D, s0  }
0xbf: {  	s0 =	sshra.s32 s0, $0x1F;
	s6 =	sadd.s32 s21, s4;
	s5 =	sadd.s32 s7, s8  }
0xc0: {  	s8 =	sshra.s32 s30, $0x8;
	s21 =	sshrl.u32 s29, $0x1F;
	s29 =	sshra.s32 s28, $0x8  }
0xc1: {  	v15 =	vsel vm2, s1, v15;
	s7 =	sshrl.u32 s16, $0x1F;
	s16 =	sshra.s32 s16, $0x8;
	s4 =	sshra.s32 s14, $0x8  }
0xc2: {  	v15 =	vsel vm3, s11, v15;
	s14 =	sshra.s32 s14, $0x1F;
	s11 =	sshrl.u32 s19, $0x1F;
	s0 =	smul.u32 $0x5397829D, s0  }
0xc3: {  	[dreg:$0x16] =	wrdreg s6;
	s6 =	sshrl.u32 s30, $0x1F;
	s30 =	sshra.s32 s28, $0x1F  }
0xc4: {  	s28 =	sshrl.u32 s28, $0x1F;
	v13 =	vsel vm6, s4, v13;
	s4 =	sshrl.u32 s20, $0x1F;
	s2 =	sadd.s32 s26, s2  }
0xc5: {  	v12 =	vsel vm3, s23, v12;
	s26 =	spop (v2sf);
	s0 =	sadd.s32 s0, s25;
	s25 =	sshra.s32 s9, $0x8  }
0xc6: {  	v16 =	vsel vm2, s31, v16;
	(v2sf) =	vpush v8, $0xF;
	v12 =	vsel vm15, s21, v12;
	s9 =	sshrl.u32 s9, $0x1F;
	s23 =	spop (v2sf);
	s31 =	sshrl.u32 s2, $0x1F  }
0xc7: {  	v12 =	vsel vm6, s3, v12;
	s1 =	sshra.s32 s2, $0x8;
	s2 =	smul.u32 $0x5397829D, s13;
	s21 =	sshra.s32 s26, $0x1F  }
0xc8: {  	vm0 =	vcmask $0x2F2C;
	vm4 =	vcmask $0x300;
	v12 =	vsel vm7, s28, v12;
	s28 =	sshra.s32 s17, $0x1F;
	[dreg:$0x15] =	wrdreg s0;
	s0 =	smulhi.u32 $0x5397829D, s26  }
0xc9: {  	vm11 =	vcmask $0x3734;
	v13 =	vsel vm0, s14, v13;
	v18 =	vmov s4;
	s18 =	spop (v2sf);
	s26 =	sshra.s32 s20, $0x8;
	s3 =	smul.u32 $0x5397829D, s21  }
0xca: {  	v13 =	vsel vm7, s29, v13;
	v14 =	vsel vm1, s25, v14;
	v11 =	vsel vm1, s9, v11;
	s20 =	sshra.s32 s23, $0x1F;
	s21 =	sld [smem:$0x7FD];
	s14 =	smulhi.u32 $0x5397829D, s23  }
0xcb: {  	v13 =	vsel vm11, s30, v13;
	s30 =	rddreg [dreg:$0x4];
	v19 =	vmov s31;
	s31 =	sshrl.u32 s24, $0x1F;
	v11 =	vsel vm2, s6, v11;
	s6 =	smulhi.u32 $0x5397829D, s18  }
0xcc: {  	v18 =	vnsel vm4, $0x0, v18;
	v17 =	vmov s28;
	s25 =	sshra.s32 s18, $0x1F;
	v14 =	vsel vm2, s8, v14;
	s18 =	rddreg [dreg:$0x6];
	s29 =	smul.u32 $0x5397829D, s20  }
0xcd: {  	v17 =	vsel vm4, s26, v17;
	s26 =	sshra.s32 s19, $0x1F;
	v16 =	vsel vm3, s30, v16;
	v13 =	vsel vm8, s10, v13;
	s10 =	rddreg [dreg:$0x14];
	s9 =	smul.u32 $0x5397829D, s25  }
0xce: {  	v12 =	vsel vm8, s18, v12;
	v14 =	vsel vm3, s16, v14;
	s3 =	sadd.s32 s3, s0;
	v17 =	vsel vm13, s12, v17;
	s12 =	sshra.s32 s19, $0x8;
	s0 =	sadd.s32 s2, s15  }
0xcf: {  	v11 =	vsel vm3, s7, v11;
	s18 =	rddreg [dreg:$0x16];
	v13 =	vperm.xlane v13, v3;
	s25 =	sshra.s32 s21, $0x8;
	s28 =	sshrl.u32 s21, $0x1F;
	v14 =	vcombine.low v15, v14  }
0xd0: {  	v21 =	vmov s1;
	s13 =	sshra.s32 s21, $0x1F;
	s19 =	sshra.s32 s18, $0x8;
	s21 =	rddreg [dreg:$0x15];
	v11 =	vcombine.low v16, v11;
	v12 =	vperm.xlane v12, v3  }
0xd1: {  	s15 =	sshra.s32 s24, $0x8;
	s6 =	sadd.s32 s9, s6;
	v17 =	vsel vm1, s25, v17;
	v20 =	vmov s19;
	s23 =	sshra.s32 s21, $0x8;
	v18 =	vsel vm1, s28, v18  }
0xd2: {  	s9 =	sadd.s32 s29, s14;
	s25 =	sshrl.u32 s5, $0x1F;
	s28 =	sshra.s32 s5, $0x1F;
	v17 =	vsel vm12, s13, v17;
	v20 =	vsel vm1, s23, v20;
	v18 =	vsel vm2, s11, v18  }
0xd3: {  	s5 =	sshra.s32 s5, $0x8;
	s30 =	sshrl.u32 s6, $0x1F;
	s6 =	sshra.s32 s6, $0x8;
	v14 =	vperm.xlane v14, v2;
	v11 =	vperm.xlane v11, v2;
	v17 =	vsel vm2, s12, v17  }
0xd4: {  	s8 =	sshra.s32 s9, $0x8;
	s9 =	sshrl.u32 s9, $0x1F;
	s13 =	rddreg [dreg:$0x13];
	v18 =	vsel vm3, s25, v18;
	v20 =	vsel vm2, s6, v20;
	v17 =	vsel vm14, s26, v17  }
0xd5: {  	v21 =	vsel vm1, s8, v21;
	v19 =	vsel vm1, s9, v19;
	s12 =	sshrl.u32 s3, $0x1F;
	s3 =	sshra.s32 s3, $0x8;
	v17 =	vsel vm3, s5, v17;
	s16 =	spop (v2sf)  }
0xd6: {  	s14 =	sshra.s32 s13, $0x8;
	v18 =	vsel vm15, s31, v18;
	v21 =	vsel vm2, s3, v21;
	v17 =	vsel vm10, s28, v17;
	s20 =	sshra.s32 s16, $0x1F;
	s4 =	smulhi.u32 $0x5397829D, s16  }
0xd7: {  	s19 =	sshra.s32 s24, $0x1F;
	s26 =	sshrl.u32 s18, $0x1F;
	v19 =	vsel vm2, s12, v19;
	v20 =	vsel vm3, s14, v20;
	v17 =	vsel vm15, s15, v17;
	s2 =	smul.u32 $0x5397829D, s20  }
0xd8: {  	s29 =	sshrl.u32 s21, $0x1F;
	s21 =	sshra.s32 s10, $0x8;
	s11 =	sshrl.u32 s10, $0x1F;
	v11 =	vsel vm9, v12, v11;
	v22 =	vmov s26;
	v17 =	vsel vm5, s19, v17  }
0xd9: {  	s24 =	sshra.s32 s10, $0x1F;
	v18 =	vsel vm6, s11, v18;
	v22 =	vsel vm1, s29, v22;
	s16 =	sshrl.u32 s0, $0x1F;
	v17 =	vsel vm6, s21, v17;
	s2 =	sadd.s32 s2, s4  }
0xda: {  	s18 =	sshrl.u32 s17, $0x1F;
	s26 =	sshra.s32 s0, $0x8;
	v22 =	vsel vm2, s30, v22;
	v18 =	vsel vm7, s16, v18;
	v16 =	vsel vm0, s24, v17;
	s20 =	sshra.s32 s2, $0x8  }
0xdb: {  	s25 =	sshrl.u32 s13, $0x1F;
	s0 =	sshra.s32 s0, $0x1F;
	v15 =	vsel vm8, s18, v18;
	s23 =	sshrl.u32 s2, $0x1F;
	v16 =	vsel vm7, s26, v16;
	v18 =	vsel vm3, s20, v21  }
0xdc: {  	s28 =	sshra.s32 s17, $0x8;
	v17 =	vsel vm3, s23, v19;
	v19 =	vsel vm3, s25, v22;
	v16 =	vsel vm11, s0, v16  }
0xdd: {  	v18 =	vcombine.low v20, v18;
	v12 =	vcombine.low v19, v17;
	v16 =	vsel vm8, s28, v16  }
0xde: {  	v13 =	vsel vm9, v13, v14;
	v15 =	vperm.xlane v15, v3;
	v14 =	vperm.xlane v16, v3  }
0xdf: {  	v17 =	vperm.xlane v18, v2;
	v12 =	vperm.xlane v12, v2  }
0xe0: {  	v11 =	vadd.s32 v11, v13  }
0xe1: {  	v11 =	vmul.u32 $0x310, v11;
	v12 =	vsel vm9, v15, v12;
	v13 =	vsel vm9, v14, v17  }
0xe2: {  	v12 =	vadd.s32 v12, v13  }
0xe3: {  	v7 =	vsub.s32 v7, v11;
	v11 =	vmul.u32 $0x310, v12  }
0xe4: {  	v9 =	vmul.u32 $0x1880, v9  }
0xe5: {  	v10 =	vmul.u32 $0x1880, v10;
	v12 =	vshll.u32 v7, $0x3;
	v8 =	vsub.s32 v8, v11  }
0xe6: {  	vm11 =	vlt.s32 v7, $0x0;
	v7 =	vadd.s32 $0x1880, v12;
	v11 =	vshll.u32 v8, $0x3  }
0xe7: {  	v7 =	vsel vm11, v7, v12;
	vm11 =	vlt.s32 v8, $0x0;
	v8 =	vadd.s32 $0x1880, v11  }
0xe8: {  	v7 =	vadd.s32 v9, v7;
	v8 =	vsel vm11, v8, v11  }
0xe9: {  	v7 =	vor.u32 v4, v7;
	v8 =	vadd.s32 v10, v8  }
0xea: {  	v8 =	vor.u32 v4, v8;
	_ =	sdelay $0x2  }
0xeb: {  	s29 =	simm.s32 $0x1A000  }
0xec: {  	[tilespmem:v7+s29+$0x0] =	vst.idx.msk $0xffff, v5  }
0xed: {  	s9 =	simm.s32 $0x310;
	s3 =	rddreg [dreg:$0x7];
	s4 =	simm.s32 $0xC380;
	[tilespmem:v8+s29+$0x0] =	vst.idx.msk $0xffff, v5  }
0xee: {  	[tilespmem:s22], [sflag:$0x1] =	stream.indirect.gather [hbm4b:s3+s9], $0x8, s4, s9, $0xb8;
	[tilespmem:$0x1D100] =	vst v63  }
0xef: {  	s10 =	simm.s32 $0x12580;
	s6 =	simm.s32 $0xDC00  }
0xf0: {  	[tilespmem:s10], [sflag:$0x1] =	stream.indirect.gather [hbm4b:s3+s9], $0x8, s6, s9, $0xb8;
	[tilespmem:$0x1D100] =	vst v63  }
0xf1: {  	s7 =	simm.s32 $0xF480;
	s12 =	simm.s32 $0x1;
	s11 =	simm.s32 $0x13E00  }
0xf2: {  	[tilespmem:s11], [sflag:$0x1] =	stream.indirect.gather [hbm4b:s3+s9], $0x8, s7, s9, $0xb8;
	[tilespmem:$0x1D100] =	vst v63  }
0xf3: {  	_ =	swait.ge [sflag:s12], $0x1880  }
0xf4: {  	[sflag:s12] =	ssyncset.done $0x0  }
0xf5: {  	[sflag:s12] =	ssyncadd.s32 $0xFFFFE780  }
0xf6: {  	_ =	swait.ge [sflag:s12], $0x1880  }
0xf7: {  	[sflag:s12] =	ssyncset.done $0x0  }
0xf8: {  	s30 =	simm.s32 $0x0;
	[sflag:s12] =	ssyncadd.s32 $0xFFFFE780  }
0xf9: {  	v7 =	vmov s30;
	_ =	swait.ge [sflag:s12], $0x1880  }
0xfa: {  	v7 =	vshll.u32 v7, $0x3;
	[sflag:s12] =	ssyncset.done $0x0  }
0xfb: {  	s13 =	simm.s32 $0x15680;
	s5 =	simm.s32 $0xC690;
	v10 =	vor.u32 v6, v7;
	[sflag:s12] =	ssyncadd.s32 $0xFFFFE780  }
0xfc: {  	v7 =	vadd.s32 $0x1882, v10;
	[tilespmem:s13], [sflag:$0x2] =	stream.indirect.gather [hbm4b:s3+s9], $0x8, s5, s9, $0xb8;
	[tilespmem:$0x1D100] =	vst v63  }
0xfd: {  	s14 =	simm.s32 $0xDF10;
	s15 =	simm.s32 $0x16F00;
	v8 =	vadd.s32 $0x3102, v10  }
0xfe: {  	[tilespmem:s15], [sflag:$0x2] =	stream.indirect.gather [hbm4b:s3+s9], $0x8, s14, s9, $0xb8;
	[tilespmem:$0x1D100] =	vst v63  }
0xff: {  	s17 =	simm.s32 $0x18780;
	s16 =	simm.s32 $0xF790;
	v11 =	vor.u32 $0x1, v10  }
0x100: {  	v9 =	vadd.s32 $0x3100, v10;
	[tilespmem:s17], [sflag:$0x2] =	stream.indirect.gather [hbm4b:s3+s9], $0x8, s16, s9, $0xb8;
	[tilespmem:$0x1D100] =	vst v63  }
0x101: {  	v13 =	vadd.s32 $0x3101, v10;
	v16 =	vld.idx.msk [tilespmem:v7+s22+$0x0], $0xffff  }
0x102: {  	v12 =	vor.u32 $0x2, v10;
	v17 =	vld.idx.msk [tilespmem:v8+s22+$0x0], $0xffff  }
0x103: {  	v7 =	vadd.s32 $0x1881, v10;
	v22 =	vld.idx.msk [tilespmem:v10+s22+$0x0], $0xffff  }
0x104: {  	v14 =	vld.idx.msk [tilespmem:v11+s22+$0x0], $0xffff  }
0x105: {  	v8 =	vadd.s32 $0x1880, v10;
	v19 =	vld.idx.msk [tilespmem:v9+s22+$0x0], $0xffff  }
0x106: {  	v15 =	vld.idx.msk [tilespmem:v13+s22+$0x0], $0xffff  }
0x107: {  	v23 =	vld.idx.msk [tilespmem:v12+s22+$0x0], $0xffff  }
0x108: {  	s31 =	simm.s32 $0x10;
	v20 =	vld.idx.msk [tilespmem:v7+s22+$0x0], $0xffff  }
0x109: {  	v9 =	vmov s31  }
0x10a: {  	v7 =	vshll.u32 v9, $0x3;
	v24 =	vld.idx.msk [tilespmem:v8+s22+$0x0], $0xffff  }
0x10b: {  	v18 =	vsub.f32 v15, v14;
	v9 =	vor.u32 v6, v7  }
0x10c: {  	v21 =	vsub.f32 v16, v23;
	v23 =	vsub.f32 v17, v23;
	v7 =	vor.u32 $0x1, v9  }
0x10d: {  	v8 =	vor.u32 $0x2, v9;
	v25 =	vsub.f32 v20, v14;
	v20 =	vsub.f32 v19, v22  }
0x10e: {  	v13 =	vadd.s32 $0x1881, v9;
	v15 =	vadd.s32 $0x1882, v9;
	v16 =	vadd.s32 $0x3101, v9  }
0x10f: {  	v17 =	vadd.s32 $0x3102, v9;
	v22 =	vsub.f32 v24, v22;
	v19 =	vmul.f32 v20, v25  }
0x110: {  	s1 =	simm.s32 $0x20;
	s8 =	simm.s32 $0x1A000;
	s0 =	simm.s32 $0x30;
	v14 =	vadd.s32 $0x3100, v9;
	v24 =	vmul.f32 v23, v25;
	v25 =	vmul.f32 v18, v21  }
.LBB2_9:
0x111: {  	p1 =	sne.s32 s0, $0x300;
	v26 =	vmov s1;
	v20 =	vmul.f32 v20, v21;
	v21 =	vmul.f32 v23, v22;
	s1 =	smov.u32 s0;
	s0 =	sadd.s32 $0x10, s0  }
0x112: {  	v18 =	vmul.f32 v18, v22;
	v23 =	vshll.u32 v26, $0x3;
	v24 =	vsub.f32 v24, v25  }
0x113: {  	v22 =	vor.u32 v6, v23;
	v20 =	vsub.f32 v20, v21  }
0x114: {  	v18 =	vsub.f32 v18, v19;
	v21 =	vor.u32 $0x1, v22;
	v23 =	vor.u32 $0x2, v22;
	[tilespmem:v10+s8+$0x0] =	vst.idx.msk $0xffff, v24;
	v10 =	vmovc v9  }
0x115: {  	v19 =	vadd.s32 $0x1881, v22;
	v24 =	vadd.s32 $0x1882, v22;
	v9 =	vmovc v22;
	[tilespmem:v11+s8+$0x0] =	vst.idx.msk $0xffff, v20;
	v11 =	vmovc v7;
	v7 =	vmov v21  }
0x116: {  	v20 =	vadd.s32 $0x3100, v9;
	v21 =	vadd.s32 $0x3101, v9;
	[tilespmem:v12+s8+$0x0] =	vst.idx.msk $0xffff, v18;
	v12 =	vmovc v8;
	v8 =	vmov v23  }
0x117: {  	v22 =	vld.idx.msk [tilespmem:v15+s22+$0x0], $0xffff;
	v15 =	vmov v24  }
0x118: {  	v23 =	vld.idx.msk [tilespmem:v17+s22+$0x0], $0xffff  }
0x119: {  	v24 =	vld.idx.msk [tilespmem:v10+s22+$0x0], $0xffff  }
0x11a: {  	v18 =	vadd.s32 $0x1880, v10;
	v17 =	vadd.s32 $0x3102, v9;
	v25 =	vld.idx.msk [tilespmem:v11+s22+$0x0], $0xffff  }
0x11b: {  	v26 =	vld.idx.msk [tilespmem:v14+s22+$0x0], $0xffff;
	v14 =	vmov v20  }
0x11c: {  	v20 =	vld.idx.msk [tilespmem:v16+s22+$0x0], $0xffff;
	v16 =	vmov v21  }
0x11d: {  	v21 =	vld.idx.msk [tilespmem:v13+s22+$0x0], $0xffff;
	v13 =	vmov v19  }
0x11e: {  	v19 =	vld.idx.msk [tilespmem:v12+s22+$0x0], $0xffff  }
0x11f: {  	v27 =	vld.idx.msk [tilespmem:v18+s22+$0x0], $0xffff;
	_ =	sdelay $0x2  }
.Ltmp4:
0x120: {  	v18 =	vsub.f32 v20, v25;
	(pc) =	sbr.rel @p1 .LBB2_9-.Ltmp4, $4  }
0x121: {  	v20 =	vsub.f32 v26, v24;
	v25 =	vsub.f32 v21, v25  }
0x122: {  	v21 =	vsub.f32 v22, v19;
	v23 =	vsub.f32 v23, v19  }
0x123: {  	v22 =	vsub.f32 v27, v24;
	v19 =	vmul.f32 v20, v25  }
0x124: {  	v24 =	vmul.f32 v23, v25;
	v25 =	vmul.f32 v18, v21  }
0x125: {  	_ = 	snop  }
0x126: {  	v20 =	vmul.f32 v20, v21;
	v62 =	vmul.f32 v23, v22  }
0x127: {  	v18 =	vmul.f32 v18, v22;
	v63 =	vsub.f32 v24, v25  }
0x128: {  	v20 =	vsub.f32 v20, v62  }
0x129: {  	v18 =	vsub.f32 v18, v19;
	[tilespmem:v10+s8+$0x0] =	vst.idx.msk $0xffff, v63  }
0x12a: {  	[tilespmem:v11+s8+$0x0] =	vst.idx.msk $0xffff, v20  }
0x12b: {  	[tilespmem:v12+s8+$0x0] =	vst.idx.msk $0xffff, v18  }
0x12c: {  	v10 =	vld.idx.msk [tilespmem:v15+s22+$0x0], $0xffff  }
0x12d: {  	v11 =	vld.idx.msk [tilespmem:v17+s22+$0x0], $0xffff  }
0x12e: {  	v12 =	vld.idx.msk [tilespmem:v9+s22+$0x0], $0xffff  }
0x12f: {  	v15 =	vld.idx.msk [tilespmem:v7+s22+$0x0], $0xffff;
	v17 =	vadd.s32 $0x1880, v9  }
0x130: {  	v14 =	vld.idx.msk [tilespmem:v14+s22+$0x0], $0xffff  }
0x131: {  	v16 =	vld.idx.msk [tilespmem:v16+s22+$0x0], $0xffff  }
0x132: {  	v13 =	vld.idx.msk [tilespmem:v13+s22+$0x0], $0xffff  }
0x133: {  	v18 =	vld.idx.msk [tilespmem:v8+s22+$0x0], $0xffff  }
0x134: {  	v17 =	vld.idx.msk [tilespmem:v17+s22+$0x0], $0xffff;
	_ =	sdelay $0x2  }
0x135: {  	v16 =	vsub.f32 v16, v15;
	v13 =	vsub.f32 v13, v15  }
0x136: {  	v15 =	vmov s1;
	v10 =	vsub.f32 v10, v18;
	v11 =	vsub.f32 v11, v18  }
0x137: {  	v14 =	vsub.f32 v14, v12;
	v15 =	vshll.u32 v15, $0x3;
	v12 =	vsub.f32 v17, v12  }
0x138: {  	v15 =	vor.u32 v6, v15;
	v18 =	vmul.f32 v16, v10;
	v17 =	vmul.f32 v11, v13  }
0x139: {  	v10 =	vmul.f32 v14, v10;
	v19 =	vadd.s32 $0x1882, v15;
	v11 =	vmul.f32 v11, v12  }
0x13a: {  	v13 =	vmul.f32 v14, v13;
	v14 =	vsub.f32 v17, v18;
	v12 =	vmul.f32 v16, v12  }
0x13b: {  	v16 =	vadd.s32 $0x3102, v15;
	v10 =	vsub.f32 v10, v11  }
0x13c: {  	v11 =	vsub.f32 v12, v13;
	[tilespmem:v9+s8+$0x0] =	vst.idx.msk $0xffff, v14  }
0x13d: {  	v17 =	vadd.s32 $0x1880, v15;
	[tilespmem:v7+s8+$0x0] =	vst.idx.msk $0xffff, v10  }
0x13e: {  	v9 =	vor.u32 $0x1, v15;
	[tilespmem:v8+s8+$0x0] =	vst.idx.msk $0xffff, v11  }
0x13f: {  	v13 =	vor.u32 $0x2, v15;
	v10 =	vld.idx.msk [tilespmem:v19+s22+$0x0], $0xffff  }
0x140: {  	v8 =	vadd.s32 $0x3101, v15;
	v12 =	vld.idx.msk [tilespmem:v16+s22+$0x0], $0xffff  }
0x141: {  	v11 =	vadd.s32 $0x1881, v15;
	v14 =	vld.idx.msk [tilespmem:v15+s22+$0x0], $0xffff  }
0x142: {  	v7 =	vadd.s32 $0x3100, v15;
	v17 =	vld.idx.msk [tilespmem:v17+s22+$0x0], $0xffff  }
0x143: {  	v16 =	vld.idx.msk [tilespmem:v9+s22+$0x0], $0xffff  }
0x144: {  	v18 =	vld.idx.msk [tilespmem:v13+s22+$0x0], $0xffff  }
0x145: {  	v8 =	vld.idx.msk [tilespmem:v8+s22+$0x0], $0xffff  }
0x146: {  	v11 =	vld.idx.msk [tilespmem:v11+s22+$0x0], $0xffff  }
0x147: {  	v7 =	vld.idx.msk [tilespmem:v7+s22+$0x0], $0xffff;
	_ =	sdelay $0x2  }
0x148: {  	v10 =	vsub.f32 v10, v18;
	v12 =	vsub.f32 v12, v18  }
0x149: {  	v8 =	vsub.f32 v8, v16;
	v11 =	vsub.f32 v11, v16  }
0x14a: {  	v7 =	vsub.f32 v7, v14;
	v14 =	vsub.f32 v17, v14  }
0x14b: {  	v16 =	vmul.f32 v12, v11;
	v17 =	vmul.f32 v8, v10  }
0x14c: {  	v10 =	vmul.f32 v7, v10;
	v12 =	vmul.f32 v12, v14  }
0x14d: {  	v7 =	vmul.f32 v7, v11;
	v8 =	vmul.f32 v8, v14;
	v11 =	vsub.f32 v16, v17  }
0x14e: {  	v10 =	vsub.f32 v10, v12  }
0x14f: {  	v7 =	vsub.f32 v8, v7;
	[tilespmem:v15+s8+$0x0] =	vst.idx.msk $0xffff, v11  }
0x150: {  	[tilespmem:v9+s8+$0x0] =	vst.idx.msk $0xffff, v10  }
0x151: {  	s2 =	rddreg [dreg:$0x2];
	[tilespmem:v13+s8+$0x0] =	vst.idx.msk $0xffff, v7  }
0x152: {  	[spmem:s2] =	stream.indirect.scatter.add.f32 [tilespmem:s8], [sflag:$0x3], $0x8, s4, s9, $0xb8;
	[tilespmem:$0x1D100] =	vst v63  }
0x153: {  	_ = 	snop  }
0x154: {  	[spmem:s2] =	stream.indirect.scatter.add.f32 [tilespmem:s8], [sflag:$0x3], $0x8, s6, s9, $0xb8;
	[tilespmem:$0x1D100] =	vst v63  }
0x155: {  	s18 =	simm.s32 $0x2  }
0x156: {  	[spmem:s2] =	stream.indirect.scatter.add.f32 [tilespmem:s8], [sflag:$0x3], $0x8, s7, s9, $0xb8;
	[tilespmem:$0x1D100] =	vst v63  }
0x157: {  	_ =	swait.ge [sflag:s18], $0x1880  }
0x158: {  	[sflag:s18] =	ssyncset.done $0x0  }
0x159: {  	[sflag:s18] =	ssyncadd.s32 $0xFFFFE780  }
0x15a: {  	_ =	swait.ge [sflag:s18], $0x1880  }
0x15b: {  	[sflag:s18] =	ssyncset.done $0x0  }
0x15c: {  	s0 =	simm.s32 $0x0;
	[sflag:s18] =	ssyncadd.s32 $0xFFFFE780  }
0x15d: {  	v7 =	vmov s0;
	_ =	swait.ge [sflag:s18], $0x1880  }
0x15e: {  	v7 =	vshll.u32 v7, $0x3;
	[sflag:s18] =	ssyncset.done $0x0  }
0x15f: {  	s19 =	simm.s32 $0xC9A0;
	v7 =	vor.u32 v6, v7;
	[sflag:s18] =	ssyncadd.s32 $0xFFFFE780  }
0x160: {  	v9 =	vadd.s32 $0x6201, v7;
	[tilespmem:s22], [sflag:$0x1] =	stream.indirect.gather [hbm4b:s3+s9], $0x8, s19, s9, $0xb8;
	[tilespmem:$0x1D100] =	vst v63  }
0x161: {  	s20 =	simm.s32 $0xE220;
	v14 =	vadd.s32 $0x7A81, v7  }
0x162: {  	v15 =	vadd.s32 $0x7A82, v7;
	[tilespmem:s10], [sflag:$0x1] =	stream.indirect.gather [hbm4b:s3+s9], $0x8, s20, s9, $0xb8;
	[tilespmem:$0x1D100] =	vst v63  }
0x163: {  	s21 =	simm.s32 $0xFAA0;
	v17 =	vadd.s32 $0x6202, v7  }
0x164: {  	[tilespmem:s11], [sflag:$0x1] =	stream.indirect.gather [hbm4b:s3+s9], $0x8, s21, s9, $0xb8;
	[tilespmem:$0x1D100] =	vst v63  }
0x165: {  	v11 =	vadd.s32 $0x6200, v7;
	v13 =	vld.idx.msk [tilespmem:v9+s22+$0x0], $0xffff  }
0x166: {  	v10 =	vadd.s32 $0x4981, v7;
	v16 =	vld.idx.msk [tilespmem:v14+s22+$0x0], $0xffff  }
0x167: {  	v14 =	vld.idx.msk [tilespmem:v15+s22+$0x0], $0xffff  }
0x168: {  	v15 =	vld.idx.msk [tilespmem:v17+s22+$0x0], $0xffff  }
0x169: {  	v8 =	vadd.s32 $0x4982, v7;
	v17 =	vld [tilespmem:$0x1FFF0]  }
0x16a: {  	v9 =	vld.idx.msk [tilespmem:v11+s22+$0x0], $0xffff;
	v11 =	vadd.s32 $0x4980, v7  }
0x16b: {  	v12 =	vld.idx.msk [tilespmem:v10+s22+$0x0], $0xffff;
	v10 =	vadd.s32 $0x7A80, v7;
	_ =	sdelay $0x1  }
0x16c: {  	s23 =	simm.s32 $0x1B880;
	s24 =	simm.s32 $0xFDB0;
	s25 =	simm.s32 $0x3  }
0x16d: {  	s26 =	simm.s32 $0x4;
	s1 =	simm.s32 $0x20;
	s0 =	simm.s32 $0x10;
	v8 =	vld.idx.msk [tilespmem:v8+s22+$0x0], $0xffff;
	vm11 =	vnez.u8 v17  }
.LBB2_11:
0x16e: {  	p1 =	sne.s32 s1, $0x300;
	v17 =	vmov s0;
	v18 =	vld.idx.msk [tilespmem:v11+s22+$0x0], $0xffff;
	s0 =	smov.u32 s1;
	s1 =	sadd.s32 $0x10, s1  }
0x16f: {  	v11 =	vshll.u32 v17, $0x3;
	v17 =	vld.idx.msk [tilespmem:v10+s22+$0x0], $0xffff  }
0x170: {  	v13 =	vsub.f32 v13, v12;
	v20 =	vadd.s32 $0x1880, v7;
	v19 =	vor.u32 v6, v11  }
0x171: {  	v12 =	vsub.f32 v16, v12;
	v21 =	vadd.s32 $0x4981, v19;
	v22 =	vadd.s32 $0x4982, v19  }
0x172: {  	v16 =	vadd.s32 $0x6201, v19;
	v23 =	vadd.s32 $0x6202, v19;
	v14 =	vsub.f32 v14, v8  }
0x173: {  	v11 =	vadd.s32 $0x4980, v19;
	v24 =	vadd.s32 $0x7A81, v19;
	v8 =	vsub.f32 v15, v8  }
0x174: {  	v10 =	vadd.s32 $0x7A80, v19;
	v15 =	vadd.s32 $0x7A82, v19;
	v9 =	vsub.f32 v9, v18  }
0x175: {  	v25 =	vadd.s32 $0x6200, v19;
	v17 =	vsub.f32 v17, v18;
	v18 =	vmul.f32 v12, v8  }
0x176: {  	v27 =	vadd.s32 $0x1881, v7;
	v26 =	vmul.f32 v14, v13;
	v14 =	vmul.f32 v14, v9  }
0x177: {  	v8 =	vmul.f32 v17, v8;
	v13 =	vmul.f32 v17, v13;
	v17 =	vadd.s32 $0x1882, v7;
	v7 =	vmovc v19  }
0x178: {  	v9 =	vmul.f32 v12, v9;
	v18 =	vsub.f32 v26, v18  }
0x179: {  	v8 =	vsub.f32 v8, v14  }
0x17a: {  	v9 =	vsub.f32 v9, v13;
	[tilespmem:v20+s8+$0x0] =	vst.idx.msk $0xffff, v18  }
0x17b: {  	[tilespmem:v27+s8+$0x0] =	vst.idx.msk $0xffff, v8  }
0x17c: {  	[tilespmem:v17+s8+$0x0] =	vst.idx.msk $0xffff, v9  }
0x17d: {  	v8 =	vld.idx.msk [tilespmem:v22+s22+$0x0], $0xffff  }
0x17e: {  	v13 =	vld.idx.msk [tilespmem:v16+s22+$0x0], $0xffff  }
.Ltmp5:
0x17f: {  	v12 =	vld.idx.msk [tilespmem:v21+s22+$0x0], $0xffff;
	(pc) =	sbr.rel @p1 .LBB2_11-.Ltmp5, $4  }
0x180: {  	v9 =	vld.idx.msk [tilespmem:v25+s22+$0x0], $0xffff  }
0x181: {  	v16 =	vld.idx.msk [tilespmem:v24+s22+$0x0], $0xffff  }
0x182: {  	v14 =	vld.idx.msk [tilespmem:v15+s22+$0x0], $0xffff  }
0x183: {  	v15 =	vld.idx.msk [tilespmem:v23+s22+$0x0], $0xffff  }
0x184: {  	_ =	sdelay $0x3  }
0x185: {  	v11 =	vld.idx.msk [tilespmem:v11+s22+$0x0], $0xffff  }
0x186: {  	v10 =	vld.idx.msk [tilespmem:v10+s22+$0x0], $0xffff;
	_ =	sdelay $0x1  }
0x187: {  	v17 =	vmov s0;
	v13 =	vsub.f32 v13, v12  }
0x188: {  	v19 =	vadd.s32 $0x1881, v7;
	v17 =	vshll.u32 v17, $0x3;
	v12 =	vsub.f32 v16, v12  }
0x189: {  	v17 =	vor.u32 v6, v17;
	v14 =	vsub.f32 v14, v8;
	v8 =	vsub.f32 v15, v8  }
0x18a: {  	v16 =	vadd.s32 $0x1880, v7;
	v9 =	vsub.f32 v9, v11;
	v10 =	vsub.f32 v10, v11  }
0x18b: {  	v7 =	vadd.s32 $0x1882, v7;
	v18 =	vmul.f32 v14, v13;
	v11 =	vmul.f32 v12, v8  }
0x18c: {  	v15 =	vadd.s32 $0x4982, v17;
	v14 =	vmul.f32 v14, v9;
	v8 =	vmul.f32 v10, v8  }
0x18d: {  	v10 =	vmul.f32 v10, v13;
	v9 =	vmul.f32 v12, v9;
	v11 =	vsub.f32 v18, v11  }
0x18e: {  	v12 =	vadd.s32 $0x6201, v17;
	v8 =	vsub.f32 v8, v14  }
0x18f: {  	v13 =	vadd.s32 $0x4981, v17;
	v9 =	vsub.f32 v9, v10;
	[tilespmem:v16+s8+$0x0] =	vst.idx.msk $0xffff, v11  }
0x190: {  	v10 =	vadd.s32 $0x6200, v17;
	[tilespmem:v19+s8+$0x0] =	vst.idx.msk $0xffff, v8  }
0x191: {  	v14 =	vadd.s32 $0x4980, v17;
	[tilespmem:v7+s8+$0x0] =	vst.idx.msk $0xffff, v9  }
0x192: {  	v11 =	vadd.s32 $0x6202, v17;
	v9 =	vld.idx.msk [tilespmem:v15+s22+$0x0], $0xffff  }
0x193: {  	v8 =	vadd.s32 $0x7A81, v17;
	v12 =	vld.idx.msk [tilespmem:v12+s22+$0x0], $0xffff  }
0x194: {  	v7 =	vadd.s32 $0x7A82, v17;
	v13 =	vld.idx.msk [tilespmem:v13+s22+$0x0], $0xffff  }
0x195: {  	v15 =	vadd.s32 $0x7A80, v17;
	v10 =	vld.idx.msk [tilespmem:v10+s22+$0x0], $0xffff  }
0x196: {  	v14 =	vld.idx.msk [tilespmem:v14+s22+$0x0], $0xffff  }
0x197: {  	v11 =	vld.idx.msk [tilespmem:v11+s22+$0x0], $0xffff  }
0x198: {  	v8 =	vld.idx.msk [tilespmem:v8+s22+$0x0], $0xffff  }
0x199: {  	v7 =	vld.idx.msk [tilespmem:v7+s22+$0x0], $0xffff  }
0x19a: {  	v15 =	vld.idx.msk [tilespmem:v15+s22+$0x0], $0xffff;
	_ =	sdelay $0x2  }
0x19b: {  	v12 =	vsub.f32 v12, v13;
	v8 =	vsub.f32 v8, v13  }
0x19c: {  	v7 =	vsub.f32 v7, v9;
	v9 =	vsub.f32 v11, v9  }
0x19d: {  	v10 =	vsub.f32 v10, v14;
	v11 =	vadd.s32 $0x1880, v17;
	v13 =	vsub.f32 v15, v14  }
0x19e: {  	v16 =	vadd.s32 $0x1881, v17;
	v14 =	vmul.f32 v8, v9;
	v15 =	vmul.f32 v7, v12  }
0x19f: {  	v17 =	vadd.s32 $0x1882, v17;
	v7 =	vmul.f32 v7, v10;
	v9 =	vmul.f32 v13, v9  }
0x1a0: {  	v8 =	vmul.f32 v8, v10;
	v12 =	vmul.f32 v13, v12;
	v13 =	vsub.f32 v15, v14  }
0x1a1: {  	v7 =	vsub.f32 v9, v7  }
0x1a2: {  	v8 =	vsub.f32 v8, v12;
	[tilespmem:v11+s8+$0x0] =	vst.idx.msk $0xffff, v13  }
0x1a3: {  	[tilespmem:v16+s8+$0x0] =	vst.idx.msk $0xffff, v7  }
0x1a4: {  	[tilespmem:v17+s8+$0x0] =	vst.idx.msk $0xffff, v8  }
0x1a5: {  	[spmem:s2] =	stream.indirect.scatter.add.f32 [tilespmem:s23], [sflag:$0x4], $0x8, s5, s9, $0xb8;
	[tilespmem:$0x1D100] =	vst v63  }
0x1a6: {  	_ = 	snop  }
0x1a7: {  	[spmem:s2] =	stream.indirect.scatter.add.f32 [tilespmem:s23], [sflag:$0x4], $0x8, s14, s9, $0xb8;
	[tilespmem:$0x1D100] =	vst v63  }
0x1a8: {  	_ = 	snop  }
0x1a9: {  	[spmem:s2] =	stream.indirect.scatter.add.f32 [tilespmem:s23], [sflag:$0x4], $0x8, s16, s9, $0xb8;
	[tilespmem:$0x1D100] =	vst v63  }
0x1aa: {  	_ =	swait.ge [sflag:s12], $0x1880  }
0x1ab: {  	[sflag:s12] =	ssyncset.done $0x0  }
0x1ac: {  	[sflag:s12] =	ssyncadd.s32 $0xFFFFE780  }
0x1ad: {  	_ =	swait.ge [sflag:s12], $0x1880  }
0x1ae: {  	[sflag:s12] =	ssyncset.done $0x0  }
0x1af: {  	[sflag:s12] =	ssyncadd.s32 $0xFFFFE780  }
0x1b0: {  	_ =	swait.ge [sflag:s12], $0x1880  }
0x1b1: {  	[sflag:s12] =	ssyncset.done $0x0  }
0x1b2: {  	s14 =	simm.s32 $0xCCB0;
	[sflag:s12] =	ssyncadd.s32 $0xFFFFE780  }
0x1b3: {  	[tilespmem:s13], [sflag:$0x2] =	stream.indirect.gather [hbm4b:s3+s9], $0x8, s14, s9, $0xb8;
	[tilespmem:$0x1D100] =	vst v63  }
0x1b4: {  	s16 =	simm.s32 $0xE530  }
0x1b5: {  	[tilespmem:s15], [sflag:$0x2] =	stream.indirect.gather [hbm4b:s3+s9], $0x8, s16, s9, $0xb8;
	[tilespmem:$0x1D100] =	vst v63  }
0x1b6: {  	_ = 	snop  }
0x1b7: {  	[tilespmem:s17], [sflag:$0x2] =	stream.indirect.gather [hbm4b:s3+s9], $0x8, s24, s9, $0xb8;
	[tilespmem:$0x1D100] =	vst v63  }
0x1b8: {  	s30 =	simm.s32 $0x0;
	_ =	swait.ge [sflag:s25], $0x1880  }
0x1b9: {  	v7 =	vmov s30;
	[sflag:s25] =	ssyncset.done $0x0  }
0x1ba: {  	v7 =	vshll.u32 v7, $0x3;
	[sflag:s25] =	ssyncadd.s32 $0xFFFFE780  }
0x1bb: {  	v10 =	vor.u32 v6, v7;
	_ =	swait.ge [sflag:s25], $0x1880  }
0x1bc: {  	v7 =	vadd.s32 $0x1882, v10;
	[sflag:s25] =	ssyncset.done $0x0  }
0x1bd: {  	v8 =	vadd.s32 $0x3102, v10;
	[sflag:s25] =	ssyncadd.s32 $0xFFFFE780  }
0x1be: {  	_ =	swait.ge [sflag:s25], $0x1880  }
0x1bf: {  	v11 =	vor.u32 $0x1, v10;
	[sflag:s25] =	ssyncset.done $0x0  }
0x1c0: {  	v9 =	vadd.s32 $0x3100, v10;
	[sflag:s25] =	ssyncadd.s32 $0xFFFFE780  }
0x1c1: {  	v13 =	vadd.s32 $0x3101, v10;
	v16 =	vld.idx.msk [tilespmem:v7+s22+$0x0], $0xffff  }
0x1c2: {  	v12 =	vor.u32 $0x2, v10;
	v17 =	vld.idx.msk [tilespmem:v8+s22+$0x0], $0xffff  }
0x1c3: {  	v7 =	vadd.s32 $0x1881, v10;
	v22 =	vld.idx.msk [tilespmem:v10+s22+$0x0], $0xffff  }
0x1c4: {  	v14 =	vld.idx.msk [tilespmem:v11+s22+$0x0], $0xffff  }
0x1c5: {  	v8 =	vadd.s32 $0x1880, v10;
	v19 =	vld.idx.msk [tilespmem:v9+s22+$0x0], $0xffff  }
0x1c6: {  	v15 =	vld.idx.msk [tilespmem:v13+s22+$0x0], $0xffff  }
0x1c7: {  	v23 =	vld.idx.msk [tilespmem:v12+s22+$0x0], $0xffff  }
0x1c8: {  	s31 =	simm.s32 $0x10;
	v20 =	vld.idx.msk [tilespmem:v7+s22+$0x0], $0xffff  }
0x1c9: {  	v9 =	vmov s31  }
0x1ca: {  	v7 =	vshll.u32 v9, $0x3;
	v24 =	vld.idx.msk [tilespmem:v8+s22+$0x0], $0xffff  }
0x1cb: {  	v18 =	vsub.f32 v15, v14;
	v9 =	vor.u32 v6, v7  }
0x1cc: {  	v21 =	vsub.f32 v16, v23;
	v23 =	vsub.f32 v17, v23;
	v7 =	vor.u32 $0x1, v9  }
0x1cd: {  	v8 =	vor.u32 $0x2, v9;
	v25 =	vsub.f32 v20, v14;
	v20 =	vsub.f32 v19, v22  }
0x1ce: {  	v13 =	vadd.s32 $0x1881, v9;
	v15 =	vadd.s32 $0x1882, v9;
	v16 =	vadd.s32 $0x3101, v9  }
0x1cf: {  	v17 =	vadd.s32 $0x3102, v9;
	v22 =	vsub.f32 v24, v22;
	v19 =	vmul.f32 v20, v25  }
0x1d0: {  	s1 =	simm.s32 $0x20;
	s0 =	simm.s32 $0x30;
	s5 =	rddreg [dreg:$0x8];
	v14 =	vadd.s32 $0x3100, v9;
	v24 =	vmul.f32 v23, v25;
	v25 =	vmul.f32 v18, v21  }
.LBB2_13:
0x1d1: {  	p1 =	sne.s32 s0, $0x300;
	v26 =	vmov s1;
	v20 =	vmul.f32 v20, v21;
	v21 =	vmul.f32 v23, v22;
	s1 =	smov.u32 s0;
	s0 =	sadd.s32 $0x10, s0  }
0x1d2: {  	v18 =	vmul.f32 v18, v22;
	v23 =	vshll.u32 v26, $0x3;
	v24 =	vsub.f32 v24, v25  }
0x1d3: {  	v22 =	vor.u32 v6, v23;
	v20 =	vsub.f32 v20, v21  }
0x1d4: {  	v18 =	vsub.f32 v18, v19;
	v21 =	vor.u32 $0x1, v22;
	v23 =	vor.u32 $0x2, v22;
	[tilespmem:v10+s8+$0x0] =	vst.idx.msk $0xffff, v24;
	v10 =	vmovc v9  }
0x1d5: {  	v19 =	vadd.s32 $0x1881, v22;
	v24 =	vadd.s32 $0x1882, v22;
	v9 =	vmovc v22;
	[tilespmem:v11+s8+$0x0] =	vst.idx.msk $0xffff, v20;
	v11 =	vmovc v7;
	v7 =	vmov v21  }
0x1d6: {  	v20 =	vadd.s32 $0x3100, v9;
	v21 =	vadd.s32 $0x3101, v9;
	[tilespmem:v12+s8+$0x0] =	vst.idx.msk $0xffff, v18;
	v12 =	vmovc v8;
	v8 =	vmov v23  }
0x1d7: {  	v22 =	vld.idx.msk [tilespmem:v15+s22+$0x0], $0xffff;
	v15 =	vmov v24  }
0x1d8: {  	v23 =	vld.idx.msk [tilespmem:v17+s22+$0x0], $0xffff  }
0x1d9: {  	v24 =	vld.idx.msk [tilespmem:v10+s22+$0x0], $0xffff  }
0x1da: {  	v18 =	vadd.s32 $0x1880, v10;
	v17 =	vadd.s32 $0x3102, v9;
	v25 =	vld.idx.msk [tilespmem:v11+s22+$0x0], $0xffff  }
0x1db: {  	v26 =	vld.idx.msk [tilespmem:v14+s22+$0x0], $0xffff;
	v14 =	vmov v20  }
0x1dc: {  	v20 =	vld.idx.msk [tilespmem:v16+s22+$0x0], $0xffff;
	v16 =	vmov v21  }
0x1dd: {  	v21 =	vld.idx.msk [tilespmem:v13+s22+$0x0], $0xffff;
	v13 =	vmov v19  }
0x1de: {  	v19 =	vld.idx.msk [tilespmem:v12+s22+$0x0], $0xffff  }
0x1df: {  	v27 =	vld.idx.msk [tilespmem:v18+s22+$0x0], $0xffff;
	_ =	sdelay $0x2  }
.Ltmp6:
0x1e0: {  	v18 =	vsub.f32 v20, v25;
	(pc) =	sbr.rel @p1 .LBB2_13-.Ltmp6, $4  }
0x1e1: {  	v20 =	vsub.f32 v26, v24;
	v25 =	vsub.f32 v21, v25  }
0x1e2: {  	v21 =	vsub.f32 v22, v19;
	v23 =	vsub.f32 v23, v19  }
0x1e3: {  	v22 =	vsub.f32 v27, v24;
	v19 =	vmul.f32 v20, v25  }
0x1e4: {  	v24 =	vmul.f32 v23, v25;
	v25 =	vmul.f32 v18, v21  }
0x1e5: {  	_ = 	snop  }
0x1e6: {  	v20 =	vmul.f32 v20, v21;
	v62 =	vmul.f32 v23, v22  }
0x1e7: {  	v18 =	vmul.f32 v18, v22;
	v63 =	vsub.f32 v24, v25  }
0x1e8: {  	v20 =	vsub.f32 v20, v62  }
0x1e9: {  	v18 =	vsub.f32 v18, v19;
	[tilespmem:v10+s8+$0x0] =	vst.idx.msk $0xffff, v63  }
0x1ea: {  	[tilespmem:v11+s8+$0x0] =	vst.idx.msk $0xffff, v20  }
0x1eb: {  	[tilespmem:v12+s8+$0x0] =	vst.idx.msk $0xffff, v18  }
0x1ec: {  	v10 =	vld.idx.msk [tilespmem:v15+s22+$0x0], $0xffff  }
0x1ed: {  	v11 =	vld.idx.msk [tilespmem:v17+s22+$0x0], $0xffff  }
0x1ee: {  	v12 =	vld.idx.msk [tilespmem:v9+s22+$0x0], $0xffff  }
0x1ef: {  	v15 =	vld.idx.msk [tilespmem:v7+s22+$0x0], $0xffff;
	v17 =	vadd.s32 $0x1880, v9  }
0x1f0: {  	v14 =	vld.idx.msk [tilespmem:v14+s22+$0x0], $0xffff  }
0x1f1: {  	v16 =	vld.idx.msk [tilespmem:v16+s22+$0x0], $0xffff  }
0x1f2: {  	v13 =	vld.idx.msk [tilespmem:v13+s22+$0x0], $0xffff  }
0x1f3: {  	v18 =	vld.idx.msk [tilespmem:v8+s22+$0x0], $0xffff  }
0x1f4: {  	v17 =	vld.idx.msk [tilespmem:v17+s22+$0x0], $0xffff;
	_ =	sdelay $0x2  }
0x1f5: {  	v16 =	vsub.f32 v16, v15;
	v13 =	vsub.f32 v13, v15  }
0x1f6: {  	v15 =	vmov s1;
	v10 =	vsub.f32 v10, v18;
	v11 =	vsub.f32 v11, v18  }
0x1f7: {  	v14 =	vsub.f32 v14, v12;
	v15 =	vshll.u32 v15, $0x3;
	v12 =	vsub.f32 v17, v12  }
0x1f8: {  	v15 =	vor.u32 v6, v15;
	v18 =	vmul.f32 v16, v10;
	v17 =	vmul.f32 v11, v13  }
0x1f9: {  	v10 =	vmul.f32 v14, v10;
	v19 =	vadd.s32 $0x1882, v15;
	v11 =	vmul.f32 v11, v12  }
0x1fa: {  	v13 =	vmul.f32 v14, v13;
	v14 =	vsub.f32 v17, v18;
	v12 =	vmul.f32 v16, v12  }
0x1fb: {  	v16 =	vadd.s32 $0x3102, v15;
	v10 =	vsub.f32 v10, v11  }
0x1fc: {  	v11 =	vsub.f32 v12, v13;
	[tilespmem:v9+s8+$0x0] =	vst.idx.msk $0xffff, v14  }
0x1fd: {  	v17 =	vadd.s32 $0x1880, v15;
	[tilespmem:v7+s8+$0x0] =	vst.idx.msk $0xffff, v10  }
0x1fe: {  	v9 =	vor.u32 $0x1, v15;
	[tilespmem:v8+s8+$0x0] =	vst.idx.msk $0xffff, v11  }
0x1ff: {  	v13 =	vor.u32 $0x2, v15;
	v10 =	vld.idx.msk [tilespmem:v19+s22+$0x0], $0xffff  }
0x200: {  	v8 =	vadd.s32 $0x3101, v15;
	v12 =	vld.idx.msk [tilespmem:v16+s22+$0x0], $0xffff  }
0x201: {  	v11 =	vadd.s32 $0x1881, v15;
	v14 =	vld.idx.msk [tilespmem:v15+s22+$0x0], $0xffff  }
0x202: {  	v7 =	vadd.s32 $0x3100, v15;
	v17 =	vld.idx.msk [tilespmem:v17+s22+$0x0], $0xffff  }
0x203: {  	v16 =	vld.idx.msk [tilespmem:v9+s22+$0x0], $0xffff  }
0x204: {  	v18 =	vld.idx.msk [tilespmem:v13+s22+$0x0], $0xffff  }
0x205: {  	v8 =	vld.idx.msk [tilespmem:v8+s22+$0x0], $0xffff  }
0x206: {  	v11 =	vld.idx.msk [tilespmem:v11+s22+$0x0], $0xffff  }
0x207: {  	v7 =	vld.idx.msk [tilespmem:v7+s22+$0x0], $0xffff;
	_ =	sdelay $0x2  }
0x208: {  	v10 =	vsub.f32 v10, v18;
	v12 =	vsub.f32 v12, v18  }
0x209: {  	v8 =	vsub.f32 v8, v16;
	v11 =	vsub.f32 v11, v16  }
0x20a: {  	v7 =	vsub.f32 v7, v14;
	v14 =	vsub.f32 v17, v14  }
0x20b: {  	v16 =	vmul.f32 v12, v11;
	v17 =	vmul.f32 v8, v10  }
0x20c: {  	v10 =	vmul.f32 v7, v10;
	v12 =	vmul.f32 v12, v14  }
0x20d: {  	v7 =	vmul.f32 v7, v11;
	v8 =	vmul.f32 v8, v14;
	v11 =	vsub.f32 v16, v17  }
0x20e: {  	v10 =	vsub.f32 v10, v12  }
0x20f: {  	v7 =	vsub.f32 v8, v7;
	[tilespmem:v15+s8+$0x0] =	vst.idx.msk $0xffff, v11  }
0x210: {  	[tilespmem:v9+s8+$0x0] =	vst.idx.msk $0xffff, v10  }
0x211: {  	[tilespmem:v13+s8+$0x0] =	vst.idx.msk $0xffff, v7  }
0x212: {  	[spmem:s2] =	stream.indirect.scatter.add.f32 [tilespmem:s8], [sflag:$0x3], $0x8, s19, s9, $0xb8;
	[tilespmem:$0x1D100] =	vst v63  }
0x213: {  	_ = 	snop  }
0x214: {  	[spmem:s2] =	stream.indirect.scatter.add.f32 [tilespmem:s8], [sflag:$0x3], $0x8, s20, s9, $0xb8;
	[tilespmem:$0x1D100] =	vst v63  }
0x215: {  	_ = 	snop  }
0x216: {  	[spmem:s2] =	stream.indirect.scatter.add.f32 [tilespmem:s8], [sflag:$0x3], $0x8, s21, s9, $0xb8;
	[tilespmem:$0x1D100] =	vst v63  }
0x217: {  	_ =	swait.ge [sflag:s18], $0x1880  }
0x218: {  	[sflag:s18] =	ssyncset.done $0x0  }
0x219: {  	[sflag:s18] =	ssyncadd.s32 $0xFFFFE780  }
0x21a: {  	_ =	swait.ge [sflag:s18], $0x1880  }
0x21b: {  	[sflag:s18] =	ssyncset.done $0x0  }
0x21c: {  	[sflag:s18] =	ssyncadd.s32 $0xFFFFE780  }
0x21d: {  	_ =	swait.ge [sflag:s18], $0x1880  }
0x21e: {  	[sflag:s18] =	ssyncset.done $0x0  }
0x21f: {  	s19 =	simm.s32 $0xCFC0;
	[sflag:s18] =	ssyncadd.s32 $0xFFFFE780  }
0x220: {  	[tilespmem:s22], [sflag:$0x1] =	stream.indirect.gather [hbm4b:s3+s9], $0x8, s19, s9, $0xb8;
	[tilespmem:$0x1D100] =	vst v63  }
0x221: {  	s20 =	simm.s32 $0xE840  }
0x222: {  	[tilespmem:s10], [sflag:$0x1] =	stream.indirect.gather [hbm4b:s3+s9], $0x8, s20, s9, $0xb8;
	[tilespmem:$0x1D100] =	vst v63  }
0x223: {  	s21 =	simm.s32 $0x100C0  }
0x224: {  	[tilespmem:s11], [sflag:$0x1] =	stream.indirect.gather [hbm4b:s3+s9], $0x8, s21, s9, $0xb8;
	[tilespmem:$0x1D100] =	vst v63  }
0x225: {  	s0 =	simm.s32 $0x0;
	_ =	swait.ge [sflag:s26], $0x1880  }
0x226: {  	v7 =	vmov s0;
	[sflag:s26] =	ssyncset.done $0x0  }
0x227: {  	v7 =	vshll.u32 v7, $0x3;
	[sflag:s26] =	ssyncadd.s32 $0xFFFFE780  }
0x228: {  	v7 =	vor.u32 v6, v7;
	_ =	swait.ge [sflag:s26], $0x1880  }
0x229: {  	v8 =	vadd.s32 $0x4982, v7;
	[sflag:s26] =	ssyncset.done $0x0  }
0x22a: {  	v9 =	vadd.s32 $0x6201, v7;
	[sflag:s26] =	ssyncadd.s32 $0xFFFFE780  }
0x22b: {  	v11 =	vadd.s32 $0x6200, v7;
	_ =	swait.ge [sflag:s26], $0x1880  }
0x22c: {  	v10 =	vadd.s32 $0x4981, v7;
	[sflag:s26] =	ssyncset.done $0x0  }
0x22d: {  	v14 =	vadd.s32 $0x7A81, v7;
	[sflag:s26] =	ssyncadd.s32 $0xFFFFE780  }
0x22e: {  	v15 =	vadd.s32 $0x7A82, v7;
	v8 =	vld.idx.msk [tilespmem:v8+s22+$0x0], $0xffff  }
0x22f: {  	v17 =	vadd.s32 $0x6202, v7;
	v13 =	vld.idx.msk [tilespmem:v9+s22+$0x0], $0xffff  }
0x230: {  	v9 =	vld.idx.msk [tilespmem:v11+s22+$0x0], $0xffff;
	v11 =	vadd.s32 $0x4980, v7  }
0x231: {  	v12 =	vld.idx.msk [tilespmem:v10+s22+$0x0], $0xffff;
	v10 =	vadd.s32 $0x7A80, v7  }
0x232: {  	v16 =	vld.idx.msk [tilespmem:v14+s22+$0x0], $0xffff  }
0x233: {  	v14 =	vld.idx.msk [tilespmem:v15+s22+$0x0], $0xffff  }
0x234: {  	s1 =	simm.s32 $0x20;
	s0 =	simm.s32 $0x10;
	v15 =	vld.idx.msk [tilespmem:v17+s22+$0x0], $0xffff  }
.LBB2_15:
0x235: {  	p1 =	sne.s32 s1, $0x300;
	v17 =	vmov s0;
	v18 =	vld.idx.msk [tilespmem:v11+s22+$0x0], $0xffff;
	s0 =	smov.u32 s1;
	s1 =	sadd.s32 $0x10, s1  }
0x236: {  	v11 =	vshll.u32 v17, $0x3;
	v17 =	vld.idx.msk [tilespmem:v10+s22+$0x0], $0xffff  }
0x237: {  	v13 =	vsub.f32 v13, v12;
	v20 =	vadd.s32 $0x1880, v7;
	v19 =	vor.u32 v6, v11  }
0x238: {  	v12 =	vsub.f32 v16, v12;
	v21 =	vadd.s32 $0x4981, v19;
	v22 =	vadd.s32 $0x4982, v19  }
0x239: {  	v16 =	vadd.s32 $0x6201, v19;
	v23 =	vadd.s32 $0x6202, v19;
	v14 =	vsub.f32 v14, v8  }
0x23a: {  	v11 =	vadd.s32 $0x4980, v19;
	v24 =	vadd.s32 $0x7A81, v19;
	v8 =	vsub.f32 v15, v8  }
0x23b: {  	v10 =	vadd.s32 $0x7A80, v19;
	v15 =	vadd.s32 $0x7A82, v19;
	v9 =	vsub.f32 v9, v18  }
0x23c: {  	v25 =	vadd.s32 $0x6200, v19;
	v17 =	vsub.f32 v17, v18;
	v18 =	vmul.f32 v12, v8  }
0x23d: {  	v27 =	vadd.s32 $0x1881, v7;
	v26 =	vmul.f32 v14, v13;
	v14 =	vmul.f32 v14, v9  }
0x23e: {  	v8 =	vmul.f32 v17, v8;
	v13 =	vmul.f32 v17, v13;
	v17 =	vadd.s32 $0x1882, v7;
	v7 =	vmovc v19  }
0x23f: {  	v9 =	vmul.f32 v12, v9;
	v18 =	vsub.f32 v26, v18  }
0x240: {  	v8 =	vsub.f32 v8, v14  }
0x241: {  	v9 =	vsub.f32 v9, v13;
	[tilespmem:v20+s8+$0x0] =	vst.idx.msk $0xffff, v18  }
0x242: {  	[tilespmem:v27+s8+$0x0] =	vst.idx.msk $0xffff, v8  }
0x243: {  	[tilespmem:v17+s8+$0x0] =	vst.idx.msk $0xffff, v9  }
0x244: {  	v8 =	vld.idx.msk [tilespmem:v22+s22+$0x0], $0xffff  }
0x245: {  	v13 =	vld.idx.msk [tilespmem:v16+s22+$0x0], $0xffff  }
.Ltmp7:
0x246: {  	v12 =	vld.idx.msk [tilespmem:v21+s22+$0x0], $0xffff;
	(pc) =	sbr.rel @p1 .LBB2_15-.Ltmp7, $4  }
0x247: {  	v9 =	vld.idx.msk [tilespmem:v25+s22+$0x0], $0xffff  }
0x248: {  	v16 =	vld.idx.msk [tilespmem:v24+s22+$0x0], $0xffff  }
0x249: {  	v14 =	vld.idx.msk [tilespmem:v15+s22+$0x0], $0xffff  }
0x24a: {  	v15 =	vld.idx.msk [tilespmem:v23+s22+$0x0], $0xffff  }
0x24b: {  	_ =	sdelay $0x3  }
0x24c: {  	v11 =	vld.idx.msk [tilespmem:v11+s22+$0x0], $0xffff  }
0x24d: {  	v10 =	vld.idx.msk [tilespmem:v10+s22+$0x0], $0xffff;
	_ =	sdelay $0x1  }
0x24e: {  	v17 =	vmov s0;
	v13 =	vsub.f32 v13, v12  }
0x24f: {  	v19 =	vadd.s32 $0x1881, v7;
	v17 =	vshll.u32 v17, $0x3;
	v12 =	vsub.f32 v16, v12  }
0x250: {  	v17 =	vor.u32 v6, v17;
	v14 =	vsub.f32 v14, v8;
	v8 =	vsub.f32 v15, v8  }
0x251: {  	v16 =	vadd.s32 $0x1880, v7;
	v9 =	vsub.f32 v9, v11;
	v10 =	vsub.f32 v10, v11  }
0x252: {  	v7 =	vadd.s32 $0x1882, v7;
	v18 =	vmul.f32 v14, v13;
	v11 =	vmul.f32 v12, v8  }
0x253: {  	v15 =	vadd.s32 $0x4982, v17;
	v14 =	vmul.f32 v14, v9;
	v8 =	vmul.f32 v10, v8  }
0x254: {  	v10 =	vmul.f32 v10, v13;
	v9 =	vmul.f32 v12, v9;
	v11 =	vsub.f32 v18, v11  }
0x255: {  	v12 =	vadd.s32 $0x6201, v17;
	v8 =	vsub.f32 v8, v14  }
0x256: {  	v13 =	vadd.s32 $0x4981, v17;
	v9 =	vsub.f32 v9, v10;
	[tilespmem:v16+s8+$0x0] =	vst.idx.msk $0xffff, v11  }
0x257: {  	v10 =	vadd.s32 $0x6200, v17;
	[tilespmem:v19+s8+$0x0] =	vst.idx.msk $0xffff, v8  }
0x258: {  	v14 =	vadd.s32 $0x4980, v17;
	[tilespmem:v7+s8+$0x0] =	vst.idx.msk $0xffff, v9  }
0x259: {  	v11 =	vadd.s32 $0x6202, v17;
	v9 =	vld.idx.msk [tilespmem:v15+s22+$0x0], $0xffff  }
0x25a: {  	v8 =	vadd.s32 $0x7A81, v17;
	v12 =	vld.idx.msk [tilespmem:v12+s22+$0x0], $0xffff  }
0x25b: {  	v7 =	vadd.s32 $0x7A82, v17;
	v13 =	vld.idx.msk [tilespmem:v13+s22+$0x0], $0xffff  }
0x25c: {  	v15 =	vadd.s32 $0x7A80, v17;
	v10 =	vld.idx.msk [tilespmem:v10+s22+$0x0], $0xffff  }
0x25d: {  	v14 =	vld.idx.msk [tilespmem:v14+s22+$0x0], $0xffff  }
0x25e: {  	v11 =	vld.idx.msk [tilespmem:v11+s22+$0x0], $0xffff  }
0x25f: {  	v8 =	vld.idx.msk [tilespmem:v8+s22+$0x0], $0xffff  }
0x260: {  	v7 =	vld.idx.msk [tilespmem:v7+s22+$0x0], $0xffff  }
0x261: {  	v15 =	vld.idx.msk [tilespmem:v15+s22+$0x0], $0xffff;
	_ =	sdelay $0x2  }
0x262: {  	v12 =	vsub.f32 v12, v13;
	v8 =	vsub.f32 v8, v13  }
0x263: {  	v7 =	vsub.f32 v7, v9;
	v9 =	vsub.f32 v11, v9  }
0x264: {  	v10 =	vsub.f32 v10, v14;
	v11 =	vadd.s32 $0x1880, v17;
	v13 =	vsub.f32 v15, v14  }
0x265: {  	v16 =	vadd.s32 $0x1881, v17;
	v14 =	vmul.f32 v8, v9;
	v15 =	vmul.f32 v7, v12  }
0x266: {  	v17 =	vadd.s32 $0x1882, v17;
	v7 =	vmul.f32 v7, v10;
	v9 =	vmul.f32 v13, v9  }
0x267: {  	v8 =	vmul.f32 v8, v10;
	v12 =	vmul.f32 v13, v12;
	v13 =	vsub.f32 v15, v14  }
0x268: {  	v7 =	vsub.f32 v9, v7  }
0x269: {  	v8 =	vsub.f32 v8, v12;
	[tilespmem:v11+s8+$0x0] =	vst.idx.msk $0xffff, v13  }
0x26a: {  	[tilespmem:v16+s8+$0x0] =	vst.idx.msk $0xffff, v7  }
0x26b: {  	[tilespmem:v17+s8+$0x0] =	vst.idx.msk $0xffff, v8  }
0x26c: {  	[spmem:s2] =	stream.indirect.scatter.add.f32 [tilespmem:s23], [sflag:$0x4], $0x8, s14, s9, $0xb8;
	[tilespmem:$0x1D100] =	vst v63  }
0x26d: {  	_ = 	snop  }
0x26e: {  	[spmem:s2] =	stream.indirect.scatter.add.f32 [tilespmem:s23], [sflag:$0x4], $0x8, s16, s9, $0xb8;
	[tilespmem:$0x1D100] =	vst v63  }
0x26f: {  	_ = 	snop  }
0x270: {  	[spmem:s2] =	stream.indirect.scatter.add.f32 [tilespmem:s23], [sflag:$0x4], $0x8, s24, s9, $0xb8;
	[tilespmem:$0x1D100] =	vst v63  }
0x271: {  	_ =	swait.ge [sflag:s12], $0x1880  }
0x272: {  	[sflag:s12] =	ssyncset.done $0x0  }
0x273: {  	[sflag:s12] =	ssyncadd.s32 $0xFFFFE780  }
0x274: {  	_ =	swait.ge [sflag:s12], $0x1880  }
0x275: {  	[sflag:s12] =	ssyncset.done $0x0  }
0x276: {  	[sflag:s12] =	ssyncadd.s32 $0xFFFFE780  }
0x277: {  	_ =	swait.ge [sflag:s12], $0x1880  }
0x278: {  	[sflag:s12] =	ssyncset.done $0x0  }
0x279: {  	s14 =	simm.s32 $0xD2D0;
	[sflag:s12] =	ssyncadd.s32 $0xFFFFE780  }
0x27a: {  	[tilespmem:s13], [sflag:$0x2] =	stream.indirect.gather [hbm4b:s3+s9], $0x8, s14, s9, $0xb8;
	[tilespmem:$0x1D100] =	vst v63  }
0x27b: {  	s16 =	simm.s32 $0xEB50  }
0x27c: {  	[tilespmem:s15], [sflag:$0x2] =	stream.indirect.gather [hbm4b:s3+s9], $0x8, s16, s9, $0xb8;
	[tilespmem:$0x1D100] =	vst v63  }
0x27d: {  	s24 =	simm.s32 $0x103D0  }
0x27e: {  	[tilespmem:s17], [sflag:$0x2] =	stream.indirect.gather [hbm4b:s3+s9], $0x8, s24, s9, $0xb8;
	[tilespmem:$0x1D100] =	vst v63  }
0x27f: {  	s30 =	simm.s32 $0x0;
	_ =	swait.ge [sflag:s25], $0x1880  }
0x280: {  	v7 =	vmov s30;
	[sflag:s25] =	ssyncset.done $0x0  }
0x281: {  	v7 =	vshll.u32 v7, $0x3;
	[sflag:s25] =	ssyncadd.s32 $0xFFFFE780  }
0x282: {  	v10 =	vor.u32 v6, v7;
	_ =	swait.ge [sflag:s25], $0x1880  }
0x283: {  	v7 =	vadd.s32 $0x1882, v10;
	[sflag:s25] =	ssyncset.done $0x0  }
0x284: {  	v8 =	vadd.s32 $0x3102, v10;
	[sflag:s25] =	ssyncadd.s32 $0xFFFFE780  }
0x285: {  	_ =	swait.ge [sflag:s25], $0x1880  }
0x286: {  	v11 =	vor.u32 $0x1, v10;
	[sflag:s25] =	ssyncset.done $0x0  }
0x287: {  	v9 =	vadd.s32 $0x3100, v10;
	[sflag:s25] =	ssyncadd.s32 $0xFFFFE780  }
0x288: {  	v13 =	vadd.s32 $0x3101, v10;
	v16 =	vld.idx.msk [tilespmem:v7+s22+$0x0], $0xffff  }
0x289: {  	v12 =	vor.u32 $0x2, v10;
	v17 =	vld.idx.msk [tilespmem:v8+s22+$0x0], $0xffff  }
0x28a: {  	v7 =	vadd.s32 $0x1881, v10;
	v22 =	vld.idx.msk [tilespmem:v10+s22+$0x0], $0xffff  }
0x28b: {  	v14 =	vld.idx.msk [tilespmem:v11+s22+$0x0], $0xffff  }
0x28c: {  	v8 =	vadd.s32 $0x1880, v10;
	v19 =	vld.idx.msk [tilespmem:v9+s22+$0x0], $0xffff  }
0x28d: {  	v15 =	vld.idx.msk [tilespmem:v13+s22+$0x0], $0xffff  }
0x28e: {  	v23 =	vld.idx.msk [tilespmem:v12+s22+$0x0], $0xffff  }
0x28f: {  	s31 =	simm.s32 $0x10;
	v20 =	vld.idx.msk [tilespmem:v7+s22+$0x0], $0xffff  }
0x290: {  	v9 =	vmov s31  }
0x291: {  	v7 =	vshll.u32 v9, $0x3;
	v24 =	vld.idx.msk [tilespmem:v8+s22+$0x0], $0xffff  }
0x292: {  	v18 =	vsub.f32 v15, v14;
	v9 =	vor.u32 v6, v7  }
0x293: {  	v21 =	vsub.f32 v16, v23;
	v23 =	vsub.f32 v17, v23;
	v7 =	vor.u32 $0x1, v9  }
0x294: {  	v8 =	vor.u32 $0x2, v9;
	v25 =	vsub.f32 v20, v14;
	v20 =	vsub.f32 v19, v22  }
0x295: {  	v13 =	vadd.s32 $0x1881, v9;
	v15 =	vadd.s32 $0x1882, v9;
	v16 =	vadd.s32 $0x3101, v9  }
0x296: {  	v17 =	vadd.s32 $0x3102, v9;
	v22 =	vsub.f32 v24, v22;
	v19 =	vmul.f32 v20, v25  }
0x297: {  	s1 =	simm.s32 $0x20;
	s0 =	simm.s32 $0x30;
	v14 =	vadd.s32 $0x3100, v9;
	v24 =	vmul.f32 v23, v25;
	v25 =	vmul.f32 v18, v21  }
.LBB2_17:
0x298: {  	p1 =	sne.s32 s0, $0x300;
	v26 =	vmov s1;
	v20 =	vmul.f32 v20, v21;
	v21 =	vmul.f32 v23, v22;
	s1 =	smov.u32 s0;
	s0 =	sadd.s32 $0x10, s0  }
0x299: {  	v18 =	vmul.f32 v18, v22;
	v23 =	vshll.u32 v26, $0x3;
	v24 =	vsub.f32 v24, v25  }
0x29a: {  	v22 =	vor.u32 v6, v23;
	v20 =	vsub.f32 v20, v21  }
0x29b: {  	v18 =	vsub.f32 v18, v19;
	v21 =	vor.u32 $0x1, v22;
	v23 =	vor.u32 $0x2, v22;
	[tilespmem:v10+s8+$0x0] =	vst.idx.msk $0xffff, v24;
	v10 =	vmovc v9  }
0x29c: {  	v19 =	vadd.s32 $0x1881, v22;
	v24 =	vadd.s32 $0x1882, v22;
	v9 =	vmovc v22;
	[tilespmem:v11+s8+$0x0] =	vst.idx.msk $0xffff, v20;
	v11 =	vmovc v7;
	v7 =	vmov v21  }
0x29d: {  	v20 =	vadd.s32 $0x3100, v9;
	v21 =	vadd.s32 $0x3101, v9;
	[tilespmem:v12+s8+$0x0] =	vst.idx.msk $0xffff, v18;
	v12 =	vmovc v8;
	v8 =	vmov v23  }
0x29e: {  	v22 =	vld.idx.msk [tilespmem:v15+s22+$0x0], $0xffff;
	v15 =	vmov v24  }
0x29f: {  	v23 =	vld.idx.msk [tilespmem:v17+s22+$0x0], $0xffff  }
0x2a0: {  	v24 =	vld.idx.msk [tilespmem:v10+s22+$0x0], $0xffff  }
0x2a1: {  	v18 =	vadd.s32 $0x1880, v10;
	v17 =	vadd.s32 $0x3102, v9;
	v25 =	vld.idx.msk [tilespmem:v11+s22+$0x0], $0xffff  }
0x2a2: {  	v26 =	vld.idx.msk [tilespmem:v14+s22+$0x0], $0xffff;
	v14 =	vmov v20  }
0x2a3: {  	v20 =	vld.idx.msk [tilespmem:v16+s22+$0x0], $0xffff;
	v16 =	vmov v21  }
0x2a4: {  	v21 =	vld.idx.msk [tilespmem:v13+s22+$0x0], $0xffff;
	v13 =	vmov v19  }
0x2a5: {  	v19 =	vld.idx.msk [tilespmem:v12+s22+$0x0], $0xffff  }
0x2a6: {  	v27 =	vld.idx.msk [tilespmem:v18+s22+$0x0], $0xffff;
	_ =	sdelay $0x2  }
.Ltmp8:
0x2a7: {  	v18 =	vsub.f32 v20, v25;
	(pc) =	sbr.rel @p1 .LBB2_17-.Ltmp8, $4  }
0x2a8: {  	v20 =	vsub.f32 v26, v24;
	v25 =	vsub.f32 v21, v25  }
0x2a9: {  	v21 =	vsub.f32 v22, v19;
	v23 =	vsub.f32 v23, v19  }
0x2aa: {  	v22 =	vsub.f32 v27, v24;
	v19 =	vmul.f32 v20, v25  }
0x2ab: {  	v24 =	vmul.f32 v23, v25;
	v25 =	vmul.f32 v18, v21  }
0x2ac: {  	_ = 	snop  }
0x2ad: {  	v20 =	vmul.f32 v20, v21;
	v62 =	vmul.f32 v23, v22  }
0x2ae: {  	v18 =	vmul.f32 v18, v22;
	v63 =	vsub.f32 v24, v25  }
0x2af: {  	v20 =	vsub.f32 v20, v62  }
0x2b0: {  	v18 =	vsub.f32 v18, v19;
	[tilespmem:v10+s8+$0x0] =	vst.idx.msk $0xffff, v63  }
0x2b1: {  	[tilespmem:v11+s8+$0x0] =	vst.idx.msk $0xffff, v20  }
0x2b2: {  	[tilespmem:v12+s8+$0x0] =	vst.idx.msk $0xffff, v18  }
0x2b3: {  	v10 =	vld.idx.msk [tilespmem:v15+s22+$0x0], $0xffff  }
0x2b4: {  	v11 =	vld.idx.msk [tilespmem:v17+s22+$0x0], $0xffff  }
0x2b5: {  	v12 =	vld.idx.msk [tilespmem:v9+s22+$0x0], $0xffff  }
0x2b6: {  	v15 =	vld.idx.msk [tilespmem:v7+s22+$0x0], $0xffff;
	v17 =	vadd.s32 $0x1880, v9  }
0x2b7: {  	v14 =	vld.idx.msk [tilespmem:v14+s22+$0x0], $0xffff  }
0x2b8: {  	v16 =	vld.idx.msk [tilespmem:v16+s22+$0x0], $0xffff  }
0x2b9: {  	v13 =	vld.idx.msk [tilespmem:v13+s22+$0x0], $0xffff  }
0x2ba: {  	v18 =	vld.idx.msk [tilespmem:v8+s22+$0x0], $0xffff  }
0x2bb: {  	v17 =	vld.idx.msk [tilespmem:v17+s22+$0x0], $0xffff;
	_ =	sdelay $0x2  }
0x2bc: {  	v16 =	vsub.f32 v16, v15;
	v13 =	vsub.f32 v13, v15  }
0x2bd: {  	v15 =	vmov s1;
	v10 =	vsub.f32 v10, v18;
	v11 =	vsub.f32 v11, v18  }
0x2be: {  	v14 =	vsub.f32 v14, v12;
	v15 =	vshll.u32 v15, $0x3;
	v12 =	vsub.f32 v17, v12  }
0x2bf: {  	v15 =	vor.u32 v6, v15;
	v18 =	vmul.f32 v16, v10;
	v17 =	vmul.f32 v11, v13  }
0x2c0: {  	v10 =	vmul.f32 v14, v10;
	v19 =	vadd.s32 $0x1882, v15;
	v11 =	vmul.f32 v11, v12  }
0x2c1: {  	v13 =	vmul.f32 v14, v13;
	v14 =	vsub.f32 v17, v18;
	v12 =	vmul.f32 v16, v12  }
0x2c2: {  	v16 =	vadd.s32 $0x3102, v15;
	v10 =	vsub.f32 v10, v11  }
0x2c3: {  	v11 =	vsub.f32 v12, v13;
	[tilespmem:v9+s8+$0x0] =	vst.idx.msk $0xffff, v14  }
0x2c4: {  	v17 =	vadd.s32 $0x1880, v15;
	[tilespmem:v7+s8+$0x0] =	vst.idx.msk $0xffff, v10  }
0x2c5: {  	v9 =	vor.u32 $0x1, v15;
	[tilespmem:v8+s8+$0x0] =	vst.idx.msk $0xffff, v11  }
0x2c6: {  	v13 =	vor.u32 $0x2, v15;
	v10 =	vld.idx.msk [tilespmem:v19+s22+$0x0], $0xffff  }
0x2c7: {  	v8 =	vadd.s32 $0x3101, v15;
	v12 =	vld.idx.msk [tilespmem:v16+s22+$0x0], $0xffff  }
0x2c8: {  	v11 =	vadd.s32 $0x1881, v15;
	v14 =	vld.idx.msk [tilespmem:v15+s22+$0x0], $0xffff  }
0x2c9: {  	v7 =	vadd.s32 $0x3100, v15;
	v17 =	vld.idx.msk [tilespmem:v17+s22+$0x0], $0xffff  }
0x2ca: {  	v16 =	vld.idx.msk [tilespmem:v9+s22+$0x0], $0xffff  }
0x2cb: {  	v18 =	vld.idx.msk [tilespmem:v13+s22+$0x0], $0xffff  }
0x2cc: {  	v8 =	vld.idx.msk [tilespmem:v8+s22+$0x0], $0xffff  }
0x2cd: {  	v11 =	vld.idx.msk [tilespmem:v11+s22+$0x0], $0xffff  }
0x2ce: {  	v7 =	vld.idx.msk [tilespmem:v7+s22+$0x0], $0xffff;
	_ =	sdelay $0x2  }
0x2cf: {  	v10 =	vsub.f32 v10, v18;
	v12 =	vsub.f32 v12, v18  }
0x2d0: {  	v8 =	vsub.f32 v8, v16;
	v11 =	vsub.f32 v11, v16  }
0x2d1: {  	v7 =	vsub.f32 v7, v14;
	v14 =	vsub.f32 v17, v14  }
0x2d2: {  	v16 =	vmul.f32 v12, v11;
	v17 =	vmul.f32 v8, v10  }
0x2d3: {  	v10 =	vmul.f32 v7, v10;
	v12 =	vmul.f32 v12, v14  }
0x2d4: {  	v7 =	vmul.f32 v7, v11;
	v8 =	vmul.f32 v8, v14;
	v11 =	vsub.f32 v16, v17  }
0x2d5: {  	v10 =	vsub.f32 v10, v12  }
0x2d6: {  	v7 =	vsub.f32 v8, v7;
	[tilespmem:v15+s8+$0x0] =	vst.idx.msk $0xffff, v11  }
0x2d7: {  	[tilespmem:v9+s8+$0x0] =	vst.idx.msk $0xffff, v10  }
0x2d8: {  	[tilespmem:v13+s8+$0x0] =	vst.idx.msk $0xffff, v7  }
0x2d9: {  	[spmem:s2] =	stream.indirect.scatter.add.f32 [tilespmem:s8], [sflag:$0x3], $0x8, s19, s9, $0xb8;
	[tilespmem:$0x1D100] =	vst v63  }
0x2da: {  	_ = 	snop  }
0x2db: {  	[spmem:s2] =	stream.indirect.scatter.add.f32 [tilespmem:s8], [sflag:$0x3], $0x8, s20, s9, $0xb8;
	[tilespmem:$0x1D100] =	vst v63  }
0x2dc: {  	_ = 	snop  }
0x2dd: {  	[spmem:s2] =	stream.indirect.scatter.add.f32 [tilespmem:s8], [sflag:$0x3], $0x8, s21, s9, $0xb8;
	[tilespmem:$0x1D100] =	vst v63  }
0x2de: {  	_ =	swait.ge [sflag:s18], $0x1880  }
0x2df: {  	[sflag:s18] =	ssyncset.done $0x0  }
0x2e0: {  	[sflag:s18] =	ssyncadd.s32 $0xFFFFE780  }
0x2e1: {  	_ =	swait.ge [sflag:s18], $0x1880  }
0x2e2: {  	[sflag:s18] =	ssyncset.done $0x0  }
0x2e3: {  	[sflag:s18] =	ssyncadd.s32 $0xFFFFE780  }
0x2e4: {  	_ =	swait.ge [sflag:s18], $0x1880  }
0x2e5: {  	[sflag:s18] =	ssyncset.done $0x0  }
0x2e6: {  	s19 =	simm.s32 $0xD5E0;
	[sflag:s18] =	ssyncadd.s32 $0xFFFFE780  }
0x2e7: {  	[tilespmem:s22], [sflag:$0x1] =	stream.indirect.gather [hbm4b:s3+s9], $0x8, s19, s9, $0xb8;
	[tilespmem:$0x1D100] =	vst v63  }
0x2e8: {  	s0 =	simm.s32 $0xEE60  }
0x2e9: {  	[tilespmem:s10], [sflag:$0x1] =	stream.indirect.gather [hbm4b:s3+s9], $0x8, s0, s9, $0xb8;
	[tilespmem:$0x1D100] =	vst v63  }
0x2ea: {  	s30 =	simm.s32 $0x106E0  }
0x2eb: {  	[tilespmem:s11], [sflag:$0x1] =	stream.indirect.gather [hbm4b:s3+s9], $0x8, s30, s9, $0xb8;
	[tilespmem:$0x1D100] =	vst v63  }
0x2ec: {  	s31 =	simm.s32 $0x0;
	_ =	swait.ge [sflag:s26], $0x1880  }
0x2ed: {  	v7 =	vmov s31;
	[sflag:s26] =	ssyncset.done $0x0  }
0x2ee: {  	v7 =	vshll.u32 v7, $0x3;
	[sflag:s26] =	ssyncadd.s32 $0xFFFFE780  }
0x2ef: {  	v7 =	vor.u32 v6, v7;
	_ =	swait.ge [sflag:s26], $0x1880  }
0x2f0: {  	v8 =	vadd.s32 $0x4982, v7;
	[sflag:s26] =	ssyncset.done $0x0  }
0x2f1: {  	v9 =	vadd.s32 $0x6201, v7;
	[sflag:s26] =	ssyncadd.s32 $0xFFFFE780  }
0x2f2: {  	v11 =	vadd.s32 $0x6200, v7;
	_ =	swait.ge [sflag:s26], $0x1880  }
0x2f3: {  	v10 =	vadd.s32 $0x4981, v7;
	[sflag:s26] =	ssyncset.done $0x0  }
0x2f4: {  	v14 =	vadd.s32 $0x7A81, v7;
	[sflag:s26] =	ssyncadd.s32 $0xFFFFE780  }
0x2f5: {  	v15 =	vadd.s32 $0x7A82, v7;
	v8 =	vld.idx.msk [tilespmem:v8+s22+$0x0], $0xffff  }
0x2f6: {  	v17 =	vadd.s32 $0x6202, v7;
	v13 =	vld.idx.msk [tilespmem:v9+s22+$0x0], $0xffff  }
0x2f7: {  	v9 =	vld.idx.msk [tilespmem:v11+s22+$0x0], $0xffff;
	v11 =	vadd.s32 $0x4980, v7  }
0x2f8: {  	v12 =	vld.idx.msk [tilespmem:v10+s22+$0x0], $0xffff;
	v10 =	vadd.s32 $0x7A80, v7  }
0x2f9: {  	v16 =	vld.idx.msk [tilespmem:v14+s22+$0x0], $0xffff  }
0x2fa: {  	s1 =	simm.s32 $0x20;
	v14 =	vld.idx.msk [tilespmem:v15+s22+$0x0], $0xffff  }
0x2fb: {  	s10 =	simm.s32 $0xEE60;
	s0 =	simm.s32 $0x10;
	s11 =	simm.s32 $0x106E0;
	v15 =	vld.idx.msk [tilespmem:v17+s22+$0x0], $0xffff  }
.LBB2_19:
0x2fc: {  	p1 =	sne.s32 s1, $0x300;
	v17 =	vmov s0;
	v18 =	vld.idx.msk [tilespmem:v11+s22+$0x0], $0xffff;
	s0 =	smov.u32 s1;
	s1 =	sadd.s32 $0x10, s1  }
0x2fd: {  	v11 =	vshll.u32 v17, $0x3;
	v17 =	vld.idx.msk [tilespmem:v10+s22+$0x0], $0xffff  }
0x2fe: {  	v13 =	vsub.f32 v13, v12;
	v20 =	vadd.s32 $0x1880, v7;
	v19 =	vor.u32 v6, v11  }
0x2ff: {  	v12 =	vsub.f32 v16, v12;
	v21 =	vadd.s32 $0x4981, v19;
	v22 =	vadd.s32 $0x4982, v19  }
0x300: {  	v16 =	vadd.s32 $0x6201, v19;
	v23 =	vadd.s32 $0x6202, v19;
	v14 =	vsub.f32 v14, v8  }
0x301: {  	v11 =	vadd.s32 $0x4980, v19;
	v24 =	vadd.s32 $0x7A81, v19;
	v8 =	vsub.f32 v15, v8  }
0x302: {  	v10 =	vadd.s32 $0x7A80, v19;
	v15 =	vadd.s32 $0x7A82, v19;
	v9 =	vsub.f32 v9, v18  }
0x303: {  	v25 =	vadd.s32 $0x6200, v19;
	v17 =	vsub.f32 v17, v18;
	v18 =	vmul.f32 v12, v8  }
0x304: {  	v27 =	vadd.s32 $0x1881, v7;
	v26 =	vmul.f32 v14, v13;
	v14 =	vmul.f32 v14, v9  }
0x305: {  	v8 =	vmul.f32 v17, v8;
	v13 =	vmul.f32 v17, v13;
	v17 =	vadd.s32 $0x1882, v7;
	v7 =	vmovc v19  }
0x306: {  	v9 =	vmul.f32 v12, v9;
	v18 =	vsub.f32 v26, v18  }
0x307: {  	v8 =	vsub.f32 v8, v14  }
0x308: {  	v9 =	vsub.f32 v9, v13;
	[tilespmem:v20+s8+$0x0] =	vst.idx.msk $0xffff, v18  }
0x309: {  	[tilespmem:v27+s8+$0x0] =	vst.idx.msk $0xffff, v8  }
0x30a: {  	[tilespmem:v17+s8+$0x0] =	vst.idx.msk $0xffff, v9  }
0x30b: {  	v8 =	vld.idx.msk [tilespmem:v22+s22+$0x0], $0xffff  }
0x30c: {  	v13 =	vld.idx.msk [tilespmem:v16+s22+$0x0], $0xffff  }
.Ltmp9:
0x30d: {  	v12 =	vld.idx.msk [tilespmem:v21+s22+$0x0], $0xffff;
	(pc) =	sbr.rel @p1 .LBB2_19-.Ltmp9, $4  }
0x30e: {  	v9 =	vld.idx.msk [tilespmem:v25+s22+$0x0], $0xffff  }
0x30f: {  	v16 =	vld.idx.msk [tilespmem:v24+s22+$0x0], $0xffff  }
0x310: {  	v14 =	vld.idx.msk [tilespmem:v15+s22+$0x0], $0xffff  }
0x311: {  	v15 =	vld.idx.msk [tilespmem:v23+s22+$0x0], $0xffff  }
0x312: {  	_ =	sdelay $0x3  }
0x313: {  	v11 =	vld.idx.msk [tilespmem:v11+s22+$0x0], $0xffff  }
0x314: {  	v10 =	vld.idx.msk [tilespmem:v10+s22+$0x0], $0xffff;
	_ =	sdelay $0x1  }
0x315: {  	v17 =	vmov s0;
	v13 =	vsub.f32 v13, v12  }
0x316: {  	v19 =	vadd.s32 $0x1881, v7;
	v17 =	vshll.u32 v17, $0x3;
	v12 =	vsub.f32 v16, v12  }
0x317: {  	v17 =	vor.u32 v6, v17;
	v14 =	vsub.f32 v14, v8;
	v8 =	vsub.f32 v15, v8  }
0x318: {  	v16 =	vadd.s32 $0x1880, v7;
	v9 =	vsub.f32 v9, v11;
	v10 =	vsub.f32 v10, v11  }
0x319: {  	v7 =	vadd.s32 $0x1882, v7;
	v18 =	vmul.f32 v14, v13;
	v11 =	vmul.f32 v12, v8  }
0x31a: {  	v15 =	vadd.s32 $0x4982, v17;
	v14 =	vmul.f32 v14, v9;
	v8 =	vmul.f32 v10, v8  }
0x31b: {  	v10 =	vmul.f32 v10, v13;
	v9 =	vmul.f32 v12, v9;
	v11 =	vsub.f32 v18, v11  }
0x31c: {  	v12 =	vadd.s32 $0x6201, v17;
	v8 =	vsub.f32 v8, v14  }
0x31d: {  	v13 =	vadd.s32 $0x4981, v17;
	v9 =	vsub.f32 v9, v10;
	[tilespmem:v16+s8+$0x0] =	vst.idx.msk $0xffff, v11  }
0x31e: {  	v10 =	vadd.s32 $0x6200, v17;
	[tilespmem:v19+s8+$0x0] =	vst.idx.msk $0xffff, v8  }
0x31f: {  	v14 =	vadd.s32 $0x4980, v17;
	[tilespmem:v7+s8+$0x0] =	vst.idx.msk $0xffff, v9  }
0x320: {  	v11 =	vadd.s32 $0x6202, v17;
	v9 =	vld.idx.msk [tilespmem:v15+s22+$0x0], $0xffff  }
0x321: {  	v8 =	vadd.s32 $0x7A81, v17;
	v12 =	vld.idx.msk [tilespmem:v12+s22+$0x0], $0xffff  }
0x322: {  	v7 =	vadd.s32 $0x7A82, v17;
	v13 =	vld.idx.msk [tilespmem:v13+s22+$0x0], $0xffff  }
0x323: {  	v15 =	vadd.s32 $0x7A80, v17;
	v10 =	vld.idx.msk [tilespmem:v10+s22+$0x0], $0xffff  }
0x324: {  	v14 =	vld.idx.msk [tilespmem:v14+s22+$0x0], $0xffff  }
0x325: {  	v11 =	vld.idx.msk [tilespmem:v11+s22+$0x0], $0xffff  }
0x326: {  	v8 =	vld.idx.msk [tilespmem:v8+s22+$0x0], $0xffff  }
0x327: {  	v7 =	vld.idx.msk [tilespmem:v7+s22+$0x0], $0xffff  }
0x328: {  	v15 =	vld.idx.msk [tilespmem:v15+s22+$0x0], $0xffff;
	_ =	sdelay $0x2  }
0x329: {  	v12 =	vsub.f32 v12, v13;
	v8 =	vsub.f32 v8, v13  }
0x32a: {  	v7 =	vsub.f32 v7, v9;
	v9 =	vsub.f32 v11, v9  }
0x32b: {  	v10 =	vsub.f32 v10, v14;
	v11 =	vadd.s32 $0x1880, v17;
	v13 =	vsub.f32 v15, v14  }
0x32c: {  	v16 =	vadd.s32 $0x1881, v17;
	v14 =	vmul.f32 v8, v9;
	v15 =	vmul.f32 v7, v12  }
0x32d: {  	v17 =	vadd.s32 $0x1882, v17;
	v7 =	vmul.f32 v7, v10;
	v9 =	vmul.f32 v13, v9  }
0x32e: {  	v8 =	vmul.f32 v8, v10;
	v12 =	vmul.f32 v13, v12;
	v13 =	vsub.f32 v15, v14  }
0x32f: {  	v7 =	vsub.f32 v9, v7  }
0x330: {  	v8 =	vsub.f32 v8, v12;
	[tilespmem:v11+s8+$0x0] =	vst.idx.msk $0xffff, v13  }
0x331: {  	[tilespmem:v16+s8+$0x0] =	vst.idx.msk $0xffff, v7  }
0x332: {  	[tilespmem:v17+s8+$0x0] =	vst.idx.msk $0xffff, v8  }
0x333: {  	[spmem:s2] =	stream.indirect.scatter.add.f32 [tilespmem:s23], [sflag:$0x4], $0x8, s14, s9, $0xb8;
	[tilespmem:$0x1D100] =	vst v63  }
0x334: {  	_ = 	snop  }
0x335: {  	[spmem:s2] =	stream.indirect.scatter.add.f32 [tilespmem:s23], [sflag:$0x4], $0x8, s16, s9, $0xb8;
	[tilespmem:$0x1D100] =	vst v63  }
0x336: {  	_ = 	snop  }
0x337: {  	[spmem:s2] =	stream.indirect.scatter.add.f32 [tilespmem:s23], [sflag:$0x4], $0x8, s24, s9, $0xb8;
	[tilespmem:$0x1D100] =	vst v63  }
0x338: {  	_ =	swait.ge [sflag:s12], $0x1880  }
0x339: {  	[sflag:s12] =	ssyncset.done $0x0  }
0x33a: {  	[sflag:s12] =	ssyncadd.s32 $0xFFFFE780  }
0x33b: {  	_ =	swait.ge [sflag:s12], $0x1880  }
0x33c: {  	[sflag:s12] =	ssyncset.done $0x0  }
0x33d: {  	[sflag:s12] =	ssyncadd.s32 $0xFFFFE780  }
0x33e: {  	_ =	swait.ge [sflag:s12], $0x1880  }
0x33f: {  	[sflag:s12] =	ssyncset.done $0x0  }
0x340: {  	[sflag:s12] =	ssyncadd.s32 $0xFFFFE780;
	s12 =	simm.s32 $0xD8F0  }
0x341: {  	[tilespmem:s13], [sflag:$0x2] =	stream.indirect.gather [hbm4b:s3+s9], $0x8, s12, s9, $0xb8;
	[tilespmem:$0x1D100] =	vst v63  }
0x342: {  	s13 =	simm.s32 $0xF170  }
0x343: {  	[tilespmem:s15], [sflag:$0x2] =	stream.indirect.gather [hbm4b:s3+s9], $0x8, s13, s9, $0xb8;
	[tilespmem:$0x1D100] =	vst v63  }
0x344: {  	s29 =	simm.s32 $0x109F0  }
0x345: {  	[tilespmem:s17], [sflag:$0x2] =	stream.indirect.gather [hbm4b:s3+s9], $0x8, s29, s9, $0xb8;
	[tilespmem:$0x1D100] =	vst v63  }
0x346: {  	s30 =	simm.s32 $0x0;
	_ =	swait.ge [sflag:s25], $0x1880  }
0x347: {  	v7 =	vmov s30;
	[sflag:s25] =	ssyncset.done $0x0  }
0x348: {  	v7 =	vshll.u32 v7, $0x3;
	[sflag:s25] =	ssyncadd.s32 $0xFFFFE780  }
0x349: {  	v10 =	vor.u32 v6, v7;
	_ =	swait.ge [sflag:s25], $0x1880  }
0x34a: {  	v7 =	vadd.s32 $0x1882, v10;
	[sflag:s25] =	ssyncset.done $0x0  }
0x34b: {  	v8 =	vadd.s32 $0x3102, v10;
	[sflag:s25] =	ssyncadd.s32 $0xFFFFE780  }
0x34c: {  	_ =	swait.ge [sflag:s25], $0x1880  }
0x34d: {  	v11 =	vor.u32 $0x1, v10;
	[sflag:s25] =	ssyncset.done $0x0  }
0x34e: {  	v9 =	vadd.s32 $0x3100, v10;
	[sflag:s25] =	ssyncadd.s32 $0xFFFFE780  }
0x34f: {  	v13 =	vadd.s32 $0x3101, v10;
	v16 =	vld.idx.msk [tilespmem:v7+s22+$0x0], $0xffff  }
0x350: {  	v12 =	vor.u32 $0x2, v10;
	v17 =	vld.idx.msk [tilespmem:v8+s22+$0x0], $0xffff  }
0x351: {  	v7 =	vadd.s32 $0x1881, v10;
	v22 =	vld.idx.msk [tilespmem:v10+s22+$0x0], $0xffff  }
0x352: {  	v14 =	vld.idx.msk [tilespmem:v11+s22+$0x0], $0xffff  }
0x353: {  	v8 =	vadd.s32 $0x1880, v10;
	v19 =	vld.idx.msk [tilespmem:v9+s22+$0x0], $0xffff  }
0x354: {  	v15 =	vld.idx.msk [tilespmem:v13+s22+$0x0], $0xffff  }
0x355: {  	v23 =	vld.idx.msk [tilespmem:v12+s22+$0x0], $0xffff  }
0x356: {  	s31 =	simm.s32 $0x10;
	v20 =	vld.idx.msk [tilespmem:v7+s22+$0x0], $0xffff  }
0x357: {  	v9 =	vmov s31  }
0x358: {  	v7 =	vshll.u32 v9, $0x3;
	v24 =	vld.idx.msk [tilespmem:v8+s22+$0x0], $0xffff  }
0x359: {  	v18 =	vsub.f32 v15, v14;
	v9 =	vor.u32 v6, v7  }
0x35a: {  	v21 =	vsub.f32 v16, v23;
	v23 =	vsub.f32 v17, v23;
	v7 =	vor.u32 $0x1, v9  }
0x35b: {  	v8 =	vor.u32 $0x2, v9;
	v25 =	vsub.f32 v20, v14;
	v20 =	vsub.f32 v19, v22  }
0x35c: {  	v13 =	vadd.s32 $0x1881, v9;
	v15 =	vadd.s32 $0x1882, v9;
	v16 =	vadd.s32 $0x3101, v9  }
0x35d: {  	v17 =	vadd.s32 $0x3102, v9;
	v22 =	vsub.f32 v24, v22;
	v19 =	vmul.f32 v20, v25  }
0x35e: {  	s1 =	simm.s32 $0x20;
	s0 =	simm.s32 $0x30;
	s3 =	simm.s32 $0x109F0;
	v14 =	vadd.s32 $0x3100, v9;
	v24 =	vmul.f32 v23, v25;
	v25 =	vmul.f32 v18, v21  }
.LBB2_21:
0x35f: {  	p1 =	sne.s32 s0, $0x300;
	v26 =	vmov s1;
	v20 =	vmul.f32 v20, v21;
	v21 =	vmul.f32 v23, v22;
	s1 =	smov.u32 s0;
	s0 =	sadd.s32 $0x10, s0  }
0x360: {  	v18 =	vmul.f32 v18, v22;
	v23 =	vshll.u32 v26, $0x3;
	v24 =	vsub.f32 v24, v25  }
0x361: {  	v22 =	vor.u32 v6, v23;
	v20 =	vsub.f32 v20, v21  }
0x362: {  	v18 =	vsub.f32 v18, v19;
	v21 =	vor.u32 $0x1, v22;
	v23 =	vor.u32 $0x2, v22;
	[tilespmem:v10+s8+$0x0] =	vst.idx.msk $0xffff, v24;
	v10 =	vmovc v9  }
0x363: {  	v19 =	vadd.s32 $0x1881, v22;
	v24 =	vadd.s32 $0x1882, v22;
	v9 =	vmovc v22;
	[tilespmem:v11+s8+$0x0] =	vst.idx.msk $0xffff, v20;
	v11 =	vmovc v7;
	v7 =	vmov v21  }
0x364: {  	v20 =	vadd.s32 $0x3100, v9;
	v21 =	vadd.s32 $0x3101, v9;
	[tilespmem:v12+s8+$0x0] =	vst.idx.msk $0xffff, v18;
	v12 =	vmovc v8;
	v8 =	vmov v23  }
0x365: {  	v22 =	vld.idx.msk [tilespmem:v15+s22+$0x0], $0xffff;
	v15 =	vmov v24  }
0x366: {  	v23 =	vld.idx.msk [tilespmem:v17+s22+$0x0], $0xffff  }
0x367: {  	v24 =	vld.idx.msk [tilespmem:v10+s22+$0x0], $0xffff  }
0x368: {  	v18 =	vadd.s32 $0x1880, v10;
	v17 =	vadd.s32 $0x3102, v9;
	v25 =	vld.idx.msk [tilespmem:v11+s22+$0x0], $0xffff  }
0x369: {  	v26 =	vld.idx.msk [tilespmem:v14+s22+$0x0], $0xffff;
	v14 =	vmov v20  }
0x36a: {  	v20 =	vld.idx.msk [tilespmem:v16+s22+$0x0], $0xffff;
	v16 =	vmov v21  }
0x36b: {  	v21 =	vld.idx.msk [tilespmem:v13+s22+$0x0], $0xffff;
	v13 =	vmov v19  }
0x36c: {  	v19 =	vld.idx.msk [tilespmem:v12+s22+$0x0], $0xffff  }
0x36d: {  	v27 =	vld.idx.msk [tilespmem:v18+s22+$0x0], $0xffff;
	_ =	sdelay $0x2  }
.Ltmp10:
0x36e: {  	v18 =	vsub.f32 v20, v25;
	(pc) =	sbr.rel @p1 .LBB2_21-.Ltmp10, $4  }
0x36f: {  	v20 =	vsub.f32 v26, v24;
	v25 =	vsub.f32 v21, v25  }
0x370: {  	v21 =	vsub.f32 v22, v19;
	v23 =	vsub.f32 v23, v19  }
0x371: {  	v22 =	vsub.f32 v27, v24;
	v19 =	vmul.f32 v20, v25  }
0x372: {  	v24 =	vmul.f32 v23, v25;
	v25 =	vmul.f32 v18, v21  }
0x373: {  	_ = 	snop  }
0x374: {  	v20 =	vmul.f32 v20, v21;
	v62 =	vmul.f32 v23, v22  }
0x375: {  	v18 =	vmul.f32 v18, v22;
	v63 =	vsub.f32 v24, v25  }
0x376: {  	v20 =	vsub.f32 v20, v62  }
0x377: {  	v18 =	vsub.f32 v18, v19;
	[tilespmem:v10+s8+$0x0] =	vst.idx.msk $0xffff, v63  }
0x378: {  	[tilespmem:v11+s8+$0x0] =	vst.idx.msk $0xffff, v20  }
0x379: {  	[tilespmem:v12+s8+$0x0] =	vst.idx.msk $0xffff, v18  }
0x37a: {  	v10 =	vld.idx.msk [tilespmem:v15+s22+$0x0], $0xffff  }
0x37b: {  	v11 =	vld.idx.msk [tilespmem:v17+s22+$0x0], $0xffff  }
0x37c: {  	v12 =	vld.idx.msk [tilespmem:v9+s22+$0x0], $0xffff  }
0x37d: {  	v15 =	vld.idx.msk [tilespmem:v7+s22+$0x0], $0xffff;
	v17 =	vadd.s32 $0x1880, v9  }
0x37e: {  	v14 =	vld.idx.msk [tilespmem:v14+s22+$0x0], $0xffff  }
0x37f: {  	v16 =	vld.idx.msk [tilespmem:v16+s22+$0x0], $0xffff  }
0x380: {  	v13 =	vld.idx.msk [tilespmem:v13+s22+$0x0], $0xffff  }
0x381: {  	v18 =	vld.idx.msk [tilespmem:v8+s22+$0x0], $0xffff  }
0x382: {  	v17 =	vld.idx.msk [tilespmem:v17+s22+$0x0], $0xffff;
	_ =	sdelay $0x2  }
0x383: {  	v16 =	vsub.f32 v16, v15;
	v13 =	vsub.f32 v13, v15  }
0x384: {  	v15 =	vmov s1;
	v10 =	vsub.f32 v10, v18;
	v11 =	vsub.f32 v11, v18  }
0x385: {  	v14 =	vsub.f32 v14, v12;
	v15 =	vshll.u32 v15, $0x3;
	v12 =	vsub.f32 v17, v12  }
0x386: {  	v15 =	vor.u32 v6, v15;
	v18 =	vmul.f32 v16, v10;
	v17 =	vmul.f32 v11, v13  }
0x387: {  	v10 =	vmul.f32 v14, v10;
	v19 =	vadd.s32 $0x1882, v15;
	v11 =	vmul.f32 v11, v12  }
0x388: {  	v13 =	vmul.f32 v14, v13;
	v14 =	vsub.f32 v17, v18;
	v12 =	vmul.f32 v16, v12  }
0x389: {  	v16 =	vadd.s32 $0x3102, v15;
	v10 =	vsub.f32 v10, v11  }
0x38a: {  	v11 =	vsub.f32 v12, v13;
	[tilespmem:v9+s8+$0x0] =	vst.idx.msk $0xffff, v14  }
0x38b: {  	v17 =	vadd.s32 $0x1880, v15;
	[tilespmem:v7+s8+$0x0] =	vst.idx.msk $0xffff, v10  }
0x38c: {  	v9 =	vor.u32 $0x1, v15;
	[tilespmem:v8+s8+$0x0] =	vst.idx.msk $0xffff, v11  }
0x38d: {  	v13 =	vor.u32 $0x2, v15;
	v10 =	vld.idx.msk [tilespmem:v19+s22+$0x0], $0xffff  }
0x38e: {  	v8 =	vadd.s32 $0x3101, v15;
	v12 =	vld.idx.msk [tilespmem:v16+s22+$0x0], $0xffff  }
0x38f: {  	v11 =	vadd.s32 $0x1881, v15;
	v14 =	vld.idx.msk [tilespmem:v15+s22+$0x0], $0xffff  }
0x390: {  	v7 =	vadd.s32 $0x3100, v15;
	v17 =	vld.idx.msk [tilespmem:v17+s22+$0x0], $0xffff  }
0x391: {  	v16 =	vld.idx.msk [tilespmem:v9+s22+$0x0], $0xffff  }
0x392: {  	v18 =	vld.idx.msk [tilespmem:v13+s22+$0x0], $0xffff  }
0x393: {  	v8 =	vld.idx.msk [tilespmem:v8+s22+$0x0], $0xffff  }
0x394: {  	v11 =	vld.idx.msk [tilespmem:v11+s22+$0x0], $0xffff  }
0x395: {  	v7 =	vld.idx.msk [tilespmem:v7+s22+$0x0], $0xffff;
	_ =	sdelay $0x2  }
0x396: {  	v10 =	vsub.f32 v10, v18;
	v12 =	vsub.f32 v12, v18  }
0x397: {  	v8 =	vsub.f32 v8, v16;
	v11 =	vsub.f32 v11, v16  }
0x398: {  	v7 =	vsub.f32 v7, v14;
	v14 =	vsub.f32 v17, v14  }
0x399: {  	v16 =	vmul.f32 v12, v11;
	v17 =	vmul.f32 v8, v10  }
0x39a: {  	v10 =	vmul.f32 v7, v10;
	v12 =	vmul.f32 v12, v14  }
0x39b: {  	v7 =	vmul.f32 v7, v11;
	v8 =	vmul.f32 v8, v14;
	v11 =	vsub.f32 v16, v17  }
0x39c: {  	v10 =	vsub.f32 v10, v12  }
0x39d: {  	v7 =	vsub.f32 v8, v7;
	[tilespmem:v15+s8+$0x0] =	vst.idx.msk $0xffff, v11  }
0x39e: {  	[tilespmem:v9+s8+$0x0] =	vst.idx.msk $0xffff, v10  }
0x39f: {  	[tilespmem:v13+s8+$0x0] =	vst.idx.msk $0xffff, v7  }
0x3a0: {  	[spmem:s2] =	stream.indirect.scatter.add.f32 [tilespmem:s8], [sflag:$0x3], $0x8, s19, s9, $0xb8;
	[tilespmem:$0x1D100] =	vst v63  }
0x3a1: {  	_ = 	snop  }
0x3a2: {  	[spmem:s2] =	stream.indirect.scatter.add.f32 [tilespmem:s8], [sflag:$0x3], $0x8, s10, s9, $0xb8;
	[tilespmem:$0x1D100] =	vst v63  }
0x3a3: {  	_ = 	snop  }
0x3a4: {  	[spmem:s2] =	stream.indirect.scatter.add.f32 [tilespmem:s8], [sflag:$0x3], $0x8, s11, s9, $0xb8;
	[tilespmem:$0x1D100] =	vst v63  }
0x3a5: {  	_ =	swait.ge [sflag:s18], $0x1880  }
0x3a6: {  	[sflag:s18] =	ssyncset.done $0x0  }
0x3a7: {  	[sflag:s18] =	ssyncadd.s32 $0xFFFFE780  }
0x3a8: {  	_ =	swait.ge [sflag:s18], $0x1880  }
0x3a9: {  	[sflag:s18] =	ssyncset.done $0x0  }
0x3aa: {  	[sflag:s18] =	ssyncadd.s32 $0xFFFFE780  }
0x3ab: {  	_ =	swait.ge [sflag:s18], $0x1880  }
0x3ac: {  	[sflag:s18] =	ssyncset.done $0x0  }
0x3ad: {  	[sflag:s18] =	ssyncadd.s32 $0xFFFFE780  }
0x3ae: {  	s0 =	simm.s32 $0x0;
	_ =	swait.ge [sflag:s26], $0x1880  }
0x3af: {  	v7 =	vmov s0;
	[sflag:s26] =	ssyncset.done $0x0  }
0x3b0: {  	v7 =	vshll.u32 v7, $0x3;
	[sflag:s26] =	ssyncadd.s32 $0xFFFFE780  }
0x3b1: {  	v7 =	vor.u32 v6, v7;
	_ =	swait.ge [sflag:s26], $0x1880  }
0x3b2: {  	v8 =	vadd.s32 $0x4982, v7;
	[sflag:s26] =	ssyncset.done $0x0  }
0x3b3: {  	v9 =	vadd.s32 $0x6201, v7;
	[sflag:s26] =	ssyncadd.s32 $0xFFFFE780  }
0x3b4: {  	v11 =	vadd.s32 $0x6200, v7;
	_ =	swait.ge [sflag:s26], $0x1880  }
0x3b5: {  	v10 =	vadd.s32 $0x4981, v7;
	[sflag:s26] =	ssyncset.done $0x0  }
0x3b6: {  	v14 =	vadd.s32 $0x7A81, v7;
	[sflag:s26] =	ssyncadd.s32 $0xFFFFE780  }
0x3b7: {  	v15 =	vadd.s32 $0x7A82, v7;
	v8 =	vld.idx.msk [tilespmem:v8+s22+$0x0], $0xffff  }
0x3b8: {  	v17 =	vadd.s32 $0x6202, v7;
	v13 =	vld.idx.msk [tilespmem:v9+s22+$0x0], $0xffff  }
0x3b9: {  	v9 =	vld.idx.msk [tilespmem:v11+s22+$0x0], $0xffff;
	v11 =	vadd.s32 $0x4980, v7  }
0x3ba: {  	v12 =	vld.idx.msk [tilespmem:v10+s22+$0x0], $0xffff;
	v10 =	vadd.s32 $0x7A80, v7  }
0x3bb: {  	v16 =	vld.idx.msk [tilespmem:v14+s22+$0x0], $0xffff  }
0x3bc: {  	v14 =	vld.idx.msk [tilespmem:v15+s22+$0x0], $0xffff  }
0x3bd: {  	s1 =	simm.s32 $0x20;
	s0 =	simm.s32 $0x10;
	v15 =	vld.idx.msk [tilespmem:v17+s22+$0x0], $0xffff  }
.LBB2_23:
0x3be: {  	p1 =	sne.s32 s1, $0x300;
	v17 =	vmov s0;
	v18 =	vld.idx.msk [tilespmem:v11+s22+$0x0], $0xffff;
	s0 =	smov.u32 s1;
	s1 =	sadd.s32 $0x10, s1  }
0x3bf: {  	v11 =	vshll.u32 v17, $0x3;
	v17 =	vld.idx.msk [tilespmem:v10+s22+$0x0], $0xffff  }
0x3c0: {  	v13 =	vsub.f32 v13, v12;
	v20 =	vadd.s32 $0x1880, v7;
	v19 =	vor.u32 v6, v11  }
0x3c1: {  	v12 =	vsub.f32 v16, v12;
	v21 =	vadd.s32 $0x4981, v19;
	v22 =	vadd.s32 $0x4982, v19  }
0x3c2: {  	v16 =	vadd.s32 $0x6201, v19;
	v23 =	vadd.s32 $0x6202, v19;
	v14 =	vsub.f32 v14, v8  }
0x3c3: {  	v11 =	vadd.s32 $0x4980, v19;
	v24 =	vadd.s32 $0x7A81, v19;
	v8 =	vsub.f32 v15, v8  }
0x3c4: {  	v10 =	vadd.s32 $0x7A80, v19;
	v15 =	vadd.s32 $0x7A82, v19;
	v9 =	vsub.f32 v9, v18  }
0x3c5: {  	v25 =	vadd.s32 $0x6200, v19;
	v17 =	vsub.f32 v17, v18;
	v18 =	vmul.f32 v12, v8  }
0x3c6: {  	v27 =	vadd.s32 $0x1881, v7;
	v26 =	vmul.f32 v14, v13;
	v14 =	vmul.f32 v14, v9  }
0x3c7: {  	v8 =	vmul.f32 v17, v8;
	v13 =	vmul.f32 v17, v13;
	v17 =	vadd.s32 $0x1882, v7;
	v7 =	vmovc v19  }
0x3c8: {  	v9 =	vmul.f32 v12, v9;
	v18 =	vsub.f32 v26, v18  }
0x3c9: {  	v8 =	vsub.f32 v8, v14  }
0x3ca: {  	v9 =	vsub.f32 v9, v13;
	[tilespmem:v20+s8+$0x0] =	vst.idx.msk $0xffff, v18  }
0x3cb: {  	[tilespmem:v27+s8+$0x0] =	vst.idx.msk $0xffff, v8  }
0x3cc: {  	[tilespmem:v17+s8+$0x0] =	vst.idx.msk $0xffff, v9  }
0x3cd: {  	v8 =	vld.idx.msk [tilespmem:v22+s22+$0x0], $0xffff  }
0x3ce: {  	v13 =	vld.idx.msk [tilespmem:v16+s22+$0x0], $0xffff  }
.Ltmp11:
0x3cf: {  	v12 =	vld.idx.msk [tilespmem:v21+s22+$0x0], $0xffff;
	(pc) =	sbr.rel @p1 .LBB2_23-.Ltmp11, $4  }
0x3d0: {  	v9 =	vld.idx.msk [tilespmem:v25+s22+$0x0], $0xffff  }
0x3d1: {  	v16 =	vld.idx.msk [tilespmem:v24+s22+$0x0], $0xffff  }
0x3d2: {  	v14 =	vld.idx.msk [tilespmem:v15+s22+$0x0], $0xffff  }
0x3d3: {  	v15 =	vld.idx.msk [tilespmem:v23+s22+$0x0], $0xffff  }
0x3d4: {  	_ =	sdelay $0x3  }
0x3d5: {  	v11 =	vld.idx.msk [tilespmem:v11+s22+$0x0], $0xffff  }
0x3d6: {  	v10 =	vld.idx.msk [tilespmem:v10+s22+$0x0], $0xffff;
	_ =	sdelay $0x1  }
0x3d7: {  	v17 =	vmov s0;
	v13 =	vsub.f32 v13, v12  }
0x3d8: {  	v49 =	vadd.s32 $0x1880, v7;
	v19 =	vadd.s32 $0x1881, v7;
	v48 =	vsub.f32 v16, v12  }
0x3d9: {  	v7 =	vadd.s32 $0x1882, v7;
	v14 =	vsub.f32 v14, v8;
	v8 =	vsub.f32 v15, v8  }
0x3da: {  	v17 =	vshll.u32 v17, $0x3;
	v9 =	vsub.f32 v9, v11;
	v10 =	vsub.f32 v10, v11  }
0x3db: {  	v17 =	vor.u32 v6, v17;
	v18 =	vmul.f32 v14, v13;
	v51 =	vmul.f32 v48, v8  }
0x3dc: {  	v50 =	vadd.s32 $0x4982, v17;
	v14 =	vmul.f32 v14, v9;
	v8 =	vmul.f32 v10, v8  }
0x3dd: {  	v10 =	vmul.f32 v10, v13;
	v9 =	vmul.f32 v48, v9;
	v11 =	vsub.f32 v18, v51  }
0x3de: {  	v52 =	vadd.s32 $0x6201, v17;
	v8 =	vsub.f32 v8, v14  }
0x3df: {  	v53 =	vadd.s32 $0x4981, v17;
	v9 =	vsub.f32 v9, v10;
	[tilespmem:v49+s8+$0x0] =	vst.idx.msk $0xffff, v11  }
0x3e0: {  	v54 =	vadd.s32 $0x6200, v17;
	[tilespmem:v19+s8+$0x0] =	vst.idx.msk $0xffff, v8  }
0x3e1: {  	v55 =	vadd.s32 $0x6202, v17;
	[tilespmem:v7+s8+$0x0] =	vst.idx.msk $0xffff, v9  }
0x3e2: {  	v56 =	vadd.s32 $0x4980, v17;
	v9 =	vld.idx.msk [tilespmem:v50+s22+$0x0], $0xffff  }
0x3e3: {  	v8 =	vadd.s32 $0x7A81, v17;
	v12 =	vld.idx.msk [tilespmem:v52+s22+$0x0], $0xffff  }
0x3e4: {  	v7 =	vadd.s32 $0x7A82, v17;
	v13 =	vld.idx.msk [tilespmem:v53+s22+$0x0], $0xffff  }
0x3e5: {  	v57 =	vadd.s32 $0x7A80, v17;
	v10 =	vld.idx.msk [tilespmem:v54+s22+$0x0], $0xffff  }
0x3e6: {  	v11 =	vld.idx.msk [tilespmem:v55+s22+$0x0], $0xffff  }
0x3e7: {  	v14 =	vld.idx.msk [tilespmem:v56+s22+$0x0], $0xffff  }
0x3e8: {  	v8 =	vld.idx.msk [tilespmem:v8+s22+$0x0], $0xffff  }
0x3e9: {  	v7 =	vld.idx.msk [tilespmem:v7+s22+$0x0], $0xffff  }
0x3ea: {  	v15 =	vld.idx.msk [tilespmem:v57+s22+$0x0], $0xffff;
	_ =	sdelay $0x2  }
0x3eb: {  	v12 =	vsub.f32 v12, v13;
	v8 =	vsub.f32 v8, v13  }
0x3ec: {  	v7 =	vsub.f32 v7, v9;
	v9 =	vsub.f32 v11, v9  }
0x3ed: {  	v58 =	vadd.s32 $0x1880, v17;
	v10 =	vsub.f32 v10, v14;
	v59 =	vsub.f32 v15, v14  }
0x3ee: {  	v62 =	vadd.s32 $0x1881, v17;
	v60 =	vmul.f32 v8, v9;
	v61 =	vmul.f32 v7, v12  }
0x3ef: {  	v17 =	vadd.s32 $0x1882, v17;
	v7 =	vmul.f32 v7, v10;
	v9 =	vmul.f32 v59, v9  }
0x3f0: {  	v12 =	vmul.f32 v59, v12;
	v8 =	vmul.f32 v8, v10;
	v63 =	vsub.f32 v61, v60  }
0x3f1: {  	v7 =	vsub.f32 v9, v7  }
0x3f2: {  	v8 =	vsub.f32 v8, v12;
	[tilespmem:v58+s8+$0x0] =	vst.idx.msk $0xffff, v63  }
0x3f3: {  	[tilespmem:v62+s8+$0x0] =	vst.idx.msk $0xffff, v7  }
0x3f4: {  	[tilespmem:v17+s8+$0x0] =	vst.idx.msk $0xffff, v8  }
0x3f5: {  	[spmem:s2] =	stream.indirect.scatter.add.f32 [tilespmem:s23], [sflag:$0x4], $0x8, s12, s9, $0xb8;
	[tilespmem:$0x1D100] =	vst v63  }
0x3f6: {  	_ = 	snop  }
0x3f7: {  	[spmem:s2] =	stream.indirect.scatter.add.f32 [tilespmem:s23], [sflag:$0x4], $0x8, s13, s9, $0xb8;
	[tilespmem:$0x1D100] =	vst v63  }
0x3f8: {  	_ = 	snop  }
0x3f9: {  	[spmem:s2] =	stream.indirect.scatter.add.f32 [tilespmem:s23], [sflag:$0x4], $0x8, s3, s9, $0xb8;
	[tilespmem:$0x1D100] =	vst v63  }
0x3fa: {  	_ =	swait.ge [sflag:s25], $0x1880  }
0x3fb: {  	[sflag:s25] =	ssyncset.done $0x0  }
0x3fc: {  	[sflag:s25] =	ssyncadd.s32 $0xFFFFE780  }
0x3fd: {  	_ =	swait.ge [sflag:s25], $0x1880  }
0x3fe: {  	[sflag:s25] =	ssyncset.done $0x0  }
0x3ff: {  	[sflag:s25] =	ssyncadd.s32 $0xFFFFE780  }
0x400: {  	_ =	swait.ge [sflag:s25], $0x1880  }
0x401: {  	[sflag:s25] =	ssyncset.done $0x0  }
0x402: {  	[sflag:s25] =	ssyncadd.s32 $0xFFFFE780  }
0x403: {  	_ =	swait.ge [sflag:s26], $0x1880  }
0x404: {  	[sflag:s26] =	ssyncset.done $0x0  }
0x405: {  	[sflag:s26] =	ssyncadd.s32 $0xFFFFE780  }
0x406: {  	_ =	swait.ge [sflag:s26], $0x1880  }
0x407: {  	[sflag:s26] =	ssyncset.done $0x0  }
0x408: {  	[sflag:s26] =	ssyncadd.s32 $0xFFFFE780  }
0x409: {  	_ =	swait.ge [sflag:s26], $0x1880  }
0x40a: {  	[sflag:s26] =	ssyncset.done $0x0  }
0x40b: {  	[sflag:s26] =	ssyncadd.s32 $0xFFFFE780  }
0x40c: {  	[bflag:$0x0] =	sbarrier.arrive $0xFFFF  }
0x40d: {  	s29 =	rddreg [dreg:$0xf]  }
0x40e: {  	s2 =	simm.s32 $0x5;
	s1 =	rddreg [dreg:$0x11]  }
0x40f: {  	[hbm:s29], [sflag:s5] =	dma.local [spmem:s1], $0x1870  }
0x410: {  	_ =	swait.ge [sflag:s2], $0x1870  }
0x411: {  	s30 =	rddreg [dreg:$0x12]  }
0x412: {  	s31 =	rddreg [dreg:$0x10];
	s3 =	sadd.s32 $0x1, s30  }
0x413: {  	p1 =	sne.s32 s3, s31  }
.Ltmp12:
0x414: {  	_ = 	snop;
	(pc) =	sbr.rel @p1 .LBB2_1-.Ltmp12, $3  }
0x415: {  	_ =	sdelay $0x1  }
0x416: {  	[sflag:s2] =	ssyncset.done $0x0  }
0x417: {  	[sflag:s2] =	ssyncadd.s32 $0xFFFFE790  }
0x418: {  	_ =	sfence.sel $0x180000  }
0x419: {  	[bflag:$0x0] =	sbarrier.arrive $0xFFFF  }
0x41a: {  	_ =	strace $0x90000047  }
0x41b: {  	s0 =	stileid.u32;
	[bflag:$0x2] =	sbarrier.arrive $0xFFFF  }
0x41c: {  	p0 =	sne.s32 s0, $0x0;
	s0 =	rddreg [dreg:$0x3]  }
0x41d: {  	s0 =	sadd.s32 @!p0 $0x100000, s0  }
0x41e: {  	[sflag:s0] =	ssyncadd.tile.s32 @!p0 $0x1;
	_ =	shalt  }
.Lfunc_end2:
_tile_overlayer_lowered:
.L_overlay_start_2:
0x41f: {  	(tag) =	ssettag $0x2  }
0x420: {  	s0 =	rddreg [dreg:$0x0];
	s2 =	stileid.u32  }
0x421: {  	s1 =	rddreg [dreg:$0x1];
	p0 =	sne.s32 s2, $0x0  }
0x422: {  	s3 =	rddreg [dreg:$0x2];
	[bflag:$0x3] =	sbarrier.arrive $0xFFFF;
	s2 =	simm.s32 @!p0 $0x1C05  }
0x423: {  	[timem:s3], [sflag:s2] =	dma.local @!p0 [hbm:s0], s1  }
0x424: {  	s0 =	simm.s32 @!p0 $0x5  }
0x425: {  	_ =	swait.ge @!p0 [sflag:s0], s1  }
0x426: {  	s1 =	ssub.s32 @!p0 $0x0, s1;
	[sflag:s0] =	ssyncset.done @!p0 $0x0  }
0x427: {  	[sflag:s0] =	ssyncadd.s32 @!p0 s1  }
0x428: {  	[bflag:$0x3] =	sbarrier.arrive $0xFFFF  }
0x429: {  	_ =	shalt  }

// kernel: kernel.9.cloned.1.call-start
scs
__scs_entry_jumppad:
0x0: {  	(pc) =	sbr.rel $0x88, $3  }
0x1: {  	(tag) =	ssettag $0x0;
	lr =	simm.s32 $0x1  }
0x2: {  	[smem:$0x3F9F] =	sst lr;
	_ =	strace $0xD0000000  }
0x3: {  	_ = 	snop  }
0x4: {  	_ = 	snop  }
0x5: {  	_ = 	snop  }
0x6: {  	_ = 	snop  }
0x7: {  	_ = 	snop  }
__scs_overlays_trampoline_lowered:
0x8: {  	[smem:$0x3FAE] =	sst s0  }
0x9: {  	[smem:$0x3FAF] =	sst s1  }
0xa: {  	[smem:$0x3FB0] =	sst s2  }
0xb: {  	[smem:$0x3FB1] =	sst s3  }
0xc: {  	[smem:$0x3FB2] =	sst s4  }
0xd: {  	[smem:$0x3FB3] =	sst s5  }
0xe: {  	[smem:$0x3FB4] =	sst s6  }
0xf: {  	[smem:$0x3FB5] =	sst s7  }
0x10: {  	[smem:$0x3FB6] =	sst s8  }
0x11: {  	[smem:$0x3FB7] =	sst s9;
	s0 =	simm.s32 @!p0 $0x0  }
0x12: {  	s1 =	sld [smem:$0x3F9D];
	s0 =	simm.s32 @p0 $0x1  }
0x13: {  	[smem:$0x3FB8] =	sst s0;
	s0 =	simm.s32 @!p1 $0x0  }
0x14: {  	s2 =	sld [smem:$0x3F9C];
	s0 =	simm.s32 @p1 $0x1  }
0x15: {  	[smem:$0x3FB9] =	sst s0;
	s0 =	simm.s32 @!p2 $0x0  }
0x16: {  	s3 =	sld [smem:$0x3FDB];
	s0 =	simm.s32 @p2 $0x1  }
0x17: {  	s4 =	simm.s32 $0x1BF5;
	[smem:$0x3FBB] =	sst s0  }
0x18: {  	s0 =	sld [smem:$0x3F9E];
	_ =	swait.ge [sflag:s4], $0x0  }
0x19: {  	s7 =	sld [smem:$0x3F9F]  }
0x1a: {  	s8 =	sadd.s32 $0xFFFFE003, lr  }
0x1b: {  	s9 =	sadd.s32 $0xFFFFFEF7, lr;
	s5 =	simm.s32 $0xFFFFFFFF;
	p2 =	slt.u32 s8, $0xFFFFF086  }
0x1c: {  	p1 =	slt.u32 s9, $0xF7A;
	s5 =	simm.s32 @!p2 $0x0  }
0x1d: {  	s5 =	simm.s32 @p1 $0x1;
	p0 =	seq.s32 s7, s2  }
0x1e: {  	s7 =	smul.u32 @!p0 $0xF7A, s2;
	p2 =	seq.s32 @!p0 s5, $0x0  }
0x1f: {  	s9 =	smul.u32 $0xF7A, s1;
	s8 =	simm.s32 @!p0 $0x1BF5;
	p2 =	por !p2, p0  }
0x20: {  	[sflag:s8] =	ssyncset.s32 @!p0 $0xFFFFF086;
	s6 =	sadd.s32 @!p0 s3, s7;
	s7 =	simm.s32 @!p0 $0x108  }
0x21: {  	s3 =	sadd.s32 s3, s9;
	s6 =	sadd.s32 @!p0 $0x88, s6;
	s7 =	simm.s32 @p2 $0x1082  }
0x22: {  	[simem:s7], [sflag:s8] =	dma.local @!p0 [hbm:s6], $0xF7A  }
0x23: {  	s9 =	sor.u32 $0xD0000000, s2;
	s6 =	simm.s32 $0x108;
	_ =	swait.ge @!p0 [sflag:s8], $0x0  }
0x24: {  	s3 =	sadd.s32 $0x88, s3;
	s6 =	simm.s32 @!p1 $0x1082;
	[sflag:s4] =	ssyncset.s32 $0xFFFFF086  }
0x25: {  	[simem:s6], [sflag:s4] =	dma.local [hbm:s3], $0xF7A  }
0x26: {  	[smem:$0x3F9F] =	sst s1;
	(tag) =	ssettag s2;
	_ =	strace s9  }
0x27: {  	s1 =	sld [smem:$0x3FAF]  }
0x28: {  	s2 =	sld [smem:$0x3FB0]  }
0x29: {  	s4 =	sld [smem:$0x3FB2]  }
0x2a: {  	p0 =	seq.s32 s5, $0x0;
	s5 =	sld [smem:$0x3FB3]  }
0x2b: {  	s6 =	sld [smem:$0x3FB4]  }
0x2c: {  	s7 =	sld [smem:$0x3FB5]  }
0x2d: {  	s3 =	simm.s32 $0x108;
	s8 =	sld [smem:$0x3FB6]  }
0x2e: {  	s3 =	simm.s32 @!p0 $0x1082;
	s9 =	sld [smem:$0x3FB7]  }
0x2f: {  	lr =	sadd.s32 s0, s3;
	s0 =	sld [smem:$0x3FAE]  }
0x30: {  	s3 =	sld [smem:$0x3FB1]  }
0x31: {  	[smem:$0x3FBA] =	sst s10  }
0x32: {  	s10 =	sld [smem:$0x3FB8];
	_ =	sdelay $0x3  }
0x33: {  	p0 =	seq.s32 s10, $0x1;
	s10 =	sld [smem:$0x3FBA];
	_ =	sdelay $0x3  }
0x34: {  	[smem:$0x3FBA] =	sst s10  }
0x35: {  	s10 =	sld [smem:$0x3FB9];
	_ =	sdelay $0x3  }
0x36: {  	p1 =	seq.s32 s10, $0x1;
	s10 =	sld [smem:$0x3FBA];
	_ =	sdelay $0x3  }
0x37: {  	[smem:$0x3FBA] =	sst s10  }
0x38: {  	s10 =	sld [smem:$0x3FBB]  }
0x39: {  	_ = 	snop;
	(pc) =	sbr.ind lr, $3  }
0x3a: {  	_ = 	snop  }
0x3b: {  	_ = 	snop  }
0x3c: {  	p2 =	seq.s32 s10, $0x1;
	s10 =	sld [smem:$0x3FBA]  }
0x3d: {  	_ =	shalt  }
0x3e: {  	_ =	shalt  }
0x3f: {  	_ =	shalt  }
0x40: {  	_ =	shalt  }
0x41: {  	_ =	shalt  }
0x42: {  	_ =	shalt  }
0x43: {  	_ =	shalt  }
0x44: {  	_ =	shalt  }
0x45: {  	_ =	shalt  }
0x46: {  	_ =	shalt  }
0x47: {  	_ =	shalt  }
0x48: {  	_ =	shalt  }
0x49: {  	_ =	shalt  }
0x4a: {  	_ =	shalt  }
0x4b: {  	_ =	shalt  }
0x4c: {  	_ =	shalt  }
0x4d: {  	_ =	shalt  }
0x4e: {  	_ =	shalt  }
0x4f: {  	_ =	shalt  }
0x50: {  	_ =	shalt  }
0x51: {  	_ =	shalt  }
0x52: {  	_ =	shalt  }
0x53: {  	_ =	shalt  }
0x54: {  	_ =	shalt  }
0x55: {  	_ =	shalt  }
0x56: {  	_ =	shalt  }
0x57: {  	_ =	shalt  }
0x58: {  	_ =	shalt  }
0x59: {  	_ =	shalt  }
0x5a: {  	_ =	shalt  }
0x5b: {  	_ =	shalt  }
0x5c: {  	_ =	shalt  }
0x5d: {  	_ =	shalt  }
0x5e: {  	_ =	shalt  }
0x5f: {  	_ =	shalt  }
0x60: {  	_ =	shalt  }
0x61: {  	_ =	shalt  }
0x62: {  	_ =	shalt  }
0x63: {  	_ =	shalt  }
0x64: {  	_ =	shalt  }
0x65: {  	_ =	shalt  }
0x66: {  	_ =	shalt  }
0x67: {  	_ =	shalt  }
0x68: {  	_ =	shalt  }
0x69: {  	_ =	shalt  }
0x6a: {  	_ =	shalt  }
0x6b: {  	_ =	shalt  }
0x6c: {  	_ =	shalt  }
0x6d: {  	_ =	shalt  }
0x6e: {  	_ =	shalt  }
0x6f: {  	_ =	shalt  }
0x70: {  	_ =	shalt  }
0x71: {  	_ =	shalt  }
0x72: {  	_ =	shalt  }
0x73: {  	_ =	shalt  }
0x74: {  	_ =	shalt  }
0x75: {  	_ =	shalt  }
0x76: {  	_ =	shalt  }
0x77: {  	_ =	shalt  }
0x78: {  	_ =	shalt  }
0x79: {  	_ =	shalt  }
0x7a: {  	_ =	shalt  }
0x7b: {  	_ =	shalt  }
0x7c: {  	_ =	shalt  }
0x7d: {  	_ =	shalt  }
0x7e: {  	_ =	shalt  }
0x7f: {  	_ =	shalt  }
0x80: {  	_ =	shalt  }
0x81: {  	_ =	shalt  }
0x82: {  	_ =	shalt  }
0x83: {  	_ =	shalt  }
0x84: {  	_ =	shalt  }
0x85: {  	_ =	shalt  }
0x86: {  	_ =	shalt  }
0x87: {  	_ =	shalt  }
.Lfunc_end0:
.L_simem_size_0:
called_computation.1_lowered:
.L_overlay_start_0:
0x88: {  	s2 =	sld [smem:$0x3FD9]  }
0x89: {  	s3 =	sld [smem:$0x3FFE];
	_ =	sdelay $0x1  }
0x8a: {  	s1 =	srdreg.scid  }
0x8b: {  	s0 =	sand.u32 $0x1, s1  }
0x8c: {  	s17 =	sshll.u32 s0, $0xA;
	s2 =	sadd.s32 s3, s2  }
0x8d: {  	s2 =	sadd.s32 s2, s17  }
0x8e: {  	[smem:$0x3FC6] =	sst s2  }
0x8f: {  	_ = 	snop  }
0x90: {  	s2 =	sld [smem:$0x3FD0];
	(tm) =	ssettm $0x1  }
0x91: {  	s18 =	sld [smem:$0x3FFB];
	_ =	sdelay $0x3  }
0x92: {  	_ =	strace s18  }
0x93: {  	s3 =	sld [smem:$0x3FFC];
	_ =	sdelay $0x3  }
0x94: {  	_ =	strace s3  }
0x95: {  	s3 =	sld [smem:$0x3FFD];
	_ =	sdelay $0x3  }
0x96: {  	_ =	strace s3  }
0x97: {  	_ =	strace $0x8FFFFFFF  }
0x98: {  	s19 =	sld [smem:$0x3FDB];
	_ =	sdelay $0x1  }
0x99: {  	s4 =	simm.s32 $_scs_section_size  }
0x9a: {  	s5 =	simm.s32 $_size__tile_overlayer_lowered;
	s6 =	simm.s32 $_tile_overlayer_lowered  }
0x9b: {  	s22 =	simm.s32 $0x1BFF;
	s21 =	sshll.u32 s6, $0x1;
	s3 =	sadd.s32 s4, s19  }
0x9c: {  	s7 =	simm.s32 $0x0;
	s20 =	sshll.u32 s5, $0x1;
	s5 =	sadd.s32 s21, s3  }
0x9d: {  	[timem:s7], [sflag:s22] =	dma.local [hbm:s5], s20  }
0x9e: {  	_ =	swait.ge [sflag:s22], s20  }
0x9f: {  	s4 =	ssub.s32 $0x0, s20;
	[sflag:s22] =	ssyncset.done $0x0  }
0xa0: {  	[sflag:s22] =	ssyncadd.s32 s4;
	_ =	sdelay $0x1  }
0xa1: {  	s23 =	simm.s32 $0x1B8B  }
0xa2: {  	_ =	swait.ge [sflag:s23], $0x1  }
0xa3: {  	[sflag:s23] =	ssyncset.done $0x0  }
0xa4: {  	s25 =	simm.s32 $0x1B8E;
	s24 =	sld [smem:$0x3FFE];
	[sflag:s23] =	ssyncadd.s32 $0xFFFFFFFF  }
0xa5: {  	s26 =	simm.s32 $execute0_lowered;
	[smem:$0x3FD2] =	sst s25  }
0xa6: {  	s5 =	sshll.u32 s26, $0x1;
	_ =	strace $0x80000049;
	[dreg:$0x1] =	wrdreg $0xFFFFFFFF  }
0xa7: {  	s28 =	simm.s32 $_size_execute0_lowered;
	s3 =	sadd.s32 s3, s5;
	[dreg:$0x0] =	wrdreg $0x0  }
0xa8: {  	s5 =	sshll.u32 s28, $0x1;
	[dreg:$0x2] =	wrdreg s3  }
0xa9: {  	[dreg:$0x3] =	wrdreg s5  }
0xaa: {  	[dreg:$0x4] =	wrdreg $0xC0  }
0xab: {  	_ =	task [dreg:s7], $0x5FFFF  }
0xac: {  	[dreg:$0x1] =	wrdreg $0xFFFFFFFF  }
0xad: {  	[dreg:$0x0] =	wrdreg $0x60  }
0xae: {  	[dreg:$0x2] =	wrdreg s24  }
0xaf: {  	[dreg:$0x3] =	wrdreg s2  }
0xb0: {  	[dreg:$0x4] =	wrdreg $0x9  }
0xb1: {  	_ =	task.clear_ibuf [dreg:s7], $0x5FFFF;
	_ =	strace $0x90000049  }
0xb2: {  	s29 =	simm.s32 $0x9;
	_ =	strace $0x8000004B  }
0xb3: {  	_ =	swait.ge [sflag:s29], $0x1  }
0xb4: {  	[sflag:s29] =	ssyncadd.s32 $0xFFFFFFFF  }
0xb5: {  	_ =	strace $0x9000004B  }
0xb6: {  	_ =	sfence  }
0xb7: {  	s30 =	sld [smem:$0x0];
	_ =	sdelay $0x2  }
0xb8: {  	s31 =	sshll.u32 s1, $0xD;
	s1 =	sshrl.u32 s1, $0x2  }
0xb9: {  	s3 =	sand.u32 $0x4000, s31;
	s1 =	sadd.s32 s1, s30  }
0xba: {  	s0 =	sor.u32 s3, s0;
	s1 =	sshll.u32 s1, $0x11  }
0xbb: {  	s0 =	sor.u32 s1, s0  }
0xbc: {  	s0 =	sadd.s32 $0x8F2B, s0  }
0xbd: {  	[sflag:s0] =	ssyncadd.remote.s32 $0x1  }
0xbe: {  	_ =	sfence.sel $0xFFFF  }
0xbf: {  	[dreg:$0x0] =	wrdreg $0xFFFFFFFF;
	(pc) =	sbr.abs _section_cstart, $3  }
0xc0: {  	[dreg:$0x1] =	wrdreg $0xFFFFFFFF  }
0xc1: {  	_ =	task.clear_ibuf [dreg:s7], $0x2FFFF;
	_ =	strace $0x9FFFFFFF  }
0xc2: {  	(tm) =	ssettm $0x7FFFFFFF  }
0xc3: {  	_ =	shalt  }
tec
execute0_lowered:
.L_overlay_start_1:
0x0: {  	(tag) =	ssettag $0x1  }
0x1: {  	s1 =	srdreg.scid;
	s3 =	rddreg [dreg:$0x0]  }
0x2: {  	s0 =	stileid.u32;
	s5 =	rddreg [dreg:$0x1]  }
0x3: {  	s2 =	simm.s32 $0x0;
	s9 =	simm.s32 $0x1;
	s10 =	simm.s32 $0x61C0  }
0x4: {  	s11 =	simm.s32 $0xC380;
	s4 =	sand.u32 $0x1, s1;
	s31 =	sshll.u32 s0, $0x1  }
0x5: {  	s12 =	simm.s32 $0xCFC0;
	s13 =	simm.s32 $0xDC00;
	s6 =	sor.u32 s4, s31  }
0x6: {  	s14 =	simm.s32 $0x0;
	s1 =	rddreg [dreg:$0x2];
	s7 =	smul.u32 $0x61C0, s6  }
0x7: {  	[smem:$0x7FF] =	sst s2;
	s4 =	ssub.s32 $0x2, s4;
	s6 =	smul.u32 $0xC38, s6  }
0x8: {  	_ =	strace $0x8000004A;
	s8 =	sshrl.u32 s4, $0x1;
	s7 =	sshrl.u32 s7, $0x3  }
0x9: {  	s8 =	ssub.s32 s4, s8;
	s6 =	sshrl.u32 s6, $0x3;
	s7 =	sadd.s32 s7, s3  }
0xa: {  	s8 =	smax.u32 s8, $0x1;
	s5 =	sadd.s32 s5, s6;
	s3 =	sadd.s32 $0x2BA00, s7  }
0xb: {  	v0 =	vlaneseq.u32;
	s4 =	sadd.s32 $0x44100, s7;
	s6 =	sadd.s32 $0x30E0, s5;
	s7 =	sadd.s32 $0x61C0, s5  }
.LBB2_1:
0xc: {  	[tilespmem:s2], [sflag:$0x1] =	stream.linear.gather [hbm4b:s3+s2], $0x61C0, $0x38;
	[tilespmem:$0xE840] =	vst v63  }
0xd: {  	v1 =	vor.u32 s2, v0;
	_ =	swait.ge [sflag:s9], $0x61C0  }
0xe: {  	vm0 =	vlt.u32 v1, $0xC38;
	[sflag:s9] =	ssyncset.done $0x0  }
0xf: {  	v1 =	vshll.u32 v1, $0x3;
	[sflag:s9] =	ssyncadd.s32 $0xFFFF9E40  }
0x10: {  	[tilespmem:s10], [sflag:$0x1] =	stream.linear.gather [hbm4b:s4+s2], $0x61C0, $0x38;
	[tilespmem:$0xE840] =	vst v63  }
0x11: {  	v2 =	vor.u32 $0x1, v1;
	_ =	swait.ge [sflag:s9], $0x61C0  }
0x12: {  	[sflag:s9] =	ssyncset.done $0x0  }
0x13: {  	v3 =	vor.u32 $0x2, v1;
	[sflag:s9] =	ssyncadd.s32 $0xFFFF9E40  }
0x14: {  	v4 =	vld.idx.msk [tilespmem:v1+s2+$0x0], vm0  }
0x15: {  	v1 =	vld.idx.msk [tilespmem:v1+s10+$0x0], vm0  }
0x16: {  	v5 =	vld.idx.msk [tilespmem:v2+s2+$0x0], vm0  }
0x17: {  	v2 =	vld.idx.msk [tilespmem:v2+s10+$0x0], vm0  }
0x18: {  	v6 =	vld.idx.msk [tilespmem:v3+s2+$0x0], vm0  }
0x19: {  	v3 =	vld.idx.msk [tilespmem:v3+s10+$0x0], vm0;
	_ =	sdelay $0x2  }
0x1a: {  	v1 =	vadd.f32 v1, v4;
	v2 =	vadd.f32 v2, v5;
	_ =	sdelay $0x1  }
0x1b: {  	v3 =	vadd.f32 v3, v6;
	v4 =	vmul.f32 v1, v1;
	v5 =	vmul.f32 v2, v2;
	_ =	sdelay $0x1  }
0x1c: {  	v4 =	vadd.f32 v5, v4;
	v5 =	vmul.f32 v3, v3;
	_ =	sdelay $0x1  }
0x1d: {  	v4 =	vadd.f32 v5, v4;
	_ =	sdelay $0x1  }
0x1e: {  	vm0 =	vgt.f32 v4, $9.999999680e-21  }
0x1f: {  	v4 =	vnsel vm0, $0x3F800000, v4  }
0x20: {  	v5 =	vshrl.u32 v4, $0x1;
	v4 =	vmul.f32 $5.000000000e-01, v4  }
0x21: {  	v5 =	vsub.s32 $0x5F3759DF, v5  }
0x22: {  	v62 =	vmul.f32 v5, v4;
	_ =	sdelay $0x1  }
0x23: {  	v6 =	vmul.f32 v5, v62;
	_ =	sdelay $0x1  }
0x24: {  	v6 =	vsub.f32 $1.500000000e+00, v6;
	_ =	sdelay $0x1  }
0x25: {  	v5 =	vmul.f32 v5, v6;
	_ =	sdelay $0x1  }
0x26: {  	v6 =	vmul.f32 v5, v4;
	_ =	sdelay $0x1  }
0x27: {  	v6 =	vmul.f32 v6, v5;
	_ =	sdelay $0x1  }
0x28: {  	v6 =	vsub.f32 $1.500000000e+00, v6;
	_ =	sdelay $0x1  }
0x29: {  	v5 =	vmul.f32 v6, v5;
	_ =	sdelay $0x1  }
0x2a: {  	v4 =	vmul.f32 v5, v4;
	_ =	sdelay $0x1  }
0x2b: {  	v4 =	vmul.f32 v4, v5;
	_ =	sdelay $0x1  }
0x2c: {  	v4 =	vsub.f32 $1.500000000e+00, v4  }
0x2d: {  	s15 =	simm.s32 $0x10  }
0x2e: {  	v63 =	vor.u32 s15, v0;
	v4 =	vmul.f32 v4, v5  }
0x2f: {  	vm1 =	vlt.u32 v63, $0xC38;
	v1 =	vnsel vm0, $0x0, v1  }
0x30: {  	v2 =	vnsel vm0, $0x0, v2;
	v5 =	vmul.f32 v4, v1  }
0x31: {  	v3 =	vnsel vm0, $0x3F800000, v3;
	v7 =	vmul.f32 v4, v2;
	v1 =	vshll.u32 v63, $0x3  }
0x32: {  	s18 =	simm.s32 $0x20;
	v3 =	vmul.f32 v4, v3;
	v2 =	vor.u32 $0x1, v1;
	[tilespmem:s11+$0x0] =	vst v5  }
0x33: {  	s17 =	simm.s32 $0xC380;
	s16 =	simm.s32 $0xCFC0;
	s15 =	simm.s32 $0xDC00;
	[tilespmem:s12+$0x0] =	vst v7  }
.LBB2_2:
0x34: {  	p0 =	sne.s32 s18, $0xC30;
	v4 =	vor.u32 $0x2, v1;
	[tilespmem:s15+$0x0] =	vst v3  }
0x35: {  	v3 =	vld.idx.msk [tilespmem:v1+s2+$0x0], vm1  }
0x36: {  	v1 =	vld.idx.msk [tilespmem:v1+s10+$0x0], vm1  }
0x37: {  	v5 =	vld.idx.msk [tilespmem:v2+s2+$0x0], vm1  }
0x38: {  	v2 =	vld.idx.msk [tilespmem:v2+s10+$0x0], vm1  }
0x39: {  	v6 =	vld.idx.msk [tilespmem:v4+s2+$0x0], vm1  }
0x3a: {  	v4 =	vld.idx.msk [tilespmem:v4+s10+$0x0], vm1;
	_ =	sdelay $0x3  }
0x3b: {  	v1 =	vadd.f32 v1, v3;
	v2 =	vadd.f32 v2, v5;
	_ =	sdelay $0x1  }
0x3c: {  	v3 =	vadd.f32 v4, v6;
	v4 =	vmul.f32 v1, v1;
	v5 =	vmul.f32 v2, v2;
	_ =	sdelay $0x1  }
0x3d: {  	v4 =	vadd.f32 v5, v4;
	v5 =	vmul.f32 v3, v3;
	_ =	sdelay $0x1  }
0x3e: {  	v4 =	vadd.f32 v5, v4;
	_ =	sdelay $0x1  }
0x3f: {  	vm0 =	vgt.f32 v4, $9.999999680e-21  }
0x40: {  	v4 =	vnsel vm0, $0x3F800000, v4  }
0x41: {  	v5 =	vshrl.u32 v4, $0x1;
	v4 =	vmul.f32 $5.000000000e-01, v4  }
0x42: {  	v5 =	vsub.s32 $0x5F3759DF, v5  }
0x43: {  	v6 =	vmul.f32 v5, v4;
	_ =	sdelay $0x1  }
0x44: {  	v6 =	vmul.f32 v5, v6;
	_ =	sdelay $0x1  }
0x45: {  	v6 =	vsub.f32 $1.500000000e+00, v6;
	_ =	sdelay $0x1  }
0x46: {  	v5 =	vmul.f32 v5, v6;
	_ =	sdelay $0x1  }
0x47: {  	v6 =	vmul.f32 v5, v4;
	_ =	sdelay $0x1  }
0x48: {  	v6 =	vmul.f32 v6, v5;
	_ =	sdelay $0x1  }
0x49: {  	v6 =	vsub.f32 $1.500000000e+00, v6;
	_ =	sdelay $0x1  }
0x4a: {  	v5 =	vmul.f32 v6, v5;
	_ =	sdelay $0x1  }
0x4b: {  	v4 =	vmul.f32 v5, v4;
	_ =	sdelay $0x1  }
0x4c: {  	v4 =	vmul.f32 v4, v5;
	_ =	sdelay $0x1  }
0x4d: {  	v4 =	vsub.f32 $1.500000000e+00, v4;
	_ =	sdelay $0x1  }
0x4e: {  	v6 =	vor.u32 s18, v0;
	v4 =	vmul.f32 v4, v5  }
.Ltmp0:
0x4f: {  	vm1 =	vlt.u32 v6, $0xC38;
	v5 =	vnsel vm0, $0x0, v1;
	(pc) =	sbr.rel @p0 .LBB2_2-.Ltmp0, $4  }
0x50: {  	v2 =	vnsel vm0, $0x0, v2;
	v1 =	vshll.u32 v6, $0x3;
	v5 =	vmul.f32 v4, v5  }
0x51: {  	s17 =	sadd.s32 $0x10, s17;
	v3 =	vnsel vm0, $0x3F800000, v3;
	v6 =	vmul.f32 v4, v2  }
0x52: {  	s16 =	sadd.s32 $0x10, s16;
	v2 =	vor.u32 $0x1, v1;
	v3 =	vmul.f32 v4, v3;
	[tilespmem:s17+$0x0] =	vst v5  }
0x53: {  	s15 =	sadd.s32 $0x10, s15;
	s18 =	sadd.s32 $0x10, s18;
	[tilespmem:s16+$0x0] =	vst v6  }
0x54: {  	_ =	sdelay $0x3  }
0x55: {  	v4 =	vor.u32 $0x2, v1;
	[tilespmem:s15+$0x0] =	vst v3  }
0x56: {  	v3 =	vld.idx.msk [tilespmem:v1+s2+$0x0], vm1  }
0x57: {  	v1 =	vld.idx.msk [tilespmem:v1+s10+$0x0], vm1  }
0x58: {  	v5 =	vld.idx.msk [tilespmem:v2+s2+$0x0], vm1  }
0x59: {  	v2 =	vld.idx.msk [tilespmem:v2+s10+$0x0], vm1  }
0x5a: {  	v6 =	vld.idx.msk [tilespmem:v4+s2+$0x0], vm1  }
0x5b: {  	v4 =	vld.idx.msk [tilespmem:v4+s10+$0x0], vm1;
	_ =	sdelay $0x2  }
0x5c: {  	v1 =	vadd.f32 v1, v3;
	v2 =	vadd.f32 v2, v5;
	_ =	sdelay $0x1  }
0x5d: {  	v60 =	vmul.f32 v1, v1;
	v5 =	vmul.f32 v2, v2;
	v3 =	vadd.f32 v4, v6;
	_ =	sdelay $0x1  }
0x5e: {  	v4 =	vadd.f32 v5, v60;
	v61 =	vmul.f32 v3, v3;
	_ =	sdelay $0x1  }
0x5f: {  	v4 =	vadd.f32 v61, v4;
	_ =	sdelay $0x1  }
0x60: {  	vm0 =	vgt.f32 v4, $9.999999680e-21  }
0x61: {  	v4 =	vnsel vm0, $0x3F800000, v4  }
0x62: {  	v62 =	vshrl.u32 v4, $0x1;
	v4 =	vmul.f32 $5.000000000e-01, v4  }
0x63: {  	v5 =	vsub.s32 $0x5F3759DF, v62  }
0x64: {  	v63 =	vmul.f32 v5, v4;
	_ =	sdelay $0x1  }
0x65: {  	v6 =	vmul.f32 v5, v63;
	_ =	sdelay $0x1  }
0x66: {  	v6 =	vsub.f32 $1.500000000e+00, v6;
	_ =	sdelay $0x1  }
0x67: {  	v5 =	vmul.f32 v5, v6;
	_ =	sdelay $0x1  }
0x68: {  	v6 =	vmul.f32 v5, v4;
	_ =	sdelay $0x1  }
0x69: {  	v6 =	vmul.f32 v6, v5;
	_ =	sdelay $0x1  }
0x6a: {  	v6 =	vsub.f32 $1.500000000e+00, v6;
	_ =	sdelay $0x1  }
0x6b: {  	v5 =	vmul.f32 v6, v5;
	_ =	sdelay $0x1  }
0x6c: {  	v4 =	vmul.f32 v5, v4;
	_ =	sdelay $0x1  }
0x6d: {  	v4 =	vmul.f32 v4, v5;
	_ =	sdelay $0x1  }
0x6e: {  	v4 =	vsub.f32 $1.500000000e+00, v4;
	_ =	sdelay $0x1  }
0x6f: {  	v4 =	vmul.f32 v4, v5  }
0x70: {  	v1 =	vnsel vm0, $0x0, v1  }
0x71: {  	v2 =	vnsel vm0, $0x0, v2;
	v1 =	vmul.f32 v4, v1  }
0x72: {  	s17 =	sadd.s32 $0x10, s17;
	v3 =	vnsel vm0, $0x3F800000, v3;
	v2 =	vmul.f32 v4, v2  }
0x73: {  	s16 =	sadd.s32 $0x10, s16;
	v3 =	vmul.f32 v4, v3;
	[tilespmem:s17+$0x0] =	vst v1  }
0x74: {  	s31 =	sadd.s32 $0x10, s15;
	[tilespmem:s16+$0x0] =	vst v2  }
0x75: {  	[tilespmem:s31+$0x0] =	vst v3  }
0x76: {  	[hbm4b:s5+s2] =	stream.linear.scatter [tilespmem:s11], [sflag:$0x1], $0xC38, $0x38;
	[tilespmem:$0xE840] =	vst v63  }
0x77: {  	_ =	swait.ge [sflag:s9], $0xC38  }
0x78: {  	[sflag:s9] =	ssyncset.done $0x0  }
0x79: {  	[sflag:s9] =	ssyncadd.s32 $0xFFFFF3C8  }
0x7a: {  	[hbm4b:s6+s2] =	stream.linear.scatter [tilespmem:s12], [sflag:$0x1], $0xC38, $0x38;
	[tilespmem:$0xE840] =	vst v63  }
0x7b: {  	s14 =	sadd.s32 $0x1, s14;
	_ =	swait.ge [sflag:s9], $0xC38  }
0x7c: {  	p0 =	sne.s32 s14, s8;
	[sflag:s9] =	ssyncset.done $0x0  }
.Ltmp1:
0x7d: {  	[sflag:s9] =	ssyncadd.s32 $0xFFFFF3C8;
	(pc) =	sbr.rel @p0 .LBB2_1-.Ltmp1, $4  }
0x7e: {  	[hbm4b:s7+s2] =	stream.linear.scatter [tilespmem:s13], [sflag:$0x1], $0xC38, $0x38;
	[tilespmem:$0xE840] =	vst v63  }
0x7f: {  	_ =	swait.ge [sflag:s9], $0xC38  }
0x80: {  	[sflag:s9] =	ssyncset.done $0x0  }
0x81: {  	[sflag:s9] =	ssyncadd.s32 $0xFFFFF3C8  }
0x82: {  	_ =	sfence.sel $0x180000  }
0x83: {  	[bflag:$0x0] =	sbarrier.arrive $0xFFFF  }
0x84: {  	p0 =	sne.s32 s0, $0x0;
	_ =	strace $0x9000004A  }
0x85: {  	s0 =	sadd.s32 @!p0 $0x100000, s1;
	[bflag:$0x2] =	sbarrier.arrive $0xFFFF  }
0x86: {  	[sflag:s0] =	ssyncadd.tile.s32 @!p0 $0x1;
	_ =	shalt  }
.Lfunc_end2:
_tile_overlayer_lowered:
.L_overlay_start_2:
0x87: {  	(tag) =	ssettag $0x2  }
0x88: {  	s0 =	rddreg [dreg:$0x0];
	s2 =	stileid.u32  }
0x89: {  	s1 =	rddreg [dreg:$0x1];
	p0 =	sne.s32 s2, $0x0  }
0x8a: {  	s3 =	rddreg [dreg:$0x2];
	[bflag:$0x3] =	sbarrier.arrive $0xFFFF;
	s2 =	simm.s32 @!p0 $0x1C01  }
0x8b: {  	[timem:s3], [sflag:s2] =	dma.local @!p0 [hbm:s0], s1  }
0x8c: {  	s0 =	simm.s32 @!p0 $0x1  }
0x8d: {  	_ =	swait.ge @!p0 [sflag:s0], s1  }
0x8e: {  	s1 =	ssub.s32 @!p0 $0x0, s1;
	[sflag:s0] =	ssyncset.done @!p0 $0x0  }
0x8f: {  	[sflag:s0] =	ssyncadd.s32 @!p0 s1  }
0x90: {  	[bflag:$0x3] =	sbarrier.arrive $0xFFFF  }
0x91: {  	_ =	shalt  }

</sc_bundles>
